<compile_context>
chip_gen: v7x
topology: tpu7x:2x2x1
jax: 0.10.2.dev20260603
libtpu: 0.0.44.dev20260713+nightly
codegen_flags: <defaults>
</compile_context>

<pallas_src>
import functools

import jax
import jax.numpy as jnp
from jax import lax
from jax.experimental import pallas as pl
from jax.experimental.pallas import tpu as pltpu
from jax.experimental.pallas import tpu_sc as plsc

S, H, FF, E = 2048, 1024, 2816, 8
T = 256
NT = 24
NPAD = NT * T
NP = 2 * S
NFC = 2
FFC = FF // NFC
ST = S // T


def _vgather16(v, idx):
    dn = lax.GatherDimensionNumbers(offset_dims=(), collapsed_slice_dims=(0,),
                                    start_index_map=(0,))
    return lax.gather(v, idx[:, None], dn, slice_sizes=(1,),
                      mode=lax.GatherScatterMode.PROMISE_IN_BOUNDS)


def _router_body(x_ref, rw_ref, rb_ref, eb_ref, i1_ref, i2_ref, g1_ref, g2_ref):
    x = x_ref[...]
    logits = lax.dot_general(x, rw_ref[...], (((1,), (1,)), ((), ())),
                             preferred_element_type=jnp.float32)
    logits = logits + rb_ref[...][None, :]
    lb = logits + eb_ref[...][None, :]
    eio = lax.broadcasted_iota(jnp.int32, lb.shape, 1)
    big = jnp.int32(1 << 30)
    m1 = jnp.max(lb, axis=-1, keepdims=True)
    i1 = jnp.min(jnp.where(lb == m1, eio, big), axis=-1, keepdims=True)
    lb2 = jnp.where(eio == i1, -jnp.inf, lb)
    m2 = jnp.max(lb2, axis=-1, keepdims=True)
    i2 = jnp.min(jnp.where(lb2 == m2, eio, big), axis=-1, keepdims=True)
    s1 = jnp.sum(jnp.where(eio == i1, logits, 0.0), axis=-1)
    s2 = jnp.sum(jnp.where(eio == i2, logits, 0.0), axis=-1)
    p1 = jax.nn.sigmoid(s1)
    p2 = jax.nn.sigmoid(s2)
    den = jnp.maximum(p1 + p2, 1e-12)
    i1_ref[...] = i1[:, 0]
    i2_ref[...] = i2[:, 0]
    g1_ref[...] = p1 / den
    g2_ref[...] = p2 / den


def _router(x2d, router_w, router_b, expert_biases):
    return pl.pallas_call(
        _router_body,
        out_shape=[
            jax.ShapeDtypeStruct((S,), jnp.int32),
            jax.ShapeDtypeStruct((S,), jnp.int32),
            jax.ShapeDtypeStruct((S,), jnp.float32),
            jax.ShapeDtypeStruct((S,), jnp.float32),
        ],
    )(x2d, router_w, router_b, expert_biases)


def _dispatch(i1, i2, g1, g2, x2d):
    mesh = plsc.VectorSubcoreMesh(core_axis_name="c", subcore_axis_name="s")
    out_type = [
        jax.ShapeDtypeStruct((NPAD, H), jnp.float32),
        jax.ShapeDtypeStruct((NPAD,), jnp.float32),
        jax.ShapeDtypeStruct((32,), jnp.int32),
        jax.ShapeDtypeStruct((S,), jnp.int32),
        jax.ShapeDtypeStruct((S,), jnp.int32),
    ]
    DS = NPAD // 16
    DP = NP // 16
    scratch = [
        pltpu.VMEM((NP,), jnp.int32),
        pltpu.VMEM((NP,), jnp.float32),
        pltpu.VMEM((NPAD,), jnp.int32),
        pltpu.VMEM((NPAD,), jnp.float32),
        pltpu.VMEM((NP,), jnp.int32),
        pltpu.VMEM((16,), jnp.int32),
        pltpu.VMEM((128,), jnp.int32),
        pltpu.VMEM((8, DS), jnp.int32),
        pltpu.VMEM((8, DS), jnp.float32),
        pltpu.VMEM((8, DP), jnp.int32),
        pltpu.VMEM((DS,), jnp.int32),
        pltpu.VMEM((DS,), jnp.float32),
        pltpu.VMEM((DP,), jnp.int32),
        pltpu.VMEM((32,), jnp.int32),
        pltpu.VMEM_SHARED((128,), jnp.int32),
        pltpu.VMEM_SHARED((8, NPAD), jnp.int32),
        pltpu.VMEM_SHARED((8, NPAD), jnp.float32),
        pltpu.VMEM_SHARED((8, NP), jnp.int32),
        pltpu.VMEM_SHARED((NPAD,), jnp.int32),
        pltpu.VMEM((32,), jnp.int32),
        pltpu.VMEM((32,), jnp.int32),
        pltpu.VMEM((32, H), jnp.float32),
        pltpu.VMEM((32, H), jnp.float32),
        pltpu.SemaphoreType.DMA,
        pltpu.SemaphoreType.DMA,
        pltpu.SemaphoreType.DMA,
        pltpu.SemaphoreType.DMA,
    ]

    @functools.partial(
        pl.kernel, mesh=mesh, out_type=out_type, scratch_types=scratch,
        compiler_params=pltpu.CompilerParams(needs_layout_passes=False))
    def body(i1h, i2h, g1h, g2h, xh, xs, gs, te, pos1, pos2,
             ep, gp, ptokp, gsortp, posbp, st16, cnta, mpt, mgs, mpb,
             mmpt, mmgs, mmpb, tebuf, sh_cnt, sh_ptokp, sh_gsortp, sh_posbp,
             shp, myidx, myidx2, rows, rows2, sem, gsem2, wsem, wsem2):
        c = lax.axis_index("c")
        s = lax.axis_index("s")
        io16 = lax.iota(jnp.int32, 16)
        zi = jnp.zeros((16,), jnp.int32)
        zf = jnp.zeros((16,), jnp.float32)

        @pl.when(s < E)
        def _count():
            pltpu.sync_copy(i1h, ep.at[pl.ds(0, S)])
            pltpu.sync_copy(i2h, ep.at[pl.ds(S, S)])
            pltpu.sync_copy(g1h, gp.at[pl.ds(0, S)])
            pltpu.sync_copy(g2h, gp.at[pl.ds(S, S)])

            def init_body(i, carry):
                ptokp[pl.ds(i * 16, 16)] = zi
                gsortp[pl.ds(i * 16, 16)] = zf
                return carry

            lax.fori_loop(0, NPAD // 16, init_body, 0)

            def cbody(g, cnt):
                ev = ep[pl.ds(g * 16, 16)]
                return cnt + plsc.all_reduce_population_count(ev == s)

            cnt = lax.fori_loop(0, NP // 16, cbody, zi)
            st16[...] = cnt
            pltpu.sync_copy(st16, sh_cnt.at[pl.ds(s * 16, 16)])

        plsc.subcore_barrier()

        pltpu.sync_copy(sh_cnt, cnta)
        counts_v = zi
        for e in range(E):
            sp = cnta[pl.ds(e * 16, 16)]
            counts_v = jnp.where(io16 == e, sp, counts_v)
        ntiles_v = (counts_v + (T - 1)) // T
        tstart_v = plsc.cumsum(ntiles_v) - ntiles_v
        basevals = tstart_v * T

        @pl.when(s < E)
        def _scatter():
            mybase = _vgather16(basevals, jnp.full((16,), 0, jnp.int32) + s)

            def group2(g, carry):
                pidx, crun = carry
                ev = ep[pl.ds(g * 16, 16)]
                gv = gp[pl.ds(g * 16, 16)]
                m = ev == s
                mi = m.astype(jnp.int32)
                incl = plsc.cumsum(mi)
                posv = jnp.where(m, mybase + incl - 1 + crun, 0)
                tokv = pidx & (S - 1)
                plsc.store_scatter(ptokp, [posv], tokv, mask=m)
                plsc.store_scatter(gsortp, [posv], gv, mask=m)
                posbp[pl.ds(g * 16, 16)] = posv
                tote = plsc.cummax(lax.rev(incl, (0,)))
                return (pidx + 16, crun + tote)

            lax.fori_loop(0, NP // 16, group2, (io16, zi))
            pltpu.sync_copy(ptokp, sh_ptokp.at[s])
            pltpu.sync_copy(gsortp, sh_gsortp.at[s])
            pltpu.sync_copy(posbp, sh_posbp.at[s])

        @pl.when((s == 0) & (c == 0))
        def _te():
            for j in range(2):
                tv = io16 + j * 16
                ind = jnp.zeros((16,), jnp.int32)
                for e in range(E):
                    tse = _vgather16(tstart_v, jnp.full((16,), e, jnp.int32))
                    ind = ind + jnp.where(tv >= tse, 1, 0)
                tebuf[pl.ds(j * 16, 16)] = jnp.maximum(ind - 1, 0)
            pltpu.sync_copy(tebuf, te)

        plsc.subcore_barrier()

        DS = NPAD // 16
        DP = NP // 16
        pltpu.sync_copy(sh_ptokp.at[:, pl.ds(s * DS, DS)], mpt)
        pltpu.sync_copy(sh_gsortp.at[:, pl.ds(s * DS, DS)], mgs)
        pltpu.sync_copy(sh_posbp.at[:, pl.ds(s * DP, DP)], mpb)

        def merge_s(k, carry):
            acc_i = zi
            acc_f = zf
            for e in range(E):
                acc_i = acc_i + mpt[e, pl.ds(k * 16, 16)]
                acc_f = acc_f + mgs[e, pl.ds(k * 16, 16)]
            mmpt[pl.ds(k * 16, 16)] = acc_i
            mmgs[pl.ds(k * 16, 16)] = acc_f
            return carry

        lax.fori_loop(0, DS // 16, merge_s, 0)

        def merge_p(k, carry):
            acc_i = zi
            for e in range(E):
                acc_i = acc_i + mpb[e, pl.ds(k * 16, 16)]
            mmpb[pl.ds(k * 16, 16)] = acc_i
            return carry

        lax.fori_loop(0, DP // 16, merge_p, 0)

        pltpu.sync_copy(mmpt, shp.at[pl.ds(s * DS, DS)])

        @pl.when(c == 0)
        def _meta():
            pltpu.sync_copy(mmgs, gs.at[pl.ds(s * DS, DS)])

            @pl.when(s < 8)
            def _p1():
                pltpu.sync_copy(mmpb, pos1.at[pl.ds(s * DP, DP)])

            @pl.when(s >= 8)
            def _p2():
                pltpu.sync_copy(mmpb, pos2.at[pl.ds((s - 8) * DP, DP)])

        plsc.subcore_barrier()

        half = NPAD // 2
        per = half // 16
        GC = 32
        nch = per // GC
        idxb = (myidx, myidx2)
        rowb = (rows, rows2)
        gsems = (sem, gsem2)
        wsems = (wsem, wsem2)
        gcp = [None, None]
        wcp = [None, None]
        for ch in range(nch + 1):
            b = ch % 2
            if ch < nch:
                start = c * half + s * per + ch * GC
                if wcp[b] is not None:
                    wcp[b].wait()
                pltpu.sync_copy(shp.at[pl.ds(start, GC)], idxb[b])
                gcp[b] = pltpu.async_copy(xh.at[idxb[b]], rowb[b], gsems[b])
            if ch >= 1:
                ob = 1 - b
                pstart = c * half + s * per + (ch - 1) * GC
                gcp[ob].wait()
                wcp[ob] = pltpu.async_copy(rowb[ob], xs.at[pl.ds(pstart, GC)],
                                           wsems[ob])
        for b in range(2):
            if wcp[b] is not None:
                wcp[b].wait()

    return body(i1, i2, g1, g2, x2d)


def _ffn_routed_body(te_ref, xs_ref, g_ref, w1_ref, b1_ref, w2_ref, b2_ref,
                     w3_ref, b3_ref, out_ref):
    i = pl.program_id(0)
    j = pl.program_id(1)
    jc = (i + j) % NFC
    gcol = g_ref[0, 0][:, None]
    live = jnp.sum(g_ref[0, 0]) > 0.0

    @pl.when(live)
    def _compute():
        xt = xs_ref[...].astype(jnp.bfloat16)
        h1 = lax.dot_general(xt, w1_ref[0].astype(jnp.bfloat16),
                             (((1,), (1,)), ((), ())),
                             preferred_element_type=jnp.float32) + b1_ref[0, 0]
        h3 = lax.dot_general(xt, w3_ref[0].astype(jnp.bfloat16),
                             (((1,), (1,)), ((), ())),
                             preferred_element_type=jnp.float32) + b3_ref[0, 0]
        hh = (h1 * jax.nn.sigmoid(h1) * h3).astype(jnp.bfloat16)
        w2c = w2_ref[0, :, pl.ds(jc * FFC, FFC)]
        y = lax.dot_general(hh, w2c.astype(jnp.bfloat16),
                            (((1,), (1,)), ((), ())),
                            preferred_element_type=jnp.float32)

        @pl.when(j == 0)
        def _():
            out_ref[...] = (y + b2_ref[0]) * gcol

        @pl.when(j != 0)
        def _():
            out_ref[...] = out_ref[...] + y * gcol

    @pl.when(jnp.logical_not(live) & (j == 0))
    def _dead():
        out_ref[...] = jnp.zeros((T, H), jnp.float32)


def _ffn_routed(te, xs, gs3, rw1, rb1, rw2, rb2, rw3, rb3):
    grid_spec = pltpu.PrefetchScalarGridSpec(
        num_scalar_prefetch=1,
        grid=(NT, NFC),
        in_specs=[
            pl.BlockSpec((T, H), lambda i, j, te: (i, 0)),
            pl.BlockSpec((1, 1, T), lambda i, j, te: (i, 0, 0)),
            pl.BlockSpec((1, FFC, H), lambda i, j, te: (te[i], (i + j) % NFC, 0)),
            pl.BlockSpec((1, 1, 1, FFC), lambda i, j, te: (te[i], (i + j) % NFC, 0, 0)),
            pl.BlockSpec((1, H, FF), lambda i, j, te: (te[i], 0, 0)),
            pl.BlockSpec((1, 1, H), lambda i, j, te: (te[i], 0, 0)),
            pl.BlockSpec((1, FFC, H), lambda i, j, te: (te[i], (i + j) % NFC, 0)),
            pl.BlockSpec((1, 1, 1, FFC), lambda i, j, te: (te[i], (i + j) % NFC, 0, 0)),
        ],
        out_specs=pl.BlockSpec((T, H), lambda i, j, te: (i, 0)),
    )
    return pl.pallas_call(
        _ffn_routed_body,
        grid_spec=grid_spec,
        out_shape=jax.ShapeDtypeStruct((NPAD, H), jnp.float32),
        compiler_params=pltpu.CompilerParams(
            dimension_semantics=("arbitrary", "arbitrary"),
            vmem_limit_bytes=128 * 1024 * 1024,
        ),
    )(te, xs, gs3, rw1, rb1, rw2, rb2, rw3, rb3)


def _combine_final(pos1, pos2, yr, ys):
    mesh = plsc.VectorSubcoreMesh(core_axis_name="c", subcore_axis_name="s")
    out_type = [jax.ShapeDtypeStruct((S, H), jnp.float32)]
    CH = 32
    scratch = [
        pltpu.VMEM((CH,), jnp.int32),
        pltpu.VMEM((CH, H), jnp.float32),
        pltpu.VMEM((CH, H), jnp.float32),
        pltpu.VMEM((CH, H), jnp.float32),
        pltpu.SemaphoreType.DMA,
    ]

    @functools.partial(pl.kernel, mesh=mesh, out_type=out_type,
                       scratch_types=scratch)
    def body(p1h, p2h, yh, ysh, out, myidx, r1, r2, r3, sem):
        c = lax.axis_index("c")
        s = lax.axis_index("s")
        wid = c * 16 + s
        for ch in range(64 // CH):
            base = wid * 64 + ch * CH
            pltpu.sync_copy(p1h.at[pl.ds(base, CH)], myidx)
            pltpu.async_copy(yh.at[myidx], r1, sem).wait()
            pltpu.sync_copy(p2h.at[pl.ds(base, CH)], myidx)
            pltpu.async_copy(yh.at[myidx], r2, sem).wait()
            pltpu.sync_copy(ysh.at[pl.ds(base, CH)], r3)

            def addb(k, carry):
                for u in range(8):
                    q = k * 8 + u
                    row = q >> 6
                    col = (q & 63) * 16
                    r1[row, pl.ds(col, 16)] = (r1[row, pl.ds(col, 16)]
                                               + r2[row, pl.ds(col, 16)]
                                               + r3[row, pl.ds(col, 16)])
                return carry

            lax.fori_loop(0, CH * (H // 16) // 8, addb, 0)
            pltpu.sync_copy(r1, out.at[pl.ds(base, CH)])

    return body(pos1, pos2, yr, ys)[0]


def _ffn_shared_body(x_ref, w1_ref, b1_ref, w2_ref, b2_ref, w3_ref, b3_ref,
                     out_ref):
    i = pl.program_id(0)
    j = pl.program_id(1)
    jc = (i + j) % NFC
    xt = x_ref[...].astype(jnp.bfloat16)
    h1 = lax.dot_general(xt, w1_ref[...].astype(jnp.bfloat16),
                         (((1,), (1,)), ((), ())),
                         preferred_element_type=jnp.float32) + b1_ref[0]
    h3 = lax.dot_general(xt, w3_ref[...].astype(jnp.bfloat16),
                         (((1,), (1,)), ((), ())),
                         preferred_element_type=jnp.float32) + b3_ref[0]
    hh = (h1 * jax.nn.sigmoid(h1) * h3).astype(jnp.bfloat16)
    w2c = w2_ref[:, pl.ds(jc * FFC, FFC)]
    y = lax.dot_general(hh, w2c.astype(jnp.bfloat16),
                        (((1,), (1,)), ((), ())),
                        preferred_element_type=jnp.float32)

    @pl.when(j == 0)
    def _():
        out_ref[...] = y + b2_ref[...][None, :]

    @pl.when(j != 0)
    def _():
        out_ref[...] = out_ref[...] + y


def _ffn_shared(x2d, sw1, sb1, sw2, sb2, sw3, sb3):
    return pl.pallas_call(
        _ffn_shared_body,
        grid=(ST, NFC),
        in_specs=[
            pl.BlockSpec((T, H), lambda i, j: (i, 0)),
            pl.BlockSpec((FFC, H), lambda i, j: ((i + j) % NFC, 0)),
            pl.BlockSpec((1, 1, FFC), lambda i, j: ((i + j) % NFC, 0, 0)),
            pl.BlockSpec((H, FF), lambda i, j: (0, 0)),
            pl.BlockSpec((H,), lambda i, j: (0,)),
            pl.BlockSpec((FFC, H), lambda i, j: ((i + j) % NFC, 0)),
            pl.BlockSpec((1, 1, FFC), lambda i, j: ((i + j) % NFC, 0, 0)),
        ],
        out_specs=pl.BlockSpec((T, H), lambda i, j: (i, 0)),
        out_shape=jax.ShapeDtypeStruct((S, H), jnp.float32),
        compiler_params=pltpu.CompilerParams(
            dimension_semantics=("arbitrary", "arbitrary"),
            vmem_limit_bytes=128 * 1024 * 1024,
        ),
    )(x2d, sw1, sb1, sw2, sb2, sw3, sb3)


def kernel(x, router_w, router_b, expert_biases, sw1, sb1, sw2, sb2, sw3, sb3,
           rw1, rb1, rw2, rb2, rw3, rb3):
    x2d = x.reshape(S, H)
    i1, i2, g1, g2 = _router(x2d, router_w, router_b, expert_biases)
    xs, gs, te, pos1, pos2 = _dispatch(i1, i2, g1, g2, x2d)
    gs3 = gs.reshape(NT, 1, T)
    rb1r = rb1.reshape(E, NFC, 1, FFC)
    rb3r = rb3.reshape(E, NFC, 1, FFC)
    rb2r = rb2.reshape(E, 1, H)
    yr = _ffn_routed(te, xs, gs3, rw1, rb1r, rw2, rb2r, rw3, rb3r)
    sb1r = sb1.reshape(NFC, 1, FFC)
    sb3r = sb3.reshape(NFC, 1, FFC)
    ys = _ffn_shared(x2d, sw1, sb1r, sw2, sb2, sw3, sb3r)
    out = _combine_final(pos1, pos2, yr, ys)
    return out.reshape(1, S, H)

# --- scband reference (transcript-rebuilt; emitter-appended) ---
"""Pipeline reference for scband-quasar-mo-e-50182397886794 (READ-ONLY COPY).

The authoritative reference and input builder live on the scoring server;
editing this copy changes nothing except your own understanding.
"""

import jax, jax.numpy as jnp
import numpy as np

H = 1024
FF = 2816
E = 8
K = 2
B = 1
S = 2048


def setup_inputs(seed: int = 0) -> dict:
    key = jax.random.key(seed)
    ks = jax.random.split(key, 16)
    s = 0.02
    inp = {
        "x": jax.random.normal(ks[0], (B, S, H), dtype=jnp.float32),
        "router_w": jax.random.normal(ks[1], (E, H), dtype=jnp.float32) * s,
        "router_b": jnp.zeros((E,), dtype=jnp.float32),
        "expert_biases": jnp.zeros((E,), dtype=jnp.float32),
        "sw1": jax.random.normal(ks[2], (FF, H), dtype=jnp.float32) * s,
        "sb1": jnp.zeros((FF,), dtype=jnp.float32),
        "sw2": jax.random.normal(ks[3], (H, FF), dtype=jnp.float32) * s,
        "sb2": jnp.zeros((H,), dtype=jnp.float32),
        "sw3": jax.random.normal(ks[4], (FF, H), dtype=jnp.float32) * s,
        "sb3": jnp.zeros((FF,), dtype=jnp.float32),
        "rw1": jax.random.normal(ks[5], (E, FF, H), dtype=jnp.float32) * s,
        "rb1": jnp.zeros((E, FF), dtype=jnp.float32),
        "rw2": jax.random.normal(ks[6], (E, H, FF), dtype=jnp.float32) * s,
        "rb2": jnp.zeros((E, H), dtype=jnp.float32),
        "rw3": jax.random.normal(ks[7], (E, FF, H), dtype=jnp.float32) * s,
        "rb3": jnp.zeros((E, FF), dtype=jnp.float32),
    }
    return inp


def _ffn(x, w1, b1, w2, b2, w3, b3):
    return (jax.nn.silu(x @ w1.T + b1) * (x @ w3.T + b3)) @ w2.T + b2


def reference(x, router_w, router_b, expert_biases, sw1, sb1, sw2, sb2, sw3, sb3, rw1, rb1, rw2, rb2, rw3, rb3):
    router_logits = x @ router_w.T + router_b
    logits_with_bias = router_logits + expert_biases
    scores_with_bias, indices = jax.lax.top_k(logits_with_bias, K)
    original_scores = jnp.take_along_axis(router_logits, indices, axis=-1)
    scores = jax.nn.sigmoid(original_scores)
    gates = scores / jnp.maximum(jnp.sum(jnp.abs(scores), axis=-1, keepdims=True), 1e-12)
    # single shared expert (num_shared_experts = 1)
    shared_output = _ffn(x, sw1, sb1, sw2, sb2, sw3, sb3)
    routed_output = jnp.zeros_like(x)
    flat_x = x.reshape(-1, x.shape[-1])
    for k in range(K):
        flat_expert_idx = indices[..., k].reshape(-1)
        flat_gate = gates[..., k].reshape(-1, 1)
        for i in range(E):
            mask = (flat_expert_idx == i).astype(x.dtype)[:, None]
            masked_input = flat_x * mask
            expert_output = _ffn(masked_input, rw1[i], rb1[i], rw2[i], rb2[i], rw3[i], rb3[i])
            gated_output = expert_output * (flat_gate * mask)
            routed_output = routed_output + gated_output.reshape(x.shape)
    return shared_output + routed_output

if __name__ == "__main__":
    import jax
    _d = setup_inputs()
    print(jax.jit(kernel)(*tuple(_d.values())))

</pallas_src>

<mosaic_0001>
#map = affine_map<(d0, d1) -> (0)>
#map1 = affine_map<(d0, d1) -> (0, 0)>
module attributes {stable_mosaic.version = 14 : i64} {
  func.func @body(%arg0: i32, %arg1: i32, %arg2: memref<2048xi32, #tpu.memory_space<hbm>>, %arg3: memref<2048xi32, #tpu.memory_space<hbm>>, %arg4: memref<2048xf32, #tpu.memory_space<hbm>>, %arg5: memref<2048xf32, #tpu.memory_space<hbm>>, %arg6: memref<2048x1024xf32, #tpu.memory_space<hbm>>, %arg7: memref<6144x1024xf32, #tpu.memory_space<hbm>>, %arg8: memref<6144xf32, #tpu.memory_space<hbm>>, %arg9: memref<32xi32, #tpu.memory_space<hbm>>, %arg10: memref<2048xi32, #tpu.memory_space<hbm>>, %arg11: memref<2048xi32, #tpu.memory_space<hbm>>, %arg12: memref<4096xi32, #tpu.memory_space<vmem>>, %arg13: memref<4096xf32, #tpu.memory_space<vmem>>, %arg14: memref<6144xi32, #tpu.memory_space<vmem>>, %arg15: memref<6144xf32, #tpu.memory_space<vmem>>, %arg16: memref<4096xi32, #tpu.memory_space<vmem>>, %arg17: memref<16xi32, #tpu.memory_space<vmem>>, %arg18: memref<128xi32, #tpu.memory_space<vmem>>, %arg19: memref<8x384xi32, #tpu.memory_space<vmem>>, %arg20: memref<8x384xf32, #tpu.memory_space<vmem>>, %arg21: memref<8x256xi32, #tpu.memory_space<vmem>>, %arg22: memref<384xi32, #tpu.memory_space<vmem>>, %arg23: memref<384xf32, #tpu.memory_space<vmem>>, %arg24: memref<256xi32, #tpu.memory_space<vmem>>, %arg25: memref<32xi32, #tpu.memory_space<vmem>>, %arg26: memref<128xi32, #tpu.memory_space<vmem_shared>>, %arg27: memref<8x6144xi32, #tpu.memory_space<vmem_shared>>, %arg28: memref<8x6144xf32, #tpu.memory_space<vmem_shared>>, %arg29: memref<8x4096xi32, #tpu.memory_space<vmem_shared>>, %arg30: memref<6144xi32, #tpu.memory_space<vmem_shared>>, %arg31: memref<32xi32, #tpu.memory_space<vmem>>, %arg32: memref<32xi32, #tpu.memory_space<vmem>>, %arg33: memref<32x1024xf32, #tpu.memory_space<vmem>>, %arg34: memref<32x1024xf32, #tpu.memory_space<vmem>>, %arg35: memref<!tpu.dma_semaphore, #tpu.memory_space<semaphore_mem>>, %arg36: memref<!tpu.dma_semaphore, #tpu.memory_space<semaphore_mem>>, %arg37: memref<!tpu.dma_semaphore, #tpu.memory_space<semaphore_mem>>, %arg38: memref<!tpu.dma_semaphore, #tpu.memory_space<semaphore_mem>>) attributes {dimension_semantics = [#tpu.dimension_semantics<core_parallel>, #tpu.dimension_semantics<subcore_parallel>], iteration_bounds = array<i64: 2, 16>, scalar_prefetch = 0 : i64, scratch_operands = 27 : i64, tpu.core_type = #tpu.core_type<sc_vector_subcore>, window_params = [{transform_indices = #map}, {transform_indices = #map}, {transform_indices = #map}, {transform_indices = #map}, {transform_indices = #map1}, {transform_indices = #map1}, {transform_indices = #map}, {transform_indices = #map}, {transform_indices = #map}, {transform_indices = #map}]} {
    %iota3A = tpu.iota {dimensions = array<i32: 0>} : vector<16xi32>
    %broadcast_in_dim3A = arith.constant 0 : i32
    %broadcast_in_dim3A_0 = vector.broadcast %broadcast_in_dim3A : i32 to vector<16xi32>
    %broadcast_in_dim3A_1 = arith.constant 0.000000e+00 : f32
    %broadcast_in_dim3A_2 = vector.broadcast %broadcast_in_dim3A_1 : f32 to vector<16xf32>
    %lt3A = arith.constant 8 : i32
    %lt3A_3 = arith.cmpi slt, %arg1, %lt3A : i32
    %convert_element_type3A = arith.extui %lt3A_3 : i1 to i32
    %cond3A = arith.constant 0 : i32
    %cond3A_4 = arith.cmpi ne, %convert_element_type3A, %cond3A : i32
    scf.if %cond3A_4 {
      "tpu.region"() ({
        %run_scoped3A = tpu.sem_alloc : memref<!tpu.dma_semaphore, #tpu.memory_space<semaphore_mem>>
        %dma_start3A_301 = arith.constant 0 : i32
        %dma_start3A_302 = tpu.memref_slice %arg12[%dma_start3A_301] : memref<4096xi32, #tpu.memory_space<vmem>> -> memref<2048xi32, #tpu.memory_space<vmem>>
        %dma_start3A_303 = arith.constant 0 : i32
        %dma_start3A_304 = tpu.memref_slice %arg12[%dma_start3A_303] : memref<4096xi32, #tpu.memory_space<vmem>> -> memref<2048xi32, #tpu.memory_space<vmem>>
        tpu.enqueue_dma source(%arg2 : memref<2048xi32, #tpu.memory_space<hbm>>) target(%dma_start3A_304 : memref<2048xi32, #tpu.memory_space<vmem>>) target_semaphore(%run_scoped3A : memref<!tpu.dma_semaphore, #tpu.memory_space<semaphore_mem>>)
        %dma_wait3A_305 = arith.constant 0 : i32
        %dma_wait3A_306 = tpu.memref_slice %arg12[%dma_wait3A_305] : memref<4096xi32, #tpu.memory_space<vmem>> -> memref<2048xi32, #tpu.memory_space<vmem>>
        %dma_wait3A_307 = arith.constant 0 : i32
        %dma_wait3A_308 = tpu.memref_slice %arg12[%dma_wait3A_307] : memref<4096xi32, #tpu.memory_space<vmem>> -> memref<2048xi32, #tpu.memory_space<vmem>>
        tpu.wait_dma2 semaphore(%run_scoped3A : memref<!tpu.dma_semaphore, #tpu.memory_space<semaphore_mem>>) src(%arg2 : memref<2048xi32, #tpu.memory_space<hbm>>) dst(%dma_wait3A_308 : memref<2048xi32, #tpu.memory_space<vmem>>)
        tpu.yield
      }) : () -> ()
      "tpu.region"() ({
        %run_scoped3A = tpu.sem_alloc : memref<!tpu.dma_semaphore, #tpu.memory_space<semaphore_mem>>
        %dma_start3A_301 = arith.constant 2048 : i32
        %dma_start3A_302 = tpu.memref_slice %arg12[%dma_start3A_301] : memref<4096xi32, #tpu.memory_space<vmem>> -> memref<2048xi32, #tpu.memory_space<vmem>>
        %dma_start3A_303 = arith.constant 2048 : i32
        %dma_start3A_304 = tpu.memref_slice %arg12[%dma_start3A_303] : memref<4096xi32, #tpu.memory_space<vmem>> -> memref<2048xi32, #tpu.memory_space<vmem>>
        tpu.enqueue_dma source(%arg3 : memref<2048xi32, #tpu.memory_space<hbm>>) target(%dma_start3A_304 : memref<2048xi32, #tpu.memory_space<vmem>>) target_semaphore(%run_scoped3A : memref<!tpu.dma_semaphore, #tpu.memory_space<semaphore_mem>>)
        %dma_wait3A_305 = arith.constant 2048 : i32
        %dma_wait3A_306 = tpu.memref_slice %arg12[%dma_wait3A_305] : memref<4096xi32, #tpu.memory_space<vmem>> -> memref<2048xi32, #tpu.memory_space<vmem>>
        %dma_wait3A_307 = arith.constant 2048 : i32
        %dma_wait3A_308 = tpu.memref_slice %arg12[%dma_wait3A_307] : memref<4096xi32, #tpu.memory_space<vmem>> -> memref<2048xi32, #tpu.memory_space<vmem>>
        tpu.wait_dma2 semaphore(%run_scoped3A : memref<!tpu.dma_semaphore, #tpu.memory_space<semaphore_mem>>) src(%arg3 : memref<2048xi32, #tpu.memory_space<hbm>>) dst(%dma_wait3A_308 : memref<2048xi32, #tpu.memory_space<vmem>>)
        tpu.yield
      }) : () -> ()
      "tpu.region"() ({
        %run_scoped3A = tpu.sem_alloc : memref<!tpu.dma_semaphore, #tpu.memory_space<semaphore_mem>>
        %dma_start3A_301 = arith.constant 0 : i32
        %dma_start3A_302 = tpu.memref_slice %arg13[%dma_start3A_301] : memref<4096xf32, #tpu.memory_space<vmem>> -> memref<2048xf32, #tpu.memory_space<vmem>>
        %dma_start3A_303 = arith.constant 0 : i32
        %dma_start3A_304 = tpu.memref_slice %arg13[%dma_start3A_303] : memref<4096xf32, #tpu.memory_space<vmem>> -> memref<2048xf32, #tpu.memory_space<vmem>>
        tpu.enqueue_dma source(%arg4 : memref<2048xf32, #tpu.memory_space<hbm>>) target(%dma_start3A_304 : memref<2048xf32, #tpu.memory_space<vmem>>) target_semaphore(%run_scoped3A : memref<!tpu.dma_semaphore, #tpu.memory_space<semaphore_mem>>)
        %dma_wait3A_305 = arith.constant 0 : i32
        %dma_wait3A_306 = tpu.memref_slice %arg13[%dma_wait3A_305] : memref<4096xf32, #tpu.memory_space<vmem>> -> memref<2048xf32, #tpu.memory_space<vmem>>
        %dma_wait3A_307 = arith.constant 0 : i32
        %dma_wait3A_308 = tpu.memref_slice %arg13[%dma_wait3A_307] : memref<4096xf32, #tpu.memory_space<vmem>> -> memref<2048xf32, #tpu.memory_space<vmem>>
        tpu.wait_dma2 semaphore(%run_scoped3A : memref<!tpu.dma_semaphore, #tpu.memory_space<semaphore_mem>>) src(%arg4 : memref<2048xf32, #tpu.memory_space<hbm>>) dst(%dma_wait3A_308 : memref<2048xf32, #tpu.memory_space<vmem>>)
        tpu.yield
      }) : () -> ()
      "tpu.region"() ({
        %run_scoped3A = tpu.sem_alloc : memref<!tpu.dma_semaphore, #tpu.memory_space<semaphore_mem>>
        %dma_start3A_301 = arith.constant 2048 : i32
        %dma_start3A_302 = tpu.memref_slice %arg13[%dma_start3A_301] : memref<4096xf32, #tpu.memory_space<vmem>> -> memref<2048xf32, #tpu.memory_space<vmem>>
        %dma_start3A_303 = arith.constant 2048 : i32
        %dma_start3A_304 = tpu.memref_slice %arg13[%dma_start3A_303] : memref<4096xf32, #tpu.memory_space<vmem>> -> memref<2048xf32, #tpu.memory_space<vmem>>
        tpu.enqueue_dma source(%arg5 : memref<2048xf32, #tpu.memory_space<hbm>>) target(%dma_start3A_304 : memref<2048xf32, #tpu.memory_space<vmem>>) target_semaphore(%run_scoped3A : memref<!tpu.dma_semaphore, #tpu.memory_space<semaphore_mem>>)
        %dma_wait3A_305 = arith.constant 2048 : i32
        %dma_wait3A_306 = tpu.memref_slice %arg13[%dma_wait3A_305] : memref<4096xf32, #tpu.memory_space<vmem>> -> memref<2048xf32, #tpu.memory_space<vmem>>
        %dma_wait3A_307 = arith.constant 2048 : i32
        %dma_wait3A_308 = tpu.memref_slice %arg13[%dma_wait3A_307] : memref<4096xf32, #tpu.memory_space<vmem>> -> memref<2048xf32, #tpu.memory_space<vmem>>
        tpu.wait_dma2 semaphore(%run_scoped3A : memref<!tpu.dma_semaphore, #tpu.memory_space<semaphore_mem>>) src(%arg5 : memref<2048xf32, #tpu.memory_space<hbm>>) dst(%dma_wait3A_308 : memref<2048xf32, #tpu.memory_space<vmem>>)
        tpu.yield
      }) : () -> ()
      %scan3A_286 = arith.constant 0 : i32
      %scan3A_287 = arith.constant 0 : i32
      %scan3A_288 = arith.constant 384 : i32
      %scan3A_289 = arith.addi %scan3A_287, %scan3A_288 : i32
      %scan3A_290 = arith.constant 1 : i32
      scf.for %scan3A_301 = %scan3A_287 to %scan3A_289 step %scan3A_290  : i32 {
        %mul3A_302 = arith.constant 16 : i32
        %mul3A_303 = arith.muli %scan3A_301, %mul3A_302 : i32
        %swap3A_304 = arith.index_cast %mul3A_303 : i32 to index
        %swap3A_305 = tpu.vector_load %arg14[%swap3A_304] {strides = array<i32>} : memref<6144xi32, #tpu.memory_space<vmem>>, vector<16xi32>,
        tpu.vector_store %arg14[%swap3A_304], %broadcast_in_dim3A_0 {strides = array<i32>} : memref<6144xi32, #tpu.memory_space<vmem>>, vector<16xi32>,
        %mul3A_306 = arith.constant 16 : i32
        %mul3A_307 = arith.muli %scan3A_301, %mul3A_306 : i32
        %swap3A_308 = arith.index_cast %mul3A_307 : i32 to index
        %swap3A_309 = tpu.vector_load %arg15[%swap3A_308] {strides = array<i32>} : memref<6144xf32, #tpu.memory_space<vmem>>, vector<16xf32>,
        tpu.vector_store %arg15[%swap3A_308], %broadcast_in_dim3A_2 {strides = array<i32>} : memref<6144xf32, #tpu.memory_space<vmem>>, vector<16xf32>,
      }
      %scan3A_291 = arith.constant 384 : i32
      %scan3A_292 = arith.constant 0 : i32
      %scan3A_293 = arith.constant 256 : i32
      %scan3A_294 = arith.addi %scan3A_292, %scan3A_293 : i32
      %scan3A_295 = arith.constant 1 : i32
      %scan3A_296 = scf.for %scan3A_301 = %scan3A_292 to %scan3A_294 step %scan3A_295 iter_args(%scan3A_302 = %broadcast_in_dim3A_0) -> (vector<16xi32>)  : i32 {
        %mul3A_303 = arith.constant 16 : i32
        %mul3A_304 = arith.muli %scan3A_301, %mul3A_303 : i32
        %get3A_305 = arith.index_cast %mul3A_304 : i32 to index
        %get3A_306 = tpu.vector_load %arg12[%get3A_305] {strides = array<i32>} : memref<4096xi32, #tpu.memory_space<vmem>>, vector<16xi32>,
        %eq3A_307 = vector.broadcast %arg1 : i32 to vector<16xi32>
        %eq3A_308 = arith.cmpi eq, %get3A_306, %eq3A_307 : vector<16xi32>
        %all_reduce_population_count3A = tpu.all_reduce %eq3A_308 {dim = 0 : i64, kind = #tpu.reduction_kind<sum>} : vector<16xi1> -> vector<16xi32>
        %add3A_309 = arith.addi %scan3A_302, %all_reduce_population_count3A : vector<16xi32>
        scf.yield %add3A_309 : vector<16xi32>
      }
      %scan3A_297 = arith.constant 256 : i32
      %swap3A = arith.constant 0 : index
      %swap3A_298 = tpu.vector_load %arg17[%swap3A] {strides = array<i32>} : memref<16xi32, #tpu.memory_space<vmem>>, vector<16xi32>,
      tpu.vector_store %arg17[%swap3A], %scan3A_296 {strides = array<i32>} : memref<16xi32, #tpu.memory_space<vmem>>, vector<16xi32>,
      %mul3A_299 = arith.constant 16 : i32
      %mul3A_300 = arith.muli %arg1, %mul3A_299 : i32
      "tpu.region"() ({
        %run_scoped3A = tpu.sem_alloc : memref<!tpu.dma_semaphore, #tpu.memory_space<semaphore_mem>>
        %dma_start3A_301 = tpu.memref_slice %arg26[%mul3A_300] : memref<128xi32, #tpu.memory_space<vmem_shared>> -> memref<16xi32, #tpu.memory_space<vmem_shared>>
        %dma_start3A_302 = tpu.memref_slice %arg26[%mul3A_300] : memref<128xi32, #tpu.memory_space<vmem_shared>> -> memref<16xi32, #tpu.memory_space<vmem_shared>>
        tpu.enqueue_dma source(%arg17 : memref<16xi32, #tpu.memory_space<vmem>>) target(%dma_start3A_302 : memref<16xi32, #tpu.memory_space<vmem_shared>>) target_semaphore(%run_scoped3A : memref<!tpu.dma_semaphore, #tpu.memory_space<semaphore_mem>>)
        %dma_wait3A_303 = tpu.memref_slice %arg26[%mul3A_300] : memref<128xi32, #tpu.memory_space<vmem_shared>> -> memref<16xi32, #tpu.memory_space<vmem_shared>>
        %dma_wait3A_304 = tpu.memref_slice %arg26[%mul3A_300] : memref<128xi32, #tpu.memory_space<vmem_shared>> -> memref<16xi32, #tpu.memory_space<vmem_shared>>
        tpu.wait_dma2 semaphore(%run_scoped3A : memref<!tpu.dma_semaphore, #tpu.memory_space<semaphore_mem>>) src(%arg17 : memref<16xi32, #tpu.memory_space<vmem>>) dst(%dma_wait3A_304 : memref<16xi32, #tpu.memory_space<vmem_shared>>)
        tpu.yield
      }) : () -> ()
    } else {
    }
    %barrier3A = arith.constant 0 : index
    tpu.barrier barrier_id(%barrier3A)
    "tpu.region"() ({
      %run_scoped3A = tpu.sem_alloc : memref<!tpu.dma_semaphore, #tpu.memory_space<semaphore_mem>>
      tpu.enqueue_dma source(%arg26 : memref<128xi32, #tpu.memory_space<vmem_shared>>) target(%arg18 : memref<128xi32, #tpu.memory_space<vmem>>) target_semaphore(%run_scoped3A : memref<!tpu.dma_semaphore, #tpu.memory_space<semaphore_mem>>)
      tpu.wait_dma2 semaphore(%run_scoped3A : memref<!tpu.dma_semaphore, #tpu.memory_space<semaphore_mem>>) src(%arg26 : memref<128xi32, #tpu.memory_space<vmem_shared>>) dst(%arg18 : memref<128xi32, #tpu.memory_space<vmem>>)
      tpu.yield
    }) : () -> ()
    %get3A = arith.constant 0 : index
    %get3A_5 = tpu.vector_load %arg18[%get3A] {strides = array<i32>} : memref<128xi32, #tpu.memory_space<vmem>>, vector<16xi32>,
    %eq3A = arith.constant 0 : i32
    %eq3A_6 = vector.broadcast %eq3A : i32 to vector<16xi32>
    %eq3A_7 = arith.cmpi eq, %iota3A, %eq3A_6 : vector<16xi32>
    %select_n3A = arith.select %eq3A_7, %get3A_5, %broadcast_in_dim3A_0 : vector<16xi1>, vector<16xi32>
    %get3A_8 = arith.constant 16 : index
    %get3A_9 = tpu.vector_load %arg18[%get3A_8] {strides = array<i32>} : memref<128xi32, #tpu.memory_space<vmem>>, vector<16xi32>,
    %eq3A_10 = arith.constant 1 : i32
    %eq3A_11 = vector.broadcast %eq3A_10 : i32 to vector<16xi32>
    %eq3A_12 = arith.cmpi eq, %iota3A, %eq3A_11 : vector<16xi32>
    %select_n3A_13 = arith.select %eq3A_12, %get3A_9, %select_n3A : vector<16xi1>, vector<16xi32>
    %get3A_14 = arith.constant 32 : index
    %get3A_15 = tpu.vector_load %arg18[%get3A_14] {strides = array<i32>} : memref<128xi32, #tpu.memory_space<vmem>>, vector<16xi32>,
    %eq3A_16 = arith.constant 2 : i32
    %eq3A_17 = vector.broadcast %eq3A_16 : i32 to vector<16xi32>
    %eq3A_18 = arith.cmpi eq, %iota3A, %eq3A_17 : vector<16xi32>
    %select_n3A_19 = arith.select %eq3A_18, %get3A_15, %select_n3A_13 : vector<16xi1>, vector<16xi32>
    %get3A_20 = arith.constant 48 : index
    %get3A_21 = tpu.vector_load %arg18[%get3A_20] {strides = array<i32>} : memref<128xi32, #tpu.memory_space<vmem>>, vector<16xi32>,
    %eq3A_22 = arith.constant 3 : i32
    %eq3A_23 = vector.broadcast %eq3A_22 : i32 to vector<16xi32>
    %eq3A_24 = arith.cmpi eq, %iota3A, %eq3A_23 : vector<16xi32>
    %select_n3A_25 = arith.select %eq3A_24, %get3A_21, %select_n3A_19 : vector<16xi1>, vector<16xi32>
    %get3A_26 = arith.constant 64 : index
    %get3A_27 = tpu.vector_load %arg18[%get3A_26] {strides = array<i32>} : memref<128xi32, #tpu.memory_space<vmem>>, vector<16xi32>,
    %eq3A_28 = arith.constant 4 : i32
    %eq3A_29 = vector.broadcast %eq3A_28 : i32 to vector<16xi32>
    %eq3A_30 = arith.cmpi eq, %iota3A, %eq3A_29 : vector<16xi32>
    %select_n3A_31 = arith.select %eq3A_30, %get3A_27, %select_n3A_25 : vector<16xi1>, vector<16xi32>
    %get3A_32 = arith.constant 80 : index
    %get3A_33 = tpu.vector_load %arg18[%get3A_32] {strides = array<i32>} : memref<128xi32, #tpu.memory_space<vmem>>, vector<16xi32>,
    %eq3A_34 = arith.constant 5 : i32
    %eq3A_35 = vector.broadcast %eq3A_34 : i32 to vector<16xi32>
    %eq3A_36 = arith.cmpi eq, %iota3A, %eq3A_35 : vector<16xi32>
    %select_n3A_37 = arith.select %eq3A_36, %get3A_33, %select_n3A_31 : vector<16xi1>, vector<16xi32>
    %get3A_38 = arith.constant 96 : index
    %get3A_39 = tpu.vector_load %arg18[%get3A_38] {strides = array<i32>} : memref<128xi32, #tpu.memory_space<vmem>>, vector<16xi32>,
    %eq3A_40 = arith.constant 6 : i32
    %eq3A_41 = vector.broadcast %eq3A_40 : i32 to vector<16xi32>
    %eq3A_42 = arith.cmpi eq, %iota3A, %eq3A_41 : vector<16xi32>
    %select_n3A_43 = arith.select %eq3A_42, %get3A_39, %select_n3A_37 : vector<16xi1>, vector<16xi32>
    %get3A_44 = arith.constant 112 : index
    %get3A_45 = tpu.vector_load %arg18[%get3A_44] {strides = array<i32>} : memref<128xi32, #tpu.memory_space<vmem>>, vector<16xi32>,
    %eq3A_46 = arith.constant 7 : i32
    %eq3A_47 = vector.broadcast %eq3A_46 : i32 to vector<16xi32>
    %eq3A_48 = arith.cmpi eq, %iota3A, %eq3A_47 : vector<16xi32>
    %select_n3A_49 = arith.select %eq3A_48, %get3A_45, %select_n3A_43 : vector<16xi1>, vector<16xi32>
    %add3A = arith.constant 255 : i32
    %add3A_50 = vector.broadcast %add3A : i32 to vector<16xi32>
    %add3A_51 = arith.addi %select_n3A_49, %add3A_50 : vector<16xi32>
    %jit3A = arith.constant 256 : i32
    %div3A = vector.broadcast %jit3A : i32 to vector<16xi32>
    %div3A_52 = arith.divsi %add3A_51, %div3A : vector<16xi32>
    %sign3A = arith.constant 0 : i32
    %sign3A_53 = vector.broadcast %sign3A : i32 to vector<16xi32>
    %sign3A_54 = arith.cmpi sgt, %add3A_51, %sign3A_53 : vector<16xi32>
    %sign3A_55 = arith.extui %sign3A_54 : vector<16xi1> to vector<16xi32>
    %sign3A_56 = arith.constant 0 : i32
    %sign3A_57 = vector.broadcast %sign3A_56 : i32 to vector<16xi32>
    %sign3A_58 = arith.cmpi slt, %add3A_51, %sign3A_57 : vector<16xi32>
    %sign3A_59 = arith.extui %sign3A_58 : vector<16xi1> to vector<16xi32>
    %sign3A_60 = arith.subi %sign3A_55, %sign3A_59 : vector<16xi32>
    %sign3A_61 = arith.constant 0 : i32
    %sign3A_62 = arith.cmpi sgt, %jit3A, %sign3A_61 : i32
    %sign3A_63 = arith.extui %sign3A_62 : i1 to i32
    %sign3A_64 = arith.constant 0 : i32
    %sign3A_65 = arith.cmpi slt, %jit3A, %sign3A_64 : i32
    %sign3A_66 = arith.extui %sign3A_65 : i1 to i32
    %sign3A_67 = arith.subi %sign3A_63, %sign3A_66 : i32
    %ne3A = vector.broadcast %sign3A_67 : i32 to vector<16xi32>
    %ne3A_68 = arith.cmpi ne, %sign3A_60, %ne3A : vector<16xi32>
    %rem3A = vector.broadcast %jit3A : i32 to vector<16xi32>
    %rem3A_69 = arith.remsi %add3A_51, %rem3A : vector<16xi32>
    %ne3A_70 = arith.constant 0 : i32
    %ne3A_71 = vector.broadcast %ne3A_70 : i32 to vector<16xi32>
    %ne3A_72 = arith.cmpi ne, %rem3A_69, %ne3A_71 : vector<16xi32>
    %and3A = arith.andi %ne3A_68, %ne3A_72 : vector<16xi1>
    %sub3A = arith.constant 1 : i32
    %sub3A_73 = vector.broadcast %sub3A : i32 to vector<16xi32>
    %sub3A_74 = arith.subi %div3A_52, %sub3A_73 : vector<16xi32>
    %select_n3A_75 = arith.select %and3A, %sub3A_74, %div3A_52 : vector<16xi1>, vector<16xi32>
    %broadcast_in_dim3A_76 = arith.constant true
    %broadcast_in_dim3A_77 = vector.broadcast %broadcast_in_dim3A_76 : i1 to vector<16xi1>
    %masked_cumsum3A = tpu.scan <sum>, %select_n3A_75 masked %broadcast_in_dim3A_77 : vector<16xi32>, vector<16xi1> -> vector<16xi32>
    %sub3A_78 = arith.subi %masked_cumsum3A, %select_n3A_75 : vector<16xi32>
    %mul3A = arith.constant 256 : i32
    %mul3A_79 = vector.broadcast %mul3A : i32 to vector<16xi32>
    %mul3A_80 = arith.muli %sub3A_78, %mul3A_79 : vector<16xi32>
    %lt3A_81 = arith.constant 8 : i32
    %lt3A_82 = arith.cmpi slt, %arg1, %lt3A_81 : i32
    %convert_element_type3A_83 = arith.extui %lt3A_82 : i1 to i32
    %cond3A_84 = arith.constant 0 : i32
    %cond3A_85 = arith.cmpi ne, %convert_element_type3A_83, %cond3A_84 : i32
    scf.if %cond3A_85 {
      %broadcast_in_dim3A_286 = arith.constant 0 : i32
      %broadcast_in_dim3A_287 = vector.broadcast %broadcast_in_dim3A_286 : i32 to vector<16xi32>
      %add3A_288 = vector.broadcast %arg1 : i32 to vector<16xi32>
      %add3A_289 = arith.addi %broadcast_in_dim3A_287, %add3A_288 : vector<16xi32>
      %broadcast_in_dim3A_290 = vector.shape_cast %add3A_289 : vector<16xi32> to vector<16x1xi32>
      %gather3A = vector.shape_cast %broadcast_in_dim3A_290 : vector<16x1xi32> to vector<16xi32>
      %gather3A_291 = tpu.dynamic_gather %mul3A_80[%gather3A] in [0] : vector<16xi32>, vector<16xi32> -> vector<16xi32>
      %scan3A_292 = arith.constant 0 : i32
      %scan3A_293 = arith.constant 256 : i32
      %scan3A_294 = arith.addi %scan3A_292, %scan3A_293 : i32
      %scan3A_295 = arith.constant 1 : i32
      %scan3A_296:2 = scf.for %scan3A_298 = %scan3A_292 to %scan3A_294 step %scan3A_295 iter_args(%scan3A_299 = %iota3A, %scan3A_300 = %broadcast_in_dim3A_0) -> (vector<16xi32>, vector<16xi32>)  : i32 {
        %mul3A_301 = arith.constant 16 : i32
        %mul3A_302 = arith.muli %scan3A_298, %mul3A_301 : i32
        %get3A_303 = arith.index_cast %mul3A_302 : i32 to index
        %get3A_304 = tpu.vector_load %arg12[%get3A_303] {strides = array<i32>} : memref<4096xi32, #tpu.memory_space<vmem>>, vector<16xi32>,
        %mul3A_305 = arith.constant 16 : i32
        %mul3A_306 = arith.muli %scan3A_298, %mul3A_305 : i32
        %get3A_307 = arith.index_cast %mul3A_306 : i32 to index
        %get3A_308 = tpu.vector_load %arg13[%get3A_307] {strides = array<i32>} : memref<4096xf32, #tpu.memory_space<vmem>>, vector<16xf32>,
        %eq3A_309 = vector.broadcast %arg1 : i32 to vector<16xi32>
        %eq3A_310 = arith.cmpi eq, %get3A_304, %eq3A_309 : vector<16xi32>
        %convert_element_type3A_311 = arith.extui %eq3A_310 : vector<16xi1> to vector<16xi32>
        %broadcast_in_dim3A_312 = arith.constant true
        %broadcast_in_dim3A_313 = vector.broadcast %broadcast_in_dim3A_312 : i1 to vector<16xi1>
        %masked_cumsum3A_314 = tpu.scan <sum>, %convert_element_type3A_311 masked %broadcast_in_dim3A_313 : vector<16xi32>, vector<16xi1> -> vector<16xi32>
        %add3A_315 = arith.addi %gather3A_291, %masked_cumsum3A_314 : vector<16xi32>
        %sub3A_316 = arith.constant 1 : i32
        %sub3A_317 = vector.broadcast %sub3A_316 : i32 to vector<16xi32>
        %sub3A_318 = arith.subi %add3A_315, %sub3A_317 : vector<16xi32>
        %add3A_319 = arith.addi %sub3A_318, %scan3A_300 : vector<16xi32>
        %jit3A_320 = arith.constant 0 : i32
        %broadcast_in_dim3A_321 = vector.broadcast %jit3A_320 : i32 to vector<16xi32>
        %select_n3A_322 = arith.select %eq3A_310, %add3A_319, %broadcast_in_dim3A_321 : vector<16xi1>, vector<16xi32>
        %and3A_323 = arith.constant 2047 : i32
        %and3A_324 = vector.broadcast %and3A_323 : i32 to vector<16xi32>
        %and3A_325 = arith.andi %scan3A_299, %and3A_324 : vector<16xi32>
        tpu.vector_store_idx %arg14[%select_n3A_322], %and3A_325 masked %eq3A_310 : memref<6144xi32, #tpu.memory_space<vmem>>[vector<16xi32>], vector<16xi32>, vector<16xi1>
        tpu.vector_store_idx %arg15[%select_n3A_322], %get3A_308 masked %eq3A_310 : memref<6144xf32, #tpu.memory_space<vmem>>[vector<16xi32>], vector<16xf32>, vector<16xi1>
        %mul3A_326 = arith.constant 16 : i32
        %mul3A_327 = arith.muli %scan3A_298, %mul3A_326 : i32
        %swap3A = arith.index_cast %mul3A_327 : i32 to index
        %swap3A_328 = tpu.vector_load %arg16[%swap3A] {strides = array<i32>} : memref<4096xi32, #tpu.memory_space<vmem>>, vector<16xi32>,
        tpu.vector_store %arg16[%swap3A], %select_n3A_322 {strides = array<i32>} : memref<4096xi32, #tpu.memory_space<vmem>>, vector<16xi32>,
        %rev3A = arith.constant 15 : i32
        %rev3A_329 = vector.broadcast %rev3A : i32 to vector<16xi32>
        %rev3A_330 = tpu.iota {dimensions = array<i32: 0>} : vector<16xi32>
        %rev3A_331 = arith.subi %rev3A_329, %rev3A_330 : vector<16xi32>
        %rev3A_332 = tpu.dynamic_gather %masked_cumsum3A_314[%rev3A_331] in [0] : vector<16xi32>, vector<16xi32> -> vector<16xi32>
        %broadcast_in_dim3A_333 = arith.constant true
        %broadcast_in_dim3A_334 = vector.broadcast %broadcast_in_dim3A_333 : i1 to vector<16xi1>
        %masked_cummax3A = arith.constant -2147483648 : i32
        %masked_cummax3A_335 = vector.broadcast %masked_cummax3A : i32 to vector<16xi32>
        %masked_cummax3A_336 = arith.xori %rev3A_332, %masked_cummax3A_335 : vector<16xi32>
        %masked_cummax3A_337 = tpu.scan <max>, %masked_cummax3A_336 masked %broadcast_in_dim3A_334 : vector<16xi32>, vector<16xi1> -> vector<16xi32>
        %masked_cummax3A_338 = arith.xori %masked_cummax3A_337, %masked_cummax3A_335 : vector<16xi32>
        %add3A_339 = arith.constant 16 : i32
        %add3A_340 = vector.broadcast %add3A_339 : i32 to vector<16xi32>
        %add3A_341 = arith.addi %scan3A_299, %add3A_340 : vector<16xi32>
        %add3A_342 = arith.addi %scan3A_300, %masked_cummax3A_338 : vector<16xi32>
        scf.yield %add3A_341, %add3A_342 : vector<16xi32>, vector<16xi32>
      }
      %scan3A_297 = arith.constant 256 : i32
      "tpu.region"() ({
        %run_scoped3A = tpu.sem_alloc : memref<!tpu.dma_semaphore, #tpu.memory_space<semaphore_mem>>
        %dma_start3A_298 = arith.constant 0 : i32
        %dma_start3A_299 = tpu.memref_slice %arg27[%arg1, %dma_start3A_298] : memref<8x6144xi32, #tpu.memory_space<vmem_shared>> -> memref<1x6144xi32, #tpu.memory_space<vmem_shared>>
        %dma_start3A_300 = tpu.memref_squeeze %dma_start3A_299 : memref<1x6144xi32, #tpu.memory_space<vmem_shared>> -> memref<6144xi32, #tpu.memory_space<vmem_shared>>
        %dma_start3A_301 = arith.constant 0 : i32
        %dma_start3A_302 = tpu.memref_slice %arg27[%arg1, %dma_start3A_301] : memref<8x6144xi32, #tpu.memory_space<vmem_shared>> -> memref<1x6144xi32, #tpu.memory_space<vmem_shared>>
        %dma_start3A_303 = tpu.memref_squeeze %dma_start3A_302 : memref<1x6144xi32, #tpu.memory_space<vmem_shared>> -> memref<6144xi32, #tpu.memory_space<vmem_shared>>
        tpu.enqueue_dma source(%arg14 : memref<6144xi32, #tpu.memory_space<vmem>>) target(%dma_start3A_303 : memref<6144xi32, #tpu.memory_space<vmem_shared>>) target_semaphore(%run_scoped3A : memref<!tpu.dma_semaphore, #tpu.memory_space<semaphore_mem>>)
        %dma_wait3A_304 = arith.constant 0 : i32
        %dma_wait3A_305 = tpu.memref_slice %arg27[%arg1, %dma_wait3A_304] : memref<8x6144xi32, #tpu.memory_space<vmem_shared>> -> memref<1x6144xi32, #tpu.memory_space<vmem_shared>>
        %dma_wait3A_306 = tpu.memref_squeeze %dma_wait3A_305 : memref<1x6144xi32, #tpu.memory_space<vmem_shared>> -> memref<6144xi32, #tpu.memory_space<vmem_shared>>
        %dma_wait3A_307 = arith.constant 0 : i32
        %dma_wait3A_308 = tpu.memref_slice %arg27[%arg1, %dma_wait3A_307] : memref<8x6144xi32, #tpu.memory_space<vmem_shared>> -> memref<1x6144xi32, #tpu.memory_space<vmem_shared>>
        %dma_wait3A_309 = tpu.memref_squeeze %dma_wait3A_308 : memref<1x6144xi32, #tpu.memory_space<vmem_shared>> -> memref<6144xi32, #tpu.memory_space<vmem_shared>>
        tpu.wait_dma2 semaphore(%run_scoped3A : memref<!tpu.dma_semaphore, #tpu.memory_space<semaphore_mem>>) src(%arg14 : memref<6144xi32, #tpu.memory_space<vmem>>) dst(%dma_wait3A_309 : memref<6144xi32, #tpu.memory_space<vmem_shared>>)
        tpu.yield
      }) : () -> ()
      "tpu.region"() ({
        %run_scoped3A = tpu.sem_alloc : memref<!tpu.dma_semaphore, #tpu.memory_space<semaphore_mem>>
        %dma_start3A_298 = arith.constant 0 : i32
        %dma_start3A_299 = tpu.memref_slice %arg28[%arg1, %dma_start3A_298] : memref<8x6144xf32, #tpu.memory_space<vmem_shared>> -> memref<1x6144xf32, #tpu.memory_space<vmem_shared>>
        %dma_start3A_300 = tpu.memref_squeeze %dma_start3A_299 : memref<1x6144xf32, #tpu.memory_space<vmem_shared>> -> memref<6144xf32, #tpu.memory_space<vmem_shared>>
        %dma_start3A_301 = arith.constant 0 : i32
        %dma_start3A_302 = tpu.memref_slice %arg28[%arg1, %dma_start3A_301] : memref<8x6144xf32, #tpu.memory_space<vmem_shared>> -> memref<1x6144xf32, #tpu.memory_space<vmem_shared>>
        %dma_start3A_303 = tpu.memref_squeeze %dma_start3A_302 : memref<1x6144xf32, #tpu.memory_space<vmem_shared>> -> memref<6144xf32, #tpu.memory_space<vmem_shared>>
        tpu.enqueue_dma source(%arg15 : memref<6144xf32, #tpu.memory_space<vmem>>) target(%dma_start3A_303 : memref<6144xf32, #tpu.memory_space<vmem_shared>>) target_semaphore(%run_scoped3A : memref<!tpu.dma_semaphore, #tpu.memory_space<semaphore_mem>>)
        %dma_wait3A_304 = arith.constant 0 : i32
        %dma_wait3A_305 = tpu.memref_slice %arg28[%arg1, %dma_wait3A_304] : memref<8x6144xf32, #tpu.memory_space<vmem_shared>> -> memref<1x6144xf32, #tpu.memory_space<vmem_shared>>
        %dma_wait3A_306 = tpu.memref_squeeze %dma_wait3A_305 : memref<1x6144xf32, #tpu.memory_space<vmem_shared>> -> memref<6144xf32, #tpu.memory_space<vmem_shared>>
        %dma_wait3A_307 = arith.constant 0 : i32
        %dma_wait3A_308 = tpu.memref_slice %arg28[%arg1, %dma_wait3A_307] : memref<8x6144xf32, #tpu.memory_space<vmem_shared>> -> memref<1x6144xf32, #tpu.memory_space<vmem_shared>>
        %dma_wait3A_309 = tpu.memref_squeeze %dma_wait3A_308 : memref<1x6144xf32, #tpu.memory_space<vmem_shared>> -> memref<6144xf32, #tpu.memory_space<vmem_shared>>
        tpu.wait_dma2 semaphore(%run_scoped3A : memref<!tpu.dma_semaphore, #tpu.memory_space<semaphore_mem>>) src(%arg15 : memref<6144xf32, #tpu.memory_space<vmem>>) dst(%dma_wait3A_309 : memref<6144xf32, #tpu.memory_space<vmem_shared>>)
        tpu.yield
      }) : () -> ()
      "tpu.region"() ({
        %run_scoped3A = tpu.sem_alloc : memref<!tpu.dma_semaphore, #tpu.memory_space<semaphore_mem>>
        %dma_start3A_298 = arith.constant 0 : i32
        %dma_start3A_299 = tpu.memref_slice %arg29[%arg1, %dma_start3A_298] : memref<8x4096xi32, #tpu.memory_space<vmem_shared>> -> memref<1x4096xi32, #tpu.memory_space<vmem_shared>>
        %dma_start3A_300 = tpu.memref_squeeze %dma_start3A_299 : memref<1x4096xi32, #tpu.memory_space<vmem_shared>> -> memref<4096xi32, #tpu.memory_space<vmem_shared>>
        %dma_start3A_301 = arith.constant 0 : i32
        %dma_start3A_302 = tpu.memref_slice %arg29[%arg1, %dma_start3A_301] : memref<8x4096xi32, #tpu.memory_space<vmem_shared>> -> memref<1x4096xi32, #tpu.memory_space<vmem_shared>>
        %dma_start3A_303 = tpu.memref_squeeze %dma_start3A_302 : memref<1x4096xi32, #tpu.memory_space<vmem_shared>> -> memref<4096xi32, #tpu.memory_space<vmem_shared>>
        tpu.enqueue_dma source(%arg16 : memref<4096xi32, #tpu.memory_space<vmem>>) target(%dma_start3A_303 : memref<4096xi32, #tpu.memory_space<vmem_shared>>) target_semaphore(%run_scoped3A : memref<!tpu.dma_semaphore, #tpu.memory_space<semaphore_mem>>)
        %dma_wait3A_304 = arith.constant 0 : i32
        %dma_wait3A_305 = tpu.memref_slice %arg29[%arg1, %dma_wait3A_304] : memref<8x4096xi32, #tpu.memory_space<vmem_shared>> -> memref<1x4096xi32, #tpu.memory_space<vmem_shared>>
        %dma_wait3A_306 = tpu.memref_squeeze %dma_wait3A_305 : memref<1x4096xi32, #tpu.memory_space<vmem_shared>> -> memref<4096xi32, #tpu.memory_space<vmem_shared>>
        %dma_wait3A_307 = arith.constant 0 : i32
        %dma_wait3A_308 = tpu.memref_slice %arg29[%arg1, %dma_wait3A_307] : memref<8x4096xi32, #tpu.memory_space<vmem_shared>> -> memref<1x4096xi32, #tpu.memory_space<vmem_shared>>
        %dma_wait3A_309 = tpu.memref_squeeze %dma_wait3A_308 : memref<1x4096xi32, #tpu.memory_space<vmem_shared>> -> memref<4096xi32, #tpu.memory_space<vmem_shared>>
        tpu.wait_dma2 semaphore(%run_scoped3A : memref<!tpu.dma_semaphore, #tpu.memory_space<semaphore_mem>>) src(%arg16 : memref<4096xi32, #tpu.memory_space<vmem>>) dst(%dma_wait3A_309 : memref<4096xi32, #tpu.memory_space<vmem_shared>>)
        tpu.yield
      }) : () -> ()
    } else {
    }
    %eq3A_86 = arith.constant 0 : i32
    %eq3A_87 = arith.cmpi eq, %arg1, %eq3A_86 : i32
    %eq3A_88 = arith.constant 0 : i32
    %eq3A_89 = arith.cmpi eq, %arg0, %eq3A_88 : i32
    %and3A_90 = arith.andi %eq3A_87, %eq3A_89 : i1
    %convert_element_type3A_91 = arith.extui %and3A_90 : i1 to i32
    %cond3A_92 = arith.constant 0 : i32
    %cond3A_93 = arith.cmpi ne, %convert_element_type3A_91, %cond3A_92 : i32
    scf.if %cond3A_93 {
      %add3A_286 = arith.constant 0 : i32
      %add3A_287 = vector.broadcast %add3A_286 : i32 to vector<16xi32>
      %add3A_288 = arith.addi %iota3A, %add3A_287 : vector<16xi32>
      %broadcast_in_dim3A_289 = arith.constant 0 : i32
      %broadcast_in_dim3A_290 = vector.broadcast %broadcast_in_dim3A_289 : i32 to vector<16xi32>
      %broadcast_in_dim3A_291 = arith.constant 0 : i32
      %broadcast_in_dim3A_292 = vector.broadcast %broadcast_in_dim3A_291 : i32 to vector<16xi32>
      %broadcast_in_dim3A_293 = vector.shape_cast %broadcast_in_dim3A_292 : vector<16xi32> to vector<16x1xi32>
      %gather3A = vector.shape_cast %broadcast_in_dim3A_293 : vector<16x1xi32> to vector<16xi32>
      %gather3A_294 = tpu.dynamic_gather %sub3A_78[%gather3A] in [0] : vector<16xi32>, vector<16xi32> -> vector<16xi32>
      %ge3A = arith.cmpi sge, %add3A_288, %gather3A_294 : vector<16xi32>
      %jit3A_295 = arith.constant 1 : i32
      %jit3A_296 = arith.constant 0 : i32
      %broadcast_in_dim3A_297 = vector.broadcast %jit3A_295 : i32 to vector<16xi32>
      %broadcast_in_dim3A_298 = vector.broadcast %jit3A_296 : i32 to vector<16xi32>
      %select_n3A_299 = arith.select %ge3A, %broadcast_in_dim3A_297, %broadcast_in_dim3A_298 : vector<16xi1>, vector<16xi32>
      %add3A_300 = arith.addi %broadcast_in_dim3A_290, %select_n3A_299 : vector<16xi32>
      %broadcast_in_dim3A_301 = arith.constant 1 : i32
      %broadcast_in_dim3A_302 = vector.broadcast %broadcast_in_dim3A_301 : i32 to vector<16xi32>
      %broadcast_in_dim3A_303 = vector.shape_cast %broadcast_in_dim3A_302 : vector<16xi32> to vector<16x1xi32>
      %gather3A_304 = vector.shape_cast %broadcast_in_dim3A_303 : vector<16x1xi32> to vector<16xi32>
      %gather3A_305 = tpu.dynamic_gather %sub3A_78[%gather3A_304] in [0] : vector<16xi32>, vector<16xi32> -> vector<16xi32>
      %ge3A_306 = arith.cmpi sge, %add3A_288, %gather3A_305 : vector<16xi32>
      %jit3A_307 = arith.constant 1 : i32
      %jit3A_308 = arith.constant 0 : i32
      %broadcast_in_dim3A_309 = vector.broadcast %jit3A_307 : i32 to vector<16xi32>
      %broadcast_in_dim3A_310 = vector.broadcast %jit3A_308 : i32 to vector<16xi32>
      %select_n3A_311 = arith.select %ge3A_306, %broadcast_in_dim3A_309, %broadcast_in_dim3A_310 : vector<16xi1>, vector<16xi32>
      %add3A_312 = arith.addi %add3A_300, %select_n3A_311 : vector<16xi32>
      %broadcast_in_dim3A_313 = arith.constant 2 : i32
      %broadcast_in_dim3A_314 = vector.broadcast %broadcast_in_dim3A_313 : i32 to vector<16xi32>
      %broadcast_in_dim3A_315 = vector.shape_cast %broadcast_in_dim3A_314 : vector<16xi32> to vector<16x1xi32>
      %gather3A_316 = vector.shape_cast %broadcast_in_dim3A_315 : vector<16x1xi32> to vector<16xi32>
      %gather3A_317 = tpu.dynamic_gather %sub3A_78[%gather3A_316] in [0] : vector<16xi32>, vector<16xi32> -> vector<16xi32>
      %ge3A_318 = arith.cmpi sge, %add3A_288, %gather3A_317 : vector<16xi32>
      %jit3A_319 = arith.constant 1 : i32
      %jit3A_320 = arith.constant 0 : i32
      %broadcast_in_dim3A_321 = vector.broadcast %jit3A_319 : i32 to vector<16xi32>
      %broadcast_in_dim3A_322 = vector.broadcast %jit3A_320 : i32 to vector<16xi32>
      %select_n3A_323 = arith.select %ge3A_318, %broadcast_in_dim3A_321, %broadcast_in_dim3A_322 : vector<16xi1>, vector<16xi32>
      %add3A_324 = arith.addi %add3A_312, %select_n3A_323 : vector<16xi32>
      %broadcast_in_dim3A_325 = arith.constant 3 : i32
      %broadcast_in_dim3A_326 = vector.broadcast %broadcast_in_dim3A_325 : i32 to vector<16xi32>
      %broadcast_in_dim3A_327 = vector.shape_cast %broadcast_in_dim3A_326 : vector<16xi32> to vector<16x1xi32>
      %gather3A_328 = vector.shape_cast %broadcast_in_dim3A_327 : vector<16x1xi32> to vector<16xi32>
      %gather3A_329 = tpu.dynamic_gather %sub3A_78[%gather3A_328] in [0] : vector<16xi32>, vector<16xi32> -> vector<16xi32>
      %ge3A_330 = arith.cmpi sge, %add3A_288, %gather3A_329 : vector<16xi32>
      %jit3A_331 = arith.constant 1 : i32
      %jit3A_332 = arith.constant 0 : i32
      %broadcast_in_dim3A_333 = vector.broadcast %jit3A_331 : i32 to vector<16xi32>
      %broadcast_in_dim3A_334 = vector.broadcast %jit3A_332 : i32 to vector<16xi32>
      %select_n3A_335 = arith.select %ge3A_330, %broadcast_in_dim3A_333, %broadcast_in_dim3A_334 : vector<16xi1>, vector<16xi32>
      %add3A_336 = arith.addi %add3A_324, %select_n3A_335 : vector<16xi32>
      %broadcast_in_dim3A_337 = arith.constant 4 : i32
      %broadcast_in_dim3A_338 = vector.broadcast %broadcast_in_dim3A_337 : i32 to vector<16xi32>
      %broadcast_in_dim3A_339 = vector.shape_cast %broadcast_in_dim3A_338 : vector<16xi32> to vector<16x1xi32>
      %gather3A_340 = vector.shape_cast %broadcast_in_dim3A_339 : vector<16x1xi32> to vector<16xi32>
      %gather3A_341 = tpu.dynamic_gather %sub3A_78[%gather3A_340] in [0] : vector<16xi32>, vector<16xi32> -> vector<16xi32>
      %ge3A_342 = arith.cmpi sge, %add3A_288, %gather3A_341 : vector<16xi32>
      %jit3A_343 = arith.constant 1 : i32
      %jit3A_344 = arith.constant 0 : i32
      %broadcast_in_dim3A_345 = vector.broadcast %jit3A_343 : i32 to vector<16xi32>
      %broadcast_in_dim3A_346 = vector.broadcast %jit3A_344 : i32 to vector<16xi32>
      %select_n3A_347 = arith.select %ge3A_342, %broadcast_in_dim3A_345, %broadcast_in_dim3A_346 : vector<16xi1>, vector<16xi32>
      %add3A_348 = arith.addi %add3A_336, %select_n3A_347 : vector<16xi32>
      %broadcast_in_dim3A_349 = arith.constant 5 : i32
      %broadcast_in_dim3A_350 = vector.broadcast %broadcast_in_dim3A_349 : i32 to vector<16xi32>
      %broadcast_in_dim3A_351 = vector.shape_cast %broadcast_in_dim3A_350 : vector<16xi32> to vector<16x1xi32>
      %gather3A_352 = vector.shape_cast %broadcast_in_dim3A_351 : vector<16x1xi32> to vector<16xi32>
      %gather3A_353 = tpu.dynamic_gather %sub3A_78[%gather3A_352] in [0] : vector<16xi32>, vector<16xi32> -> vector<16xi32>
      %ge3A_354 = arith.cmpi sge, %add3A_288, %gather3A_353 : vector<16xi32>
      %jit3A_355 = arith.constant 1 : i32
      %jit3A_356 = arith.constant 0 : i32
      %broadcast_in_dim3A_357 = vector.broadcast %jit3A_355 : i32 to vector<16xi32>
      %broadcast_in_dim3A_358 = vector.broadcast %jit3A_356 : i32 to vector<16xi32>
      %select_n3A_359 = arith.select %ge3A_354, %broadcast_in_dim3A_357, %broadcast_in_dim3A_358 : vector<16xi1>, vector<16xi32>
      %add3A_360 = arith.addi %add3A_348, %select_n3A_359 : vector<16xi32>
      %broadcast_in_dim3A_361 = arith.constant 6 : i32
      %broadcast_in_dim3A_362 = vector.broadcast %broadcast_in_dim3A_361 : i32 to vector<16xi32>
      %broadcast_in_dim3A_363 = vector.shape_cast %broadcast_in_dim3A_362 : vector<16xi32> to vector<16x1xi32>
      %gather3A_364 = vector.shape_cast %broadcast_in_dim3A_363 : vector<16x1xi32> to vector<16xi32>
      %gather3A_365 = tpu.dynamic_gather %sub3A_78[%gather3A_364] in [0] : vector<16xi32>, vector<16xi32> -> vector<16xi32>
      %ge3A_366 = arith.cmpi sge, %add3A_288, %gather3A_365 : vector<16xi32>
      %jit3A_367 = arith.constant 1 : i32
      %jit3A_368 = arith.constant 0 : i32
      %broadcast_in_dim3A_369 = vector.broadcast %jit3A_367 : i32 to vector<16xi32>
      %broadcast_in_dim3A_370 = vector.broadcast %jit3A_368 : i32 to vector<16xi32>
      %select_n3A_371 = arith.select %ge3A_366, %broadcast_in_dim3A_369, %broadcast_in_dim3A_370 : vector<16xi1>, vector<16xi32>
      %add3A_372 = arith.addi %add3A_360, %select_n3A_371 : vector<16xi32>
      %broadcast_in_dim3A_373 = arith.constant 7 : i32
      %broadcast_in_dim3A_374 = vector.broadcast %broadcast_in_dim3A_373 : i32 to vector<16xi32>
      %broadcast_in_dim3A_375 = vector.shape_cast %broadcast_in_dim3A_374 : vector<16xi32> to vector<16x1xi32>
      %gather3A_376 = vector.shape_cast %broadcast_in_dim3A_375 : vector<16x1xi32> to vector<16xi32>
      %gather3A_377 = tpu.dynamic_gather %sub3A_78[%gather3A_376] in [0] : vector<16xi32>, vector<16xi32> -> vector<16xi32>
      %ge3A_378 = arith.cmpi sge, %add3A_288, %gather3A_377 : vector<16xi32>
      %jit3A_379 = arith.constant 1 : i32
      %jit3A_380 = arith.constant 0 : i32
      %broadcast_in_dim3A_381 = vector.broadcast %jit3A_379 : i32 to vector<16xi32>
      %broadcast_in_dim3A_382 = vector.broadcast %jit3A_380 : i32 to vector<16xi32>
      %select_n3A_383 = arith.select %ge3A_378, %broadcast_in_dim3A_381, %broadcast_in_dim3A_382 : vector<16xi1>, vector<16xi32>
      %add3A_384 = arith.addi %add3A_372, %select_n3A_383 : vector<16xi32>
      %sub3A_385 = arith.constant 1 : i32
      %sub3A_386 = vector.broadcast %sub3A_385 : i32 to vector<16xi32>
      %sub3A_387 = arith.subi %add3A_384, %sub3A_386 : vector<16xi32>
      %max3A = arith.constant 0 : i32
      %max3A_388 = vector.broadcast %max3A : i32 to vector<16xi32>
      %max3A_389 = arith.maxsi %sub3A_387, %max3A_388 : vector<16xi32>
      %swap3A = arith.constant 0 : index
      %swap3A_390 = tpu.vector_load %arg25[%swap3A] {strides = array<i32>} : memref<32xi32, #tpu.memory_space<vmem>>, vector<16xi32>,
      tpu.vector_store %arg25[%swap3A], %max3A_389 {strides = array<i32>} : memref<32xi32, #tpu.memory_space<vmem>>, vector<16xi32>,
      %add3A_391 = arith.constant 16 : i32
      %add3A_392 = vector.broadcast %add3A_391 : i32 to vector<16xi32>
      %add3A_393 = arith.addi %iota3A, %add3A_392 : vector<16xi32>
      %broadcast_in_dim3A_394 = arith.constant 0 : i32
      %broadcast_in_dim3A_395 = vector.broadcast %broadcast_in_dim3A_394 : i32 to vector<16xi32>
      %broadcast_in_dim3A_396 = arith.constant 0 : i32
      %broadcast_in_dim3A_397 = vector.broadcast %broadcast_in_dim3A_396 : i32 to vector<16xi32>
      %broadcast_in_dim3A_398 = vector.shape_cast %broadcast_in_dim3A_397 : vector<16xi32> to vector<16x1xi32>
      %gather3A_399 = vector.shape_cast %broadcast_in_dim3A_398 : vector<16x1xi32> to vector<16xi32>
      %gather3A_400 = tpu.dynamic_gather %sub3A_78[%gather3A_399] in [0] : vector<16xi32>, vector<16xi32> -> vector<16xi32>
      %ge3A_401 = arith.cmpi sge, %add3A_393, %gather3A_400 : vector<16xi32>
      %jit3A_402 = arith.constant 1 : i32
      %jit3A_403 = arith.constant 0 : i32
      %broadcast_in_dim3A_404 = vector.broadcast %jit3A_402 : i32 to vector<16xi32>
      %broadcast_in_dim3A_405 = vector.broadcast %jit3A_403 : i32 to vector<16xi32>
      %select_n3A_406 = arith.select %ge3A_401, %broadcast_in_dim3A_404, %broadcast_in_dim3A_405 : vector<16xi1>, vector<16xi32>
      %add3A_407 = arith.addi %broadcast_in_dim3A_395, %select_n3A_406 : vector<16xi32>
      %broadcast_in_dim3A_408 = arith.constant 1 : i32
      %broadcast_in_dim3A_409 = vector.broadcast %broadcast_in_dim3A_408 : i32 to vector<16xi32>
      %broadcast_in_dim3A_410 = vector.shape_cast %broadcast_in_dim3A_409 : vector<16xi32> to vector<16x1xi32>
      %gather3A_411 = vector.shape_cast %broadcast_in_dim3A_410 : vector<16x1xi32> to vector<16xi32>
      %gather3A_412 = tpu.dynamic_gather %sub3A_78[%gather3A_411] in [0] : vector<16xi32>, vector<16xi32> -> vector<16xi32>
      %ge3A_413 = arith.cmpi sge, %add3A_393, %gather3A_412 : vector<16xi32>
      %jit3A_414 = arith.constant 1 : i32
      %jit3A_415 = arith.constant 0 : i32
      %broadcast_in_dim3A_416 = vector.broadcast %jit3A_414 : i32 to vector<16xi32>
      %broadcast_in_dim3A_417 = vector.broadcast %jit3A_415 : i32 to vector<16xi32>
      %select_n3A_418 = arith.select %ge3A_413, %broadcast_in_dim3A_416, %broadcast_in_dim3A_417 : vector<16xi1>, vector<16xi32>
      %add3A_419 = arith.addi %add3A_407, %select_n3A_418 : vector<16xi32>
      %broadcast_in_dim3A_420 = arith.constant 2 : i32
      %broadcast_in_dim3A_421 = vector.broadcast %broadcast_in_dim3A_420 : i32 to vector<16xi32>
      %broadcast_in_dim3A_422 = vector.shape_cast %broadcast_in_dim3A_421 : vector<16xi32> to vector<16x1xi32>
      %gather3A_423 = vector.shape_cast %broadcast_in_dim3A_422 : vector<16x1xi32> to vector<16xi32>
      %gather3A_424 = tpu.dynamic_gather %sub3A_78[%gather3A_423] in [0] : vector<16xi32>, vector<16xi32> -> vector<16xi32>
      %ge3A_425 = arith.cmpi sge, %add3A_393, %gather3A_424 : vector<16xi32>
      %jit3A_426 = arith.constant 1 : i32
      %jit3A_427 = arith.constant 0 : i32
      %broadcast_in_dim3A_428 = vector.broadcast %jit3A_426 : i32 to vector<16xi32>
      %broadcast_in_dim3A_429 = vector.broadcast %jit3A_427 : i32 to vector<16xi32>
      %select_n3A_430 = arith.select %ge3A_425, %broadcast_in_dim3A_428, %broadcast_in_dim3A_429 : vector<16xi1>, vector<16xi32>
      %add3A_431 = arith.addi %add3A_419, %select_n3A_430 : vector<16xi32>
      %broadcast_in_dim3A_432 = arith.constant 3 : i32
      %broadcast_in_dim3A_433 = vector.broadcast %broadcast_in_dim3A_432 : i32 to vector<16xi32>
      %broadcast_in_dim3A_434 = vector.shape_cast %broadcast_in_dim3A_433 : vector<16xi32> to vector<16x1xi32>
      %gather3A_435 = vector.shape_cast %broadcast_in_dim3A_434 : vector<16x1xi32> to vector<16xi32>
      %gather3A_436 = tpu.dynamic_gather %sub3A_78[%gather3A_435] in [0] : vector<16xi32>, vector<16xi32> -> vector<16xi32>
      %ge3A_437 = arith.cmpi sge, %add3A_393, %gather3A_436 : vector<16xi32>
      %jit3A_438 = arith.constant 1 : i32
      %jit3A_439 = arith.constant 0 : i32
      %broadcast_in_dim3A_440 = vector.broadcast %jit3A_438 : i32 to vector<16xi32>
      %broadcast_in_dim3A_441 = vector.broadcast %jit3A_439 : i32 to vector<16xi32>
      %select_n3A_442 = arith.select %ge3A_437, %broadcast_in_dim3A_440, %broadcast_in_dim3A_441 : vector<16xi1>, vector<16xi32>
      %add3A_443 = arith.addi %add3A_431, %select_n3A_442 : vector<16xi32>
      %broadcast_in_dim3A_444 = arith.constant 4 : i32
      %broadcast_in_dim3A_445 = vector.broadcast %broadcast_in_dim3A_444 : i32 to vector<16xi32>
      %broadcast_in_dim3A_446 = vector.shape_cast %broadcast_in_dim3A_445 : vector<16xi32> to vector<16x1xi32>
      %gather3A_447 = vector.shape_cast %broadcast_in_dim3A_446 : vector<16x1xi32> to vector<16xi32>
      %gather3A_448 = tpu.dynamic_gather %sub3A_78[%gather3A_447] in [0] : vector<16xi32>, vector<16xi32> -> vector<16xi32>
      %ge3A_449 = arith.cmpi sge, %add3A_393, %gather3A_448 : vector<16xi32>
      %jit3A_450 = arith.constant 1 : i32
      %jit3A_451 = arith.constant 0 : i32
      %broadcast_in_dim3A_452 = vector.broadcast %jit3A_450 : i32 to vector<16xi32>
      %broadcast_in_dim3A_453 = vector.broadcast %jit3A_451 : i32 to vector<16xi32>
      %select_n3A_454 = arith.select %ge3A_449, %broadcast_in_dim3A_452, %broadcast_in_dim3A_453 : vector<16xi1>, vector<16xi32>
      %add3A_455 = arith.addi %add3A_443, %select_n3A_454 : vector<16xi32>
      %broadcast_in_dim3A_456 = arith.constant 5 : i32
      %broadcast_in_dim3A_457 = vector.broadcast %broadcast_in_dim3A_456 : i32 to vector<16xi32>
      %broadcast_in_dim3A_458 = vector.shape_cast %broadcast_in_dim3A_457 : vector<16xi32> to vector<16x1xi32>
      %gather3A_459 = vector.shape_cast %broadcast_in_dim3A_458 : vector<16x1xi32> to vector<16xi32>
      %gather3A_460 = tpu.dynamic_gather %sub3A_78[%gather3A_459] in [0] : vector<16xi32>, vector<16xi32> -> vector<16xi32>
      %ge3A_461 = arith.cmpi sge, %add3A_393, %gather3A_460 : vector<16xi32>
      %jit3A_462 = arith.constant 1 : i32
      %jit3A_463 = arith.constant 0 : i32
      %broadcast_in_dim3A_464 = vector.broadcast %jit3A_462 : i32 to vector<16xi32>
      %broadcast_in_dim3A_465 = vector.broadcast %jit3A_463 : i32 to vector<16xi32>
      %select_n3A_466 = arith.select %ge3A_461, %broadcast_in_dim3A_464, %broadcast_in_dim3A_465 : vector<16xi1>, vector<16xi32>
      %add3A_467 = arith.addi %add3A_455, %select_n3A_466 : vector<16xi32>
      %broadcast_in_dim3A_468 = arith.constant 6 : i32
      %broadcast_in_dim3A_469 = vector.broadcast %broadcast_in_dim3A_468 : i32 to vector<16xi32>
      %broadcast_in_dim3A_470 = vector.shape_cast %broadcast_in_dim3A_469 : vector<16xi32> to vector<16x1xi32>
      %gather3A_471 = vector.shape_cast %broadcast_in_dim3A_470 : vector<16x1xi32> to vector<16xi32>
      %gather3A_472 = tpu.dynamic_gather %sub3A_78[%gather3A_471] in [0] : vector<16xi32>, vector<16xi32> -> vector<16xi32>
      %ge3A_473 = arith.cmpi sge, %add3A_393, %gather3A_472 : vector<16xi32>
      %jit3A_474 = arith.constant 1 : i32
      %jit3A_475 = arith.constant 0 : i32
      %broadcast_in_dim3A_476 = vector.broadcast %jit3A_474 : i32 to vector<16xi32>
      %broadcast_in_dim3A_477 = vector.broadcast %jit3A_475 : i32 to vector<16xi32>
      %select_n3A_478 = arith.select %ge3A_473, %broadcast_in_dim3A_476, %broadcast_in_dim3A_477 : vector<16xi1>, vector<16xi32>
      %add3A_479 = arith.addi %add3A_467, %select_n3A_478 : vector<16xi32>
      %broadcast_in_dim3A_480 = arith.constant 7 : i32
      %broadcast_in_dim3A_481 = vector.broadcast %broadcast_in_dim3A_480 : i32 to vector<16xi32>
      %broadcast_in_dim3A_482 = vector.shape_cast %broadcast_in_dim3A_481 : vector<16xi32> to vector<16x1xi32>
      %gather3A_483 = vector.shape_cast %broadcast_in_dim3A_482 : vector<16x1xi32> to vector<16xi32>
      %gather3A_484 = tpu.dynamic_gather %sub3A_78[%gather3A_483] in [0] : vector<16xi32>, vector<16xi32> -> vector<16xi32>
      %ge3A_485 = arith.cmpi sge, %add3A_393, %gather3A_484 : vector<16xi32>
      %jit3A_486 = arith.constant 1 : i32
      %jit3A_487 = arith.constant 0 : i32
      %broadcast_in_dim3A_488 = vector.broadcast %jit3A_486 : i32 to vector<16xi32>
      %broadcast_in_dim3A_489 = vector.broadcast %jit3A_487 : i32 to vector<16xi32>
      %select_n3A_490 = arith.select %ge3A_485, %broadcast_in_dim3A_488, %broadcast_in_dim3A_489 : vector<16xi1>, vector<16xi32>
      %add3A_491 = arith.addi %add3A_479, %select_n3A_490 : vector<16xi32>
      %sub3A_492 = arith.constant 1 : i32
      %sub3A_493 = vector.broadcast %sub3A_492 : i32 to vector<16xi32>
      %sub3A_494 = arith.subi %add3A_491, %sub3A_493 : vector<16xi32>
      %max3A_495 = arith.constant 0 : i32
      %max3A_496 = vector.broadcast %max3A_495 : i32 to vector<16xi32>
      %max3A_497 = arith.maxsi %sub3A_494, %max3A_496 : vector<16xi32>
      %swap3A_498 = arith.constant 16 : index
      %swap3A_499 = tpu.vector_load %arg25[%swap3A_498] {strides = array<i32>} : memref<32xi32, #tpu.memory_space<vmem>>, vector<16xi32>,
      tpu.vector_store %arg25[%swap3A_498], %max3A_497 {strides = array<i32>} : memref<32xi32, #tpu.memory_space<vmem>>, vector<16xi32>,
      "tpu.region"() ({
        %run_scoped3A = tpu.sem_alloc : memref<!tpu.dma_semaphore, #tpu.memory_space<semaphore_mem>>
        tpu.enqueue_dma source(%arg25 : memref<32xi32, #tpu.memory_space<vmem>>) target(%arg9 : memref<32xi32, #tpu.memory_space<hbm>>) target_semaphore(%run_scoped3A : memref<!tpu.dma_semaphore, #tpu.memory_space<semaphore_mem>>)
        tpu.wait_dma2 semaphore(%run_scoped3A : memref<!tpu.dma_semaphore, #tpu.memory_space<semaphore_mem>>) src(%arg25 : memref<32xi32, #tpu.memory_space<vmem>>) dst(%arg9 : memref<32xi32, #tpu.memory_space<hbm>>)
        tpu.yield
      }) : () -> ()
    } else {
    }
    %barrier3A_94 = arith.constant 0 : index
    tpu.barrier barrier_id(%barrier3A_94)
    %mul3A_95 = arith.constant 384 : i32
    %mul3A_96 = arith.muli %arg1, %mul3A_95 : i32
    "tpu.region"() ({
      %run_scoped3A = tpu.sem_alloc : memref<!tpu.dma_semaphore, #tpu.memory_space<semaphore_mem>>
      %dma_start3A_286 = arith.constant 0 : i32
      %dma_start3A_287 = tpu.memref_slice %arg27[%dma_start3A_286, %mul3A_96] : memref<8x6144xi32, #tpu.memory_space<vmem_shared>> -> memref<8x384xi32, #tpu.memory_space<vmem_shared>>
      %dma_start3A_288 = arith.constant 0 : i32
      %dma_start3A_289 = tpu.memref_slice %arg27[%dma_start3A_288, %mul3A_96] : memref<8x6144xi32, #tpu.memory_space<vmem_shared>> -> memref<8x384xi32, #tpu.memory_space<vmem_shared>>
      tpu.enqueue_dma source(%dma_start3A_289 : memref<8x384xi32, #tpu.memory_space<vmem_shared>>) target(%arg19 : memref<8x384xi32, #tpu.memory_space<vmem>>) target_semaphore(%run_scoped3A : memref<!tpu.dma_semaphore, #tpu.memory_space<semaphore_mem>>)
      %dma_wait3A_290 = arith.constant 0 : i32
      %dma_wait3A_291 = tpu.memref_slice %arg27[%dma_wait3A_290, %mul3A_96] : memref<8x6144xi32, #tpu.memory_space<vmem_shared>> -> memref<8x384xi32, #tpu.memory_space<vmem_shared>>
      %dma_wait3A_292 = arith.constant 0 : i32
      %dma_wait3A_293 = tpu.memref_slice %arg27[%dma_wait3A_292, %mul3A_96] : memref<8x6144xi32, #tpu.memory_space<vmem_shared>> -> memref<8x384xi32, #tpu.memory_space<vmem_shared>>
      tpu.wait_dma2 semaphore(%run_scoped3A : memref<!tpu.dma_semaphore, #tpu.memory_space<semaphore_mem>>) src(%dma_wait3A_293 : memref<8x384xi32, #tpu.memory_space<vmem_shared>>) dst(%arg19 : memref<8x384xi32, #tpu.memory_space<vmem>>)
      tpu.yield
    }) : () -> ()
    %mul3A_97 = arith.constant 384 : i32
    %mul3A_98 = arith.muli %arg1, %mul3A_97 : i32
    "tpu.region"() ({
      %run_scoped3A = tpu.sem_alloc : memref<!tpu.dma_semaphore, #tpu.memory_space<semaphore_mem>>
      %dma_start3A_286 = arith.constant 0 : i32
      %dma_start3A_287 = tpu.memref_slice %arg28[%dma_start3A_286, %mul3A_98] : memref<8x6144xf32, #tpu.memory_space<vmem_shared>> -> memref<8x384xf32, #tpu.memory_space<vmem_shared>>
      %dma_start3A_288 = arith.constant 0 : i32
      %dma_start3A_289 = tpu.memref_slice %arg28[%dma_start3A_288, %mul3A_98] : memref<8x6144xf32, #tpu.memory_space<vmem_shared>> -> memref<8x384xf32, #tpu.memory_space<vmem_shared>>
      tpu.enqueue_dma source(%dma_start3A_289 : memref<8x384xf32, #tpu.memory_space<vmem_shared>>) target(%arg20 : memref<8x384xf32, #tpu.memory_space<vmem>>) target_semaphore(%run_scoped3A : memref<!tpu.dma_semaphore, #tpu.memory_space<semaphore_mem>>)
      %dma_wait3A_290 = arith.constant 0 : i32
      %dma_wait3A_291 = tpu.memref_slice %arg28[%dma_wait3A_290, %mul3A_98] : memref<8x6144xf32, #tpu.memory_space<vmem_shared>> -> memref<8x384xf32, #tpu.memory_space<vmem_shared>>
      %dma_wait3A_292 = arith.constant 0 : i32
      %dma_wait3A_293 = tpu.memref_slice %arg28[%dma_wait3A_292, %mul3A_98] : memref<8x6144xf32, #tpu.memory_space<vmem_shared>> -> memref<8x384xf32, #tpu.memory_space<vmem_shared>>
      tpu.wait_dma2 semaphore(%run_scoped3A : memref<!tpu.dma_semaphore, #tpu.memory_space<semaphore_mem>>) src(%dma_wait3A_293 : memref<8x384xf32, #tpu.memory_space<vmem_shared>>) dst(%arg20 : memref<8x384xf32, #tpu.memory_space<vmem>>)
      tpu.yield
    }) : () -> ()
    %mul3A_99 = arith.constant 256 : i32
    %mul3A_100 = arith.muli %arg1, %mul3A_99 : i32
    "tpu.region"() ({
      %run_scoped3A = tpu.sem_alloc : memref<!tpu.dma_semaphore, #tpu.memory_space<semaphore_mem>>
      %dma_start3A_286 = arith.constant 0 : i32
      %dma_start3A_287 = tpu.memref_slice %arg29[%dma_start3A_286, %mul3A_100] : memref<8x4096xi32, #tpu.memory_space<vmem_shared>> -> memref<8x256xi32, #tpu.memory_space<vmem_shared>>
      %dma_start3A_288 = arith.constant 0 : i32
      %dma_start3A_289 = tpu.memref_slice %arg29[%dma_start3A_288, %mul3A_100] : memref<8x4096xi32, #tpu.memory_space<vmem_shared>> -> memref<8x256xi32, #tpu.memory_space<vmem_shared>>
      tpu.enqueue_dma source(%dma_start3A_289 : memref<8x256xi32, #tpu.memory_space<vmem_shared>>) target(%arg21 : memref<8x256xi32, #tpu.memory_space<vmem>>) target_semaphore(%run_scoped3A : memref<!tpu.dma_semaphore, #tpu.memory_space<semaphore_mem>>)
      %dma_wait3A_290 = arith.constant 0 : i32
      %dma_wait3A_291 = tpu.memref_slice %arg29[%dma_wait3A_290, %mul3A_100] : memref<8x4096xi32, #tpu.memory_space<vmem_shared>> -> memref<8x256xi32, #tpu.memory_space<vmem_shared>>
      %dma_wait3A_292 = arith.constant 0 : i32
      %dma_wait3A_293 = tpu.memref_slice %arg29[%dma_wait3A_292, %mul3A_100] : memref<8x4096xi32, #tpu.memory_space<vmem_shared>> -> memref<8x256xi32, #tpu.memory_space<vmem_shared>>
      tpu.wait_dma2 semaphore(%run_scoped3A : memref<!tpu.dma_semaphore, #tpu.memory_space<semaphore_mem>>) src(%dma_wait3A_293 : memref<8x256xi32, #tpu.memory_space<vmem_shared>>) dst(%arg21 : memref<8x256xi32, #tpu.memory_space<vmem>>)
      tpu.yield
    }) : () -> ()
    %scan3A = arith.constant 0 : i32
    %scan3A_101 = arith.constant 0 : i32
    %scan3A_102 = arith.constant 24 : i32
    %scan3A_103 = arith.addi %scan3A_101, %scan3A_102 : i32
    %scan3A_104 = arith.constant 1 : i32
    scf.for %scan3A_286 = %scan3A_101 to %scan3A_103 step %scan3A_104  : i32 {
      %mul3A_287 = arith.constant 16 : i32
      %mul3A_288 = arith.muli %scan3A_286, %mul3A_287 : i32
      %get3A_289 = arith.constant 0 : i32
      %get3A_290 = arith.index_cast %get3A_289 : i32 to index
      %get3A_291 = arith.index_cast %mul3A_288 : i32 to index
      %get3A_292 = tpu.vector_load %arg19[%get3A_290, %get3A_291] {strides = array<i32>} : memref<8x384xi32, #tpu.memory_space<vmem>>, vector<16xi32>,
      %add3A_293 = arith.addi %broadcast_in_dim3A_0, %get3A_292 : vector<16xi32>
      %mul3A_294 = arith.constant 16 : i32
      %mul3A_295 = arith.muli %scan3A_286, %mul3A_294 : i32
      %get3A_296 = arith.constant 0 : i32
      %get3A_297 = arith.index_cast %get3A_296 : i32 to index
      %get3A_298 = arith.index_cast %mul3A_295 : i32 to index
      %get3A_299 = tpu.vector_load %arg20[%get3A_297, %get3A_298] {strides = array<i32>} : memref<8x384xf32, #tpu.memory_space<vmem>>, vector<16xf32>,
      %add3A_300 = arith.addf %broadcast_in_dim3A_2, %get3A_299 : vector<16xf32>
      %mul3A_301 = arith.constant 16 : i32
      %mul3A_302 = arith.muli %scan3A_286, %mul3A_301 : i32
      %get3A_303 = arith.constant 1 : i32
      %get3A_304 = arith.index_cast %get3A_303 : i32 to index
      %get3A_305 = arith.index_cast %mul3A_302 : i32 to index
      %get3A_306 = tpu.vector_load %arg19[%get3A_304, %get3A_305] {strides = array<i32>} : memref<8x384xi32, #tpu.memory_space<vmem>>, vector<16xi32>,
      %add3A_307 = arith.addi %add3A_293, %get3A_306 : vector<16xi32>
      %mul3A_308 = arith.constant 16 : i32
      %mul3A_309 = arith.muli %scan3A_286, %mul3A_308 : i32
      %get3A_310 = arith.constant 1 : i32
      %get3A_311 = arith.index_cast %get3A_310 : i32 to index
      %get3A_312 = arith.index_cast %mul3A_309 : i32 to index
      %get3A_313 = tpu.vector_load %arg20[%get3A_311, %get3A_312] {strides = array<i32>} : memref<8x384xf32, #tpu.memory_space<vmem>>, vector<16xf32>,
      %add3A_314 = arith.addf %add3A_300, %get3A_313 : vector<16xf32>
      %mul3A_315 = arith.constant 16 : i32
      %mul3A_316 = arith.muli %scan3A_286, %mul3A_315 : i32
      %get3A_317 = arith.constant 2 : i32
      %get3A_318 = arith.index_cast %get3A_317 : i32 to index
      %get3A_319 = arith.index_cast %mul3A_316 : i32 to index
      %get3A_320 = tpu.vector_load %arg19[%get3A_318, %get3A_319] {strides = array<i32>} : memref<8x384xi32, #tpu.memory_space<vmem>>, vector<16xi32>,
      %add3A_321 = arith.addi %add3A_307, %get3A_320 : vector<16xi32>
      %mul3A_322 = arith.constant 16 : i32
      %mul3A_323 = arith.muli %scan3A_286, %mul3A_322 : i32
      %get3A_324 = arith.constant 2 : i32
      %get3A_325 = arith.index_cast %get3A_324 : i32 to index
      %get3A_326 = arith.index_cast %mul3A_323 : i32 to index
      %get3A_327 = tpu.vector_load %arg20[%get3A_325, %get3A_326] {strides = array<i32>} : memref<8x384xf32, #tpu.memory_space<vmem>>, vector<16xf32>,
      %add3A_328 = arith.addf %add3A_314, %get3A_327 : vector<16xf32>
      %mul3A_329 = arith.constant 16 : i32
      %mul3A_330 = arith.muli %scan3A_286, %mul3A_329 : i32
      %get3A_331 = arith.constant 3 : i32
      %get3A_332 = arith.index_cast %get3A_331 : i32 to index
      %get3A_333 = arith.index_cast %mul3A_330 : i32 to index
      %get3A_334 = tpu.vector_load %arg19[%get3A_332, %get3A_333] {strides = array<i32>} : memref<8x384xi32, #tpu.memory_space<vmem>>, vector<16xi32>,
      %add3A_335 = arith.addi %add3A_321, %get3A_334 : vector<16xi32>
      %mul3A_336 = arith.constant 16 : i32
      %mul3A_337 = arith.muli %scan3A_286, %mul3A_336 : i32
      %get3A_338 = arith.constant 3 : i32
      %get3A_339 = arith.index_cast %get3A_338 : i32 to index
      %get3A_340 = arith.index_cast %mul3A_337 : i32 to index
      %get3A_341 = tpu.vector_load %arg20[%get3A_339, %get3A_340] {strides = array<i32>} : memref<8x384xf32, #tpu.memory_space<vmem>>, vector<16xf32>,
      %add3A_342 = arith.addf %add3A_328, %get3A_341 : vector<16xf32>
      %mul3A_343 = arith.constant 16 : i32
      %mul3A_344 = arith.muli %scan3A_286, %mul3A_343 : i32
      %get3A_345 = arith.constant 4 : i32
      %get3A_346 = arith.index_cast %get3A_345 : i32 to index
      %get3A_347 = arith.index_cast %mul3A_344 : i32 to index
      %get3A_348 = tpu.vector_load %arg19[%get3A_346, %get3A_347] {strides = array<i32>} : memref<8x384xi32, #tpu.memory_space<vmem>>, vector<16xi32>,
      %add3A_349 = arith.addi %add3A_335, %get3A_348 : vector<16xi32>
      %mul3A_350 = arith.constant 16 : i32
      %mul3A_351 = arith.muli %scan3A_286, %mul3A_350 : i32
      %get3A_352 = arith.constant 4 : i32
      %get3A_353 = arith.index_cast %get3A_352 : i32 to index
      %get3A_354 = arith.index_cast %mul3A_351 : i32 to index
      %get3A_355 = tpu.vector_load %arg20[%get3A_353, %get3A_354] {strides = array<i32>} : memref<8x384xf32, #tpu.memory_space<vmem>>, vector<16xf32>,
      %add3A_356 = arith.addf %add3A_342, %get3A_355 : vector<16xf32>
      %mul3A_357 = arith.constant 16 : i32
      %mul3A_358 = arith.muli %scan3A_286, %mul3A_357 : i32
      %get3A_359 = arith.constant 5 : i32
      %get3A_360 = arith.index_cast %get3A_359 : i32 to index
      %get3A_361 = arith.index_cast %mul3A_358 : i32 to index
      %get3A_362 = tpu.vector_load %arg19[%get3A_360, %get3A_361] {strides = array<i32>} : memref<8x384xi32, #tpu.memory_space<vmem>>, vector<16xi32>,
      %add3A_363 = arith.addi %add3A_349, %get3A_362 : vector<16xi32>
      %mul3A_364 = arith.constant 16 : i32
      %mul3A_365 = arith.muli %scan3A_286, %mul3A_364 : i32
      %get3A_366 = arith.constant 5 : i32
      %get3A_367 = arith.index_cast %get3A_366 : i32 to index
      %get3A_368 = arith.index_cast %mul3A_365 : i32 to index
      %get3A_369 = tpu.vector_load %arg20[%get3A_367, %get3A_368] {strides = array<i32>} : memref<8x384xf32, #tpu.memory_space<vmem>>, vector<16xf32>,
      %add3A_370 = arith.addf %add3A_356, %get3A_369 : vector<16xf32>
      %mul3A_371 = arith.constant 16 : i32
      %mul3A_372 = arith.muli %scan3A_286, %mul3A_371 : i32
      %get3A_373 = arith.constant 6 : i32
      %get3A_374 = arith.index_cast %get3A_373 : i32 to index
      %get3A_375 = arith.index_cast %mul3A_372 : i32 to index
      %get3A_376 = tpu.vector_load %arg19[%get3A_374, %get3A_375] {strides = array<i32>} : memref<8x384xi32, #tpu.memory_space<vmem>>, vector<16xi32>,
      %add3A_377 = arith.addi %add3A_363, %get3A_376 : vector<16xi32>
      %mul3A_378 = arith.constant 16 : i32
      %mul3A_379 = arith.muli %scan3A_286, %mul3A_378 : i32
      %get3A_380 = arith.constant 6 : i32
      %get3A_381 = arith.index_cast %get3A_380 : i32 to index
      %get3A_382 = arith.index_cast %mul3A_379 : i32 to index
      %get3A_383 = tpu.vector_load %arg20[%get3A_381, %get3A_382] {strides = array<i32>} : memref<8x384xf32, #tpu.memory_space<vmem>>, vector<16xf32>,
      %add3A_384 = arith.addf %add3A_370, %get3A_383 : vector<16xf32>
      %mul3A_385 = arith.constant 16 : i32
      %mul3A_386 = arith.muli %scan3A_286, %mul3A_385 : i32
      %get3A_387 = arith.constant 7 : i32
      %get3A_388 = arith.index_cast %get3A_387 : i32 to index
      %get3A_389 = arith.index_cast %mul3A_386 : i32 to index
      %get3A_390 = tpu.vector_load %arg19[%get3A_388, %get3A_389] {strides = array<i32>} : memref<8x384xi32, #tpu.memory_space<vmem>>, vector<16xi32>,
      %add3A_391 = arith.addi %add3A_377, %get3A_390 : vector<16xi32>
      %mul3A_392 = arith.constant 16 : i32
      %mul3A_393 = arith.muli %scan3A_286, %mul3A_392 : i32
      %get3A_394 = arith.constant 7 : i32
      %get3A_395 = arith.index_cast %get3A_394 : i32 to index
      %get3A_396 = arith.index_cast %mul3A_393 : i32 to index
      %get3A_397 = tpu.vector_load %arg20[%get3A_395, %get3A_396] {strides = array<i32>} : memref<8x384xf32, #tpu.memory_space<vmem>>, vector<16xf32>,
      %add3A_398 = arith.addf %add3A_384, %get3A_397 : vector<16xf32>
      %mul3A_399 = arith.constant 16 : i32
      %mul3A_400 = arith.muli %scan3A_286, %mul3A_399 : i32
      %swap3A = arith.index_cast %mul3A_400 : i32 to index
      %swap3A_401 = tpu.vector_load %arg22[%swap3A] {strides = array<i32>} : memref<384xi32, #tpu.memory_space<vmem>>, vector<16xi32>,
      tpu.vector_store %arg22[%swap3A], %add3A_391 {strides = array<i32>} : memref<384xi32, #tpu.memory_space<vmem>>, vector<16xi32>,
      %mul3A_402 = arith.constant 16 : i32
      %mul3A_403 = arith.muli %scan3A_286, %mul3A_402 : i32
      %swap3A_404 = arith.index_cast %mul3A_403 : i32 to index
      %swap3A_405 = tpu.vector_load %arg23[%swap3A_404] {strides = array<i32>} : memref<384xf32, #tpu.memory_space<vmem>>, vector<16xf32>,
      tpu.vector_store %arg23[%swap3A_404], %add3A_398 {strides = array<i32>} : memref<384xf32, #tpu.memory_space<vmem>>, vector<16xf32>,
    }
    %scan3A_105 = arith.constant 24 : i32
    %scan3A_106 = arith.constant 0 : i32
    %scan3A_107 = arith.constant 0 : i32
    %scan3A_108 = arith.constant 16 : i32
    %scan3A_109 = arith.addi %scan3A_107, %scan3A_108 : i32
    %scan3A_110 = arith.constant 1 : i32
    scf.for %scan3A_286 = %scan3A_107 to %scan3A_109 step %scan3A_110  : i32 {
      %mul3A_287 = arith.constant 16 : i32
      %mul3A_288 = arith.muli %scan3A_286, %mul3A_287 : i32
      %get3A_289 = arith.constant 0 : i32
      %get3A_290 = arith.index_cast %get3A_289 : i32 to index
      %get3A_291 = arith.index_cast %mul3A_288 : i32 to index
      %get3A_292 = tpu.vector_load %arg21[%get3A_290, %get3A_291] {strides = array<i32>} : memref<8x256xi32, #tpu.memory_space<vmem>>, vector<16xi32>,
      %add3A_293 = arith.addi %broadcast_in_dim3A_0, %get3A_292 : vector<16xi32>
      %mul3A_294 = arith.constant 16 : i32
      %mul3A_295 = arith.muli %scan3A_286, %mul3A_294 : i32
      %get3A_296 = arith.constant 1 : i32
      %get3A_297 = arith.index_cast %get3A_296 : i32 to index
      %get3A_298 = arith.index_cast %mul3A_295 : i32 to index
      %get3A_299 = tpu.vector_load %arg21[%get3A_297, %get3A_298] {strides = array<i32>} : memref<8x256xi32, #tpu.memory_space<vmem>>, vector<16xi32>,
      %add3A_300 = arith.addi %add3A_293, %get3A_299 : vector<16xi32>
      %mul3A_301 = arith.constant 16 : i32
      %mul3A_302 = arith.muli %scan3A_286, %mul3A_301 : i32
      %get3A_303 = arith.constant 2 : i32
      %get3A_304 = arith.index_cast %get3A_303 : i32 to index
      %get3A_305 = arith.index_cast %mul3A_302 : i32 to index
      %get3A_306 = tpu.vector_load %arg21[%get3A_304, %get3A_305] {strides = array<i32>} : memref<8x256xi32, #tpu.memory_space<vmem>>, vector<16xi32>,
      %add3A_307 = arith.addi %add3A_300, %get3A_306 : vector<16xi32>
      %mul3A_308 = arith.constant 16 : i32
      %mul3A_309 = arith.muli %scan3A_286, %mul3A_308 : i32
      %get3A_310 = arith.constant 3 : i32
      %get3A_311 = arith.index_cast %get3A_310 : i32 to index
      %get3A_312 = arith.index_cast %mul3A_309 : i32 to index
      %get3A_313 = tpu.vector_load %arg21[%get3A_311, %get3A_312] {strides = array<i32>} : memref<8x256xi32, #tpu.memory_space<vmem>>, vector<16xi32>,
      %add3A_314 = arith.addi %add3A_307, %get3A_313 : vector<16xi32>
      %mul3A_315 = arith.constant 16 : i32
      %mul3A_316 = arith.muli %scan3A_286, %mul3A_315 : i32
      %get3A_317 = arith.constant 4 : i32
      %get3A_318 = arith.index_cast %get3A_317 : i32 to index
      %get3A_319 = arith.index_cast %mul3A_316 : i32 to index
      %get3A_320 = tpu.vector_load %arg21[%get3A_318, %get3A_319] {strides = array<i32>} : memref<8x256xi32, #tpu.memory_space<vmem>>, vector<16xi32>,
      %add3A_321 = arith.addi %add3A_314, %get3A_320 : vector<16xi32>
      %mul3A_322 = arith.constant 16 : i32
      %mul3A_323 = arith.muli %scan3A_286, %mul3A_322 : i32
      %get3A_324 = arith.constant 5 : i32
      %get3A_325 = arith.index_cast %get3A_324 : i32 to index
      %get3A_326 = arith.index_cast %mul3A_323 : i32 to index
      %get3A_327 = tpu.vector_load %arg21[%get3A_325, %get3A_326] {strides = array<i32>} : memref<8x256xi32, #tpu.memory_space<vmem>>, vector<16xi32>,
      %add3A_328 = arith.addi %add3A_321, %get3A_327 : vector<16xi32>
      %mul3A_329 = arith.constant 16 : i32
      %mul3A_330 = arith.muli %scan3A_286, %mul3A_329 : i32
      %get3A_331 = arith.constant 6 : i32
      %get3A_332 = arith.index_cast %get3A_331 : i32 to index
      %get3A_333 = arith.index_cast %mul3A_330 : i32 to index
      %get3A_334 = tpu.vector_load %arg21[%get3A_332, %get3A_333] {strides = array<i32>} : memref<8x256xi32, #tpu.memory_space<vmem>>, vector<16xi32>,
      %add3A_335 = arith.addi %add3A_328, %get3A_334 : vector<16xi32>
      %mul3A_336 = arith.constant 16 : i32
      %mul3A_337 = arith.muli %scan3A_286, %mul3A_336 : i32
      %get3A_338 = arith.constant 7 : i32
      %get3A_339 = arith.index_cast %get3A_338 : i32 to index
      %get3A_340 = arith.index_cast %mul3A_337 : i32 to index
      %get3A_341 = tpu.vector_load %arg21[%get3A_339, %get3A_340] {strides = array<i32>} : memref<8x256xi32, #tpu.memory_space<vmem>>, vector<16xi32>,
      %add3A_342 = arith.addi %add3A_335, %get3A_341 : vector<16xi32>
      %mul3A_343 = arith.constant 16 : i32
      %mul3A_344 = arith.muli %scan3A_286, %mul3A_343 : i32
      %swap3A = arith.index_cast %mul3A_344 : i32 to index
      %swap3A_345 = tpu.vector_load %arg24[%swap3A] {strides = array<i32>} : memref<256xi32, #tpu.memory_space<vmem>>, vector<16xi32>,
      tpu.vector_store %arg24[%swap3A], %add3A_342 {strides = array<i32>} : memref<256xi32, #tpu.memory_space<vmem>>, vector<16xi32>,
    }
    %scan3A_111 = arith.constant 16 : i32
    %mul3A_112 = arith.constant 384 : i32
    %mul3A_113 = arith.muli %arg1, %mul3A_112 : i32
    "tpu.region"() ({
      %run_scoped3A = tpu.sem_alloc : memref<!tpu.dma_semaphore, #tpu.memory_space<semaphore_mem>>
      %dma_start3A_286 = tpu.memref_slice %arg30[%mul3A_113] : memref<6144xi32, #tpu.memory_space<vmem_shared>> -> memref<384xi32, #tpu.memory_space<vmem_shared>>
      %dma_start3A_287 = tpu.memref_slice %arg30[%mul3A_113] : memref<6144xi32, #tpu.memory_space<vmem_shared>> -> memref<384xi32, #tpu.memory_space<vmem_shared>>
      tpu.enqueue_dma source(%arg22 : memref<384xi32, #tpu.memory_space<vmem>>) target(%dma_start3A_287 : memref<384xi32, #tpu.memory_space<vmem_shared>>) target_semaphore(%run_scoped3A : memref<!tpu.dma_semaphore, #tpu.memory_space<semaphore_mem>>)
      %dma_wait3A_288 = tpu.memref_slice %arg30[%mul3A_113] : memref<6144xi32, #tpu.memory_space<vmem_shared>> -> memref<384xi32, #tpu.memory_space<vmem_shared>>
      %dma_wait3A_289 = tpu.memref_slice %arg30[%mul3A_113] : memref<6144xi32, #tpu.memory_space<vmem_shared>> -> memref<384xi32, #tpu.memory_space<vmem_shared>>
      tpu.wait_dma2 semaphore(%run_scoped3A : memref<!tpu.dma_semaphore, #tpu.memory_space<semaphore_mem>>) src(%arg22 : memref<384xi32, #tpu.memory_space<vmem>>) dst(%dma_wait3A_289 : memref<384xi32, #tpu.memory_space<vmem_shared>>)
      tpu.yield
    }) : () -> ()
    %eq3A_114 = arith.constant 0 : i32
    %eq3A_115 = arith.cmpi eq, %arg0, %eq3A_114 : i32
    %convert_element_type3A_116 = arith.extui %eq3A_115 : i1 to i32
    %cond3A_117 = arith.constant 0 : i32
    %cond3A_118 = arith.cmpi ne, %convert_element_type3A_116, %cond3A_117 : i32
    scf.if %cond3A_118 {
      %mul3A_286 = arith.constant 384 : i32
      %mul3A_287 = arith.muli %arg1, %mul3A_286 : i32
      "tpu.region"() ({
        %run_scoped3A = tpu.sem_alloc : memref<!tpu.dma_semaphore, #tpu.memory_space<semaphore_mem>>
        %dma_start3A_297 = tpu.memref_slice %arg8[%mul3A_287] : memref<6144xf32, #tpu.memory_space<hbm>> -> memref<384xf32, #tpu.memory_space<hbm>>
        %dma_start3A_298 = tpu.memref_slice %arg8[%mul3A_287] : memref<6144xf32, #tpu.memory_space<hbm>> -> memref<384xf32, #tpu.memory_space<hbm>>
        tpu.enqueue_dma source(%arg23 : memref<384xf32, #tpu.memory_space<vmem>>) target(%dma_start3A_298 : memref<384xf32, #tpu.memory_space<hbm>>) target_semaphore(%run_scoped3A : memref<!tpu.dma_semaphore, #tpu.memory_space<semaphore_mem>>)
        %dma_wait3A_299 = tpu.memref_slice %arg8[%mul3A_287] : memref<6144xf32, #tpu.memory_space<hbm>> -> memref<384xf32, #tpu.memory_space<hbm>>
        %dma_wait3A_300 = tpu.memref_slice %arg8[%mul3A_287] : memref<6144xf32, #tpu.memory_space<hbm>> -> memref<384xf32, #tpu.memory_space<hbm>>
        tpu.wait_dma2 semaphore(%run_scoped3A : memref<!tpu.dma_semaphore, #tpu.memory_space<semaphore_mem>>) src(%arg23 : memref<384xf32, #tpu.memory_space<vmem>>) dst(%dma_wait3A_300 : memref<384xf32, #tpu.memory_space<hbm>>)
        tpu.yield
      }) : () -> ()
      %lt3A_288 = arith.constant 8 : i32
      %lt3A_289 = arith.cmpi slt, %arg1, %lt3A_288 : i32
      %convert_element_type3A_290 = arith.extui %lt3A_289 : i1 to i32
      %cond3A_291 = arith.constant 0 : i32
      %cond3A_292 = arith.cmpi ne, %convert_element_type3A_290, %cond3A_291 : i32
      scf.if %cond3A_292 {
        %mul3A_297 = arith.constant 256 : i32
        %mul3A_298 = arith.muli %arg1, %mul3A_297 : i32
        "tpu.region"() ({
          %run_scoped3A = tpu.sem_alloc : memref<!tpu.dma_semaphore, #tpu.memory_space<semaphore_mem>>
          %dma_start3A_299 = tpu.memref_slice %arg10[%mul3A_298] : memref<2048xi32, #tpu.memory_space<hbm>> -> memref<256xi32, #tpu.memory_space<hbm>>
          %dma_start3A_300 = tpu.memref_slice %arg10[%mul3A_298] : memref<2048xi32, #tpu.memory_space<hbm>> -> memref<256xi32, #tpu.memory_space<hbm>>
          tpu.enqueue_dma source(%arg24 : memref<256xi32, #tpu.memory_space<vmem>>) target(%dma_start3A_300 : memref<256xi32, #tpu.memory_space<hbm>>) target_semaphore(%run_scoped3A : memref<!tpu.dma_semaphore, #tpu.memory_space<semaphore_mem>>)
          %dma_wait3A_301 = tpu.memref_slice %arg10[%mul3A_298] : memref<2048xi32, #tpu.memory_space<hbm>> -> memref<256xi32, #tpu.memory_space<hbm>>
          %dma_wait3A_302 = tpu.memref_slice %arg10[%mul3A_298] : memref<2048xi32, #tpu.memory_space<hbm>> -> memref<256xi32, #tpu.memory_space<hbm>>
          tpu.wait_dma2 semaphore(%run_scoped3A : memref<!tpu.dma_semaphore, #tpu.memory_space<semaphore_mem>>) src(%arg24 : memref<256xi32, #tpu.memory_space<vmem>>) dst(%dma_wait3A_302 : memref<256xi32, #tpu.memory_space<hbm>>)
          tpu.yield
        }) : () -> ()
      } else {
      }
      %ge3A = arith.constant 8 : i32
      %ge3A_293 = arith.cmpi sge, %arg1, %ge3A : i32
      %convert_element_type3A_294 = arith.extui %ge3A_293 : i1 to i32
      %cond3A_295 = arith.constant 0 : i32
      %cond3A_296 = arith.cmpi ne, %convert_element_type3A_294, %cond3A_295 : i32
      scf.if %cond3A_296 {
        %sub3A_297 = arith.constant 8 : i32
        %sub3A_298 = arith.subi %arg1, %sub3A_297 : i32
        %mul3A_299 = arith.constant 256 : i32
        %mul3A_300 = arith.muli %sub3A_298, %mul3A_299 : i32
        "tpu.region"() ({
          %run_scoped3A = tpu.sem_alloc : memref<!tpu.dma_semaphore, #tpu.memory_space<semaphore_mem>>
          %dma_start3A_301 = tpu.memref_slice %arg11[%mul3A_300] : memref<2048xi32, #tpu.memory_space<hbm>> -> memref<256xi32, #tpu.memory_space<hbm>>
          %dma_start3A_302 = tpu.memref_slice %arg11[%mul3A_300] : memref<2048xi32, #tpu.memory_space<hbm>> -> memref<256xi32, #tpu.memory_space<hbm>>
          tpu.enqueue_dma source(%arg24 : memref<256xi32, #tpu.memory_space<vmem>>) target(%dma_start3A_302 : memref<256xi32, #tpu.memory_space<hbm>>) target_semaphore(%run_scoped3A : memref<!tpu.dma_semaphore, #tpu.memory_space<semaphore_mem>>)
          %dma_wait3A_303 = tpu.memref_slice %arg11[%mul3A_300] : memref<2048xi32, #tpu.memory_space<hbm>> -> memref<256xi32, #tpu.memory_space<hbm>>
          %dma_wait3A_304 = tpu.memref_slice %arg11[%mul3A_300] : memref<2048xi32, #tpu.memory_space<hbm>> -> memref<256xi32, #tpu.memory_space<hbm>>
          tpu.wait_dma2 semaphore(%run_scoped3A : memref<!tpu.dma_semaphore, #tpu.memory_space<semaphore_mem>>) src(%arg24 : memref<256xi32, #tpu.memory_space<vmem>>) dst(%dma_wait3A_304 : memref<256xi32, #tpu.memory_space<hbm>>)
          tpu.yield
        }) : () -> ()
      } else {
      }
    } else {
    }
    %barrier3A_119 = arith.constant 0 : index
    tpu.barrier barrier_id(%barrier3A_119)
    %mul3A_120 = arith.constant 3072 : i32
    %mul3A_121 = arith.muli %arg0, %mul3A_120 : i32
    %mul3A_122 = arith.constant 192 : i32
    %mul3A_123 = arith.muli %arg1, %mul3A_122 : i32
    %add3A_124 = arith.addi %mul3A_121, %mul3A_123 : i32
    %add3A_125 = arith.constant 0 : i32
    %add3A_126 = arith.addi %add3A_124, %add3A_125 : i32
    "tpu.region"() ({
      %run_scoped3A = tpu.sem_alloc : memref<!tpu.dma_semaphore, #tpu.memory_space<semaphore_mem>>
      %dma_start3A_286 = tpu.memref_slice %arg30[%add3A_126] : memref<6144xi32, #tpu.memory_space<vmem_shared>> -> memref<32xi32, #tpu.memory_space<vmem_shared>>
      %dma_start3A_287 = tpu.memref_slice %arg30[%add3A_126] : memref<6144xi32, #tpu.memory_space<vmem_shared>> -> memref<32xi32, #tpu.memory_space<vmem_shared>>
      tpu.enqueue_dma source(%dma_start3A_287 : memref<32xi32, #tpu.memory_space<vmem_shared>>) target(%arg31 : memref<32xi32, #tpu.memory_space<vmem>>) target_semaphore(%run_scoped3A : memref<!tpu.dma_semaphore, #tpu.memory_space<semaphore_mem>>)
      %dma_wait3A_288 = tpu.memref_slice %arg30[%add3A_126] : memref<6144xi32, #tpu.memory_space<vmem_shared>> -> memref<32xi32, #tpu.memory_space<vmem_shared>>
      %dma_wait3A_289 = tpu.memref_slice %arg30[%add3A_126] : memref<6144xi32, #tpu.memory_space<vmem_shared>> -> memref<32xi32, #tpu.memory_space<vmem_shared>>
      tpu.wait_dma2 semaphore(%run_scoped3A : memref<!tpu.dma_semaphore, #tpu.memory_space<semaphore_mem>>) src(%dma_wait3A_289 : memref<32xi32, #tpu.memory_space<vmem_shared>>) dst(%arg31 : memref<32xi32, #tpu.memory_space<vmem>>)
      tpu.yield
    }) : () -> ()
    %dma_start3A = arith.constant 0 : i32
    %dma_start3A_127 = arith.constant 0 : i32
    %dma_start3A_128 = tpu.memref_slice %arg6[%dma_start3A, %dma_start3A_127] : memref<2048x1024xf32, #tpu.memory_space<hbm>> -> memref<2048x1024xf32, #tpu.memory_space<hbm>>
    tpu.enqueue_indirect_dma source(%dma_start3A_128 : memref<2048x1024xf32, #tpu.memory_space<hbm>>) target(%arg33 : memref<32x1024xf32, #tpu.memory_space<vmem>>) offsets(%arg31 : memref<32xi32, #tpu.memory_space<vmem>>) semaphore(%arg35 : memref<!tpu.dma_semaphore, #tpu.memory_space<semaphore_mem>>)
    %mul3A_129 = arith.constant 3072 : i32
    %mul3A_130 = arith.muli %arg0, %mul3A_129 : i32
    %mul3A_131 = arith.constant 192 : i32
    %mul3A_132 = arith.muli %arg1, %mul3A_131 : i32
    %add3A_133 = arith.addi %mul3A_130, %mul3A_132 : i32
    %add3A_134 = arith.constant 32 : i32
    %add3A_135 = arith.addi %add3A_133, %add3A_134 : i32
    "tpu.region"() ({
      %run_scoped3A = tpu.sem_alloc : memref<!tpu.dma_semaphore, #tpu.memory_space<semaphore_mem>>
      %dma_start3A_286 = tpu.memref_slice %arg30[%add3A_135] : memref<6144xi32, #tpu.memory_space<vmem_shared>> -> memref<32xi32, #tpu.memory_space<vmem_shared>>
      %dma_start3A_287 = tpu.memref_slice %arg30[%add3A_135] : memref<6144xi32, #tpu.memory_space<vmem_shared>> -> memref<32xi32, #tpu.memory_space<vmem_shared>>
      tpu.enqueue_dma source(%dma_start3A_287 : memref<32xi32, #tpu.memory_space<vmem_shared>>) target(%arg32 : memref<32xi32, #tpu.memory_space<vmem>>) target_semaphore(%run_scoped3A : memref<!tpu.dma_semaphore, #tpu.memory_space<semaphore_mem>>)
      %dma_wait3A_288 = tpu.memref_slice %arg30[%add3A_135] : memref<6144xi32, #tpu.memory_space<vmem_shared>> -> memref<32xi32, #tpu.memory_space<vmem_shared>>
      %dma_wait3A_289 = tpu.memref_slice %arg30[%add3A_135] : memref<6144xi32, #tpu.memory_space<vmem_shared>> -> memref<32xi32, #tpu.memory_space<vmem_shared>>
      tpu.wait_dma2 semaphore(%run_scoped3A : memref<!tpu.dma_semaphore, #tpu.memory_space<semaphore_mem>>) src(%dma_wait3A_289 : memref<32xi32, #tpu.memory_space<vmem_shared>>) dst(%arg32 : memref<32xi32, #tpu.memory_space<vmem>>)
      tpu.yield
    }) : () -> ()
    %dma_start3A_136 = arith.constant 0 : i32
    %dma_start3A_137 = arith.constant 0 : i32
    %dma_start3A_138 = tpu.memref_slice %arg6[%dma_start3A_136, %dma_start3A_137] : memref<2048x1024xf32, #tpu.memory_space<hbm>> -> memref<2048x1024xf32, #tpu.memory_space<hbm>>
    tpu.enqueue_indirect_dma source(%dma_start3A_138 : memref<2048x1024xf32, #tpu.memory_space<hbm>>) target(%arg34 : memref<32x1024xf32, #tpu.memory_space<vmem>>) offsets(%arg32 : memref<32xi32, #tpu.memory_space<vmem>>) semaphore(%arg36 : memref<!tpu.dma_semaphore, #tpu.memory_space<semaphore_mem>>)
    %mul3A_139 = arith.constant 3072 : i32
    %mul3A_140 = arith.muli %arg0, %mul3A_139 : i32
    %mul3A_141 = arith.constant 192 : i32
    %mul3A_142 = arith.muli %arg1, %mul3A_141 : i32
    %add3A_143 = arith.addi %mul3A_140, %mul3A_142 : i32
    %add3A_144 = arith.constant 0 : i32
    %add3A_145 = arith.addi %add3A_143, %add3A_144 : i32
    %dma_wait3A = arith.constant 0 : i32
    %dma_wait3A_146 = arith.constant 0 : i32
    %dma_wait3A_147 = tpu.memref_slice %arg6[%dma_wait3A, %dma_wait3A_146] : memref<2048x1024xf32, #tpu.memory_space<hbm>> -> memref<2048x1024xf32, #tpu.memory_space<hbm>>
    tpu.wait_indirect_dma semaphore(%arg35 : memref<!tpu.dma_semaphore, #tpu.memory_space<semaphore_mem>>) src(%dma_wait3A_147 : memref<2048x1024xf32, #tpu.memory_space<hbm>>) dst(%arg33 : memref<32x1024xf32, #tpu.memory_space<vmem>>)
    %dma_start3A_148 = arith.constant 0 : i32
    %dma_start3A_149 = tpu.memref_slice %arg7[%add3A_145, %dma_start3A_148] : memref<6144x1024xf32, #tpu.memory_space<hbm>> -> memref<32x1024xf32, #tpu.memory_space<hbm>>
    %dma_start3A_150 = arith.constant 0 : i32
    %dma_start3A_151 = tpu.memref_slice %arg7[%add3A_145, %dma_start3A_150] : memref<6144x1024xf32, #tpu.memory_space<hbm>> -> memref<32x1024xf32, #tpu.memory_space<hbm>>
    tpu.enqueue_dma source(%arg33 : memref<32x1024xf32, #tpu.memory_space<vmem>>) target(%dma_start3A_151 : memref<32x1024xf32, #tpu.memory_space<hbm>>) target_semaphore(%arg37 : memref<!tpu.dma_semaphore, #tpu.memory_space<semaphore_mem>>)
    %mul3A_152 = arith.constant 3072 : i32
    %mul3A_153 = arith.muli %arg0, %mul3A_152 : i32
    %mul3A_154 = arith.constant 192 : i32
    %mul3A_155 = arith.muli %arg1, %mul3A_154 : i32
    %add3A_156 = arith.addi %mul3A_153, %mul3A_155 : i32
    %add3A_157 = arith.constant 64 : i32
    %add3A_158 = arith.addi %add3A_156, %add3A_157 : i32
    %dma_wait3A_159 = arith.constant 0 : i32
    %dma_wait3A_160 = tpu.memref_slice %arg7[%add3A_145, %dma_wait3A_159] : memref<6144x1024xf32, #tpu.memory_space<hbm>> -> memref<32x1024xf32, #tpu.memory_space<hbm>>
    %dma_wait3A_161 = arith.constant 0 : i32
    %dma_wait3A_162 = tpu.memref_slice %arg7[%add3A_145, %dma_wait3A_161] : memref<6144x1024xf32, #tpu.memory_space<hbm>> -> memref<32x1024xf32, #tpu.memory_space<hbm>>
    tpu.wait_dma2 semaphore(%arg37 : memref<!tpu.dma_semaphore, #tpu.memory_space<semaphore_mem>>) src(%arg33 : memref<32x1024xf32, #tpu.memory_space<vmem>>) dst(%dma_wait3A_162 : memref<32x1024xf32, #tpu.memory_space<hbm>>)
    "tpu.region"() ({
      %run_scoped3A = tpu.sem_alloc : memref<!tpu.dma_semaphore, #tpu.memory_space<semaphore_mem>>
      %dma_start3A_286 = tpu.memref_slice %arg30[%add3A_158] : memref<6144xi32, #tpu.memory_space<vmem_shared>> -> memref<32xi32, #tpu.memory_space<vmem_shared>>
      %dma_start3A_287 = tpu.memref_slice %arg30[%add3A_158] : memref<6144xi32, #tpu.memory_space<vmem_shared>> -> memref<32xi32, #tpu.memory_space<vmem_shared>>
      tpu.enqueue_dma source(%dma_start3A_287 : memref<32xi32, #tpu.memory_space<vmem_shared>>) target(%arg31 : memref<32xi32, #tpu.memory_space<vmem>>) target_semaphore(%run_scoped3A : memref<!tpu.dma_semaphore, #tpu.memory_space<semaphore_mem>>)
      %dma_wait3A_288 = tpu.memref_slice %arg30[%add3A_158] : memref<6144xi32, #tpu.memory_space<vmem_shared>> -> memref<32xi32, #tpu.memory_space<vmem_shared>>
      %dma_wait3A_289 = tpu.memref_slice %arg30[%add3A_158] : memref<6144xi32, #tpu.memory_space<vmem_shared>> -> memref<32xi32, #tpu.memory_space<vmem_shared>>
      tpu.wait_dma2 semaphore(%run_scoped3A : memref<!tpu.dma_semaphore, #tpu.memory_space<semaphore_mem>>) src(%dma_wait3A_289 : memref<32xi32, #tpu.memory_space<vmem_shared>>) dst(%arg31 : memref<32xi32, #tpu.memory_space<vmem>>)
      tpu.yield
    }) : () -> ()
    %dma_start3A_163 = arith.constant 0 : i32
    %dma_start3A_164 = arith.constant 0 : i32
    %dma_start3A_165 = tpu.memref_slice %arg6[%dma_start3A_163, %dma_start3A_164] : memref<2048x1024xf32, #tpu.memory_space<hbm>> -> memref<2048x1024xf32, #tpu.memory_space<hbm>>
    tpu.enqueue_indirect_dma source(%dma_start3A_165 : memref<2048x1024xf32, #tpu.memory_space<hbm>>) target(%arg33 : memref<32x1024xf32, #tpu.memory_space<vmem>>) offsets(%arg31 : memref<32xi32, #tpu.memory_space<vmem>>) semaphore(%arg35 : memref<!tpu.dma_semaphore, #tpu.memory_space<semaphore_mem>>)
    %mul3A_166 = arith.constant 3072 : i32
    %mul3A_167 = arith.muli %arg0, %mul3A_166 : i32
    %mul3A_168 = arith.constant 192 : i32
    %mul3A_169 = arith.muli %arg1, %mul3A_168 : i32
    %add3A_170 = arith.addi %mul3A_167, %mul3A_169 : i32
    %add3A_171 = arith.constant 32 : i32
    %add3A_172 = arith.addi %add3A_170, %add3A_171 : i32
    %dma_wait3A_173 = arith.constant 0 : i32
    %dma_wait3A_174 = arith.constant 0 : i32
    %dma_wait3A_175 = tpu.memref_slice %arg6[%dma_wait3A_173, %dma_wait3A_174] : memref<2048x1024xf32, #tpu.memory_space<hbm>> -> memref<2048x1024xf32, #tpu.memory_space<hbm>>
    tpu.wait_indirect_dma semaphore(%arg36 : memref<!tpu.dma_semaphore, #tpu.memory_space<semaphore_mem>>) src(%dma_wait3A_175 : memref<2048x1024xf32, #tpu.memory_space<hbm>>) dst(%arg34 : memref<32x1024xf32, #tpu.memory_space<vmem>>)
    %dma_start3A_176 = arith.constant 0 : i32
    %dma_start3A_177 = tpu.memref_slice %arg7[%add3A_172, %dma_start3A_176] : memref<6144x1024xf32, #tpu.memory_space<hbm>> -> memref<32x1024xf32, #tpu.memory_space<hbm>>
    %dma_start3A_178 = arith.constant 0 : i32
    %dma_start3A_179 = tpu.memref_slice %arg7[%add3A_172, %dma_start3A_178] : memref<6144x1024xf32, #tpu.memory_space<hbm>> -> memref<32x1024xf32, #tpu.memory_space<hbm>>
    tpu.enqueue_dma source(%arg34 : memref<32x1024xf32, #tpu.memory_space<vmem>>) target(%dma_start3A_179 : memref<32x1024xf32, #tpu.memory_space<hbm>>) target_semaphore(%arg38 : memref<!tpu.dma_semaphore, #tpu.memory_space<semaphore_mem>>)
    %mul3A_180 = arith.constant 3072 : i32
    %mul3A_181 = arith.muli %arg0, %mul3A_180 : i32
    %mul3A_182 = arith.constant 192 : i32
    %mul3A_183 = arith.muli %arg1, %mul3A_182 : i32
    %add3A_184 = arith.addi %mul3A_181, %mul3A_183 : i32
    %add3A_185 = arith.constant 96 : i32
    %add3A_186 = arith.addi %add3A_184, %add3A_185 : i32
    %dma_wait3A_187 = arith.constant 0 : i32
    %dma_wait3A_188 = tpu.memref_slice %arg7[%add3A_172, %dma_wait3A_187] : memref<6144x1024xf32, #tpu.memory_space<hbm>> -> memref<32x1024xf32, #tpu.memory_space<hbm>>
    %dma_wait3A_189 = arith.constant 0 : i32
    %dma_wait3A_190 = tpu.memref_slice %arg7[%add3A_172, %dma_wait3A_189] : memref<6144x1024xf32, #tpu.memory_space<hbm>> -> memref<32x1024xf32, #tpu.memory_space<hbm>>
    tpu.wait_dma2 semaphore(%arg38 : memref<!tpu.dma_semaphore, #tpu.memory_space<semaphore_mem>>) src(%arg34 : memref<32x1024xf32, #tpu.memory_space<vmem>>) dst(%dma_wait3A_190 : memref<32x1024xf32, #tpu.memory_space<hbm>>)
    "tpu.region"() ({
      %run_scoped3A = tpu.sem_alloc : memref<!tpu.dma_semaphore, #tpu.memory_space<semaphore_mem>>
      %dma_start3A_286 = tpu.memref_slice %arg30[%add3A_186] : memref<6144xi32, #tpu.memory_space<vmem_shared>> -> memref<32xi32, #tpu.memory_space<vmem_shared>>
      %dma_start3A_287 = tpu.memref_slice %arg30[%add3A_186] : memref<6144xi32, #tpu.memory_space<vmem_shared>> -> memref<32xi32, #tpu.memory_space<vmem_shared>>
      tpu.enqueue_dma source(%dma_start3A_287 : memref<32xi32, #tpu.memory_space<vmem_shared>>) target(%arg32 : memref<32xi32, #tpu.memory_space<vmem>>) target_semaphore(%run_scoped3A : memref<!tpu.dma_semaphore, #tpu.memory_space<semaphore_mem>>)
      %dma_wait3A_288 = tpu.memref_slice %arg30[%add3A_186] : memref<6144xi32, #tpu.memory_space<vmem_shared>> -> memref<32xi32, #tpu.memory_space<vmem_shared>>
      %dma_wait3A_289 = tpu.memref_slice %arg30[%add3A_186] : memref<6144xi32, #tpu.memory_space<vmem_shared>> -> memref<32xi32, #tpu.memory_space<vmem_shared>>
      tpu.wait_dma2 semaphore(%run_scoped3A : memref<!tpu.dma_semaphore, #tpu.memory_space<semaphore_mem>>) src(%dma_wait3A_289 : memref<32xi32, #tpu.memory_space<vmem_shared>>) dst(%arg32 : memref<32xi32, #tpu.memory_space<vmem>>)
      tpu.yield
    }) : () -> ()
    %dma_start3A_191 = arith.constant 0 : i32
    %dma_start3A_192 = arith.constant 0 : i32
    %dma_start3A_193 = tpu.memref_slice %arg6[%dma_start3A_191, %dma_start3A_192] : memref<2048x1024xf32, #tpu.memory_space<hbm>> -> memref<2048x1024xf32, #tpu.memory_space<hbm>>
    tpu.enqueue_indirect_dma source(%dma_start3A_193 : memref<2048x1024xf32, #tpu.memory_space<hbm>>) target(%arg34 : memref<32x1024xf32, #tpu.memory_space<vmem>>) offsets(%arg32 : memref<32xi32, #tpu.memory_space<vmem>>) semaphore(%arg36 : memref<!tpu.dma_semaphore, #tpu.memory_space<semaphore_mem>>)
    %mul3A_194 = arith.constant 3072 : i32
    %mul3A_195 = arith.muli %arg0, %mul3A_194 : i32
    %mul3A_196 = arith.constant 192 : i32
    %mul3A_197 = arith.muli %arg1, %mul3A_196 : i32
    %add3A_198 = arith.addi %mul3A_195, %mul3A_197 : i32
    %add3A_199 = arith.constant 64 : i32
    %add3A_200 = arith.addi %add3A_198, %add3A_199 : i32
    %dma_wait3A_201 = arith.constant 0 : i32
    %dma_wait3A_202 = arith.constant 0 : i32
    %dma_wait3A_203 = tpu.memref_slice %arg6[%dma_wait3A_201, %dma_wait3A_202] : memref<2048x1024xf32, #tpu.memory_space<hbm>> -> memref<2048x1024xf32, #tpu.memory_space<hbm>>
    tpu.wait_indirect_dma semaphore(%arg35 : memref<!tpu.dma_semaphore, #tpu.memory_space<semaphore_mem>>) src(%dma_wait3A_203 : memref<2048x1024xf32, #tpu.memory_space<hbm>>) dst(%arg33 : memref<32x1024xf32, #tpu.memory_space<vmem>>)
    %dma_start3A_204 = arith.constant 0 : i32
    %dma_start3A_205 = tpu.memref_slice %arg7[%add3A_200, %dma_start3A_204] : memref<6144x1024xf32, #tpu.memory_space<hbm>> -> memref<32x1024xf32, #tpu.memory_space<hbm>>
    %dma_start3A_206 = arith.constant 0 : i32
    %dma_start3A_207 = tpu.memref_slice %arg7[%add3A_200, %dma_start3A_206] : memref<6144x1024xf32, #tpu.memory_space<hbm>> -> memref<32x1024xf32, #tpu.memory_space<hbm>>
    tpu.enqueue_dma source(%arg33 : memref<32x1024xf32, #tpu.memory_space<vmem>>) target(%dma_start3A_207 : memref<32x1024xf32, #tpu.memory_space<hbm>>) target_semaphore(%arg37 : memref<!tpu.dma_semaphore, #tpu.memory_space<semaphore_mem>>)
    %mul3A_208 = arith.constant 3072 : i32
    %mul3A_209 = arith.muli %arg0, %mul3A_208 : i32
    %mul3A_210 = arith.constant 192 : i32
    %mul3A_211 = arith.muli %arg1, %mul3A_210 : i32
    %add3A_212 = arith.addi %mul3A_209, %mul3A_211 : i32
    %add3A_213 = arith.constant 128 : i32
    %add3A_214 = arith.addi %add3A_212, %add3A_213 : i32
    %dma_wait3A_215 = arith.constant 0 : i32
    %dma_wait3A_216 = tpu.memref_slice %arg7[%add3A_200, %dma_wait3A_215] : memref<6144x1024xf32, #tpu.memory_space<hbm>> -> memref<32x1024xf32, #tpu.memory_space<hbm>>
    %dma_wait3A_217 = arith.constant 0 : i32
    %dma_wait3A_218 = tpu.memref_slice %arg7[%add3A_200, %dma_wait3A_217] : memref<6144x1024xf32, #tpu.memory_space<hbm>> -> memref<32x1024xf32, #tpu.memory_space<hbm>>
    tpu.wait_dma2 semaphore(%arg37 : memref<!tpu.dma_semaphore, #tpu.memory_space<semaphore_mem>>) src(%arg33 : memref<32x1024xf32, #tpu.memory_space<vmem>>) dst(%dma_wait3A_218 : memref<32x1024xf32, #tpu.memory_space<hbm>>)
    "tpu.region"() ({
      %run_scoped3A = tpu.sem_alloc : memref<!tpu.dma_semaphore, #tpu.memory_space<semaphore_mem>>
      %dma_start3A_286 = tpu.memref_slice %arg30[%add3A_214] : memref<6144xi32, #tpu.memory_space<vmem_shared>> -> memref<32xi32, #tpu.memory_space<vmem_shared>>
      %dma_start3A_287 = tpu.memref_slice %arg30[%add3A_214] : memref<6144xi32, #tpu.memory_space<vmem_shared>> -> memref<32xi32, #tpu.memory_space<vmem_shared>>
      tpu.enqueue_dma source(%dma_start3A_287 : memref<32xi32, #tpu.memory_space<vmem_shared>>) target(%arg31 : memref<32xi32, #tpu.memory_space<vmem>>) target_semaphore(%run_scoped3A : memref<!tpu.dma_semaphore, #tpu.memory_space<semaphore_mem>>)
      %dma_wait3A_288 = tpu.memref_slice %arg30[%add3A_214] : memref<6144xi32, #tpu.memory_space<vmem_shared>> -> memref<32xi32, #tpu.memory_space<vmem_shared>>
      %dma_wait3A_289 = tpu.memref_slice %arg30[%add3A_214] : memref<6144xi32, #tpu.memory_space<vmem_shared>> -> memref<32xi32, #tpu.memory_space<vmem_shared>>
      tpu.wait_dma2 semaphore(%run_scoped3A : memref<!tpu.dma_semaphore, #tpu.memory_space<semaphore_mem>>) src(%dma_wait3A_289 : memref<32xi32, #tpu.memory_space<vmem_shared>>) dst(%arg31 : memref<32xi32, #tpu.memory_space<vmem>>)
      tpu.yield
    }) : () -> ()
    %dma_start3A_219 = arith.constant 0 : i32
    %dma_start3A_220 = arith.constant 0 : i32
    %dma_start3A_221 = tpu.memref_slice %arg6[%dma_start3A_219, %dma_start3A_220] : memref<2048x1024xf32, #tpu.memory_space<hbm>> -> memref<2048x1024xf32, #tpu.memory_space<hbm>>
    tpu.enqueue_indirect_dma source(%dma_start3A_221 : memref<2048x1024xf32, #tpu.memory_space<hbm>>) target(%arg33 : memref<32x1024xf32, #tpu.memory_space<vmem>>) offsets(%arg31 : memref<32xi32, #tpu.memory_space<vmem>>) semaphore(%arg35 : memref<!tpu.dma_semaphore, #tpu.memory_space<semaphore_mem>>)
    %mul3A_222 = arith.constant 3072 : i32
    %mul3A_223 = arith.muli %arg0, %mul3A_222 : i32
    %mul3A_224 = arith.constant 192 : i32
    %mul3A_225 = arith.muli %arg1, %mul3A_224 : i32
    %add3A_226 = arith.addi %mul3A_223, %mul3A_225 : i32
    %add3A_227 = arith.constant 96 : i32
    %add3A_228 = arith.addi %add3A_226, %add3A_227 : i32
    %dma_wait3A_229 = arith.constant 0 : i32
    %dma_wait3A_230 = arith.constant 0 : i32
    %dma_wait3A_231 = tpu.memref_slice %arg6[%dma_wait3A_229, %dma_wait3A_230] : memref<2048x1024xf32, #tpu.memory_space<hbm>> -> memref<2048x1024xf32, #tpu.memory_space<hbm>>
    tpu.wait_indirect_dma semaphore(%arg36 : memref<!tpu.dma_semaphore, #tpu.memory_space<semaphore_mem>>) src(%dma_wait3A_231 : memref<2048x1024xf32, #tpu.memory_space<hbm>>) dst(%arg34 : memref<32x1024xf32, #tpu.memory_space<vmem>>)
    %dma_start3A_232 = arith.constant 0 : i32
    %dma_start3A_233 = tpu.memref_slice %arg7[%add3A_228, %dma_start3A_232] : memref<6144x1024xf32, #tpu.memory_space<hbm>> -> memref<32x1024xf32, #tpu.memory_space<hbm>>
    %dma_start3A_234 = arith.constant 0 : i32
    %dma_start3A_235 = tpu.memref_slice %arg7[%add3A_228, %dma_start3A_234] : memref<6144x1024xf32, #tpu.memory_space<hbm>> -> memref<32x1024xf32, #tpu.memory_space<hbm>>
    tpu.enqueue_dma source(%arg34 : memref<32x1024xf32, #tpu.memory_space<vmem>>) target(%dma_start3A_235 : memref<32x1024xf32, #tpu.memory_space<hbm>>) target_semaphore(%arg38 : memref<!tpu.dma_semaphore, #tpu.memory_space<semaphore_mem>>)
    %mul3A_236 = arith.constant 3072 : i32
    %mul3A_237 = arith.muli %arg0, %mul3A_236 : i32
    %mul3A_238 = arith.constant 192 : i32
    %mul3A_239 = arith.muli %arg1, %mul3A_238 : i32
    %add3A_240 = arith.addi %mul3A_237, %mul3A_239 : i32
    %add3A_241 = arith.constant 160 : i32
    %add3A_242 = arith.addi %add3A_240, %add3A_241 : i32
    %dma_wait3A_243 = arith.constant 0 : i32
    %dma_wait3A_244 = tpu.memref_slice %arg7[%add3A_228, %dma_wait3A_243] : memref<6144x1024xf32, #tpu.memory_space<hbm>> -> memref<32x1024xf32, #tpu.memory_space<hbm>>
    %dma_wait3A_245 = arith.constant 0 : i32
    %dma_wait3A_246 = tpu.memref_slice %arg7[%add3A_228, %dma_wait3A_245] : memref<6144x1024xf32, #tpu.memory_space<hbm>> -> memref<32x1024xf32, #tpu.memory_space<hbm>>
    tpu.wait_dma2 semaphore(%arg38 : memref<!tpu.dma_semaphore, #tpu.memory_space<semaphore_mem>>) src(%arg34 : memref<32x1024xf32, #tpu.memory_space<vmem>>) dst(%dma_wait3A_246 : memref<32x1024xf32, #tpu.memory_space<hbm>>)
    "tpu.region"() ({
      %run_scoped3A = tpu.sem_alloc : memref<!tpu.dma_semaphore, #tpu.memory_space<semaphore_mem>>
      %dma_start3A_286 = tpu.memref_slice %arg30[%add3A_242] : memref<6144xi32, #tpu.memory_space<vmem_shared>> -> memref<32xi32, #tpu.memory_space<vmem_shared>>
      %dma_start3A_287 = tpu.memref_slice %arg30[%add3A_242] : memref<6144xi32, #tpu.memory_space<vmem_shared>> -> memref<32xi32, #tpu.memory_space<vmem_shared>>
      tpu.enqueue_dma source(%dma_start3A_287 : memref<32xi32, #tpu.memory_space<vmem_shared>>) target(%arg32 : memref<32xi32, #tpu.memory_space<vmem>>) target_semaphore(%run_scoped3A : memref<!tpu.dma_semaphore, #tpu.memory_space<semaphore_mem>>)
      %dma_wait3A_288 = tpu.memref_slice %arg30[%add3A_242] : memref<6144xi32, #tpu.memory_space<vmem_shared>> -> memref<32xi32, #tpu.memory_space<vmem_shared>>
      %dma_wait3A_289 = tpu.memref_slice %arg30[%add3A_242] : memref<6144xi32, #tpu.memory_space<vmem_shared>> -> memref<32xi32, #tpu.memory_space<vmem_shared>>
      tpu.wait_dma2 semaphore(%run_scoped3A : memref<!tpu.dma_semaphore, #tpu.memory_space<semaphore_mem>>) src(%dma_wait3A_289 : memref<32xi32, #tpu.memory_space<vmem_shared>>) dst(%arg32 : memref<32xi32, #tpu.memory_space<vmem>>)
      tpu.yield
    }) : () -> ()
    %dma_start3A_247 = arith.constant 0 : i32
    %dma_start3A_248 = arith.constant 0 : i32
    %dma_start3A_249 = tpu.memref_slice %arg6[%dma_start3A_247, %dma_start3A_248] : memref<2048x1024xf32, #tpu.memory_space<hbm>> -> memref<2048x1024xf32, #tpu.memory_space<hbm>>
    tpu.enqueue_indirect_dma source(%dma_start3A_249 : memref<2048x1024xf32, #tpu.memory_space<hbm>>) target(%arg34 : memref<32x1024xf32, #tpu.memory_space<vmem>>) offsets(%arg32 : memref<32xi32, #tpu.memory_space<vmem>>) semaphore(%arg36 : memref<!tpu.dma_semaphore, #tpu.memory_space<semaphore_mem>>)
    %mul3A_250 = arith.constant 3072 : i32
    %mul3A_251 = arith.muli %arg0, %mul3A_250 : i32
    %mul3A_252 = arith.constant 192 : i32
    %mul3A_253 = arith.muli %arg1, %mul3A_252 : i32
    %add3A_254 = arith.addi %mul3A_251, %mul3A_253 : i32
    %add3A_255 = arith.constant 128 : i32
    %add3A_256 = arith.addi %add3A_254, %add3A_255 : i32
    %dma_wait3A_257 = arith.constant 0 : i32
    %dma_wait3A_258 = arith.constant 0 : i32
    %dma_wait3A_259 = tpu.memref_slice %arg6[%dma_wait3A_257, %dma_wait3A_258] : memref<2048x1024xf32, #tpu.memory_space<hbm>> -> memref<2048x1024xf32, #tpu.memory_space<hbm>>
    tpu.wait_indirect_dma semaphore(%arg35 : memref<!tpu.dma_semaphore, #tpu.memory_space<semaphore_mem>>) src(%dma_wait3A_259 : memref<2048x1024xf32, #tpu.memory_space<hbm>>) dst(%arg33 : memref<32x1024xf32, #tpu.memory_space<vmem>>)
    %dma_start3A_260 = arith.constant 0 : i32
    %dma_start3A_261 = tpu.memref_slice %arg7[%add3A_256, %dma_start3A_260] : memref<6144x1024xf32, #tpu.memory_space<hbm>> -> memref<32x1024xf32, #tpu.memory_space<hbm>>
    %dma_start3A_262 = arith.constant 0 : i32
    %dma_start3A_263 = tpu.memref_slice %arg7[%add3A_256, %dma_start3A_262] : memref<6144x1024xf32, #tpu.memory_space<hbm>> -> memref<32x1024xf32, #tpu.memory_space<hbm>>
    tpu.enqueue_dma source(%arg33 : memref<32x1024xf32, #tpu.memory_space<vmem>>) target(%dma_start3A_263 : memref<32x1024xf32, #tpu.memory_space<hbm>>) target_semaphore(%arg37 : memref<!tpu.dma_semaphore, #tpu.memory_space<semaphore_mem>>)
    %mul3A_264 = arith.constant 3072 : i32
    %mul3A_265 = arith.muli %arg0, %mul3A_264 : i32
    %mul3A_266 = arith.constant 192 : i32
    %mul3A_267 = arith.muli %arg1, %mul3A_266 : i32
    %add3A_268 = arith.addi %mul3A_265, %mul3A_267 : i32
    %add3A_269 = arith.constant 160 : i32
    %add3A_270 = arith.addi %add3A_268, %add3A_269 : i32
    %dma_wait3A_271 = arith.constant 0 : i32
    %dma_wait3A_272 = arith.constant 0 : i32
    %dma_wait3A_273 = tpu.memref_slice %arg6[%dma_wait3A_271, %dma_wait3A_272] : memref<2048x1024xf32, #tpu.memory_space<hbm>> -> memref<2048x1024xf32, #tpu.memory_space<hbm>>
    tpu.wait_indirect_dma semaphore(%arg36 : memref<!tpu.dma_semaphore, #tpu.memory_space<semaphore_mem>>) src(%dma_wait3A_273 : memref<2048x1024xf32, #tpu.memory_space<hbm>>) dst(%arg34 : memref<32x1024xf32, #tpu.memory_space<vmem>>)
    %dma_start3A_274 = arith.constant 0 : i32
    %dma_start3A_275 = tpu.memref_slice %arg7[%add3A_270, %dma_start3A_274] : memref<6144x1024xf32, #tpu.memory_space<hbm>> -> memref<32x1024xf32, #tpu.memory_space<hbm>>
    %dma_start3A_276 = arith.constant 0 : i32
    %dma_start3A_277 = tpu.memref_slice %arg7[%add3A_270, %dma_start3A_276] : memref<6144x1024xf32, #tpu.memory_space<hbm>> -> memref<32x1024xf32, #tpu.memory_space<hbm>>
    tpu.enqueue_dma source(%arg34 : memref<32x1024xf32, #tpu.memory_space<vmem>>) target(%dma_start3A_277 : memref<32x1024xf32, #tpu.memory_space<hbm>>) target_semaphore(%arg38 : memref<!tpu.dma_semaphore, #tpu.memory_space<semaphore_mem>>)
    %dma_wait3A_278 = arith.constant 0 : i32
    %dma_wait3A_279 = tpu.memref_slice %arg7[%add3A_256, %dma_wait3A_278] : memref<6144x1024xf32, #tpu.memory_space<hbm>> -> memref<32x1024xf32, #tpu.memory_space<hbm>>
    %dma_wait3A_280 = arith.constant 0 : i32
    %dma_wait3A_281 = tpu.memref_slice %arg7[%add3A_256, %dma_wait3A_280] : memref<6144x1024xf32, #tpu.memory_space<hbm>> -> memref<32x1024xf32, #tpu.memory_space<hbm>>
    tpu.wait_dma2 semaphore(%arg37 : memref<!tpu.dma_semaphore, #tpu.memory_space<semaphore_mem>>) src(%arg33 : memref<32x1024xf32, #tpu.memory_space<vmem>>) dst(%dma_wait3A_281 : memref<32x1024xf32, #tpu.memory_space<hbm>>)
    %dma_wait3A_282 = arith.constant 0 : i32
    %dma_wait3A_283 = tpu.memref_slice %arg7[%add3A_270, %dma_wait3A_282] : memref<6144x1024xf32, #tpu.memory_space<hbm>> -> memref<32x1024xf32, #tpu.memory_space<hbm>>
    %dma_wait3A_284 = arith.constant 0 : i32
    %dma_wait3A_285 = tpu.memref_slice %arg7[%add3A_270, %dma_wait3A_284] : memref<6144x1024xf32, #tpu.memory_space<hbm>> -> memref<32x1024xf32, #tpu.memory_space<hbm>>
    tpu.wait_dma2 semaphore(%arg38 : memref<!tpu.dma_semaphore, #tpu.memory_space<semaphore_mem>>) src(%arg34 : memref<32x1024xf32, #tpu.memory_space<vmem>>) dst(%dma_wait3A_285 : memref<32x1024xf32, #tpu.memory_space<hbm>>)
    return
  }
}

#map = affine_map<(d0, d1) -> (0)>
#map1 = affine_map<(d0, d1) -> (0, 0)>
module attributes {stable_mosaic.version = 14 : i64} {
  func.func @body(%arg0: i32, %arg1: i32, %arg2: memref<2048xi32, #tpu.memory_space<hbm>>, %arg3: memref<2048xi32, #tpu.memory_space<hbm>>, %arg4: memref<6144x1024xf32, #tpu.memory_space<hbm>>, %arg5: memref<2048x1024xf32, #tpu.memory_space<hbm>>, %arg6: memref<2048x1024xf32, #tpu.memory_space<hbm>>, %arg7: memref<32xi32, #tpu.memory_space<vmem>>, %arg8: memref<32x1024xf32, #tpu.memory_space<vmem>>, %arg9: memref<32x1024xf32, #tpu.memory_space<vmem>>, %arg10: memref<32x1024xf32, #tpu.memory_space<vmem>>, %arg11: memref<!tpu.dma_semaphore, #tpu.memory_space<semaphore_mem>>) attributes {dimension_semantics = [#tpu.dimension_semantics<core_parallel>, #tpu.dimension_semantics<subcore_parallel>], iteration_bounds = array<i64: 2, 16>, scalar_prefetch = 0 : i64, scratch_operands = 5 : i64, tpu.core_type = #tpu.core_type<sc_vector_subcore>, window_params = [{transform_indices = #map}, {transform_indices = #map}, {transform_indices = #map1}, {transform_indices = #map1}, {transform_indices = #map1}]} {
    %mul3A = arith.constant 16 : i32
    %mul3A_0 = arith.muli %arg0, %mul3A : i32
    %add3A = arith.addi %mul3A_0, %arg1 : i32
    %mul3A_1 = arith.constant 64 : i32
    %mul3A_2 = arith.muli %add3A, %mul3A_1 : i32
    %add3A_3 = arith.constant 0 : i32
    %add3A_4 = arith.addi %mul3A_2, %add3A_3 : i32
    "tpu.region"() ({
      %run_scoped3A = tpu.sem_alloc : memref<!tpu.dma_semaphore, #tpu.memory_space<semaphore_mem>>
      %dma_start3A_42 = tpu.memref_slice %arg2[%add3A_4] : memref<2048xi32, #tpu.memory_space<hbm>> -> memref<32xi32, #tpu.memory_space<hbm>>
      %dma_start3A_43 = tpu.memref_slice %arg2[%add3A_4] : memref<2048xi32, #tpu.memory_space<hbm>> -> memref<32xi32, #tpu.memory_space<hbm>>
      tpu.enqueue_dma source(%dma_start3A_43 : memref<32xi32, #tpu.memory_space<hbm>>) target(%arg7 : memref<32xi32, #tpu.memory_space<vmem>>) target_semaphore(%run_scoped3A : memref<!tpu.dma_semaphore, #tpu.memory_space<semaphore_mem>>)
      %dma_wait3A_44 = tpu.memref_slice %arg2[%add3A_4] : memref<2048xi32, #tpu.memory_space<hbm>> -> memref<32xi32, #tpu.memory_space<hbm>>
      %dma_wait3A_45 = tpu.memref_slice %arg2[%add3A_4] : memref<2048xi32, #tpu.memory_space<hbm>> -> memref<32xi32, #tpu.memory_space<hbm>>
      tpu.wait_dma2 semaphore(%run_scoped3A : memref<!tpu.dma_semaphore, #tpu.memory_space<semaphore_mem>>) src(%dma_wait3A_45 : memref<32xi32, #tpu.memory_space<hbm>>) dst(%arg7 : memref<32xi32, #tpu.memory_space<vmem>>)
      tpu.yield
    }) : () -> ()
    %dma_start3A = arith.constant 0 : i32
    %dma_start3A_5 = arith.constant 0 : i32
    %dma_start3A_6 = tpu.memref_slice %arg4[%dma_start3A, %dma_start3A_5] : memref<6144x1024xf32, #tpu.memory_space<hbm>> -> memref<6144x1024xf32, #tpu.memory_space<hbm>>
    tpu.enqueue_indirect_dma source(%dma_start3A_6 : memref<6144x1024xf32, #tpu.memory_space<hbm>>) target(%arg8 : memref<32x1024xf32, #tpu.memory_space<vmem>>) offsets(%arg7 : memref<32xi32, #tpu.memory_space<vmem>>) semaphore(%arg11 : memref<!tpu.dma_semaphore, #tpu.memory_space<semaphore_mem>>)
    %dma_wait3A = arith.constant 0 : i32
    %dma_wait3A_7 = arith.constant 0 : i32
    %dma_wait3A_8 = tpu.memref_slice %arg4[%dma_wait3A, %dma_wait3A_7] : memref<6144x1024xf32, #tpu.memory_space<hbm>> -> memref<6144x1024xf32, #tpu.memory_space<hbm>>
    tpu.wait_indirect_dma semaphore(%arg11 : memref<!tpu.dma_semaphore, #tpu.memory_space<semaphore_mem>>) src(%dma_wait3A_8 : memref<6144x1024xf32, #tpu.memory_space<hbm>>) dst(%arg8 : memref<32x1024xf32, #tpu.memory_space<vmem>>)
    "tpu.region"() ({
      %run_scoped3A = tpu.sem_alloc : memref<!tpu.dma_semaphore, #tpu.memory_space<semaphore_mem>>
      %dma_start3A_42 = tpu.memref_slice %arg3[%add3A_4] : memref<2048xi32, #tpu.memory_space<hbm>> -> memref<32xi32, #tpu.memory_space<hbm>>
      %dma_start3A_43 = tpu.memref_slice %arg3[%add3A_4] : memref<2048xi32, #tpu.memory_space<hbm>> -> memref<32xi32, #tpu.memory_space<hbm>>
      tpu.enqueue_dma source(%dma_start3A_43 : memref<32xi32, #tpu.memory_space<hbm>>) target(%arg7 : memref<32xi32, #tpu.memory_space<vmem>>) target_semaphore(%run_scoped3A : memref<!tpu.dma_semaphore, #tpu.memory_space<semaphore_mem>>)
      %dma_wait3A_44 = tpu.memref_slice %arg3[%add3A_4] : memref<2048xi32, #tpu.memory_space<hbm>> -> memref<32xi32, #tpu.memory_space<hbm>>
      %dma_wait3A_45 = tpu.memref_slice %arg3[%add3A_4] : memref<2048xi32, #tpu.memory_space<hbm>> -> memref<32xi32, #tpu.memory_space<hbm>>
      tpu.wait_dma2 semaphore(%run_scoped3A : memref<!tpu.dma_semaphore, #tpu.memory_space<semaphore_mem>>) src(%dma_wait3A_45 : memref<32xi32, #tpu.memory_space<hbm>>) dst(%arg7 : memref<32xi32, #tpu.memory_space<vmem>>)
      tpu.yield
    }) : () -> ()
    %dma_start3A_9 = arith.constant 0 : i32
    %dma_start3A_10 = arith.constant 0 : i32
    %dma_start3A_11 = tpu.memref_slice %arg4[%dma_start3A_9, %dma_start3A_10] : memref<6144x1024xf32, #tpu.memory_space<hbm>> -> memref<6144x1024xf32, #tpu.memory_space<hbm>>
    tpu.enqueue_indirect_dma source(%dma_start3A_11 : memref<6144x1024xf32, #tpu.memory_space<hbm>>) target(%arg9 : memref<32x1024xf32, #tpu.memory_space<vmem>>) offsets(%arg7 : memref<32xi32, #tpu.memory_space<vmem>>) semaphore(%arg11 : memref<!tpu.dma_semaphore, #tpu.memory_space<semaphore_mem>>)
    %dma_wait3A_12 = arith.constant 0 : i32
    %dma_wait3A_13 = arith.constant 0 : i32
    %dma_wait3A_14 = tpu.memref_slice %arg4[%dma_wait3A_12, %dma_wait3A_13] : memref<6144x1024xf32, #tpu.memory_space<hbm>> -> memref<6144x1024xf32, #tpu.memory_space<hbm>>
    tpu.wait_indirect_dma semaphore(%arg11 : memref<!tpu.dma_semaphore, #tpu.memory_space<semaphore_mem>>) src(%dma_wait3A_14 : memref<6144x1024xf32, #tpu.memory_space<hbm>>) dst(%arg9 : memref<32x1024xf32, #tpu.memory_space<vmem>>)
    "tpu.region"() ({
      %run_scoped3A = tpu.sem_alloc : memref<!tpu.dma_semaphore, #tpu.memory_space<semaphore_mem>>
      %dma_start3A_42 = arith.constant 0 : i32
      %dma_start3A_43 = tpu.memref_slice %arg5[%add3A_4, %dma_start3A_42] : memref<2048x1024xf32, #tpu.memory_space<hbm>> -> memref<32x1024xf32, #tpu.memory_space<hbm>>
      %dma_start3A_44 = arith.constant 0 : i32
      %dma_start3A_45 = tpu.memref_slice %arg5[%add3A_4, %dma_start3A_44] : memref<2048x1024xf32, #tpu.memory_space<hbm>> -> memref<32x1024xf32, #tpu.memory_space<hbm>>
      tpu.enqueue_dma source(%dma_start3A_45 : memref<32x1024xf32, #tpu.memory_space<hbm>>) target(%arg10 : memref<32x1024xf32, #tpu.memory_space<vmem>>) target_semaphore(%run_scoped3A : memref<!tpu.dma_semaphore, #tpu.memory_space<semaphore_mem>>)
      %dma_wait3A_46 = arith.constant 0 : i32
      %dma_wait3A_47 = tpu.memref_slice %arg5[%add3A_4, %dma_wait3A_46] : memref<2048x1024xf32, #tpu.memory_space<hbm>> -> memref<32x1024xf32, #tpu.memory_space<hbm>>
      %dma_wait3A_48 = arith.constant 0 : i32
      %dma_wait3A_49 = tpu.memref_slice %arg5[%add3A_4, %dma_wait3A_48] : memref<2048x1024xf32, #tpu.memory_space<hbm>> -> memref<32x1024xf32, #tpu.memory_space<hbm>>
      tpu.wait_dma2 semaphore(%run_scoped3A : memref<!tpu.dma_semaphore, #tpu.memory_space<semaphore_mem>>) src(%dma_wait3A_49 : memref<32x1024xf32, #tpu.memory_space<hbm>>) dst(%arg10 : memref<32x1024xf32, #tpu.memory_space<vmem>>)
      tpu.yield
    }) : () -> ()
    %scan3A = arith.constant 0 : i32
    %scan3A_15 = arith.constant 0 : i32
    %scan3A_16 = arith.constant 256 : i32
    %scan3A_17 = arith.addi %scan3A_15, %scan3A_16 : i32
    %scan3A_18 = arith.constant 1 : i32
    scf.for %scan3A_42 = %scan3A_15 to %scan3A_17 step %scan3A_18  : i32 {
      %mul3A_43 = arith.constant 8 : i32
      %mul3A_44 = arith.muli %scan3A_42, %mul3A_43 : i32
      %add3A_45 = arith.constant 0 : i32
      %add3A_46 = arith.addi %mul3A_44, %add3A_45 : i32
      %shift_right_arithmetic3A = arith.constant 6 : i32
      %shift_right_arithmetic3A_47 = arith.shrsi %add3A_46, %shift_right_arithmetic3A : i32
      %and3A = arith.constant 63 : i32
      %and3A_48 = arith.andi %add3A_46, %and3A : i32
      %mul3A_49 = arith.constant 16 : i32
      %mul3A_50 = arith.muli %and3A_48, %mul3A_49 : i32
      %get3A = arith.index_cast %shift_right_arithmetic3A_47 : i32 to index
      %get3A_51 = arith.index_cast %mul3A_50 : i32 to index
      %get3A_52 = tpu.vector_load %arg8[%get3A, %get3A_51] {strides = array<i32>} : memref<32x1024xf32, #tpu.memory_space<vmem>>, vector<1x16xf32>,
      %get3A_53 = vector.shape_cast %get3A_52 : vector<1x16xf32> to vector<16xf32>
      %get3A_54 = arith.index_cast %shift_right_arithmetic3A_47 : i32 to index
      %get3A_55 = arith.index_cast %mul3A_50 : i32 to index
      %get3A_56 = tpu.vector_load %arg9[%get3A_54, %get3A_55] {strides = array<i32>} : memref<32x1024xf32, #tpu.memory_space<vmem>>, vector<1x16xf32>,
      %get3A_57 = vector.shape_cast %get3A_56 : vector<1x16xf32> to vector<16xf32>
      %add3A_58 = arith.addf %get3A_53, %get3A_57 : vector<16xf32>
      %get3A_59 = arith.index_cast %shift_right_arithmetic3A_47 : i32 to index
      %get3A_60 = arith.index_cast %mul3A_50 : i32 to index
      %get3A_61 = tpu.vector_load %arg10[%get3A_59, %get3A_60] {strides = array<i32>} : memref<32x1024xf32, #tpu.memory_space<vmem>>, vector<1x16xf32>,
      %get3A_62 = vector.shape_cast %get3A_61 : vector<1x16xf32> to vector<16xf32>
      %add3A_63 = arith.addf %add3A_58, %get3A_62 : vector<16xf32>
      %swap3A = arith.index_cast %shift_right_arithmetic3A_47 : i32 to index
      %swap3A_64 = arith.index_cast %mul3A_50 : i32 to index
      %swap3A_65 = tpu.vector_load %arg8[%swap3A, %swap3A_64] {strides = array<i32>} : memref<32x1024xf32, #tpu.memory_space<vmem>>, vector<1x16xf32>,
      %swap3A_66 = vector.shape_cast %swap3A_65 : vector<1x16xf32> to vector<16xf32>
      %swap3A_67 = vector.shape_cast %add3A_63 : vector<16xf32> to vector<1x16xf32>
      tpu.vector_store %arg8[%swap3A, %swap3A_64], %swap3A_67 {strides = array<i32>} : memref<32x1024xf32, #tpu.memory_space<vmem>>, vector<1x16xf32>,
      %mul3A_68 = arith.constant 8 : i32
      %mul3A_69 = arith.muli %scan3A_42, %mul3A_68 : i32
      %add3A_70 = arith.constant 1 : i32
      %add3A_71 = arith.addi %mul3A_69, %add3A_70 : i32
      %shift_right_arithmetic3A_72 = arith.constant 6 : i32
      %shift_right_arithmetic3A_73 = arith.shrsi %add3A_71, %shift_right_arithmetic3A_72 : i32
      %and3A_74 = arith.constant 63 : i32
      %and3A_75 = arith.andi %add3A_71, %and3A_74 : i32
      %mul3A_76 = arith.constant 16 : i32
      %mul3A_77 = arith.muli %and3A_75, %mul3A_76 : i32
      %get3A_78 = arith.index_cast %shift_right_arithmetic3A_73 : i32 to index
      %get3A_79 = arith.index_cast %mul3A_77 : i32 to index
      %get3A_80 = tpu.vector_load %arg8[%get3A_78, %get3A_79] {strides = array<i32>} : memref<32x1024xf32, #tpu.memory_space<vmem>>, vector<1x16xf32>,
      %get3A_81 = vector.shape_cast %get3A_80 : vector<1x16xf32> to vector<16xf32>
      %get3A_82 = arith.index_cast %shift_right_arithmetic3A_73 : i32 to index
      %get3A_83 = arith.index_cast %mul3A_77 : i32 to index
      %get3A_84 = tpu.vector_load %arg9[%get3A_82, %get3A_83] {strides = array<i32>} : memref<32x1024xf32, #tpu.memory_space<vmem>>, vector<1x16xf32>,
      %get3A_85 = vector.shape_cast %get3A_84 : vector<1x16xf32> to vector<16xf32>
      %add3A_86 = arith.addf %get3A_81, %get3A_85 : vector<16xf32>
      %get3A_87 = arith.index_cast %shift_right_arithmetic3A_73 : i32 to index
      %get3A_88 = arith.index_cast %mul3A_77 : i32 to index
      %get3A_89 = tpu.vector_load %arg10[%get3A_87, %get3A_88] {strides = array<i32>} : memref<32x1024xf32, #tpu.memory_space<vmem>>, vector<1x16xf32>,
      %get3A_90 = vector.shape_cast %get3A_89 : vector<1x16xf32> to vector<16xf32>
      %add3A_91 = arith.addf %add3A_86, %get3A_90 : vector<16xf32>
      %swap3A_92 = arith.index_cast %shift_right_arithmetic3A_73 : i32 to index
      %swap3A_93 = arith.index_cast %mul3A_77 : i32 to index
      %swap3A_94 = tpu.vector_load %arg8[%swap3A_92, %swap3A_93] {strides = array<i32>} : memref<32x1024xf32, #tpu.memory_space<vmem>>, vector<1x16xf32>,
      %swap3A_95 = vector.shape_cast %swap3A_94 : vector<1x16xf32> to vector<16xf32>
      %swap3A_96 = vector.shape_cast %add3A_91 : vector<16xf32> to vector<1x16xf32>
      tpu.vector_store %arg8[%swap3A_92, %swap3A_93], %swap3A_96 {strides = array<i32>} : memref<32x1024xf32, #tpu.memory_space<vmem>>, vector<1x16xf32>,
      %mul3A_97 = arith.constant 8 : i32
      %mul3A_98 = arith.muli %scan3A_42, %mul3A_97 : i32
      %add3A_99 = arith.constant 2 : i32
      %add3A_100 = arith.addi %mul3A_98, %add3A_99 : i32
      %shift_right_arithmetic3A_101 = arith.constant 6 : i32
      %shift_right_arithmetic3A_102 = arith.shrsi %add3A_100, %shift_right_arithmetic3A_101 : i32
      %and3A_103 = arith.constant 63 : i32
      %and3A_104 = arith.andi %add3A_100, %and3A_103 : i32
      %mul3A_105 = arith.constant 16 : i32
      %mul3A_106 = arith.muli %and3A_104, %mul3A_105 : i32
      %get3A_107 = arith.index_cast %shift_right_arithmetic3A_102 : i32 to index
      %get3A_108 = arith.index_cast %mul3A_106 : i32 to index
      %get3A_109 = tpu.vector_load %arg8[%get3A_107, %get3A_108] {strides = array<i32>} : memref<32x1024xf32, #tpu.memory_space<vmem>>, vector<1x16xf32>,
      %get3A_110 = vector.shape_cast %get3A_109 : vector<1x16xf32> to vector<16xf32>
      %get3A_111 = arith.index_cast %shift_right_arithmetic3A_102 : i32 to index
      %get3A_112 = arith.index_cast %mul3A_106 : i32 to index
      %get3A_113 = tpu.vector_load %arg9[%get3A_111, %get3A_112] {strides = array<i32>} : memref<32x1024xf32, #tpu.memory_space<vmem>>, vector<1x16xf32>,
      %get3A_114 = vector.shape_cast %get3A_113 : vector<1x16xf32> to vector<16xf32>
      %add3A_115 = arith.addf %get3A_110, %get3A_114 : vector<16xf32>
      %get3A_116 = arith.index_cast %shift_right_arithmetic3A_102 : i32 to index
      %get3A_117 = arith.index_cast %mul3A_106 : i32 to index
      %get3A_118 = tpu.vector_load %arg10[%get3A_116, %get3A_117] {strides = array<i32>} : memref<32x1024xf32, #tpu.memory_space<vmem>>, vector<1x16xf32>,
      %get3A_119 = vector.shape_cast %get3A_118 : vector<1x16xf32> to vector<16xf32>
      %add3A_120 = arith.addf %add3A_115, %get3A_119 : vector<16xf32>
      %swap3A_121 = arith.index_cast %shift_right_arithmetic3A_102 : i32 to index
      %swap3A_122 = arith.index_cast %mul3A_106 : i32 to index
      %swap3A_123 = tpu.vector_load %arg8[%swap3A_121, %swap3A_122] {strides = array<i32>} : memref<32x1024xf32, #tpu.memory_space<vmem>>, vector<1x16xf32>,
      %swap3A_124 = vector.shape_cast %swap3A_123 : vector<1x16xf32> to vector<16xf32>
      %swap3A_125 = vector.shape_cast %add3A_120 : vector<16xf32> to vector<1x16xf32>
      tpu.vector_store %arg8[%swap3A_121, %swap3A_122], %swap3A_125 {strides = array<i32>} : memref<32x1024xf32, #tpu.memory_space<vmem>>, vector<1x16xf32>,
      %mul3A_126 = arith.constant 8 : i32
      %mul3A_127 = arith.muli %scan3A_42, %mul3A_126 : i32
      %add3A_128 = arith.constant 3 : i32
      %add3A_129 = arith.addi %mul3A_127, %add3A_128 : i32
      %shift_right_arithmetic3A_130 = arith.constant 6 : i32
      %shift_right_arithmetic3A_131 = arith.shrsi %add3A_129, %shift_right_arithmetic3A_130 : i32
      %and3A_132 = arith.constant 63 : i32
      %and3A_133 = arith.andi %add3A_129, %and3A_132 : i32
      %mul3A_134 = arith.constant 16 : i32
      %mul3A_135 = arith.muli %and3A_133, %mul3A_134 : i32
      %get3A_136 = arith.index_cast %shift_right_arithmetic3A_131 : i32 to index
      %get3A_137 = arith.index_cast %mul3A_135 : i32 to index
      %get3A_138 = tpu.vector_load %arg8[%get3A_136, %get3A_137] {strides = array<i32>} : memref<32x1024xf32, #tpu.memory_space<vmem>>, vector<1x16xf32>,
      %get3A_139 = vector.shape_cast %get3A_138 : vector<1x16xf32> to vector<16xf32>
      %get3A_140 = arith.index_cast %shift_right_arithmetic3A_131 : i32 to index
      %get3A_141 = arith.index_cast %mul3A_135 : i32 to index
      %get3A_142 = tpu.vector_load %arg9[%get3A_140, %get3A_141] {strides = array<i32>} : memref<32x1024xf32, #tpu.memory_space<vmem>>, vector<1x16xf32>,
      %get3A_143 = vector.shape_cast %get3A_142 : vector<1x16xf32> to vector<16xf32>
      %add3A_144 = arith.addf %get3A_139, %get3A_143 : vector<16xf32>
      %get3A_145 = arith.index_cast %shift_right_arithmetic3A_131 : i32 to index
      %get3A_146 = arith.index_cast %mul3A_135 : i32 to index
      %get3A_147 = tpu.vector_load %arg10[%get3A_145, %get3A_146] {strides = array<i32>} : memref<32x1024xf32, #tpu.memory_space<vmem>>, vector<1x16xf32>,
      %get3A_148 = vector.shape_cast %get3A_147 : vector<1x16xf32> to vector<16xf32>
      %add3A_149 = arith.addf %add3A_144, %get3A_148 : vector<16xf32>
      %swap3A_150 = arith.index_cast %shift_right_arithmetic3A_131 : i32 to index
      %swap3A_151 = arith.index_cast %mul3A_135 : i32 to index
      %swap3A_152 = tpu.vector_load %arg8[%swap3A_150, %swap3A_151] {strides = array<i32>} : memref<32x1024xf32, #tpu.memory_space<vmem>>, vector<1x16xf32>,
      %swap3A_153 = vector.shape_cast %swap3A_152 : vector<1x16xf32> to vector<16xf32>
      %swap3A_154 = vector.shape_cast %add3A_149 : vector<16xf32> to vector<1x16xf32>
      tpu.vector_store %arg8[%swap3A_150, %swap3A_151], %swap3A_154 {strides = array<i32>} : memref<32x1024xf32, #tpu.memory_space<vmem>>, vector<1x16xf32>,
      %mul3A_155 = arith.constant 8 : i32
      %mul3A_156 = arith.muli %scan3A_42, %mul3A_155 : i32
      %add3A_157 = arith.constant 4 : i32
      %add3A_158 = arith.addi %mul3A_156, %add3A_157 : i32
      %shift_right_arithmetic3A_159 = arith.constant 6 : i32
      %shift_right_arithmetic3A_160 = arith.shrsi %add3A_158, %shift_right_arithmetic3A_159 : i32
      %and3A_161 = arith.constant 63 : i32
      %and3A_162 = arith.andi %add3A_158, %and3A_161 : i32
      %mul3A_163 = arith.constant 16 : i32
      %mul3A_164 = arith.muli %and3A_162, %mul3A_163 : i32
      %get3A_165 = arith.index_cast %shift_right_arithmetic3A_160 : i32 to index
      %get3A_166 = arith.index_cast %mul3A_164 : i32 to index
      %get3A_167 = tpu.vector_load %arg8[%get3A_165, %get3A_166] {strides = array<i32>} : memref<32x1024xf32, #tpu.memory_space<vmem>>, vector<1x16xf32>,
      %get3A_168 = vector.shape_cast %get3A_167 : vector<1x16xf32> to vector<16xf32>
      %get3A_169 = arith.index_cast %shift_right_arithmetic3A_160 : i32 to index
      %get3A_170 = arith.index_cast %mul3A_164 : i32 to index
      %get3A_171 = tpu.vector_load %arg9[%get3A_169, %get3A_170] {strides = array<i32>} : memref<32x1024xf32, #tpu.memory_space<vmem>>, vector<1x16xf32>,
      %get3A_172 = vector.shape_cast %get3A_171 : vector<1x16xf32> to vector<16xf32>
      %add3A_173 = arith.addf %get3A_168, %get3A_172 : vector<16xf32>
      %get3A_174 = arith.index_cast %shift_right_arithmetic3A_160 : i32 to index
      %get3A_175 = arith.index_cast %mul3A_164 : i32 to index
      %get3A_176 = tpu.vector_load %arg10[%get3A_174, %get3A_175] {strides = array<i32>} : memref<32x1024xf32, #tpu.memory_space<vmem>>, vector<1x16xf32>,
      %get3A_177 = vector.shape_cast %get3A_176 : vector<1x16xf32> to vector<16xf32>
      %add3A_178 = arith.addf %add3A_173, %get3A_177 : vector<16xf32>
      %swap3A_179 = arith.index_cast %shift_right_arithmetic3A_160 : i32 to index
      %swap3A_180 = arith.index_cast %mul3A_164 : i32 to index
      %swap3A_181 = tpu.vector_load %arg8[%swap3A_179, %swap3A_180] {strides = array<i32>} : memref<32x1024xf32, #tpu.memory_space<vmem>>, vector<1x16xf32>,
      %swap3A_182 = vector.shape_cast %swap3A_181 : vector<1x16xf32> to vector<16xf32>
      %swap3A_183 = vector.shape_cast %add3A_178 : vector<16xf32> to vector<1x16xf32>
      tpu.vector_store %arg8[%swap3A_179, %swap3A_180], %swap3A_183 {strides = array<i32>} : memref<32x1024xf32, #tpu.memory_space<vmem>>, vector<1x16xf32>,
      %mul3A_184 = arith.constant 8 : i32
      %mul3A_185 = arith.muli %scan3A_42, %mul3A_184 : i32
      %add3A_186 = arith.constant 5 : i32
      %add3A_187 = arith.addi %mul3A_185, %add3A_186 : i32
      %shift_right_arithmetic3A_188 = arith.constant 6 : i32
      %shift_right_arithmetic3A_189 = arith.shrsi %add3A_187, %shift_right_arithmetic3A_188 : i32
      %and3A_190 = arith.constant 63 : i32
      %and3A_191 = arith.andi %add3A_187, %and3A_190 : i32
      %mul3A_192 = arith.constant 16 : i32
      %mul3A_193 = arith.muli %and3A_191, %mul3A_192 : i32
      %get3A_194 = arith.index_cast %shift_right_arithmetic3A_189 : i32 to index
      %get3A_195 = arith.index_cast %mul3A_193 : i32 to index
      %get3A_196 = tpu.vector_load %arg8[%get3A_194, %get3A_195] {strides = array<i32>} : memref<32x1024xf32, #tpu.memory_space<vmem>>, vector<1x16xf32>,
      %get3A_197 = vector.shape_cast %get3A_196 : vector<1x16xf32> to vector<16xf32>
      %get3A_198 = arith.index_cast %shift_right_arithmetic3A_189 : i32 to index
      %get3A_199 = arith.index_cast %mul3A_193 : i32 to index
      %get3A_200 = tpu.vector_load %arg9[%get3A_198, %get3A_199] {strides = array<i32>} : memref<32x1024xf32, #tpu.memory_space<vmem>>, vector<1x16xf32>,
      %get3A_201 = vector.shape_cast %get3A_200 : vector<1x16xf32> to vector<16xf32>
      %add3A_202 = arith.addf %get3A_197, %get3A_201 : vector<16xf32>
      %get3A_203 = arith.index_cast %shift_right_arithmetic3A_189 : i32 to index
      %get3A_204 = arith.index_cast %mul3A_193 : i32 to index
      %get3A_205 = tpu.vector_load %arg10[%get3A_203, %get3A_204] {strides = array<i32>} : memref<32x1024xf32, #tpu.memory_space<vmem>>, vector<1x16xf32>,
      %get3A_206 = vector.shape_cast %get3A_205 : vector<1x16xf32> to vector<16xf32>
      %add3A_207 = arith.addf %add3A_202, %get3A_206 : vector<16xf32>
      %swap3A_208 = arith.index_cast %shift_right_arithmetic3A_189 : i32 to index
      %swap3A_209 = arith.index_cast %mul3A_193 : i32 to index
      %swap3A_210 = tpu.vector_load %arg8[%swap3A_208, %swap3A_209] {strides = array<i32>} : memref<32x1024xf32, #tpu.memory_space<vmem>>, vector<1x16xf32>,
      %swap3A_211 = vector.shape_cast %swap3A_210 : vector<1x16xf32> to vector<16xf32>
      %swap3A_212 = vector.shape_cast %add3A_207 : vector<16xf32> to vector<1x16xf32>
      tpu.vector_store %arg8[%swap3A_208, %swap3A_209], %swap3A_212 {strides = array<i32>} : memref<32x1024xf32, #tpu.memory_space<vmem>>, vector<1x16xf32>,
      %mul3A_213 = arith.constant 8 : i32
      %mul3A_214 = arith.muli %scan3A_42, %mul3A_213 : i32
      %add3A_215 = arith.constant 6 : i32
      %add3A_216 = arith.addi %mul3A_214, %add3A_215 : i32
      %shift_right_arithmetic3A_217 = arith.constant 6 : i32
      %shift_right_arithmetic3A_218 = arith.shrsi %add3A_216, %shift_right_arithmetic3A_217 : i32
      %and3A_219 = arith.constant 63 : i32
      %and3A_220 = arith.andi %add3A_216, %and3A_219 : i32
      %mul3A_221 = arith.constant 16 : i32
      %mul3A_222 = arith.muli %and3A_220, %mul3A_221 : i32
      %get3A_223 = arith.index_cast %shift_right_arithmetic3A_218 : i32 to index
      %get3A_224 = arith.index_cast %mul3A_222 : i32 to index
      %get3A_225 = tpu.vector_load %arg8[%get3A_223, %get3A_224] {strides = array<i32>} : memref<32x1024xf32, #tpu.memory_space<vmem>>, vector<1x16xf32>,
      %get3A_226 = vector.shape_cast %get3A_225 : vector<1x16xf32> to vector<16xf32>
      %get3A_227 = arith.index_cast %shift_right_arithmetic3A_218 : i32 to index
      %get3A_228 = arith.index_cast %mul3A_222 : i32 to index
      %get3A_229 = tpu.vector_load %arg9[%get3A_227, %get3A_228] {strides = array<i32>} : memref<32x1024xf32, #tpu.memory_space<vmem>>, vector<1x16xf32>,
      %get3A_230 = vector.shape_cast %get3A_229 : vector<1x16xf32> to vector<16xf32>
      %add3A_231 = arith.addf %get3A_226, %get3A_230 : vector<16xf32>
      %get3A_232 = arith.index_cast %shift_right_arithmetic3A_218 : i32 to index
      %get3A_233 = arith.index_cast %mul3A_222 : i32 to index
      %get3A_234 = tpu.vector_load %arg10[%get3A_232, %get3A_233] {strides = array<i32>} : memref<32x1024xf32, #tpu.memory_space<vmem>>, vector<1x16xf32>,
      %get3A_235 = vector.shape_cast %get3A_234 : vector<1x16xf32> to vector<16xf32>
      %add3A_236 = arith.addf %add3A_231, %get3A_235 : vector<16xf32>
      %swap3A_237 = arith.index_cast %shift_right_arithmetic3A_218 : i32 to index
      %swap3A_238 = arith.index_cast %mul3A_222 : i32 to index
      %swap3A_239 = tpu.vector_load %arg8[%swap3A_237, %swap3A_238] {strides = array<i32>} : memref<32x1024xf32, #tpu.memory_space<vmem>>, vector<1x16xf32>,
      %swap3A_240 = vector.shape_cast %swap3A_239 : vector<1x16xf32> to vector<16xf32>
      %swap3A_241 = vector.shape_cast %add3A_236 : vector<16xf32> to vector<1x16xf32>
      tpu.vector_store %arg8[%swap3A_237, %swap3A_238], %swap3A_241 {strides = array<i32>} : memref<32x1024xf32, #tpu.memory_space<vmem>>, vector<1x16xf32>,
      %mul3A_242 = arith.constant 8 : i32
      %mul3A_243 = arith.muli %scan3A_42, %mul3A_242 : i32
      %add3A_244 = arith.constant 7 : i32
      %add3A_245 = arith.addi %mul3A_243, %add3A_244 : i32
      %shift_right_arithmetic3A_246 = arith.constant 6 : i32
      %shift_right_arithmetic3A_247 = arith.shrsi %add3A_245, %shift_right_arithmetic3A_246 : i32
      %and3A_248 = arith.constant 63 : i32
      %and3A_249 = arith.andi %add3A_245, %and3A_248 : i32
      %mul3A_250 = arith.constant 16 : i32
      %mul3A_251 = arith.muli %and3A_249, %mul3A_250 : i32
      %get3A_252 = arith.index_cast %shift_right_arithmetic3A_247 : i32 to index
      %get3A_253 = arith.index_cast %mul3A_251 : i32 to index
      %get3A_254 = tpu.vector_load %arg8[%get3A_252, %get3A_253] {strides = array<i32>} : memref<32x1024xf32, #tpu.memory_space<vmem>>, vector<1x16xf32>,
      %get3A_255 = vector.shape_cast %get3A_254 : vector<1x16xf32> to vector<16xf32>
      %get3A_256 = arith.index_cast %shift_right_arithmetic3A_247 : i32 to index
      %get3A_257 = arith.index_cast %mul3A_251 : i32 to index
      %get3A_258 = tpu.vector_load %arg9[%get3A_256, %get3A_257] {strides = array<i32>} : memref<32x1024xf32, #tpu.memory_space<vmem>>, vector<1x16xf32>,
      %get3A_259 = vector.shape_cast %get3A_258 : vector<1x16xf32> to vector<16xf32>
      %add3A_260 = arith.addf %get3A_255, %get3A_259 : vector<16xf32>
      %get3A_261 = arith.index_cast %shift_right_arithmetic3A_247 : i32 to index
      %get3A_262 = arith.index_cast %mul3A_251 : i32 to index
      %get3A_263 = tpu.vector_load %arg10[%get3A_261, %get3A_262] {strides = array<i32>} : memref<32x1024xf32, #tpu.memory_space<vmem>>, vector<1x16xf32>,
      %get3A_264 = vector.shape_cast %get3A_263 : vector<1x16xf32> to vector<16xf32>
      %add3A_265 = arith.addf %add3A_260, %get3A_264 : vector<16xf32>
      %swap3A_266 = arith.index_cast %shift_right_arithmetic3A_247 : i32 to index
      %swap3A_267 = arith.index_cast %mul3A_251 : i32 to index
      %swap3A_268 = tpu.vector_load %arg8[%swap3A_266, %swap3A_267] {strides = array<i32>} : memref<32x1024xf32, #tpu.memory_space<vmem>>, vector<1x16xf32>,
      %swap3A_269 = vector.shape_cast %swap3A_268 : vector<1x16xf32> to vector<16xf32>
      %swap3A_270 = vector.shape_cast %add3A_265 : vector<16xf32> to vector<1x16xf32>
      tpu.vector_store %arg8[%swap3A_266, %swap3A_267], %swap3A_270 {strides = array<i32>} : memref<32x1024xf32, #tpu.memory_space<vmem>>, vector<1x16xf32>,
    }
    %scan3A_19 = arith.constant 256 : i32
    "tpu.region"() ({
      %run_scoped3A = tpu.sem_alloc : memref<!tpu.dma_semaphore, #tpu.memory_space<semaphore_mem>>
      %dma_start3A_42 = arith.constant 0 : i32
      %dma_start3A_43 = tpu.memref_slice %arg6[%add3A_4, %dma_start3A_42] : memref<2048x1024xf32, #tpu.memory_space<hbm>> -> memref<32x1024xf32, #tpu.memory_space<hbm>>
      %dma_start3A_44 = arith.constant 0 : i32
      %dma_start3A_45 = tpu.memref_slice %arg6[%add3A_4, %dma_start3A_44] : memref<2048x1024xf32, #tpu.memory_space<hbm>> -> memref<32x1024xf32, #tpu.memory_space<hbm>>
      tpu.enqueue_dma source(%arg8 : memref<32x1024xf32, #tpu.memory_space<vmem>>) target(%dma_start3A_45 : memref<32x1024xf32, #tpu.memory_space<hbm>>) target_semaphore(%run_scoped3A : memref<!tpu.dma_semaphore, #tpu.memory_space<semaphore_mem>>)
      %dma_wait3A_46 = arith.constant 0 : i32
      %dma_wait3A_47 = tpu.memref_slice %arg6[%add3A_4, %dma_wait3A_46] : memref<2048x1024xf32, #tpu.memory_space<hbm>> -> memref<32x1024xf32, #tpu.memory_space<hbm>>
      %dma_wait3A_48 = arith.constant 0 : i32
      %dma_wait3A_49 = tpu.memref_slice %arg6[%add3A_4, %dma_wait3A_48] : memref<2048x1024xf32, #tpu.memory_space<hbm>> -> memref<32x1024xf32, #tpu.memory_space<hbm>>
      tpu.wait_dma2 semaphore(%run_scoped3A : memref<!tpu.dma_semaphore, #tpu.memory_space<semaphore_mem>>) src(%arg8 : memref<32x1024xf32, #tpu.memory_space<vmem>>) dst(%dma_wait3A_49 : memref<32x1024xf32, #tpu.memory_space<hbm>>)
      tpu.yield
    }) : () -> ()
    %mul3A_20 = arith.constant 64 : i32
    %mul3A_21 = arith.muli %add3A, %mul3A_20 : i32
    %add3A_22 = arith.constant 32 : i32
    %add3A_23 = arith.addi %mul3A_21, %add3A_22 : i32
    "tpu.region"() ({
      %run_scoped3A = tpu.sem_alloc : memref<!tpu.dma_semaphore, #tpu.memory_space<semaphore_mem>>
      %dma_start3A_42 = tpu.memref_slice %arg2[%add3A_23] : memref<2048xi32, #tpu.memory_space<hbm>> -> memref<32xi32, #tpu.memory_space<hbm>>
      %dma_start3A_43 = tpu.memref_slice %arg2[%add3A_23] : memref<2048xi32, #tpu.memory_space<hbm>> -> memref<32xi32, #tpu.memory_space<hbm>>
      tpu.enqueue_dma source(%dma_start3A_43 : memref<32xi32, #tpu.memory_space<hbm>>) target(%arg7 : memref<32xi32, #tpu.memory_space<vmem>>) target_semaphore(%run_scoped3A : memref<!tpu.dma_semaphore, #tpu.memory_space<semaphore_mem>>)
      %dma_wait3A_44 = tpu.memref_slice %arg2[%add3A_23] : memref<2048xi32, #tpu.memory_space<hbm>> -> memref<32xi32, #tpu.memory_space<hbm>>
      %dma_wait3A_45 = tpu.memref_slice %arg2[%add3A_23] : memref<2048xi32, #tpu.memory_space<hbm>> -> memref<32xi32, #tpu.memory_space<hbm>>
      tpu.wait_dma2 semaphore(%run_scoped3A : memref<!tpu.dma_semaphore, #tpu.memory_space<semaphore_mem>>) src(%dma_wait3A_45 : memref<32xi32, #tpu.memory_space<hbm>>) dst(%arg7 : memref<32xi32, #tpu.memory_space<vmem>>)
      tpu.yield
    }) : () -> ()
    %dma_start3A_24 = arith.constant 0 : i32
    %dma_start3A_25 = arith.constant 0 : i32
    %dma_start3A_26 = tpu.memref_slice %arg4[%dma_start3A_24, %dma_start3A_25] : memref<6144x1024xf32, #tpu.memory_space<hbm>> -> memref<6144x1024xf32, #tpu.memory_space<hbm>>
    tpu.enqueue_indirect_dma source(%dma_start3A_26 : memref<6144x1024xf32, #tpu.memory_space<hbm>>) target(%arg8 : memref<32x1024xf32, #tpu.memory_space<vmem>>) offsets(%arg7 : memref<32xi32, #tpu.memory_space<vmem>>) semaphore(%arg11 : memref<!tpu.dma_semaphore, #tpu.memory_space<semaphore_mem>>)
    %dma_wait3A_27 = arith.constant 0 : i32
    %dma_wait3A_28 = arith.constant 0 : i32
    %dma_wait3A_29 = tpu.memref_slice %arg4[%dma_wait3A_27, %dma_wait3A_28] : memref<6144x1024xf32, #tpu.memory_space<hbm>> -> memref<6144x1024xf32, #tpu.memory_space<hbm>>
    tpu.wait_indirect_dma semaphore(%arg11 : memref<!tpu.dma_semaphore, #tpu.memory_space<semaphore_mem>>) src(%dma_wait3A_29 : memref<6144x1024xf32, #tpu.memory_space<hbm>>) dst(%arg8 : memref<32x1024xf32, #tpu.memory_space<vmem>>)
    "tpu.region"() ({
      %run_scoped3A = tpu.sem_alloc : memref<!tpu.dma_semaphore, #tpu.memory_space<semaphore_mem>>
      %dma_start3A_42 = tpu.memref_slice %arg3[%add3A_23] : memref<2048xi32, #tpu.memory_space<hbm>> -> memref<32xi32, #tpu.memory_space<hbm>>
      %dma_start3A_43 = tpu.memref_slice %arg3[%add3A_23] : memref<2048xi32, #tpu.memory_space<hbm>> -> memref<32xi32, #tpu.memory_space<hbm>>
      tpu.enqueue_dma source(%dma_start3A_43 : memref<32xi32, #tpu.memory_space<hbm>>) target(%arg7 : memref<32xi32, #tpu.memory_space<vmem>>) target_semaphore(%run_scoped3A : memref<!tpu.dma_semaphore, #tpu.memory_space<semaphore_mem>>)
      %dma_wait3A_44 = tpu.memref_slice %arg3[%add3A_23] : memref<2048xi32, #tpu.memory_space<hbm>> -> memref<32xi32, #tpu.memory_space<hbm>>
      %dma_wait3A_45 = tpu.memref_slice %arg3[%add3A_23] : memref<2048xi32, #tpu.memory_space<hbm>> -> memref<32xi32, #tpu.memory_space<hbm>>
      tpu.wait_dma2 semaphore(%run_scoped3A : memref<!tpu.dma_semaphore, #tpu.memory_space<semaphore_mem>>) src(%dma_wait3A_45 : memref<32xi32, #tpu.memory_space<hbm>>) dst(%arg7 : memref<32xi32, #tpu.memory_space<vmem>>)
      tpu.yield
    }) : () -> ()
    %dma_start3A_30 = arith.constant 0 : i32
    %dma_start3A_31 = arith.constant 0 : i32
    %dma_start3A_32 = tpu.memref_slice %arg4[%dma_start3A_30, %dma_start3A_31] : memref<6144x1024xf32, #tpu.memory_space<hbm>> -> memref<6144x1024xf32, #tpu.memory_space<hbm>>
    tpu.enqueue_indirect_dma source(%dma_start3A_32 : memref<6144x1024xf32, #tpu.memory_space<hbm>>) target(%arg9 : memref<32x1024xf32, #tpu.memory_space<vmem>>) offsets(%arg7 : memref<32xi32, #tpu.memory_space<vmem>>) semaphore(%arg11 : memref<!tpu.dma_semaphore, #tpu.memory_space<semaphore_mem>>)
    %dma_wait3A_33 = arith.constant 0 : i32
    %dma_wait3A_34 = arith.constant 0 : i32
    %dma_wait3A_35 = tpu.memref_slice %arg4[%dma_wait3A_33, %dma_wait3A_34] : memref<6144x1024xf32, #tpu.memory_space<hbm>> -> memref<6144x1024xf32, #tpu.memory_space<hbm>>
    tpu.wait_indirect_dma semaphore(%arg11 : memref<!tpu.dma_semaphore, #tpu.memory_space<semaphore_mem>>) src(%dma_wait3A_35 : memref<6144x1024xf32, #tpu.memory_space<hbm>>) dst(%arg9 : memref<32x1024xf32, #tpu.memory_space<vmem>>)
    "tpu.region"() ({
      %run_scoped3A = tpu.sem_alloc : memref<!tpu.dma_semaphore, #tpu.memory_space<semaphore_mem>>
      %dma_start3A_42 = arith.constant 0 : i32
      %dma_start3A_43 = tpu.memref_slice %arg5[%add3A_23, %dma_start3A_42] : memref<2048x1024xf32, #tpu.memory_space<hbm>> -> memref<32x1024xf32, #tpu.memory_space<hbm>>
      %dma_start3A_44 = arith.constant 0 : i32
      %dma_start3A_45 = tpu.memref_slice %arg5[%add3A_23, %dma_start3A_44] : memref<2048x1024xf32, #tpu.memory_space<hbm>> -> memref<32x1024xf32, #tpu.memory_space<hbm>>
      tpu.enqueue_dma source(%dma_start3A_45 : memref<32x1024xf32, #tpu.memory_space<hbm>>) target(%arg10 : memref<32x1024xf32, #tpu.memory_space<vmem>>) target_semaphore(%run_scoped3A : memref<!tpu.dma_semaphore, #tpu.memory_space<semaphore_mem>>)
      %dma_wait3A_46 = arith.constant 0 : i32
      %dma_wait3A_47 = tpu.memref_slice %arg5[%add3A_23, %dma_wait3A_46] : memref<2048x1024xf32, #tpu.memory_space<hbm>> -> memref<32x1024xf32, #tpu.memory_space<hbm>>
      %dma_wait3A_48 = arith.constant 0 : i32
      %dma_wait3A_49 = tpu.memref_slice %arg5[%add3A_23, %dma_wait3A_48] : memref<2048x1024xf32, #tpu.memory_space<hbm>> -> memref<32x1024xf32, #tpu.memory_space<hbm>>
      tpu.wait_dma2 semaphore(%run_scoped3A : memref<!tpu.dma_semaphore, #tpu.memory_space<semaphore_mem>>) src(%dma_wait3A_49 : memref<32x1024xf32, #tpu.memory_space<hbm>>) dst(%arg10 : memref<32x1024xf32, #tpu.memory_space<vmem>>)
      tpu.yield
    }) : () -> ()
    %scan3A_36 = arith.constant 0 : i32
    %scan3A_37 = arith.constant 0 : i32
    %scan3A_38 = arith.constant 256 : i32
    %scan3A_39 = arith.addi %scan3A_37, %scan3A_38 : i32
    %scan3A_40 = arith.constant 1 : i32
    scf.for %scan3A_42 = %scan3A_37 to %scan3A_39 step %scan3A_40  : i32 {
      %mul3A_43 = arith.constant 8 : i32
      %mul3A_44 = arith.muli %scan3A_42, %mul3A_43 : i32
      %add3A_45 = arith.constant 0 : i32
      %add3A_46 = arith.addi %mul3A_44, %add3A_45 : i32
      %shift_right_arithmetic3A = arith.constant 6 : i32
      %shift_right_arithmetic3A_47 = arith.shrsi %add3A_46, %shift_right_arithmetic3A : i32
      %and3A = arith.constant 63 : i32
      %and3A_48 = arith.andi %add3A_46, %and3A : i32
      %mul3A_49 = arith.constant 16 : i32
      %mul3A_50 = arith.muli %and3A_48, %mul3A_49 : i32
      %get3A = arith.index_cast %shift_right_arithmetic3A_47 : i32 to index
      %get3A_51 = arith.index_cast %mul3A_50 : i32 to index
      %get3A_52 = tpu.vector_load %arg8[%get3A, %get3A_51] {strides = array<i32>} : memref<32x1024xf32, #tpu.memory_space<vmem>>, vector<1x16xf32>,
      %get3A_53 = vector.shape_cast %get3A_52 : vector<1x16xf32> to vector<16xf32>
      %get3A_54 = arith.index_cast %shift_right_arithmetic3A_47 : i32 to index
      %get3A_55 = arith.index_cast %mul3A_50 : i32 to index
      %get3A_56 = tpu.vector_load %arg9[%get3A_54, %get3A_55] {strides = array<i32>} : memref<32x1024xf32, #tpu.memory_space<vmem>>, vector<1x16xf32>,
      %get3A_57 = vector.shape_cast %get3A_56 : vector<1x16xf32> to vector<16xf32>
      %add3A_58 = arith.addf %get3A_53, %get3A_57 : vector<16xf32>
      %get3A_59 = arith.index_cast %shift_right_arithmetic3A_47 : i32 to index
      %get3A_60 = arith.index_cast %mul3A_50 : i32 to index
      %get3A_61 = tpu.vector_load %arg10[%get3A_59, %get3A_60] {strides = array<i32>} : memref<32x1024xf32, #tpu.memory_space<vmem>>, vector<1x16xf32>,
      %get3A_62 = vector.shape_cast %get3A_61 : vector<1x16xf32> to vector<16xf32>
      %add3A_63 = arith.addf %add3A_58, %get3A_62 : vector<16xf32>
      %swap3A = arith.index_cast %shift_right_arithmetic3A_47 : i32 to index
      %swap3A_64 = arith.index_cast %mul3A_50 : i32 to index
      %swap3A_65 = tpu.vector_load %arg8[%swap3A, %swap3A_64] {strides = array<i32>} : memref<32x1024xf32, #tpu.memory_space<vmem>>, vector<1x16xf32>,
      %swap3A_66 = vector.shape_cast %swap3A_65 : vector<1x16xf32> to vector<16xf32>
      %swap3A_67 = vector.shape_cast %add3A_63 : vector<16xf32> to vector<1x16xf32>
      tpu.vector_store %arg8[%swap3A, %swap3A_64], %swap3A_67 {strides = array<i32>} : memref<32x1024xf32, #tpu.memory_space<vmem>>, vector<1x16xf32>,
      %mul3A_68 = arith.constant 8 : i32
      %mul3A_69 = arith.muli %scan3A_42, %mul3A_68 : i32
      %add3A_70 = arith.constant 1 : i32
      %add3A_71 = arith.addi %mul3A_69, %add3A_70 : i32
      %shift_right_arithmetic3A_72 = arith.constant 6 : i32
      %shift_right_arithmetic3A_73 = arith.shrsi %add3A_71, %shift_right_arithmetic3A_72 : i32
      %and3A_74 = arith.constant 63 : i32
      %and3A_75 = arith.andi %add3A_71, %and3A_74 : i32
      %mul3A_76 = arith.constant 16 : i32
      %mul3A_77 = arith.muli %and3A_75, %mul3A_76 : i32
      %get3A_78 = arith.index_cast %shift_right_arithmetic3A_73 : i32 to index
      %get3A_79 = arith.index_cast %mul3A_77 : i32 to index
      %get3A_80 = tpu.vector_load %arg8[%get3A_78, %get3A_79] {strides = array<i32>} : memref<32x1024xf32, #tpu.memory_space<vmem>>, vector<1x16xf32>,
      %get3A_81 = vector.shape_cast %get3A_80 : vector<1x16xf32> to vector<16xf32>
      %get3A_82 = arith.index_cast %shift_right_arithmetic3A_73 : i32 to index
      %get3A_83 = arith.index_cast %mul3A_77 : i32 to index
      %get3A_84 = tpu.vector_load %arg9[%get3A_82, %get3A_83] {strides = array<i32>} : memref<32x1024xf32, #tpu.memory_space<vmem>>, vector<1x16xf32>,
      %get3A_85 = vector.shape_cast %get3A_84 : vector<1x16xf32> to vector<16xf32>
      %add3A_86 = arith.addf %get3A_81, %get3A_85 : vector<16xf32>
      %get3A_87 = arith.index_cast %shift_right_arithmetic3A_73 : i32 to index
      %get3A_88 = arith.index_cast %mul3A_77 : i32 to index
      %get3A_89 = tpu.vector_load %arg10[%get3A_87, %get3A_88] {strides = array<i32>} : memref<32x1024xf32, #tpu.memory_space<vmem>>, vector<1x16xf32>,
      %get3A_90 = vector.shape_cast %get3A_89 : vector<1x16xf32> to vector<16xf32>
      %add3A_91 = arith.addf %add3A_86, %get3A_90 : vector<16xf32>
      %swap3A_92 = arith.index_cast %shift_right_arithmetic3A_73 : i32 to index
      %swap3A_93 = arith.index_cast %mul3A_77 : i32 to index
      %swap3A_94 = tpu.vector_load %arg8[%swap3A_92, %swap3A_93] {strides = array<i32>} : memref<32x1024xf32, #tpu.memory_space<vmem>>, vector<1x16xf32>,
      %swap3A_95 = vector.shape_cast %swap3A_94 : vector<1x16xf32> to vector<16xf32>
      %swap3A_96 = vector.shape_cast %add3A_91 : vector<16xf32> to vector<1x16xf32>
      tpu.vector_store %arg8[%swap3A_92, %swap3A_93], %swap3A_96 {strides = array<i32>} : memref<32x1024xf32, #tpu.memory_space<vmem>>, vector<1x16xf32>,
      %mul3A_97 = arith.constant 8 : i32
      %mul3A_98 = arith.muli %scan3A_42, %mul3A_97 : i32
      %add3A_99 = arith.constant 2 : i32
      %add3A_100 = arith.addi %mul3A_98, %add3A_99 : i32
      %shift_right_arithmetic3A_101 = arith.constant 6 : i32
      %shift_right_arithmetic3A_102 = arith.shrsi %add3A_100, %shift_right_arithmetic3A_101 : i32
      %and3A_103 = arith.constant 63 : i32
      %and3A_104 = arith.andi %add3A_100, %and3A_103 : i32
      %mul3A_105 = arith.constant 16 : i32
      %mul3A_106 = arith.muli %and3A_104, %mul3A_105 : i32
      %get3A_107 = arith.index_cast %shift_right_arithmetic3A_102 : i32 to index
      %get3A_108 = arith.index_cast %mul3A_106 : i32 to index
      %get3A_109 = tpu.vector_load %arg8[%get3A_107, %get3A_108] {strides = array<i32>} : memref<32x1024xf32, #tpu.memory_space<vmem>>, vector<1x16xf32>,
      %get3A_110 = vector.shape_cast %get3A_109 : vector<1x16xf32> to vector<16xf32>
      %get3A_111 = arith.index_cast %shift_right_arithmetic3A_102 : i32 to index
      %get3A_112 = arith.index_cast %mul3A_106 : i32 to index
      %get3A_113 = tpu.vector_load %arg9[%get3A_111, %get3A_112] {strides = array<i32>} : memref<32x1024xf32, #tpu.memory_space<vmem>>, vector<1x16xf32>,
      %get3A_114 = vector.shape_cast %get3A_113 : vector<1x16xf32> to vector<16xf32>
      %add3A_115 = arith.addf %get3A_110, %get3A_114 : vector<16xf32>
      %get3A_116 = arith.index_cast %shift_right_arithmetic3A_102 : i32 to index
      %get3A_117 = arith.index_cast %mul3A_106 : i32 to index
      %get3A_118 = tpu.vector_load %arg10[%get3A_116, %get3A_117] {strides = array<i32>} : memref<32x1024xf32, #tpu.memory_space<vmem>>, vector<1x16xf32>,
      %get3A_119 = vector.shape_cast %get3A_118 : vector<1x16xf32> to vector<16xf32>
      %add3A_120 = arith.addf %add3A_115, %get3A_119 : vector<16xf32>
      %swap3A_121 = arith.index_cast %shift_right_arithmetic3A_102 : i32 to index
      %swap3A_122 = arith.index_cast %mul3A_106 : i32 to index
      %swap3A_123 = tpu.vector_load %arg8[%swap3A_121, %swap3A_122] {strides = array<i32>} : memref<32x1024xf32, #tpu.memory_space<vmem>>, vector<1x16xf32>,
      %swap3A_124 = vector.shape_cast %swap3A_123 : vector<1x16xf32> to vector<16xf32>
      %swap3A_125 = vector.shape_cast %add3A_120 : vector<16xf32> to vector<1x16xf32>
      tpu.vector_store %arg8[%swap3A_121, %swap3A_122], %swap3A_125 {strides = array<i32>} : memref<32x1024xf32, #tpu.memory_space<vmem>>, vector<1x16xf32>,
      %mul3A_126 = arith.constant 8 : i32
      %mul3A_127 = arith.muli %scan3A_42, %mul3A_126 : i32
      %add3A_128 = arith.constant 3 : i32
      %add3A_129 = arith.addi %mul3A_127, %add3A_128 : i32
      %shift_right_arithmetic3A_130 = arith.constant 6 : i32
      %shift_right_arithmetic3A_131 = arith.shrsi %add3A_129, %shift_right_arithmetic3A_130 : i32
      %and3A_132 = arith.constant 63 : i32
      %and3A_133 = arith.andi %add3A_129, %and3A_132 : i32
      %mul3A_134 = arith.constant 16 : i32
      %mul3A_135 = arith.muli %and3A_133, %mul3A_134 : i32
      %get3A_136 = arith.index_cast %shift_right_arithmetic3A_131 : i32 to index
      %get3A_137 = arith.index_cast %mul3A_135 : i32 to index
      %get3A_138 = tpu.vector_load %arg8[%get3A_136, %get3A_137] {strides = array<i32>} : memref<32x1024xf32, #tpu.memory_space<vmem>>, vector<1x16xf32>,
      %get3A_139 = vector.shape_cast %get3A_138 : vector<1x16xf32> to vector<16xf32>
      %get3A_140 = arith.index_cast %shift_right_arithmetic3A_131 : i32 to index
      %get3A_141 = arith.index_cast %mul3A_135 : i32 to index
      %get3A_142 = tpu.vector_load %arg9[%get3A_140, %get3A_141] {strides = array<i32>} : memref<32x1024xf32, #tpu.memory_space<vmem>>, vector<1x16xf32>,
      %get3A_143 = vector.shape_cast %get3A_142 : vector<1x16xf32> to vector<16xf32>
      %add3A_144 = arith.addf %get3A_139, %get3A_143 : vector<16xf32>
      %get3A_145 = arith.index_cast %shift_right_arithmetic3A_131 : i32 to index
      %get3A_146 = arith.index_cast %mul3A_135 : i32 to index
      %get3A_147 = tpu.vector_load %arg10[%get3A_145, %get3A_146] {strides = array<i32>} : memref<32x1024xf32, #tpu.memory_space<vmem>>, vector<1x16xf32>,
      %get3A_148 = vector.shape_cast %get3A_147 : vector<1x16xf32> to vector<16xf32>
      %add3A_149 = arith.addf %add3A_144, %get3A_148 : vector<16xf32>
      %swap3A_150 = arith.index_cast %shift_right_arithmetic3A_131 : i32 to index
      %swap3A_151 = arith.index_cast %mul3A_135 : i32 to index
      %swap3A_152 = tpu.vector_load %arg8[%swap3A_150, %swap3A_151] {strides = array<i32>} : memref<32x1024xf32, #tpu.memory_space<vmem>>, vector<1x16xf32>,
      %swap3A_153 = vector.shape_cast %swap3A_152 : vector<1x16xf32> to vector<16xf32>
      %swap3A_154 = vector.shape_cast %add3A_149 : vector<16xf32> to vector<1x16xf32>
      tpu.vector_store %arg8[%swap3A_150, %swap3A_151], %swap3A_154 {strides = array<i32>} : memref<32x1024xf32, #tpu.memory_space<vmem>>, vector<1x16xf32>,
      %mul3A_155 = arith.constant 8 : i32
      %mul3A_156 = arith.muli %scan3A_42, %mul3A_155 : i32
      %add3A_157 = arith.constant 4 : i32
      %add3A_158 = arith.addi %mul3A_156, %add3A_157 : i32
      %shift_right_arithmetic3A_159 = arith.constant 6 : i32
      %shift_right_arithmetic3A_160 = arith.shrsi %add3A_158, %shift_right_arithmetic3A_159 : i32
      %and3A_161 = arith.constant 63 : i32
      %and3A_162 = arith.andi %add3A_158, %and3A_161 : i32
      %mul3A_163 = arith.constant 16 : i32
      %mul3A_164 = arith.muli %and3A_162, %mul3A_163 : i32
      %get3A_165 = arith.index_cast %shift_right_arithmetic3A_160 : i32 to index
      %get3A_166 = arith.index_cast %mul3A_164 : i32 to index
      %get3A_167 = tpu.vector_load %arg8[%get3A_165, %get3A_166] {strides = array<i32>} : memref<32x1024xf32, #tpu.memory_space<vmem>>, vector<1x16xf32>,
      %get3A_168 = vector.shape_cast %get3A_167 : vector<1x16xf32> to vector<16xf32>
      %get3A_169 = arith.index_cast %shift_right_arithmetic3A_160 : i32 to index
      %get3A_170 = arith.index_cast %mul3A_164 : i32 to index
      %get3A_171 = tpu.vector_load %arg9[%get3A_169, %get3A_170] {strides = array<i32>} : memref<32x1024xf32, #tpu.memory_space<vmem>>, vector<1x16xf32>,
      %get3A_172 = vector.shape_cast %get3A_171 : vector<1x16xf32> to vector<16xf32>
      %add3A_173 = arith.addf %get3A_168, %get3A_172 : vector<16xf32>
      %get3A_174 = arith.index_cast %shift_right_arithmetic3A_160 : i32 to index
      %get3A_175 = arith.index_cast %mul3A_164 : i32 to index
      %get3A_176 = tpu.vector_load %arg10[%get3A_174, %get3A_175] {strides = array<i32>} : memref<32x1024xf32, #tpu.memory_space<vmem>>, vector<1x16xf32>,
      %get3A_177 = vector.shape_cast %get3A_176 : vector<1x16xf32> to vector<16xf32>
      %add3A_178 = arith.addf %add3A_173, %get3A_177 : vector<16xf32>
      %swap3A_179 = arith.index_cast %shift_right_arithmetic3A_160 : i32 to index
      %swap3A_180 = arith.index_cast %mul3A_164 : i32 to index
      %swap3A_181 = tpu.vector_load %arg8[%swap3A_179, %swap3A_180] {strides = array<i32>} : memref<32x1024xf32, #tpu.memory_space<vmem>>, vector<1x16xf32>,
      %swap3A_182 = vector.shape_cast %swap3A_181 : vector<1x16xf32> to vector<16xf32>
      %swap3A_183 = vector.shape_cast %add3A_178 : vector<16xf32> to vector<1x16xf32>
      tpu.vector_store %arg8[%swap3A_179, %swap3A_180], %swap3A_183 {strides = array<i32>} : memref<32x1024xf32, #tpu.memory_space<vmem>>, vector<1x16xf32>,
      %mul3A_184 = arith.constant 8 : i32
      %mul3A_185 = arith.muli %scan3A_42, %mul3A_184 : i32
      %add3A_186 = arith.constant 5 : i32
      %add3A_187 = arith.addi %mul3A_185, %add3A_186 : i32
      %shift_right_arithmetic3A_188 = arith.constant 6 : i32
      %shift_right_arithmetic3A_189 = arith.shrsi %add3A_187, %shift_right_arithmetic3A_188 : i32
      %and3A_190 = arith.constant 63 : i32
      %and3A_191 = arith.andi %add3A_187, %and3A_190 : i32
      %mul3A_192 = arith.constant 16 : i32
      %mul3A_193 = arith.muli %and3A_191, %mul3A_192 : i32
      %get3A_194 = arith.index_cast %shift_right_arithmetic3A_189 : i32 to index
      %get3A_195 = arith.index_cast %mul3A_193 : i32 to index
      %get3A_196 = tpu.vector_load %arg8[%get3A_194, %get3A_195] {strides = array<i32>} : memref<32x1024xf32, #tpu.memory_space<vmem>>, vector<1x16xf32>,
      %get3A_197 = vector.shape_cast %get3A_196 : vector<1x16xf32> to vector<16xf32>
      %get3A_198 = arith.index_cast %shift_right_arithmetic3A_189 : i32 to index
      %get3A_199 = arith.index_cast %mul3A_193 : i32 to index
      %get3A_200 = tpu.vector_load %arg9[%get3A_198, %get3A_199] {strides = array<i32>} : memref<32x1024xf32, #tpu.memory_space<vmem>>, vector<1x16xf32>,
      %get3A_201 = vector.shape_cast %get3A_200 : vector<1x16xf32> to vector<16xf32>
      %add3A_202 = arith.addf %get3A_197, %get3A_201 : vector<16xf32>
      %get3A_203 = arith.index_cast %shift_right_arithmetic3A_189 : i32 to index
      %get3A_204 = arith.index_cast %mul3A_193 : i32 to index
      %get3A_205 = tpu.vector_load %arg10[%get3A_203, %get3A_204] {strides = array<i32>} : memref<32x1024xf32, #tpu.memory_space<vmem>>, vector<1x16xf32>,
      %get3A_206 = vector.shape_cast %get3A_205 : vector<1x16xf32> to vector<16xf32>
      %add3A_207 = arith.addf %add3A_202, %get3A_206 : vector<16xf32>
      %swap3A_208 = arith.index_cast %shift_right_arithmetic3A_189 : i32 to index
      %swap3A_209 = arith.index_cast %mul3A_193 : i32 to index
      %swap3A_210 = tpu.vector_load %arg8[%swap3A_208, %swap3A_209] {strides = array<i32>} : memref<32x1024xf32, #tpu.memory_space<vmem>>, vector<1x16xf32>,
      %swap3A_211 = vector.shape_cast %swap3A_210 : vector<1x16xf32> to vector<16xf32>
      %swap3A_212 = vector.shape_cast %add3A_207 : vector<16xf32> to vector<1x16xf32>
      tpu.vector_store %arg8[%swap3A_208, %swap3A_209], %swap3A_212 {strides = array<i32>} : memref<32x1024xf32, #tpu.memory_space<vmem>>, vector<1x16xf32>,
      %mul3A_213 = arith.constant 8 : i32
      %mul3A_214 = arith.muli %scan3A_42, %mul3A_213 : i32
      %add3A_215 = arith.constant 6 : i32
      %add3A_216 = arith.addi %mul3A_214, %add3A_215 : i32
      %shift_right_arithmetic3A_217 = arith.constant 6 : i32
      %shift_right_arithmetic3A_218 = arith.shrsi %add3A_216, %shift_right_arithmetic3A_217 : i32
      %and3A_219 = arith.constant 63 : i32
      %and3A_220 = arith.andi %add3A_216, %and3A_219 : i32
      %mul3A_221 = arith.constant 16 : i32
      %mul3A_222 = arith.muli %and3A_220, %mul3A_221 : i32
      %get3A_223 = arith.index_cast %shift_right_arithmetic3A_218 : i32 to index
      %get3A_224 = arith.index_cast %mul3A_222 : i32 to index
      %get3A_225 = tpu.vector_load %arg8[%get3A_223, %get3A_224] {strides = array<i32>} : memref<32x1024xf32, #tpu.memory_space<vmem>>, vector<1x16xf32>,
      %get3A_226 = vector.shape_cast %get3A_225 : vector<1x16xf32> to vector<16xf32>
      %get3A_227 = arith.index_cast %shift_right_arithmetic3A_218 : i32 to index
      %get3A_228 = arith.index_cast %mul3A_222 : i32 to index
      %get3A_229 = tpu.vector_load %arg9[%get3A_227, %get3A_228] {strides = array<i32>} : memref<32x1024xf32, #tpu.memory_space<vmem>>, vector<1x16xf32>,
      %get3A_230 = vector.shape_cast %get3A_229 : vector<1x16xf32> to vector<16xf32>
      %add3A_231 = arith.addf %get3A_226, %get3A_230 : vector<16xf32>
      %get3A_232 = arith.index_cast %shift_right_arithmetic3A_218 : i32 to index
      %get3A_233 = arith.index_cast %mul3A_222 : i32 to index
      %get3A_234 = tpu.vector_load %arg10[%get3A_232, %get3A_233] {strides = array<i32>} : memref<32x1024xf32, #tpu.memory_space<vmem>>, vector<1x16xf32>,
      %get3A_235 = vector.shape_cast %get3A_234 : vector<1x16xf32> to vector<16xf32>
      %add3A_236 = arith.addf %add3A_231, %get3A_235 : vector<16xf32>
      %swap3A_237 = arith.index_cast %shift_right_arithmetic3A_218 : i32 to index
      %swap3A_238 = arith.index_cast %mul3A_222 : i32 to index
      %swap3A_239 = tpu.vector_load %arg8[%swap3A_237, %swap3A_238] {strides = array<i32>} : memref<32x1024xf32, #tpu.memory_space<vmem>>, vector<1x16xf32>,
      %swap3A_240 = vector.shape_cast %swap3A_239 : vector<1x16xf32> to vector<16xf32>
      %swap3A_241 = vector.shape_cast %add3A_236 : vector<16xf32> to vector<1x16xf32>
      tpu.vector_store %arg8[%swap3A_237, %swap3A_238], %swap3A_241 {strides = array<i32>} : memref<32x1024xf32, #tpu.memory_space<vmem>>, vector<1x16xf32>,
      %mul3A_242 = arith.constant 8 : i32
      %mul3A_243 = arith.muli %scan3A_42, %mul3A_242 : i32
      %add3A_244 = arith.constant 7 : i32
      %add3A_245 = arith.addi %mul3A_243, %add3A_244 : i32
      %shift_right_arithmetic3A_246 = arith.constant 6 : i32
      %shift_right_arithmetic3A_247 = arith.shrsi %add3A_245, %shift_right_arithmetic3A_246 : i32
      %and3A_248 = arith.constant 63 : i32
      %and3A_249 = arith.andi %add3A_245, %and3A_248 : i32
      %mul3A_250 = arith.constant 16 : i32
      %mul3A_251 = arith.muli %and3A_249, %mul3A_250 : i32
      %get3A_252 = arith.index_cast %shift_right_arithmetic3A_247 : i32 to index
      %get3A_253 = arith.index_cast %mul3A_251 : i32 to index
      %get3A_254 = tpu.vector_load %arg8[%get3A_252, %get3A_253] {strides = array<i32>} : memref<32x1024xf32, #tpu.memory_space<vmem>>, vector<1x16xf32>,
      %get3A_255 = vector.shape_cast %get3A_254 : vector<1x16xf32> to vector<16xf32>
      %get3A_256 = arith.index_cast %shift_right_arithmetic3A_247 : i32 to index
      %get3A_257 = arith.index_cast %mul3A_251 : i32 to index
      %get3A_258 = tpu.vector_load %arg9[%get3A_256, %get3A_257] {strides = array<i32>} : memref<32x1024xf32, #tpu.memory_space<vmem>>, vector<1x16xf32>,
      %get3A_259 = vector.shape_cast %get3A_258 : vector<1x16xf32> to vector<16xf32>
      %add3A_260 = arith.addf %get3A_255, %get3A_259 : vector<16xf32>
      %get3A_261 = arith.index_cast %shift_right_arithmetic3A_247 : i32 to index
      %get3A_262 = arith.index_cast %mul3A_251 : i32 to index
      %get3A_263 = tpu.vector_load %arg10[%get3A_261, %get3A_262] {strides = array<i32>} : memref<32x1024xf32, #tpu.memory_space<vmem>>, vector<1x16xf32>,
      %get3A_264 = vector.shape_cast %get3A_263 : vector<1x16xf32> to vector<16xf32>
      %add3A_265 = arith.addf %add3A_260, %get3A_264 : vector<16xf32>
      %swap3A_266 = arith.index_cast %shift_right_arithmetic3A_247 : i32 to index
      %swap3A_267 = arith.index_cast %mul3A_251 : i32 to index
      %swap3A_268 = tpu.vector_load %arg8[%swap3A_266, %swap3A_267] {strides = array<i32>} : memref<32x1024xf32, #tpu.memory_space<vmem>>, vector<1x16xf32>,
      %swap3A_269 = vector.shape_cast %swap3A_268 : vector<1x16xf32> to vector<16xf32>
      %swap3A_270 = vector.shape_cast %add3A_265 : vector<16xf32> to vector<1x16xf32>
      tpu.vector_store %arg8[%swap3A_266, %swap3A_267], %swap3A_270 {strides = array<i32>} : memref<32x1024xf32, #tpu.memory_space<vmem>>, vector<1x16xf32>,
    }
    %scan3A_41 = arith.constant 256 : i32
    "tpu.region"() ({
      %run_scoped3A = tpu.sem_alloc : memref<!tpu.dma_semaphore, #tpu.memory_space<semaphore_mem>>
      %dma_start3A_42 = arith.constant 0 : i32
      %dma_start3A_43 = tpu.memref_slice %arg6[%add3A_23, %dma_start3A_42] : memref<2048x1024xf32, #tpu.memory_space<hbm>> -> memref<32x1024xf32, #tpu.memory_space<hbm>>
      %dma_start3A_44 = arith.constant 0 : i32
      %dma_start3A_45 = tpu.memref_slice %arg6[%add3A_23, %dma_start3A_44] : memref<2048x1024xf32, #tpu.memory_space<hbm>> -> memref<32x1024xf32, #tpu.memory_space<hbm>>
      tpu.enqueue_dma source(%arg8 : memref<32x1024xf32, #tpu.memory_space<vmem>>) target(%dma_start3A_45 : memref<32x1024xf32, #tpu.memory_space<hbm>>) target_semaphore(%run_scoped3A : memref<!tpu.dma_semaphore, #tpu.memory_space<semaphore_mem>>)
      %dma_wait3A_46 = arith.constant 0 : i32
      %dma_wait3A_47 = tpu.memref_slice %arg6[%add3A_23, %dma_wait3A_46] : memref<2048x1024xf32, #tpu.memory_space<hbm>> -> memref<32x1024xf32, #tpu.memory_space<hbm>>
      %dma_wait3A_48 = arith.constant 0 : i32
      %dma_wait3A_49 = tpu.memref_slice %arg6[%add3A_23, %dma_wait3A_48] : memref<2048x1024xf32, #tpu.memory_space<hbm>> -> memref<32x1024xf32, #tpu.memory_space<hbm>>
      tpu.wait_dma2 semaphore(%run_scoped3A : memref<!tpu.dma_semaphore, #tpu.memory_space<semaphore_mem>>) src(%arg8 : memref<32x1024xf32, #tpu.memory_space<vmem>>) dst(%dma_wait3A_49 : memref<32x1024xf32, #tpu.memory_space<hbm>>)
      tpu.yield
    }) : () -> ()
    return
  }
}

module attributes {stable_mosaic.version = 14 : i64} {
  func.func @_router_body(%arg0: memref<2048x1024xf32, #tpu.memory_space<vmem>>, %arg1: memref<8x1024xf32, #tpu.memory_space<vmem>>, %arg2: memref<8xf32, #tpu.memory_space<vmem>>, %arg3: memref<8xf32, #tpu.memory_space<vmem>>, %arg4: memref<2048xi32, #tpu.memory_space<vmem>>, %arg5: memref<2048xi32, #tpu.memory_space<vmem>>, %arg6: memref<2048xf32, #tpu.memory_space<vmem>>, %arg7: memref<2048xf32, #tpu.memory_space<vmem>>) attributes {dimension_semantics = [], scalar_prefetch = 0 : i64, scratch_operands = 0 : i64, tpu.core_type = #tpu.core_type<tc>} {
    %get3A = arith.constant 0 : index
    %get3A_0 = arith.constant 0 : index
    %get3A_1 = vector.load %arg0[%get3A, %get3A_0] : memref<2048x1024xf32, #tpu.memory_space<vmem>>, vector<2048x1024xf32>
    %get3A_2 = arith.constant 0 : index
    %get3A_3 = arith.constant 0 : index
    %get3A_4 = vector.load %arg1[%get3A_2, %get3A_3] : memref<8x1024xf32, #tpu.memory_space<vmem>>, vector<8x1024xf32>
    %dot_general3A = arith.constant dense<0.000000e+00> : vector<2048x8xf32>
    %dot_general3A_5 = tpu.matmul %get3A_1, %get3A_4, %dot_general3A {dimension_numbers = #tpu.dot_dimension_numbers<[1], [1], [0], [0], [0, 0, 1, 0], [], []>, transpose_lhs_hint = false} : vector<2048x1024xf32>, vector<8x1024xf32>, vector<2048x8xf32> -> vector<2048x8xf32>
    %get3A_6 = arith.constant 0 : index
    %get3A_7 = vector.load %arg2[%get3A_6] : memref<8xf32, #tpu.memory_space<vmem>>, vector<8xf32>
    %broadcast_in_dim3A = vector.shape_cast %get3A_7 : vector<8xf32> to vector<1x8xf32>
    %add3A = vector.broadcast %broadcast_in_dim3A : vector<1x8xf32> to vector<2048x8xf32>
    %add3A_8 = arith.addf %dot_general3A_5, %add3A : vector<2048x8xf32>
    %get3A_9 = arith.constant 0 : index
    %get3A_10 = vector.load %arg3[%get3A_9] : memref<8xf32, #tpu.memory_space<vmem>>, vector<8xf32>
    %broadcast_in_dim3A_11 = vector.shape_cast %get3A_10 : vector<8xf32> to vector<1x8xf32>
    %add3A_12 = vector.broadcast %broadcast_in_dim3A_11 : vector<1x8xf32> to vector<2048x8xf32>
    %add3A_13 = arith.addf %add3A_8, %add3A_12 : vector<2048x8xf32>
    %iota3A = tpu.iota {dimensions = array<i32: 1>} : vector<2048x8xi32>
    %reduce_max3A = arith.constant dense<0xFF800000> : vector<2048xf32>
    %reduce_max3A_14 = vector.multi_reduction <maximumf>, %add3A_13, %reduce_max3A [1] : vector<2048x8xf32> to vector<2048xf32>
    %broadcast_in_dim3A_15 = vector.shape_cast %reduce_max3A_14 : vector<2048xf32> to vector<2048x1xf32>
    %eq3A = vector.broadcast %broadcast_in_dim3A_15 : vector<2048x1xf32> to vector<2048x8xf32>
    %eq3A_16 = arith.cmpf oeq, %add3A_13, %eq3A : vector<2048x8xf32>
    %jit3A = arith.constant 1073741824 : i32
    %broadcast_in_dim3A_17 = vector.broadcast %jit3A : i32 to vector<2048x8xi32>
    %select_n3A = arith.select %eq3A_16, %iota3A, %broadcast_in_dim3A_17 : vector<2048x8xi1>, vector<2048x8xi32>
    %reduce_min3A = arith.constant dense<2147483647> : vector<2048xi32>
    %reduce_min3A_18 = vector.multi_reduction <minsi>, %select_n3A, %reduce_min3A [1] : vector<2048x8xi32> to vector<2048xi32>
    %broadcast_in_dim3A_19 = vector.shape_cast %reduce_min3A_18 : vector<2048xi32> to vector<2048x1xi32>
    %eq3A_20 = vector.broadcast %broadcast_in_dim3A_19 : vector<2048x1xi32> to vector<2048x8xi32>
    %eq3A_21 = arith.cmpi eq, %iota3A, %eq3A_20 : vector<2048x8xi32>
    %jit3A_22 = arith.constant 0xFF800000 : f32
    %broadcast_in_dim3A_23 = vector.broadcast %jit3A_22 : f32 to vector<2048x8xf32>
    %select_n3A_24 = arith.select %eq3A_21, %broadcast_in_dim3A_23, %add3A_13 : vector<2048x8xi1>, vector<2048x8xf32>
    %reduce_max3A_25 = arith.constant dense<0xFF800000> : vector<2048xf32>
    %reduce_max3A_26 = vector.multi_reduction <maximumf>, %select_n3A_24, %reduce_max3A_25 [1] : vector<2048x8xf32> to vector<2048xf32>
    %broadcast_in_dim3A_27 = vector.shape_cast %reduce_max3A_26 : vector<2048xf32> to vector<2048x1xf32>
    %eq3A_28 = vector.broadcast %broadcast_in_dim3A_27 : vector<2048x1xf32> to vector<2048x8xf32>
    %eq3A_29 = arith.cmpf oeq, %select_n3A_24, %eq3A_28 : vector<2048x8xf32>
    %jit3A_30 = arith.constant 1073741824 : i32
    %broadcast_in_dim3A_31 = vector.broadcast %jit3A_30 : i32 to vector<2048x8xi32>
    %select_n3A_32 = arith.select %eq3A_29, %iota3A, %broadcast_in_dim3A_31 : vector<2048x8xi1>, vector<2048x8xi32>
    %reduce_min3A_33 = arith.constant dense<2147483647> : vector<2048xi32>
    %reduce_min3A_34 = vector.multi_reduction <minsi>, %select_n3A_32, %reduce_min3A_33 [1] : vector<2048x8xi32> to vector<2048xi32>
    %broadcast_in_dim3A_35 = vector.shape_cast %reduce_min3A_34 : vector<2048xi32> to vector<2048x1xi32>
    %eq3A_36 = vector.broadcast %broadcast_in_dim3A_19 : vector<2048x1xi32> to vector<2048x8xi32>
    %eq3A_37 = arith.cmpi eq, %iota3A, %eq3A_36 : vector<2048x8xi32>
    %jit3A_38 = arith.constant 0.000000e+00 : f32
    %broadcast_in_dim3A_39 = vector.broadcast %jit3A_38 : f32 to vector<2048x8xf32>
    %select_n3A_40 = arith.select %eq3A_37, %add3A_8, %broadcast_in_dim3A_39 : vector<2048x8xi1>, vector<2048x8xf32>
    %reduce_sum3A = arith.constant dense<0.000000e+00> : vector<2048xf32>
    %reduce_sum3A_41 = vector.multi_reduction <add>, %select_n3A_40, %reduce_sum3A [1] : vector<2048x8xf32> to vector<2048xf32>
    %eq3A_42 = vector.broadcast %broadcast_in_dim3A_35 : vector<2048x1xi32> to vector<2048x8xi32>
    %eq3A_43 = arith.cmpi eq, %iota3A, %eq3A_42 : vector<2048x8xi32>
    %jit3A_44 = arith.constant 0.000000e+00 : f32
    %broadcast_in_dim3A_45 = vector.broadcast %jit3A_44 : f32 to vector<2048x8xf32>
    %select_n3A_46 = arith.select %eq3A_43, %add3A_8, %broadcast_in_dim3A_45 : vector<2048x8xi1>, vector<2048x8xf32>
    %reduce_sum3A_47 = arith.constant dense<0.000000e+00> : vector<2048xf32>
    %reduce_sum3A_48 = vector.multi_reduction <add>, %select_n3A_46, %reduce_sum3A_47 [1] : vector<2048x8xf32> to vector<2048xf32>
    %logistic3A = arith.negf %reduce_sum3A_41 : vector<2048xf32>
    %logistic3A_49 = math.exp %logistic3A : vector<2048xf32>
    %logistic3A_50 = arith.constant 1.000000e+00 : f32
    %logistic3A_51 = vector.broadcast %logistic3A_50 : f32 to vector<2048xf32>
    %logistic3A_52 = arith.addf %logistic3A_51, %logistic3A_49 : vector<2048xf32>
    %logistic3A_53 = arith.divf %logistic3A_51, %logistic3A_52 : vector<2048xf32>
    %logistic3A_54 = arith.negf %reduce_sum3A_48 : vector<2048xf32>
    %logistic3A_55 = math.exp %logistic3A_54 : vector<2048xf32>
    %logistic3A_56 = arith.constant 1.000000e+00 : f32
    %logistic3A_57 = vector.broadcast %logistic3A_56 : f32 to vector<2048xf32>
    %logistic3A_58 = arith.addf %logistic3A_57, %logistic3A_55 : vector<2048xf32>
    %logistic3A_59 = arith.divf %logistic3A_57, %logistic3A_58 : vector<2048xf32>
    %add3A_60 = arith.addf %logistic3A_53, %logistic3A_59 : vector<2048xf32>
    %max3A = arith.constant 9.99999996E-13 : f32
    %max3A_61 = vector.broadcast %max3A : f32 to vector<2048xf32>
    %max3A_62 = arith.maximumf %add3A_60, %max3A_61 : vector<2048xf32>
    %squeeze3A = vector.shape_cast %broadcast_in_dim3A_19 : vector<2048x1xi32> to vector<2048xi32>
    %swap3A = arith.constant 0 : index
    %swap3A_63 = vector.load %arg4[%swap3A] : memref<2048xi32, #tpu.memory_space<vmem>>, vector<2048xi32>
    tpu.vector_store %arg4[%swap3A], %squeeze3A {strides = array<i32>} : memref<2048xi32, #tpu.memory_space<vmem>>, vector<2048xi32>,
    %squeeze3A_64 = vector.shape_cast %broadcast_in_dim3A_35 : vector<2048x1xi32> to vector<2048xi32>
    %swap3A_65 = arith.constant 0 : index
    %swap3A_66 = vector.load %arg5[%swap3A_65] : memref<2048xi32, #tpu.memory_space<vmem>>, vector<2048xi32>
    tpu.vector_store %arg5[%swap3A_65], %squeeze3A_64 {strides = array<i32>} : memref<2048xi32, #tpu.memory_space<vmem>>, vector<2048xi32>,
    %div3A = arith.divf %logistic3A_53, %max3A_62 : vector<2048xf32>
    %swap3A_67 = arith.constant 0 : index
    %swap3A_68 = vector.load %arg6[%swap3A_67] : memref<2048xf32, #tpu.memory_space<vmem>>, vector<2048xf32>
    tpu.vector_store %arg6[%swap3A_67], %div3A {strides = array<i32>} : memref<2048xf32, #tpu.memory_space<vmem>>, vector<2048xf32>,
    %div3A_69 = arith.divf %logistic3A_59, %max3A_62 : vector<2048xf32>
    %swap3A_70 = arith.constant 0 : index
    %swap3A_71 = vector.load %arg7[%swap3A_70] : memref<2048xf32, #tpu.memory_space<vmem>>, vector<2048xf32>
    tpu.vector_store %arg7[%swap3A_70], %div3A_69 {strides = array<i32>} : memref<2048xf32, #tpu.memory_space<vmem>>, vector<2048xf32>,
    return
  }
}

module attributes {stable_mosaic.version = 14 : i64} {
  func.func @_ffn_shared_body(%arg0: i32, %arg1: i32, %arg2: memref<256x1024xf32, #tpu.memory_space<vmem>>, %arg3: memref<1408x1024xf32, #tpu.memory_space<vmem>>, %arg4: memref<1x1x1408xf32, #tpu.memory_space<vmem>>, %arg5: memref<1024x2816xf32, #tpu.memory_space<vmem>>, %arg6: memref<1024xf32, #tpu.memory_space<vmem>>, %arg7: memref<1408x1024xf32, #tpu.memory_space<vmem>>, %arg8: memref<1x1x1408xf32, #tpu.memory_space<vmem>>, %arg9: memref<256x1024xf32, #tpu.memory_space<vmem>>) attributes {dimension_semantics = [#tpu.dimension_semantics<arbitrary>, #tpu.dimension_semantics<arbitrary>], iteration_bounds = array<i64: 8, 2>, scalar_prefetch = 0 : i64, scratch_operands = 0 : i64, tpu.core_type = #tpu.core_type<tc>, window_params = [{transform_indices = @transform_0, window_bounds = array<i64: 256, 1024>}, {transform_indices = @transform_1, window_bounds = array<i64: 1408, 1024>}, {transform_indices = @transform_2, window_bounds = array<i64: 1, 1, 1408>}, {pipeline_mode = #tpu.pipeline_mode<synchronous>, transform_indices = @transform_3, window_bounds = array<i64: 1024, 2816>}, {pipeline_mode = #tpu.pipeline_mode<synchronous>, transform_indices = @transform_4, window_bounds = array<i64: 1024>}, {transform_indices = @transform_5, window_bounds = array<i64: 1408, 1024>}, {transform_indices = @transform_6, window_bounds = array<i64: 1, 1, 1408>}, {transform_indices = @transform_7, window_bounds = array<i64: 256, 1024>}]} {
    %add3A = arith.addi %arg0, %arg1 : i32
    %jit3A = arith.constant 2 : i32
    %eq3A = arith.constant 0 : i32
    %eq3A_0 = arith.cmpi eq, %jit3A, %eq3A : i32
    %jit3A_1 = arith.constant 1 : i32
    %select_n3A = arith.select %eq3A_0, %jit3A_1, %jit3A : i32
    %rem3A = arith.remsi %add3A, %select_n3A : i32
    %ne3A = arith.constant 0 : i32
    %ne3A_2 = arith.cmpi ne, %rem3A, %ne3A : i32
    %lt3A = arith.constant 0 : i32
    %lt3A_3 = arith.cmpi slt, %rem3A, %lt3A : i32
    %lt3A_4 = arith.constant 0 : i32
    %lt3A_5 = arith.cmpi slt, %select_n3A, %lt3A_4 : i32
    %ne3A_6 = arith.xori %lt3A_3, %lt3A_5 : i1
    %and3A = arith.andi %ne3A_6, %ne3A_2 : i1
    %add3A_7 = arith.addi %rem3A, %select_n3A : i32
    %select_n3A_8 = arith.select %and3A, %add3A_7, %rem3A : i32
    %get3A = arith.constant 0 : index
    %get3A_9 = arith.constant 0 : index
    %get3A_10 = vector.load %arg2[%get3A, %get3A_9] : memref<256x1024xf32, #tpu.memory_space<vmem>>, vector<256x1024xf32>
    %convert_element_type3A = arith.truncf %get3A_10 : vector<256x1024xf32> to vector<256x1024xbf16>
    %get3A_11 = arith.constant 0 : index
    %get3A_12 = arith.constant 0 : index
    %get3A_13 = vector.load %arg3[%get3A_11, %get3A_12] : memref<1408x1024xf32, #tpu.memory_space<vmem>>, vector<1408x1024xf32>
    %convert_element_type3A_14 = arith.truncf %get3A_13 : vector<1408x1024xf32> to vector<1408x1024xbf16>
    %dot_general3A = arith.constant dense<0.000000e+00> : vector<256x1408xf32>
    %dot_general3A_15 = tpu.matmul %convert_element_type3A, %convert_element_type3A_14, %dot_general3A {dimension_numbers = #tpu.dot_dimension_numbers<[1], [1], [0], [0], [0, 0, 1, 0], [], []>, transpose_lhs_hint = false} : vector<256x1024xbf16>, vector<1408x1024xbf16>, vector<256x1408xf32> -> vector<256x1408xf32>
    %get3A_16 = arith.constant 0 : index
    %get3A_17 = arith.constant 0 : index
    %get3A_18 = arith.constant 0 : index
    %get3A_19 = vector.load %arg4[%get3A_16, %get3A_17, %get3A_18] : memref<1x1x1408xf32, #tpu.memory_space<vmem>>, vector<1x1x1408xf32>
    %get3A_20 = vector.shape_cast %get3A_19 : vector<1x1x1408xf32> to vector<1x1408xf32>
    %add3A_21 = vector.broadcast %get3A_20 : vector<1x1408xf32> to vector<256x1408xf32>
    %add3A_22 = arith.addf %dot_general3A_15, %add3A_21 : vector<256x1408xf32>
    %get3A_23 = arith.constant 0 : index
    %get3A_24 = arith.constant 0 : index
    %get3A_25 = vector.load %arg7[%get3A_23, %get3A_24] : memref<1408x1024xf32, #tpu.memory_space<vmem>>, vector<1408x1024xf32>
    %convert_element_type3A_26 = arith.truncf %get3A_25 : vector<1408x1024xf32> to vector<1408x1024xbf16>
    %dot_general3A_27 = arith.constant dense<0.000000e+00> : vector<256x1408xf32>
    %dot_general3A_28 = tpu.matmul %convert_element_type3A, %convert_element_type3A_26, %dot_general3A_27 {dimension_numbers = #tpu.dot_dimension_numbers<[1], [1], [0], [0], [0, 0, 1, 0], [], []>, transpose_lhs_hint = false} : vector<256x1024xbf16>, vector<1408x1024xbf16>, vector<256x1408xf32> -> vector<256x1408xf32>
    %get3A_29 = arith.constant 0 : index
    %get3A_30 = arith.constant 0 : index
    %get3A_31 = arith.constant 0 : index
    %get3A_32 = vector.load %arg8[%get3A_29, %get3A_30, %get3A_31] : memref<1x1x1408xf32, #tpu.memory_space<vmem>>, vector<1x1x1408xf32>
    %get3A_33 = vector.shape_cast %get3A_32 : vector<1x1x1408xf32> to vector<1x1408xf32>
    %add3A_34 = vector.broadcast %get3A_33 : vector<1x1408xf32> to vector<256x1408xf32>
    %add3A_35 = arith.addf %dot_general3A_28, %add3A_34 : vector<256x1408xf32>
    %logistic3A = arith.negf %add3A_22 : vector<256x1408xf32>
    %logistic3A_36 = math.exp %logistic3A : vector<256x1408xf32>
    %logistic3A_37 = arith.constant 1.000000e+00 : f32
    %logistic3A_38 = vector.broadcast %logistic3A_37 : f32 to vector<256x1408xf32>
    %logistic3A_39 = arith.addf %logistic3A_38, %logistic3A_36 : vector<256x1408xf32>
    %logistic3A_40 = arith.divf %logistic3A_38, %logistic3A_39 : vector<256x1408xf32>
    %mul3A = arith.mulf %add3A_22, %logistic3A_40 : vector<256x1408xf32>
    %mul3A_41 = arith.mulf %mul3A, %add3A_35 : vector<256x1408xf32>
    %convert_element_type3A_42 = arith.truncf %mul3A_41 : vector<256x1408xf32> to vector<256x1408xbf16>
    %mul3A_43 = arith.constant 1408 : i32
    %mul3A_44 = arith.muli %select_n3A_8, %mul3A_43 : i32
    %get3A_45 = arith.constant 0 : index
    %get3A_46 = arith.index_cast %mul3A_44 : i32 to index
    %get3A_47 = vector.load %arg5[%get3A_45, %get3A_46] : memref<1024x2816xf32, #tpu.memory_space<vmem>>, vector<1024x1408xf32>
    %convert_element_type3A_48 = arith.truncf %get3A_47 : vector<1024x1408xf32> to vector<1024x1408xbf16>
    %dot_general3A_49 = arith.constant dense<0.000000e+00> : vector<256x1024xf32>
    %dot_general3A_50 = tpu.matmul %convert_element_type3A_42, %convert_element_type3A_48, %dot_general3A_49 {dimension_numbers = #tpu.dot_dimension_numbers<[1], [1], [0], [0], [0, 0, 1, 0], [], []>, transpose_lhs_hint = false} : vector<256x1408xbf16>, vector<1024x1408xbf16>, vector<256x1024xf32> -> vector<256x1024xf32>
    %eq3A_51 = arith.constant 0 : i32
    %eq3A_52 = arith.cmpi eq, %arg1, %eq3A_51 : i32
    %convert_element_type3A_53 = arith.extui %eq3A_52 : i1 to i32
    %cond3A = arith.constant 0 : i32
    %cond3A_54 = arith.cmpi ne, %convert_element_type3A_53, %cond3A : i32
    scf.if %cond3A_54 {
      %get3A_60 = arith.constant 0 : index
      %get3A_61 = vector.load %arg6[%get3A_60] : memref<1024xf32, #tpu.memory_space<vmem>>, vector<1024xf32>
      %broadcast_in_dim3A = vector.shape_cast %get3A_61 : vector<1024xf32> to vector<1x1024xf32>
      %add3A_62 = vector.broadcast %broadcast_in_dim3A : vector<1x1024xf32> to vector<256x1024xf32>
      %add3A_63 = arith.addf %dot_general3A_50, %add3A_62 : vector<256x1024xf32>
      %swap3A = arith.constant 0 : index
      %swap3A_64 = arith.constant 0 : index
      %swap3A_65 = vector.load %arg9[%swap3A, %swap3A_64] : memref<256x1024xf32, #tpu.memory_space<vmem>>, vector<256x1024xf32>
      tpu.vector_store %arg9[%swap3A, %swap3A_64], %add3A_63 {strides = array<i32>} : memref<256x1024xf32, #tpu.memory_space<vmem>>, vector<256x1024xf32>,
    } else {
    }
    %ne3A_55 = arith.constant 0 : i32
    %ne3A_56 = arith.cmpi ne, %arg1, %ne3A_55 : i32
    %convert_element_type3A_57 = arith.extui %ne3A_56 : i1 to i32
    %cond3A_58 = arith.constant 0 : i32
    %cond3A_59 = arith.cmpi ne, %convert_element_type3A_57, %cond3A_58 : i32
    scf.if %cond3A_59 {
      %get3A_60 = arith.constant 0 : index
      %get3A_61 = arith.constant 0 : index
      %get3A_62 = vector.load %arg9[%get3A_60, %get3A_61] : memref<256x1024xf32, #tpu.memory_space<vmem>>, vector<256x1024xf32>
      %add3A_63 = arith.addf %get3A_62, %dot_general3A_50 : vector<256x1024xf32>
      %swap3A = arith.constant 0 : index
      %swap3A_64 = arith.constant 0 : index
      %swap3A_65 = vector.load %arg9[%swap3A, %swap3A_64] : memref<256x1024xf32, #tpu.memory_space<vmem>>, vector<256x1024xf32>
      tpu.vector_store %arg9[%swap3A, %swap3A_64], %add3A_63 {strides = array<i32>} : memref<256x1024xf32, #tpu.memory_space<vmem>>, vector<256x1024xf32>,
    } else {
    }
    return
  }
  func.func @transform_0(%arg0: i32, %arg1: i32) -> (i32, i32) {
    %c0_i32 = arith.constant 0 : i32
    %c0_i32_0 = arith.constant 0 : i32
    return %arg0, %c0_i32 : i32, i32
  }
  func.func @transform_1(%arg0: i32, %arg1: i32) -> (i32, i32) {
    %add3A = arith.addi %arg0, %arg1 : i32
    %jit3A = arith.constant 2 : i32
    %eq3A = arith.constant 0 : i32
    %eq3A_0 = arith.cmpi eq, %jit3A, %eq3A : i32
    %jit3A_1 = arith.constant 1 : i32
    %select_n3A = arith.select %eq3A_0, %jit3A_1, %jit3A : i32
    %rem3A = arith.remsi %add3A, %select_n3A : i32
    %ne3A = arith.constant 0 : i32
    %ne3A_2 = arith.cmpi ne, %rem3A, %ne3A : i32
    %lt3A = arith.constant 0 : i32
    %lt3A_3 = arith.cmpi slt, %rem3A, %lt3A : i32
    %lt3A_4 = arith.constant 0 : i32
    %lt3A_5 = arith.cmpi slt, %select_n3A, %lt3A_4 : i32
    %ne3A_6 = arith.xori %lt3A_3, %lt3A_5 : i1
    %and3A = arith.andi %ne3A_6, %ne3A_2 : i1
    %add3A_7 = arith.addi %rem3A, %select_n3A : i32
    %select_n3A_8 = arith.select %and3A, %add3A_7, %rem3A : i32
    %c0_i32 = arith.constant 0 : i32
    %c0_i32_9 = arith.constant 0 : i32
    return %select_n3A_8, %c0_i32 : i32, i32
  }
  func.func @transform_2(%arg0: i32, %arg1: i32) -> (i32, i32, i32) {
    %add3A = arith.addi %arg0, %arg1 : i32
    %jit3A = arith.constant 2 : i32
    %eq3A = arith.constant 0 : i32
    %eq3A_0 = arith.cmpi eq, %jit3A, %eq3A : i32
    %jit3A_1 = arith.constant 1 : i32
    %select_n3A = arith.select %eq3A_0, %jit3A_1, %jit3A : i32
    %rem3A = arith.remsi %add3A, %select_n3A : i32
    %ne3A = arith.constant 0 : i32
    %ne3A_2 = arith.cmpi ne, %rem3A, %ne3A : i32
    %lt3A = arith.constant 0 : i32
    %lt3A_3 = arith.cmpi slt, %rem3A, %lt3A : i32
    %lt3A_4 = arith.constant 0 : i32
    %lt3A_5 = arith.cmpi slt, %select_n3A, %lt3A_4 : i32
    %ne3A_6 = arith.xori %lt3A_3, %lt3A_5 : i1
    %and3A = arith.andi %ne3A_6, %ne3A_2 : i1
    %add3A_7 = arith.addi %rem3A, %select_n3A : i32
    %select_n3A_8 = arith.select %and3A, %add3A_7, %rem3A : i32
    %c0_i32 = arith.constant 0 : i32
    %c0_i32_9 = arith.constant 0 : i32
    %c0_i32_10 = arith.constant 0 : i32
    return %select_n3A_8, %c0_i32, %c0_i32_9 : i32, i32, i32
  }
  func.func @transform_3(%arg0: i32, %arg1: i32) -> (i32, i32) {
    %c0_i32 = arith.constant 0 : i32
    %c0_i32_0 = arith.constant 0 : i32
    %c0_i32_1 = arith.constant 0 : i32
    return %c0_i32, %c0_i32_0 : i32, i32
  }
  func.func @transform_4(%arg0: i32, %arg1: i32) -> i32 {
    %c0_i32 = arith.constant 0 : i32
    %c0_i32_0 = arith.constant 0 : i32
    return %c0_i32 : i32
  }
  func.func @transform_5(%arg0: i32, %arg1: i32) -> (i32, i32) {
    %add3A = arith.addi %arg0, %arg1 : i32
    %jit3A = arith.constant 2 : i32
    %eq3A = arith.constant 0 : i32
    %eq3A_0 = arith.cmpi eq, %jit3A, %eq3A : i32
    %jit3A_1 = arith.constant 1 : i32
    %select_n3A = arith.select %eq3A_0, %jit3A_1, %jit3A : i32
    %rem3A = arith.remsi %add3A, %select_n3A : i32
    %ne3A = arith.constant 0 : i32
    %ne3A_2 = arith.cmpi ne, %rem3A, %ne3A : i32
    %lt3A = arith.constant 0 : i32
    %lt3A_3 = arith.cmpi slt, %rem3A, %lt3A : i32
    %lt3A_4 = arith.constant 0 : i32
    %lt3A_5 = arith.cmpi slt, %select_n3A, %lt3A_4 : i32
    %ne3A_6 = arith.xori %lt3A_3, %lt3A_5 : i1
    %and3A = arith.andi %ne3A_6, %ne3A_2 : i1
    %add3A_7 = arith.addi %rem3A, %select_n3A : i32
    %select_n3A_8 = arith.select %and3A, %add3A_7, %rem3A : i32
    %c0_i32 = arith.constant 0 : i32
    %c0_i32_9 = arith.constant 0 : i32
    return %select_n3A_8, %c0_i32 : i32, i32
  }
  func.func @transform_6(%arg0: i32, %arg1: i32) -> (i32, i32, i32) {
    %add3A = arith.addi %arg0, %arg1 : i32
    %jit3A = arith.constant 2 : i32
    %eq3A = arith.constant 0 : i32
    %eq3A_0 = arith.cmpi eq, %jit3A, %eq3A : i32
    %jit3A_1 = arith.constant 1 : i32
    %select_n3A = arith.select %eq3A_0, %jit3A_1, %jit3A : i32
    %rem3A = arith.remsi %add3A, %select_n3A : i32
    %ne3A = arith.constant 0 : i32
    %ne3A_2 = arith.cmpi ne, %rem3A, %ne3A : i32
    %lt3A = arith.constant 0 : i32
    %lt3A_3 = arith.cmpi slt, %rem3A, %lt3A : i32
    %lt3A_4 = arith.constant 0 : i32
    %lt3A_5 = arith.cmpi slt, %select_n3A, %lt3A_4 : i32
    %ne3A_6 = arith.xori %lt3A_3, %lt3A_5 : i1
    %and3A = arith.andi %ne3A_6, %ne3A_2 : i1
    %add3A_7 = arith.addi %rem3A, %select_n3A : i32
    %select_n3A_8 = arith.select %and3A, %add3A_7, %rem3A : i32
    %c0_i32 = arith.constant 0 : i32
    %c0_i32_9 = arith.constant 0 : i32
    %c0_i32_10 = arith.constant 0 : i32
    return %select_n3A_8, %c0_i32, %c0_i32_9 : i32, i32, i32
  }
  func.func @transform_7(%arg0: i32, %arg1: i32) -> (i32, i32) {
    %c0_i32 = arith.constant 0 : i32
    %c0_i32_0 = arith.constant 0 : i32
    return %arg0, %c0_i32 : i32, i32
  }
}

module attributes {stable_mosaic.version = 14 : i64} {
  func.func @_ffn_routed_body(%arg0: i32, %arg1: i32, %arg2: memref<32xi32, #tpu.memory_space<smem>>, %arg3: memref<256x1024xf32, #tpu.memory_space<vmem>>, %arg4: memref<1x1x256xf32, #tpu.memory_space<vmem>>, %arg5: memref<1x1408x1024xf32, #tpu.memory_space<vmem>>, %arg6: memref<1x1x1x1408xf32, #tpu.memory_space<vmem>>, %arg7: memref<1x1024x2816xf32, #tpu.memory_space<vmem>>, %arg8: memref<1x1x1024xf32, #tpu.memory_space<vmem>>, %arg9: memref<1x1408x1024xf32, #tpu.memory_space<vmem>>, %arg10: memref<1x1x1x1408xf32, #tpu.memory_space<vmem>>, %arg11: memref<256x1024xf32, #tpu.memory_space<vmem>>) attributes {dimension_semantics = [#tpu.dimension_semantics<arbitrary>, #tpu.dimension_semantics<arbitrary>], iteration_bounds = array<i64: 24, 2>, scalar_prefetch = 1 : i64, scratch_operands = 0 : i64, tpu.core_type = #tpu.core_type<tc>, window_params = [{transform_indices = @transform_0, window_bounds = array<i64: 256, 1024>}, {transform_indices = @transform_1, window_bounds = array<i64: 1, 1, 256>}, {transform_indices = @transform_2, window_bounds = array<i64: 1, 1408, 1024>}, {transform_indices = @transform_3, window_bounds = array<i64: 1, 1, 1, 1408>}, {transform_indices = @transform_4, window_bounds = array<i64: 1, 1024, 2816>}, {transform_indices = @transform_5, window_bounds = array<i64: 1, 1, 1024>}, {transform_indices = @transform_6, window_bounds = array<i64: 1, 1408, 1024>}, {transform_indices = @transform_7, window_bounds = array<i64: 1, 1, 1, 1408>}, {transform_indices = @transform_8, window_bounds = array<i64: 256, 1024>}]} {
    %add3A = arith.addi %arg0, %arg1 : i32
    %jit3A = arith.constant 2 : i32
    %eq3A = arith.constant 0 : i32
    %eq3A_0 = arith.cmpi eq, %jit3A, %eq3A : i32
    %jit3A_1 = arith.constant 1 : i32
    %select_n3A = arith.select %eq3A_0, %jit3A_1, %jit3A : i32
    %rem3A = arith.remsi %add3A, %select_n3A : i32
    %ne3A = arith.constant 0 : i32
    %ne3A_2 = arith.cmpi ne, %rem3A, %ne3A : i32
    %lt3A = arith.constant 0 : i32
    %lt3A_3 = arith.cmpi slt, %rem3A, %lt3A : i32
    %lt3A_4 = arith.constant 0 : i32
    %lt3A_5 = arith.cmpi slt, %select_n3A, %lt3A_4 : i32
    %ne3A_6 = arith.xori %lt3A_3, %lt3A_5 : i1
    %and3A = arith.andi %ne3A_6, %ne3A_2 : i1
    %add3A_7 = arith.addi %rem3A, %select_n3A : i32
    %select_n3A_8 = arith.select %and3A, %add3A_7, %rem3A : i32
    %get3A = arith.constant 0 : index
    %get3A_9 = arith.constant 0 : index
    %get3A_10 = arith.constant 0 : index
    %get3A_11 = vector.load %arg4[%get3A, %get3A_9, %get3A_10] : memref<1x1x256xf32, #tpu.memory_space<vmem>>, vector<1x1x256xf32>
    %get3A_12 = vector.shape_cast %get3A_11 : vector<1x1x256xf32> to vector<256xf32>
    %broadcast_in_dim3A = vector.shape_cast %get3A_12 : vector<256xf32> to vector<256x1xf32>
    %get3A_13 = arith.constant 0 : index
    %get3A_14 = arith.constant 0 : index
    %get3A_15 = arith.constant 0 : index
    %get3A_16 = vector.load %arg4[%get3A_13, %get3A_14, %get3A_15] : memref<1x1x256xf32, #tpu.memory_space<vmem>>, vector<1x1x256xf32>
    %get3A_17 = vector.shape_cast %get3A_16 : vector<1x1x256xf32> to vector<256xf32>
    %reduce_sum3A = vector.shape_cast %get3A_17 : vector<256xf32> to vector<1x256xf32>
    %reduce_sum3A_18 = arith.constant dense<0.000000e+00> : vector<1xf32>
    %reduce_sum3A_19 = vector.multi_reduction <add>, %reduce_sum3A, %reduce_sum3A_18 [1] : vector<1x256xf32> to vector<1xf32>
    %reduce_sum3A_20 = vector.shape_cast %reduce_sum3A_19 : vector<1xf32> to vector<1x1xf32>
    %reduce_sum3A_21 = vector.extract %reduce_sum3A_20[0, 0] : f32 from vector<1x1xf32>
    %gt3A = arith.constant 0.000000e+00 : f32
    %gt3A_22 = arith.cmpf ogt, %reduce_sum3A_21, %gt3A : f32
    %convert_element_type3A = arith.extui %gt3A_22 : i1 to i32
    %cond3A = arith.constant 0 : i32
    %cond3A_23 = arith.cmpi ne, %convert_element_type3A, %cond3A : i32
    scf.if %cond3A_23 {
      %get3A_31 = arith.constant 0 : index
      %get3A_32 = arith.constant 0 : index
      %get3A_33 = vector.load %arg3[%get3A_31, %get3A_32] : memref<256x1024xf32, #tpu.memory_space<vmem>>, vector<256x1024xf32>
      %convert_element_type3A_34 = arith.truncf %get3A_33 : vector<256x1024xf32> to vector<256x1024xbf16>
      %get3A_35 = arith.constant 0 : index
      %get3A_36 = arith.constant 0 : index
      %get3A_37 = arith.constant 0 : index
      %get3A_38 = vector.load %arg5[%get3A_35, %get3A_36, %get3A_37] : memref<1x1408x1024xf32, #tpu.memory_space<vmem>>, vector<1x1408x1024xf32>
      %get3A_39 = vector.shape_cast %get3A_38 : vector<1x1408x1024xf32> to vector<1408x1024xf32>
      %convert_element_type3A_40 = arith.truncf %get3A_39 : vector<1408x1024xf32> to vector<1408x1024xbf16>
      %dot_general3A = arith.constant dense<0.000000e+00> : vector<256x1408xf32>
      %dot_general3A_41 = tpu.matmul %convert_element_type3A_34, %convert_element_type3A_40, %dot_general3A {dimension_numbers = #tpu.dot_dimension_numbers<[1], [1], [0], [0], [0, 0, 1, 0], [], []>, transpose_lhs_hint = false} : vector<256x1024xbf16>, vector<1408x1024xbf16>, vector<256x1408xf32> -> vector<256x1408xf32>
      %get3A_42 = arith.constant 0 : index
      %get3A_43 = arith.constant 0 : index
      %get3A_44 = arith.constant 0 : index
      %get3A_45 = arith.constant 0 : index
      %get3A_46 = vector.load %arg6[%get3A_42, %get3A_43, %get3A_44, %get3A_45] : memref<1x1x1x1408xf32, #tpu.memory_space<vmem>>, vector<1x1x1x1408xf32>
      %get3A_47 = vector.shape_cast %get3A_46 : vector<1x1x1x1408xf32> to vector<1x1408xf32>
      %add3A_48 = vector.broadcast %get3A_47 : vector<1x1408xf32> to vector<256x1408xf32>
      %add3A_49 = arith.addf %dot_general3A_41, %add3A_48 : vector<256x1408xf32>
      %get3A_50 = arith.constant 0 : index
      %get3A_51 = arith.constant 0 : index
      %get3A_52 = arith.constant 0 : index
      %get3A_53 = vector.load %arg9[%get3A_50, %get3A_51, %get3A_52] : memref<1x1408x1024xf32, #tpu.memory_space<vmem>>, vector<1x1408x1024xf32>
      %get3A_54 = vector.shape_cast %get3A_53 : vector<1x1408x1024xf32> to vector<1408x1024xf32>
      %convert_element_type3A_55 = arith.truncf %get3A_54 : vector<1408x1024xf32> to vector<1408x1024xbf16>
      %dot_general3A_56 = arith.constant dense<0.000000e+00> : vector<256x1408xf32>
      %dot_general3A_57 = tpu.matmul %convert_element_type3A_34, %convert_element_type3A_55, %dot_general3A_56 {dimension_numbers = #tpu.dot_dimension_numbers<[1], [1], [0], [0], [0, 0, 1, 0], [], []>, transpose_lhs_hint = false} : vector<256x1024xbf16>, vector<1408x1024xbf16>, vector<256x1408xf32> -> vector<256x1408xf32>
      %get3A_58 = arith.constant 0 : index
      %get3A_59 = arith.constant 0 : index
      %get3A_60 = arith.constant 0 : index
      %get3A_61 = arith.constant 0 : index
      %get3A_62 = vector.load %arg10[%get3A_58, %get3A_59, %get3A_60, %get3A_61] : memref<1x1x1x1408xf32, #tpu.memory_space<vmem>>, vector<1x1x1x1408xf32>
      %get3A_63 = vector.shape_cast %get3A_62 : vector<1x1x1x1408xf32> to vector<1x1408xf32>
      %add3A_64 = vector.broadcast %get3A_63 : vector<1x1408xf32> to vector<256x1408xf32>
      %add3A_65 = arith.addf %dot_general3A_57, %add3A_64 : vector<256x1408xf32>
      %logistic3A = arith.negf %add3A_49 : vector<256x1408xf32>
      %logistic3A_66 = math.exp %logistic3A : vector<256x1408xf32>
      %logistic3A_67 = arith.constant 1.000000e+00 : f32
      %logistic3A_68 = vector.broadcast %logistic3A_67 : f32 to vector<256x1408xf32>
      %logistic3A_69 = arith.addf %logistic3A_68, %logistic3A_66 : vector<256x1408xf32>
      %logistic3A_70 = arith.divf %logistic3A_68, %logistic3A_69 : vector<256x1408xf32>
      %mul3A = arith.mulf %add3A_49, %logistic3A_70 : vector<256x1408xf32>
      %mul3A_71 = arith.mulf %mul3A, %add3A_65 : vector<256x1408xf32>
      %convert_element_type3A_72 = arith.truncf %mul3A_71 : vector<256x1408xf32> to vector<256x1408xbf16>
      %mul3A_73 = arith.constant 1408 : i32
      %mul3A_74 = arith.muli %select_n3A_8, %mul3A_73 : i32
      %get3A_75 = arith.constant 0 : index
      %get3A_76 = arith.constant 0 : index
      %get3A_77 = arith.index_cast %mul3A_74 : i32 to index
      %get3A_78 = vector.load %arg7[%get3A_75, %get3A_76, %get3A_77] : memref<1x1024x2816xf32, #tpu.memory_space<vmem>>, vector<1x1024x1408xf32>
      %get3A_79 = vector.shape_cast %get3A_78 : vector<1x1024x1408xf32> to vector<1024x1408xf32>
      %convert_element_type3A_80 = arith.truncf %get3A_79 : vector<1024x1408xf32> to vector<1024x1408xbf16>
      %dot_general3A_81 = arith.constant dense<0.000000e+00> : vector<256x1024xf32>
      %dot_general3A_82 = tpu.matmul %convert_element_type3A_72, %convert_element_type3A_80, %dot_general3A_81 {dimension_numbers = #tpu.dot_dimension_numbers<[1], [1], [0], [0], [0, 0, 1, 0], [], []>, transpose_lhs_hint = false} : vector<256x1408xbf16>, vector<1024x1408xbf16>, vector<256x1024xf32> -> vector<256x1024xf32>
      %eq3A_83 = arith.constant 0 : i32
      %eq3A_84 = arith.cmpi eq, %arg1, %eq3A_83 : i32
      %convert_element_type3A_85 = arith.extui %eq3A_84 : i1 to i32
      %cond3A_86 = arith.constant 0 : i32
      %cond3A_87 = arith.cmpi ne, %convert_element_type3A_85, %cond3A_86 : i32
      scf.if %cond3A_87 {
        %get3A_93 = arith.constant 0 : index
        %get3A_94 = arith.constant 0 : index
        %get3A_95 = arith.constant 0 : index
        %get3A_96 = vector.load %arg8[%get3A_93, %get3A_94, %get3A_95] : memref<1x1x1024xf32, #tpu.memory_space<vmem>>, vector<1x1x1024xf32>
        %get3A_97 = vector.shape_cast %get3A_96 : vector<1x1x1024xf32> to vector<1x1024xf32>
        %add3A_98 = vector.broadcast %get3A_97 : vector<1x1024xf32> to vector<256x1024xf32>
        %add3A_99 = arith.addf %dot_general3A_82, %add3A_98 : vector<256x1024xf32>
        %mul3A_100 = vector.broadcast %broadcast_in_dim3A : vector<256x1xf32> to vector<256x1024xf32>
        %mul3A_101 = arith.mulf %add3A_99, %mul3A_100 : vector<256x1024xf32>
        %swap3A = arith.constant 0 : index
        %swap3A_102 = arith.constant 0 : index
        %swap3A_103 = vector.load %arg11[%swap3A, %swap3A_102] : memref<256x1024xf32, #tpu.memory_space<vmem>>, vector<256x1024xf32>
        tpu.vector_store %arg11[%swap3A, %swap3A_102], %mul3A_101 {strides = array<i32>} : memref<256x1024xf32, #tpu.memory_space<vmem>>, vector<256x1024xf32>,
      } else {
      }
      %ne3A_88 = arith.constant 0 : i32
      %ne3A_89 = arith.cmpi ne, %arg1, %ne3A_88 : i32
      %convert_element_type3A_90 = arith.extui %ne3A_89 : i1 to i32
      %cond3A_91 = arith.constant 0 : i32
      %cond3A_92 = arith.cmpi ne, %convert_element_type3A_90, %cond3A_91 : i32
      scf.if %cond3A_92 {
        %get3A_93 = arith.constant 0 : index
        %get3A_94 = arith.constant 0 : index
        %get3A_95 = vector.load %arg11[%get3A_93, %get3A_94] : memref<256x1024xf32, #tpu.memory_space<vmem>>, vector<256x1024xf32>
        %mul3A_96 = vector.broadcast %broadcast_in_dim3A : vector<256x1xf32> to vector<256x1024xf32>
        %mul3A_97 = arith.mulf %dot_general3A_82, %mul3A_96 : vector<256x1024xf32>
        %add3A_98 = arith.addf %get3A_95, %mul3A_97 : vector<256x1024xf32>
        %swap3A = arith.constant 0 : index
        %swap3A_99 = arith.constant 0 : index
        %swap3A_100 = vector.load %arg11[%swap3A, %swap3A_99] : memref<256x1024xf32, #tpu.memory_space<vmem>>, vector<256x1024xf32>
        tpu.vector_store %arg11[%swap3A, %swap3A_99], %add3A_98 {strides = array<i32>} : memref<256x1024xf32, #tpu.memory_space<vmem>>, vector<256x1024xf32>,
      } else {
      }
    } else {
    }
    %not3A = arith.constant true
    %not3A_24 = arith.xori %gt3A_22, %not3A : i1
    %eq3A_25 = arith.constant 0 : i32
    %eq3A_26 = arith.cmpi eq, %arg1, %eq3A_25 : i32
    %and3A_27 = arith.andi %not3A_24, %eq3A_26 : i1
    %convert_element_type3A_28 = arith.extui %and3A_27 : i1 to i32
    %cond3A_29 = arith.constant 0 : i32
    %cond3A_30 = arith.cmpi ne, %convert_element_type3A_28, %cond3A_29 : i32
    scf.if %cond3A_30 {
      %broadcast_in_dim3A_31 = arith.constant 0.000000e+00 : f32
      %broadcast_in_dim3A_32 = vector.broadcast %broadcast_in_dim3A_31 : f32 to vector<256x1024xf32>
      %swap3A = arith.constant 0 : index
      %swap3A_33 = arith.constant 0 : index
      %swap3A_34 = vector.load %arg11[%swap3A, %swap3A_33] : memref<256x1024xf32, #tpu.memory_space<vmem>>, vector<256x1024xf32>
      tpu.vector_store %arg11[%swap3A, %swap3A_33], %broadcast_in_dim3A_32 {strides = array<i32>} : memref<256x1024xf32, #tpu.memory_space<vmem>>, vector<256x1024xf32>,
    } else {
    }
    return
  }
  func.func @transform_0(%arg0: i32, %arg1: i32, %arg2: memref<32xi32, #tpu.memory_space<smem>>) -> (i32, i32) {
    %c0_i32 = arith.constant 0 : i32
    %c0_i32_0 = arith.constant 0 : i32
    return %arg0, %c0_i32 : i32, i32
  }
  func.func @transform_1(%arg0: i32, %arg1: i32, %arg2: memref<32xi32, #tpu.memory_space<smem>>) -> (i32, i32, i32) {
    %c0_i32 = arith.constant 0 : i32
    %c0_i32_0 = arith.constant 0 : i32
    %c0_i32_1 = arith.constant 0 : i32
    return %arg0, %c0_i32, %c0_i32_0 : i32, i32, i32
  }
  func.func @transform_2(%arg0: i32, %arg1: i32, %arg2: memref<32xi32, #tpu.memory_space<smem>>) -> (i32, i32, i32) {
    %get3A = arith.index_cast %arg0 : i32 to index
    %get3A_0 = memref.load %arg2[%get3A] : memref<32xi32, #tpu.memory_space<smem>>
    %add3A = arith.addi %arg0, %arg1 : i32
    %jit3A = arith.constant 2 : i32
    %eq3A = arith.constant 0 : i32
    %eq3A_1 = arith.cmpi eq, %jit3A, %eq3A : i32
    %jit3A_2 = arith.constant 1 : i32
    %select_n3A = arith.select %eq3A_1, %jit3A_2, %jit3A : i32
    %rem3A = arith.remsi %add3A, %select_n3A : i32
    %ne3A = arith.constant 0 : i32
    %ne3A_3 = arith.cmpi ne, %rem3A, %ne3A : i32
    %lt3A = arith.constant 0 : i32
    %lt3A_4 = arith.cmpi slt, %rem3A, %lt3A : i32
    %lt3A_5 = arith.constant 0 : i32
    %lt3A_6 = arith.cmpi slt, %select_n3A, %lt3A_5 : i32
    %ne3A_7 = arith.xori %lt3A_4, %lt3A_6 : i1
    %and3A = arith.andi %ne3A_7, %ne3A_3 : i1
    %add3A_8 = arith.addi %rem3A, %select_n3A : i32
    %select_n3A_9 = arith.select %and3A, %add3A_8, %rem3A : i32
    %c0_i32 = arith.constant 0 : i32
    %c0_i32_10 = arith.constant 0 : i32
    return %get3A_0, %select_n3A_9, %c0_i32 : i32, i32, i32
  }
  func.func @transform_3(%arg0: i32, %arg1: i32, %arg2: memref<32xi32, #tpu.memory_space<smem>>) -> (i32, i32, i32, i32) {
    %get3A = arith.index_cast %arg0 : i32 to index
    %get3A_0 = memref.load %arg2[%get3A] : memref<32xi32, #tpu.memory_space<smem>>
    %add3A = arith.addi %arg0, %arg1 : i32
    %jit3A = arith.constant 2 : i32
    %eq3A = arith.constant 0 : i32
    %eq3A_1 = arith.cmpi eq, %jit3A, %eq3A : i32
    %jit3A_2 = arith.constant 1 : i32
    %select_n3A = arith.select %eq3A_1, %jit3A_2, %jit3A : i32
    %rem3A = arith.remsi %add3A, %select_n3A : i32
    %ne3A = arith.constant 0 : i32
    %ne3A_3 = arith.cmpi ne, %rem3A, %ne3A : i32
    %lt3A = arith.constant 0 : i32
    %lt3A_4 = arith.cmpi slt, %rem3A, %lt3A : i32
    %lt3A_5 = arith.constant 0 : i32
    %lt3A_6 = arith.cmpi slt, %select_n3A, %lt3A_5 : i32
    %ne3A_7 = arith.xori %lt3A_4, %lt3A_6 : i1
    %and3A = arith.andi %ne3A_7, %ne3A_3 : i1
    %add3A_8 = arith.addi %rem3A, %select_n3A : i32
    %select_n3A_9 = arith.select %and3A, %add3A_8, %rem3A : i32
    %c0_i32 = arith.constant 0 : i32
    %c0_i32_10 = arith.constant 0 : i32
    %c0_i32_11 = arith.constant 0 : i32
    return %get3A_0, %select_n3A_9, %c0_i32, %c0_i32_10 : i32, i32, i32, i32
  }
  func.func @transform_4(%arg0: i32, %arg1: i32, %arg2: memref<32xi32, #tpu.memory_space<smem>>) -> (i32, i32, i32) {
    %get3A = arith.index_cast %arg0 : i32 to index
    %get3A_0 = memref.load %arg2[%get3A] : memref<32xi32, #tpu.memory_space<smem>>
    %c0_i32 = arith.constant 0 : i32
    %c0_i32_1 = arith.constant 0 : i32
    %c0_i32_2 = arith.constant 0 : i32
    return %get3A_0, %c0_i32, %c0_i32_1 : i32, i32, i32
  }
  func.func @transform_5(%arg0: i32, %arg1: i32, %arg2: memref<32xi32, #tpu.memory_space<smem>>) -> (i32, i32, i32) {
    %get3A = arith.index_cast %arg0 : i32 to index
    %get3A_0 = memref.load %arg2[%get3A] : memref<32xi32, #tpu.memory_space<smem>>
    %c0_i32 = arith.constant 0 : i32
    %c0_i32_1 = arith.constant 0 : i32
    %c0_i32_2 = arith.constant 0 : i32
    return %get3A_0, %c0_i32, %c0_i32_1 : i32, i32, i32
  }
  func.func @transform_6(%arg0: i32, %arg1: i32, %arg2: memref<32xi32, #tpu.memory_space<smem>>) -> (i32, i32, i32) {
    %get3A = arith.index_cast %arg0 : i32 to index
    %get3A_0 = memref.load %arg2[%get3A] : memref<32xi32, #tpu.memory_space<smem>>
    %add3A = arith.addi %arg0, %arg1 : i32
    %jit3A = arith.constant 2 : i32
    %eq3A = arith.constant 0 : i32
    %eq3A_1 = arith.cmpi eq, %jit3A, %eq3A : i32
    %jit3A_2 = arith.constant 1 : i32
    %select_n3A = arith.select %eq3A_1, %jit3A_2, %jit3A : i32
    %rem3A = arith.remsi %add3A, %select_n3A : i32
    %ne3A = arith.constant 0 : i32
    %ne3A_3 = arith.cmpi ne, %rem3A, %ne3A : i32
    %lt3A = arith.constant 0 : i32
    %lt3A_4 = arith.cmpi slt, %rem3A, %lt3A : i32
    %lt3A_5 = arith.constant 0 : i32
    %lt3A_6 = arith.cmpi slt, %select_n3A, %lt3A_5 : i32
    %ne3A_7 = arith.xori %lt3A_4, %lt3A_6 : i1
    %and3A = arith.andi %ne3A_7, %ne3A_3 : i1
    %add3A_8 = arith.addi %rem3A, %select_n3A : i32
    %select_n3A_9 = arith.select %and3A, %add3A_8, %rem3A : i32
    %c0_i32 = arith.constant 0 : i32
    %c0_i32_10 = arith.constant 0 : i32
    return %get3A_0, %select_n3A_9, %c0_i32 : i32, i32, i32
  }
  func.func @transform_7(%arg0: i32, %arg1: i32, %arg2: memref<32xi32, #tpu.memory_space<smem>>) -> (i32, i32, i32, i32) {
    %get3A = arith.index_cast %arg0 : i32 to index
    %get3A_0 = memref.load %arg2[%get3A] : memref<32xi32, #tpu.memory_space<smem>>
    %add3A = arith.addi %arg0, %arg1 : i32
    %jit3A = arith.constant 2 : i32
    %eq3A = arith.constant 0 : i32
    %eq3A_1 = arith.cmpi eq, %jit3A, %eq3A : i32
    %jit3A_2 = arith.constant 1 : i32
    %select_n3A = arith.select %eq3A_1, %jit3A_2, %jit3A : i32
    %rem3A = arith.remsi %add3A, %select_n3A : i32
    %ne3A = arith.constant 0 : i32
    %ne3A_3 = arith.cmpi ne, %rem3A, %ne3A : i32
    %lt3A = arith.constant 0 : i32
    %lt3A_4 = arith.cmpi slt, %rem3A, %lt3A : i32
    %lt3A_5 = arith.constant 0 : i32
    %lt3A_6 = arith.cmpi slt, %select_n3A, %lt3A_5 : i32
    %ne3A_7 = arith.xori %lt3A_4, %lt3A_6 : i1
    %and3A = arith.andi %ne3A_7, %ne3A_3 : i1
    %add3A_8 = arith.addi %rem3A, %select_n3A : i32
    %select_n3A_9 = arith.select %and3A, %add3A_8, %rem3A : i32
    %c0_i32 = arith.constant 0 : i32
    %c0_i32_10 = arith.constant 0 : i32
    %c0_i32_11 = arith.constant 0 : i32
    return %get3A_0, %select_n3A_9, %c0_i32, %c0_i32_10 : i32, i32, i32, i32
  }
  func.func @transform_8(%arg0: i32, %arg1: i32, %arg2: memref<32xi32, #tpu.memory_space<smem>>) -> (i32, i32) {
    %c0_i32 = arith.constant 0 : i32
    %c0_i32_0 = arith.constant 0 : i32
    return %arg0, %c0_i32 : i32, i32
  }
}

</mosaic_0001>

<sc_bundles>
// kernel: kernel.10.cloned.1.call-start
scs
__scs_entry_jumppad:
0x0: {  	(pc) =	sbr.rel $0x88, $3  }
0x1: {  	(tag) =	ssettag $0x0;
	lr =	simm.s32 $0x1  }
0x2: {  	[smem:$0x3F91] =	sst lr;
	_ =	strace $0xD0000000  }
0x3: {  	_ = 	snop  }
0x4: {  	_ = 	snop  }
0x5: {  	_ = 	snop  }
0x6: {  	_ = 	snop  }
0x7: {  	_ = 	snop  }
__scs_overlays_trampoline_lowered:
0x8: {  	[smem:$0x3FA0] =	sst s0  }
0x9: {  	[smem:$0x3FA1] =	sst s1  }
0xa: {  	[smem:$0x3FA2] =	sst s2  }
0xb: {  	[smem:$0x3FA3] =	sst s3  }
0xc: {  	[smem:$0x3FA4] =	sst s4  }
0xd: {  	[smem:$0x3FA5] =	sst s5  }
0xe: {  	[smem:$0x3FA6] =	sst s6  }
0xf: {  	[smem:$0x3FA7] =	sst s7  }
0x10: {  	[smem:$0x3FA8] =	sst s8  }
0x11: {  	[smem:$0x3FA9] =	sst s9;
	s0 =	simm.s32 @!p0 $0x0  }
0x12: {  	s1 =	sld [smem:$0x3F8F];
	s0 =	simm.s32 @p0 $0x1  }
0x13: {  	[smem:$0x3FAA] =	sst s0;
	s0 =	simm.s32 @!p1 $0x0  }
0x14: {  	s2 =	sld [smem:$0x3F8E];
	s0 =	simm.s32 @p1 $0x1  }
0x15: {  	[smem:$0x3FAB] =	sst s0;
	s0 =	simm.s32 @!p2 $0x0  }
0x16: {  	s3 =	sld [smem:$0x3FDB];
	s0 =	simm.s32 @p2 $0x1  }
0x17: {  	s4 =	simm.s32 $0x1BF5;
	[smem:$0x3FAD] =	sst s0  }
0x18: {  	s0 =	sld [smem:$0x3F90];
	_ =	swait.ge [sflag:s4], $0x0  }
0x19: {  	s7 =	sld [smem:$0x3F91]  }
0x1a: {  	s8 =	sadd.s32 $0xFFFFE003, lr  }
0x1b: {  	s9 =	sadd.s32 $0xFFFFFEF7, lr;
	s5 =	simm.s32 $0xFFFFFFFF;
	p2 =	slt.u32 s8, $0xFFFFF086  }
0x1c: {  	p1 =	slt.u32 s9, $0xF7A;
	s5 =	simm.s32 @!p2 $0x0  }
0x1d: {  	s5 =	simm.s32 @p1 $0x1;
	p0 =	seq.s32 s7, s2  }
0x1e: {  	s7 =	smul.u32 @!p0 $0xF7A, s2;
	p2 =	seq.s32 @!p0 s5, $0x0  }
0x1f: {  	s9 =	smul.u32 $0xF7A, s1;
	s8 =	simm.s32 @!p0 $0x1BF5;
	p2 =	por !p2, p0  }
0x20: {  	[sflag:s8] =	ssyncset.s32 @!p0 $0xFFFFF086;
	s6 =	sadd.s32 @!p0 s3, s7;
	s7 =	simm.s32 @!p0 $0x108  }
0x21: {  	s3 =	sadd.s32 s3, s9;
	s6 =	sadd.s32 @!p0 $0x88, s6;
	s7 =	simm.s32 @p2 $0x1082  }
0x22: {  	[simem:s7], [sflag:s8] =	dma.local @!p0 [hbm:s6], $0xF7A  }
0x23: {  	s9 =	sor.u32 $0xD0000000, s2;
	s6 =	simm.s32 $0x108;
	_ =	swait.ge @!p0 [sflag:s8], $0x0  }
0x24: {  	s3 =	sadd.s32 $0x88, s3;
	s6 =	simm.s32 @!p1 $0x1082;
	[sflag:s4] =	ssyncset.s32 $0xFFFFF086  }
0x25: {  	[simem:s6], [sflag:s4] =	dma.local [hbm:s3], $0xF7A  }
0x26: {  	[smem:$0x3F91] =	sst s1;
	(tag) =	ssettag s2;
	_ =	strace s9  }
0x27: {  	s1 =	sld [smem:$0x3FA1]  }
0x28: {  	s2 =	sld [smem:$0x3FA2]  }
0x29: {  	s4 =	sld [smem:$0x3FA4]  }
0x2a: {  	p0 =	seq.s32 s5, $0x0;
	s5 =	sld [smem:$0x3FA5]  }
0x2b: {  	s6 =	sld [smem:$0x3FA6]  }
0x2c: {  	s7 =	sld [smem:$0x3FA7]  }
0x2d: {  	s3 =	simm.s32 $0x108;
	s8 =	sld [smem:$0x3FA8]  }
0x2e: {  	s3 =	simm.s32 @!p0 $0x1082;
	s9 =	sld [smem:$0x3FA9]  }
0x2f: {  	lr =	sadd.s32 s0, s3;
	s0 =	sld [smem:$0x3FA0]  }
0x30: {  	s3 =	sld [smem:$0x3FA3]  }
0x31: {  	[smem:$0x3FAC] =	sst s10  }
0x32: {  	s10 =	sld [smem:$0x3FAA];
	_ =	sdelay $0x3  }
0x33: {  	p0 =	seq.s32 s10, $0x1;
	s10 =	sld [smem:$0x3FAC];
	_ =	sdelay $0x3  }
0x34: {  	[smem:$0x3FAC] =	sst s10  }
0x35: {  	s10 =	sld [smem:$0x3FAB];
	_ =	sdelay $0x3  }
0x36: {  	p1 =	seq.s32 s10, $0x1;
	s10 =	sld [smem:$0x3FAC];
	_ =	sdelay $0x3  }
0x37: {  	[smem:$0x3FAC] =	sst s10  }
0x38: {  	s10 =	sld [smem:$0x3FAD]  }
0x39: {  	_ = 	snop;
	(pc) =	sbr.ind lr, $3  }
0x3a: {  	_ = 	snop  }
0x3b: {  	_ = 	snop  }
0x3c: {  	p2 =	seq.s32 s10, $0x1;
	s10 =	sld [smem:$0x3FAC]  }
0x3d: {  	_ =	shalt  }
0x3e: {  	_ =	shalt  }
0x3f: {  	_ =	shalt  }
0x40: {  	_ =	shalt  }
0x41: {  	_ =	shalt  }
0x42: {  	_ =	shalt  }
0x43: {  	_ =	shalt  }
0x44: {  	_ =	shalt  }
0x45: {  	_ =	shalt  }
0x46: {  	_ =	shalt  }
0x47: {  	_ =	shalt  }
0x48: {  	_ =	shalt  }
0x49: {  	_ =	shalt  }
0x4a: {  	_ =	shalt  }
0x4b: {  	_ =	shalt  }
0x4c: {  	_ =	shalt  }
0x4d: {  	_ =	shalt  }
0x4e: {  	_ =	shalt  }
0x4f: {  	_ =	shalt  }
0x50: {  	_ =	shalt  }
0x51: {  	_ =	shalt  }
0x52: {  	_ =	shalt  }
0x53: {  	_ =	shalt  }
0x54: {  	_ =	shalt  }
0x55: {  	_ =	shalt  }
0x56: {  	_ =	shalt  }
0x57: {  	_ =	shalt  }
0x58: {  	_ =	shalt  }
0x59: {  	_ =	shalt  }
0x5a: {  	_ =	shalt  }
0x5b: {  	_ =	shalt  }
0x5c: {  	_ =	shalt  }
0x5d: {  	_ =	shalt  }
0x5e: {  	_ =	shalt  }
0x5f: {  	_ =	shalt  }
0x60: {  	_ =	shalt  }
0x61: {  	_ =	shalt  }
0x62: {  	_ =	shalt  }
0x63: {  	_ =	shalt  }
0x64: {  	_ =	shalt  }
0x65: {  	_ =	shalt  }
0x66: {  	_ =	shalt  }
0x67: {  	_ =	shalt  }
0x68: {  	_ =	shalt  }
0x69: {  	_ =	shalt  }
0x6a: {  	_ =	shalt  }
0x6b: {  	_ =	shalt  }
0x6c: {  	_ =	shalt  }
0x6d: {  	_ =	shalt  }
0x6e: {  	_ =	shalt  }
0x6f: {  	_ =	shalt  }
0x70: {  	_ =	shalt  }
0x71: {  	_ =	shalt  }
0x72: {  	_ =	shalt  }
0x73: {  	_ =	shalt  }
0x74: {  	_ =	shalt  }
0x75: {  	_ =	shalt  }
0x76: {  	_ =	shalt  }
0x77: {  	_ =	shalt  }
0x78: {  	_ =	shalt  }
0x79: {  	_ =	shalt  }
0x7a: {  	_ =	shalt  }
0x7b: {  	_ =	shalt  }
0x7c: {  	_ =	shalt  }
0x7d: {  	_ =	shalt  }
0x7e: {  	_ =	shalt  }
0x7f: {  	_ =	shalt  }
0x80: {  	_ =	shalt  }
0x81: {  	_ =	shalt  }
0x82: {  	_ =	shalt  }
0x83: {  	_ =	shalt  }
0x84: {  	_ =	shalt  }
0x85: {  	_ =	shalt  }
0x86: {  	_ =	shalt  }
0x87: {  	_ =	shalt  }
.Lfunc_end0:
.L_simem_size_0:
called_computation.1_lowered:
.L_overlay_start_0:
0x88: {  	s2 =	sld [smem:$0x3FD9]  }
0x89: {  	s3 =	sld [smem:$0x3FFE];
	_ =	sdelay $0x1  }
0x8a: {  	s1 =	srdreg.scid  }
0x8b: {  	s0 =	sand.u32 $0x1, s1  }
0x8c: {  	s17 =	sshll.u32 s0, $0xA;
	s2 =	sadd.s32 s3, s2  }
0x8d: {  	s2 =	sadd.s32 s2, s17  }
0x8e: {  	[smem:$0x3FB8] =	sst s2  }
0x8f: {  	_ = 	snop  }
0x90: {  	s2 =	sld [smem:$0x3FD0];
	(tm) =	ssettm $0x1  }
0x91: {  	s18 =	sld [smem:$0x3FFB];
	_ =	sdelay $0x3  }
0x92: {  	_ =	strace s18  }
0x93: {  	s3 =	sld [smem:$0x3FFC];
	_ =	sdelay $0x3  }
0x94: {  	_ =	strace s3  }
0x95: {  	s3 =	sld [smem:$0x3FFD];
	_ =	sdelay $0x3  }
0x96: {  	_ =	strace s3  }
0x97: {  	_ =	strace $0x8FFFFFFF  }
0x98: {  	s19 =	sld [smem:$0x3FDB];
	_ =	sdelay $0x1  }
0x99: {  	s4 =	simm.s32 $_scs_section_size  }
0x9a: {  	s5 =	simm.s32 $_size__tile_overlayer_lowered;
	s6 =	simm.s32 $_tile_overlayer_lowered  }
0x9b: {  	s22 =	simm.s32 $0x1BFF;
	s21 =	sshll.u32 s6, $0x1;
	s3 =	sadd.s32 s4, s19  }
0x9c: {  	s7 =	simm.s32 $0x0;
	s20 =	sshll.u32 s5, $0x1;
	s5 =	sadd.s32 s21, s3  }
0x9d: {  	[timem:s7], [sflag:s22] =	dma.local [hbm:s5], s20  }
0x9e: {  	_ =	swait.ge [sflag:s22], s20  }
0x9f: {  	s4 =	ssub.s32 $0x0, s20;
	[sflag:s22] =	ssyncset.done $0x0  }
0xa0: {  	[sflag:s22] =	ssyncadd.s32 s4;
	_ =	sdelay $0x1  }
0xa1: {  	s23 =	simm.s32 $0x1B8B  }
0xa2: {  	_ =	swait.ge [sflag:s23], $0x1  }
0xa3: {  	[sflag:s23] =	ssyncset.done $0x0  }
0xa4: {  	s25 =	simm.s32 $0x1B8E;
	s24 =	sld [smem:$0x3FFE];
	[sflag:s23] =	ssyncadd.s32 $0xFFFFFFFF  }
0xa5: {  	s26 =	simm.s32 $execute0_lowered;
	[smem:$0x3FD2] =	sst s25  }
0xa6: {  	s5 =	sshll.u32 s26, $0x1;
	_ =	strace $0x80000049;
	[dreg:$0x1] =	wrdreg $0xFFFFFFFF  }
0xa7: {  	s28 =	simm.s32 $_size_execute0_lowered;
	s3 =	sadd.s32 s3, s5;
	[dreg:$0x0] =	wrdreg $0x0  }
0xa8: {  	s5 =	sshll.u32 s28, $0x1;
	[dreg:$0x2] =	wrdreg s3  }
0xa9: {  	[dreg:$0x3] =	wrdreg s5  }
0xaa: {  	[dreg:$0x4] =	wrdreg $0xC0  }
0xab: {  	_ =	task [dreg:s7], $0x5FFFF  }
0xac: {  	[dreg:$0x1] =	wrdreg $0xFFFFFFFF  }
0xad: {  	[dreg:$0x0] =	wrdreg $0x60  }
0xae: {  	[dreg:$0x2] =	wrdreg s24  }
0xaf: {  	[dreg:$0x3] =	wrdreg s2  }
0xb0: {  	[dreg:$0x4] =	wrdreg $0x9  }
0xb1: {  	_ =	task.clear_ibuf [dreg:s7], $0x5FFFF;
	_ =	strace $0x90000049  }
0xb2: {  	s29 =	simm.s32 $0x9;
	_ =	strace $0x8000004B  }
0xb3: {  	_ =	swait.ge [sflag:s29], $0x1  }
0xb4: {  	[sflag:s29] =	ssyncadd.s32 $0xFFFFFFFF  }
0xb5: {  	_ =	strace $0x9000004B  }
0xb6: {  	_ =	sfence  }
0xb7: {  	s30 =	sld [smem:$0x0];
	_ =	sdelay $0x2  }
0xb8: {  	s31 =	sshll.u32 s1, $0xD;
	s1 =	sshrl.u32 s1, $0x2  }
0xb9: {  	s3 =	sand.u32 $0x4000, s31;
	s1 =	sadd.s32 s1, s30  }
0xba: {  	s0 =	sor.u32 s3, s0;
	s1 =	sshll.u32 s1, $0x11  }
0xbb: {  	s0 =	sor.u32 s1, s0  }
0xbc: {  	s0 =	sadd.s32 $0x8F2B, s0  }
0xbd: {  	[sflag:s0] =	ssyncadd.remote.s32 $0x1  }
0xbe: {  	_ =	sfence.sel $0xFFFF  }
0xbf: {  	[dreg:$0x0] =	wrdreg $0xFFFFFFFF;
	(pc) =	sbr.abs _section_cstart, $3  }
0xc0: {  	[dreg:$0x1] =	wrdreg $0xFFFFFFFF  }
0xc1: {  	_ =	task.clear_ibuf [dreg:s7], $0x2FFFF;
	_ =	strace $0x9FFFFFFF  }
0xc2: {  	(tm) =	ssettm $0x7FFFFFFF  }
0xc3: {  	_ =	shalt  }
tec
execute0_lowered:
.L_overlay_start_1:
0x0: {  	(tag) =	ssettag $0x1  }
0x1: {  	s0 =	rddreg [dreg:$0x0]  }
0x2: {  	s2 =	rddreg [dreg:$0x1];
	s1 =	simm.s32 $0x0;
	s4 =	srdreg.scid  }
0x3: {  	s7 =	stileid.u32;
	s16 =	simm.s32 $0x2;
	s17 =	simm.s32 $0x80  }
0x4: {  	s18 =	simm.s32 $0x9880;
	s19 =	simm.s32 $0xA880;
	s20 =	simm.s32 $0xB880  }
0x5: {  	s21 =	simm.s32 $0xC080;
	s13 =	simm.s32 $0xC880;
	s14 =	simm.s32 $0xD880  }
0x6: {  	s15 =	simm.s32 $0xE880;
	s28 =	simm.s32 $0x0;
	[smem:$0x7FF] =	sst s1  }
0x7: {  	s5 =	sadd.s32 $0xC3600, s0;
	s8 =	sadd.s32 $0xC3800, s0;
	s3 =	sadd.s32 $0x104E00, s0  }
0x8: {  	s4 =	sand.u32 $0x1, s4;
	s7 =	sshll.u32 s7, $0x6;
	s9 =	sadd.s32 $0xC4E00, s0  }
0x9: {  	_ =	strace $0x8000004A;
	s6 =	ssub.s32 $0x2, s4;
	s4 =	sshll.u32 s4, $0xA  }
0xa: {  	s10 =	sshrl.u32 s6, $0x1;
	s11 =	sor.u32 s7, s4;
	s4 =	sadd.s32 $0x104F00, s0  }
0xb: {  	s7 =	sadd.s32 $0x105100, s0;
	s10 =	ssub.s32 s6, s10;
	s12 =	sshrl.u32 s11, $0x3  }
0xc: {  	s6 =	sadd.s32 $0x105000, s0;
	s24 =	sshll.u32 s11, $0x7;
	s11 =	sor.u32 $0x20, s11  }
0xd: {  	s22 =	sadd.s32 s5, s12;
	s23 =	sadd.s32 s8, s12;
	s25 =	sadd.s32 s9, s24  }
0xe: {  	s0 =	sadd.s32 s2, s24;
	s26 =	sshrl.u32 s11, $0x3;
	[dreg:$0x3] =	wrdreg s22  }
0xf: {  	s29 =	sshll.u32 s11, $0x7;
	s31 =	smax.u32 s10, $0x1;
	[dreg:$0x4] =	wrdreg s23  }
0x10: {  	s10 =	simm.s32 $0x9080;
	s11 =	simm.s32 $0xA080;
	[dreg:$0x5] =	wrdreg s25  }
0x11: {  	s12 =	simm.s32 $0xB080;
	s24 =	simm.s32 $0xF080;
	[dreg:$0x6] =	wrdreg s0  }
0x12: {  	s5 =	sadd.s32 s5, s26;
	s0 =	sadd.s32 s8, s26;
	[dreg:$0xb] =	wrdreg s31  }
0x13: {  	s30 =	sadd.s32 s9, s29;
	s9 =	simm.s32 $0x8880;
	[dreg:$0x7] =	wrdreg s5  }
0x14: {  	v2 =	vlaneseq.u32;
	s22 =	simm.s32 $0xD080;
	s23 =	simm.s32 $0xE080;
	[dreg:$0x8] =	wrdreg s0  }
0x15: {  	vm0 =	vmmov $0xffff;
	v1 =	vshrl.u32 v2, $0x3;
	s25 =	simm.s32 $0xF880;
	[dreg:$0x9] =	wrdreg s30;
	s0 =	sadd.s32 s2, s29  }
0x16: {  	v0 =	vand.u32 $0x7, v2;
	v2 =	vor.u32 $0x8, v2;
	v1 =	vmul.u32 $0x8, v1;
	s26 =	simm.s32 $0x10080;
	s5 =	simm.s32 $0x1;
	[dreg:$0xa] =	wrdreg s0  }
.LBB2_1:
0x17: {  	s0 =	rddreg [dreg:$0x3]  }
0x18: {  	[tilespmem:s1], [sflag:$0x2] =	stream.linear.gather [hbm4b:s0+s1], $0x20, $0x38;
	[tilespmem:$0x18080] =	vst v63  }
0x19: {  	_ =	swait.ge [sflag:s16], $0x20  }
0x1a: {  	[sflag:s16] =	ssyncset.done $0x0  }
0x1b: {  	[sflag:s16] =	ssyncadd.s32 $0xFFFFFFE0  }
0x1c: {  	v3 =	vld [tilespmem:$0x0];
	_ =	sdelay $0x4  }
0x1d: {  	v4 =	vshll.u32 v3, $0x3  }
0x1e: {  	v3 =	vand.u32 $0x7, v3;
	v4 =	vand.u32 $0xFFFFFFC0, v4  }
0x1f: {  	v3 =	vor.u32 v3, v4  }
0x20: {  	v4 =	vperm.xlane v3, v0;
	_ =	sdelay $0x1  }
0x21: {  	v4 =	vadd.s32 v1, v4;
	_ =	sdelay $0x4  }
0x22: {  	[tilespmem:s17], [sflag:$0x1] =	stream.indirect_vreg.gather [hbm4b:s3+s1], $0x80, v4, vm0, $0xb8;
	[tilespmem:$0x18080] =	vst v63  }
0x23: {  	s2 =	simm.s32 $0x880;
	v3 =	vperm.xlane v3, v2  }
0x24: {  	[tilespmem:s2], [sflag:$0x1] =	stream.indirect_vreg.gather [hbm4b:s4+s1], $0x80, v4, vm0, $0xb8;
	[tilespmem:$0x18080] =	vst v63  }
0x25: {  	s8 =	simm.s32 $0x1080;
	v3 =	vadd.s32 v1, v3  }
0x26: {  	[tilespmem:s8], [sflag:$0x1] =	stream.indirect_vreg.gather [hbm4b:s6+s1], $0x80, v4, vm0, $0xb8;
	[tilespmem:$0x18080] =	vst v63  }
0x27: {  	s2 =	simm.s32 $0x1880  }
0x28: {  	[tilespmem:s2], [sflag:$0x1] =	stream.indirect_vreg.gather [hbm4b:s7+s1], $0x80, v4, vm0, $0xb8;
	[tilespmem:$0x18080] =	vst v63  }
0x29: {  	s8 =	simm.s32 $0x2080  }
0x2a: {  	[tilespmem:s8], [sflag:$0x1] =	stream.indirect_vreg.gather [hbm4b:s3+s1], $0x80, v3, vm0, $0xb8;
	[tilespmem:$0x18080] =	vst v63  }
0x2b: {  	s2 =	simm.s32 $0x2880  }
0x2c: {  	[tilespmem:s2], [sflag:$0x1] =	stream.indirect_vreg.gather [hbm4b:s4+s1], $0x80, v3, vm0, $0xb8;
	[tilespmem:$0x18080] =	vst v63  }
0x2d: {  	s8 =	simm.s32 $0x3080  }
0x2e: {  	[tilespmem:s8], [sflag:$0x1] =	stream.indirect_vreg.gather [hbm4b:s6+s1], $0x80, v3, vm0, $0xb8;
	[tilespmem:$0x18080] =	vst v63  }
0x2f: {  	s2 =	simm.s32 $0x3880  }
0x30: {  	[tilespmem:s2], [sflag:$0x1] =	stream.indirect_vreg.gather [hbm4b:s7+s1], $0x80, v3, vm0, $0xb8;
	[tilespmem:$0x18080] =	vst v63  }
0x31: {  	v3 =	vld [tilespmem:$0x10];
	_ =	sdelay $0x4  }
0x32: {  	v4 =	vshll.u32 v3, $0x3  }
0x33: {  	v3 =	vand.u32 $0x7, v3;
	v4 =	vand.u32 $0xFFFFFFC0, v4  }
0x34: {  	v3 =	vor.u32 v3, v4  }
0x35: {  	v4 =	vperm.xlane v3, v0;
	_ =	sdelay $0x1  }
0x36: {  	v4 =	vadd.s32 v1, v4;
	_ =	sdelay $0x3  }
0x37: {  	s8 =	simm.s32 $0x4080  }
0x38: {  	[tilespmem:s8], [sflag:$0x1] =	stream.indirect_vreg.gather [hbm4b:s3+s1], $0x80, v4, vm0, $0xb8;
	[tilespmem:$0x18080] =	vst v63  }
0x39: {  	s2 =	simm.s32 $0x4880;
	v3 =	vperm.xlane v3, v2  }
0x3a: {  	[tilespmem:s2], [sflag:$0x1] =	stream.indirect_vreg.gather [hbm4b:s4+s1], $0x80, v4, vm0, $0xb8;
	[tilespmem:$0x18080] =	vst v63  }
0x3b: {  	v3 =	vadd.s32 v1, v3;
	s8 =	simm.s32 $0x5080  }
0x3c: {  	[tilespmem:s8], [sflag:$0x1] =	stream.indirect_vreg.gather [hbm4b:s6+s1], $0x80, v4, vm0, $0xb8;
	[tilespmem:$0x18080] =	vst v63  }
0x3d: {  	s2 =	simm.s32 $0x5880  }
0x3e: {  	[tilespmem:s2], [sflag:$0x1] =	stream.indirect_vreg.gather [hbm4b:s7+s1], $0x80, v4, vm0, $0xb8;
	[tilespmem:$0x18080] =	vst v63  }
0x3f: {  	s8 =	simm.s32 $0x6080  }
0x40: {  	[tilespmem:s8], [sflag:$0x1] =	stream.indirect_vreg.gather [hbm4b:s3+s1], $0x80, v3, vm0, $0xb8;
	[tilespmem:$0x18080] =	vst v63  }
0x41: {  	s2 =	simm.s32 $0x6880  }
0x42: {  	[tilespmem:s2], [sflag:$0x1] =	stream.indirect_vreg.gather [hbm4b:s4+s1], $0x80, v3, vm0, $0xb8;
	[tilespmem:$0x18080] =	vst v63  }
0x43: {  	s8 =	simm.s32 $0x7080  }
0x44: {  	[tilespmem:s8], [sflag:$0x1] =	stream.indirect_vreg.gather [hbm4b:s6+s1], $0x80, v3, vm0, $0xb8;
	[tilespmem:$0x18080] =	vst v63  }
0x45: {  	s2 =	simm.s32 $0x7880  }
0x46: {  	[tilespmem:s2], [sflag:$0x1] =	stream.indirect_vreg.gather [hbm4b:s7+s1], $0x80, v3, vm0, $0xb8;
	[tilespmem:$0x18080] =	vst v63  }
0x47: {  	_ =	swait.ge [sflag:s5], $0x8000  }
0x48: {  	[sflag:s5] =	ssyncset.done $0x0  }
0x49: {  	s8 =	rddreg [dreg:$0x4];
	[sflag:s5] =	ssyncadd.s32 $0xFFFF8000  }
0x4a: {  	[tilespmem:s1], [sflag:$0x2] =	stream.linear.gather [hbm4b:s8+s1], $0x20, $0x38;
	[tilespmem:$0x18080] =	vst v63  }
0x4b: {  	_ =	swait.ge [sflag:s16], $0x20  }
0x4c: {  	[sflag:s16] =	ssyncset.done $0x0  }
0x4d: {  	[sflag:s16] =	ssyncadd.s32 $0xFFFFFFE0  }
0x4e: {  	v3 =	vld [tilespmem:$0x0];
	_ =	sdelay $0x4  }
0x4f: {  	v4 =	vshll.u32 v3, $0x3  }
0x50: {  	v3 =	vand.u32 $0x7, v3;
	v4 =	vand.u32 $0xFFFFFFC0, v4  }
0x51: {  	v3 =	vor.u32 v3, v4  }
0x52: {  	v4 =	vperm.xlane v3, v0;
	_ =	sdelay $0x1  }
0x53: {  	v4 =	vadd.s32 v1, v4;
	_ =	sdelay $0x3  }
0x54: {  	s2 =	simm.s32 $0x8080  }
0x55: {  	[tilespmem:s2], [sflag:$0x1] =	stream.indirect_vreg.gather [hbm4b:s3+s1], $0x80, v4, vm0, $0xb8;
	[tilespmem:$0x18080] =	vst v63  }
0x56: {  	v3 =	vperm.xlane v3, v2  }
0x57: {  	[tilespmem:s9], [sflag:$0x1] =	stream.indirect_vreg.gather [hbm4b:s4+s1], $0x80, v4, vm0, $0xb8;
	[tilespmem:$0x18080] =	vst v63  }
0x58: {  	v3 =	vadd.s32 v1, v3  }
0x59: {  	[tilespmem:s10], [sflag:$0x1] =	stream.indirect_vreg.gather [hbm4b:s6+s1], $0x80, v4, vm0, $0xb8;
	[tilespmem:$0x18080] =	vst v63  }
0x5a: {  	_ = 	snop  }
0x5b: {  	[tilespmem:s18], [sflag:$0x1] =	stream.indirect_vreg.gather [hbm4b:s7+s1], $0x80, v4, vm0, $0xb8;
	[tilespmem:$0x18080] =	vst v63  }
0x5c: {  	_ = 	snop  }
0x5d: {  	[tilespmem:s11], [sflag:$0x1] =	stream.indirect_vreg.gather [hbm4b:s3+s1], $0x80, v3, vm0, $0xb8;
	[tilespmem:$0x18080] =	vst v63  }
0x5e: {  	_ = 	snop  }
0x5f: {  	[tilespmem:s19], [sflag:$0x1] =	stream.indirect_vreg.gather [hbm4b:s4+s1], $0x80, v3, vm0, $0xb8;
	[tilespmem:$0x18080] =	vst v63  }
0x60: {  	_ = 	snop  }
0x61: {  	[tilespmem:s12], [sflag:$0x1] =	stream.indirect_vreg.gather [hbm4b:s6+s1], $0x80, v3, vm0, $0xb8;
	[tilespmem:$0x18080] =	vst v63  }
0x62: {  	_ = 	snop  }
0x63: {  	[tilespmem:s20], [sflag:$0x1] =	stream.indirect_vreg.gather [hbm4b:s7+s1], $0x80, v3, vm0, $0xb8;
	[tilespmem:$0x18080] =	vst v63  }
0x64: {  	v3 =	vld [tilespmem:$0x10];
	_ =	sdelay $0x4  }
0x65: {  	v4 =	vshll.u32 v3, $0x3  }
0x66: {  	v3 =	vand.u32 $0x7, v3;
	v4 =	vand.u32 $0xFFFFFFC0, v4  }
0x67: {  	v3 =	vor.u32 v3, v4  }
0x68: {  	v4 =	vperm.xlane v3, v0;
	_ =	sdelay $0x1  }
0x69: {  	v4 =	vadd.s32 v1, v4;
	_ =	sdelay $0x4  }
0x6a: {  	[tilespmem:s21], [sflag:$0x1] =	stream.indirect_vreg.gather [hbm4b:s3+s1], $0x80, v4, vm0, $0xb8;
	[tilespmem:$0x18080] =	vst v63  }
0x6b: {  	v3 =	vperm.xlane v3, v2  }
0x6c: {  	[tilespmem:s13], [sflag:$0x1] =	stream.indirect_vreg.gather [hbm4b:s4+s1], $0x80, v4, vm0, $0xb8;
	[tilespmem:$0x18080] =	vst v63  }
0x6d: {  	v3 =	vadd.s32 v1, v3  }
0x6e: {  	[tilespmem:s22], [sflag:$0x1] =	stream.indirect_vreg.gather [hbm4b:s6+s1], $0x80, v4, vm0, $0xb8;
	[tilespmem:$0x18080] =	vst v63  }
0x6f: {  	_ = 	snop  }
0x70: {  	[tilespmem:s14], [sflag:$0x1] =	stream.indirect_vreg.gather [hbm4b:s7+s1], $0x80, v4, vm0, $0xb8;
	[tilespmem:$0x18080] =	vst v63  }
0x71: {  	_ = 	snop  }
0x72: {  	[tilespmem:s23], [sflag:$0x1] =	stream.indirect_vreg.gather [hbm4b:s3+s1], $0x80, v3, vm0, $0xb8;
	[tilespmem:$0x18080] =	vst v63  }
0x73: {  	_ = 	snop  }
0x74: {  	[tilespmem:s15], [sflag:$0x1] =	stream.indirect_vreg.gather [hbm4b:s4+s1], $0x80, v3, vm0, $0xb8;
	[tilespmem:$0x18080] =	vst v63  }
0x75: {  	_ = 	snop  }
0x76: {  	[tilespmem:s24], [sflag:$0x1] =	stream.indirect_vreg.gather [hbm4b:s6+s1], $0x80, v3, vm0, $0xb8;
	[tilespmem:$0x18080] =	vst v63  }
0x77: {  	_ = 	snop  }
0x78: {  	[tilespmem:s25], [sflag:$0x1] =	stream.indirect_vreg.gather [hbm4b:s7+s1], $0x80, v3, vm0, $0xb8;
	[tilespmem:$0x18080] =	vst v63  }
0x79: {  	_ =	swait.ge [sflag:s5], $0x8000  }
0x7a: {  	s29 =	simm.s32 $0x0;
	[sflag:s5] =	ssyncset.done $0x0  }
0x7b: {  	s30 =	sand.u32 $0x1C00, s1;
	s8 =	rddreg [dreg:$0x5];
	[sflag:s5] =	ssyncadd.s32 $0xFFFF8000  }
0x7c: {  	[tilespmem:s26], [sflag:$0x2] =	stream.linear.gather [hbm4b:s8+s1], $0x8000, $0x38;
	[tilespmem:$0x18080] =	vst v63  }
0x7d: {  	s31 =	simm.s32 $0x0;
	s29 =	sand.u32 $0x6000, s29;
	_ =	swait.ge [sflag:s16], $0x8000  }
0x7e: {  	s29 =	sor.u32 s30, s29;
	s30 =	sand.u32 $0x380, s31;
	[sflag:s16] =	ssyncset.done $0x0  }
0x7f: {  	s29 =	sor.u32 s30, s29;
	[sflag:s16] =	ssyncadd.s32 $0xFFFF8000  }
0x80: {  	v8 =	vld [tilespmem:s29+$0x10080]  }
0x81: {  	v7 =	vld [tilespmem:s29+$0x10090]  }
0x82: {  	v6 =	vld [tilespmem:s29+$0x100A0]  }
0x83: {  	v5 =	vld [tilespmem:s29+$0x100B0]  }
0x84: {  	v4 =	vld [tilespmem:s29+$0x100C0]  }
0x85: {  	v3 =	vld [tilespmem:s29+$0x100D0]  }
0x86: {  	v16 =	vld [tilespmem:s29+$0x8080]  }
0x87: {  	v15 =	vld [tilespmem:s29+$0x8090]  }
0x88: {  	v14 =	vld [tilespmem:s29+$0x80A0]  }
0x89: {  	v13 =	vld [tilespmem:s29+$0x80B0]  }
0x8a: {  	v12 =	vld [tilespmem:s29+$0x80C0]  }
0x8b: {  	v11 =	vld [tilespmem:s29+$0x80D0]  }
0x8c: {  	v10 =	vld [tilespmem:s29+$0x80E0]  }
0x8d: {  	v9 =	vld [tilespmem:s29+$0x80F0]  }
0x8e: {  	v20 =	vld [tilespmem:s29+$0x80]  }
0x8f: {  	v19 =	vld [tilespmem:s29+$0x90]  }
0x90: {  	v18 =	vld [tilespmem:s29+$0xA0]  }
0x91: {  	s31 =	simm.s32 $0x0;
	s30 =	simm.s32 $0x1;
	v17 =	vld [tilespmem:s29+$0xB0]  }
.LBB2_2:
0x92: {  	p0 =	sne.s32 s30, $0xFF;
	v21 =	vld [tilespmem:s29+$0xC0]  }
0x93: {  	v16 =	vadd.f32 v16, v20;
	v20 =	vld [tilespmem:s29+$0xD0]  }
0x94: {  	s0 =	sshll.u32 s30, $0x7;
	s31 =	sadd.s32 $0x400, s31;
	v15 =	vadd.f32 v15, v19;
	v19 =	vld [tilespmem:s29+$0xE0]  }
0x95: {  	s8 =	sshll.u32 s30, $0x4;
	s0 =	sand.u32 $0x6000, s0;
	s2 =	sand.u32 $0x1C00, s31;
	v8 =	vadd.f32 v8, v16;
	v14 =	vadd.f32 v14, v18;
	v16 =	vld [tilespmem:s29+$0xF0]  }
0x96: {  	s0 =	sor.u32 s2, s0;
	s2 =	sand.u32 $0x380, s8;
	v7 =	vadd.f32 v7, v15;
	v13 =	vadd.f32 v13, v17;
	v15 =	vld [tilespmem:s29+$0x100E0]  }
0x97: {  	s0 =	sor.u32 s2, s0;
	[tilespmem:s29+$0x80] =	vst v8;
	v6 =	vadd.f32 v6, v14;
	v12 =	vadd.f32 v12, v21;
	v14 =	vld [tilespmem:s29+$0x100F0]  }
0x98: {  	v8 =	vld [tilespmem:s0+$0x10080];
	[tilespmem:s29+$0x90] =	vst v7;
	v5 =	vadd.f32 v5, v13;
	v11 =	vadd.f32 v11, v20  }
0x99: {  	v7 =	vld [tilespmem:s0+$0x10090];
	[tilespmem:s29+$0xA0] =	vst v6;
	v4 =	vadd.f32 v4, v12;
	v10 =	vadd.f32 v10, v19  }
0x9a: {  	v6 =	vld [tilespmem:s0+$0x100A0];
	[tilespmem:s29+$0xB0] =	vst v5;
	v3 =	vadd.f32 v3, v11;
	v9 =	vadd.f32 v9, v16  }
0x9b: {  	v5 =	vld [tilespmem:s0+$0x100B0];
	[tilespmem:s29+$0xC0] =	vst v4;
	v10 =	vadd.f32 v15, v10  }
0x9c: {  	v4 =	vld [tilespmem:s0+$0x100C0];
	[tilespmem:s29+$0xD0] =	vst v3;
	v9 =	vadd.f32 v14, v9  }
0x9d: {  	v3 =	vld [tilespmem:s0+$0x100D0];
	[tilespmem:s29+$0xE0] =	vst v10  }
0x9e: {  	v16 =	vld [tilespmem:s0+$0x8080];
	[tilespmem:s29+$0xF0] =	vst v9;
	s29 =	smov.u32 s0  }
0x9f: {  	v15 =	vld [tilespmem:s29+$0x8090]  }
0xa0: {  	v14 =	vld [tilespmem:s29+$0x80A0]  }
0xa1: {  	v13 =	vld [tilespmem:s29+$0x80B0]  }
0xa2: {  	v12 =	vld [tilespmem:s29+$0x80C0]  }
0xa3: {  	v11 =	vld [tilespmem:s29+$0x80D0]  }
0xa4: {  	v10 =	vld [tilespmem:s29+$0x80E0]  }
.Ltmp0:
0xa5: {  	v9 =	vld [tilespmem:s29+$0x80F0];
	(pc) =	sbr.rel @p0 .LBB2_2-.Ltmp0, $4  }
0xa6: {  	v20 =	vld [tilespmem:s29+$0x80]  }
0xa7: {  	v19 =	vld [tilespmem:s29+$0x90]  }
0xa8: {  	v18 =	vld [tilespmem:s29+$0xA0]  }
0xa9: {  	s30 =	sadd.s32 $0x1, s30;
	v17 =	vld [tilespmem:s29+$0xB0]  }
0xaa: {  	v21 =	vld [tilespmem:s29+$0xC0]  }
0xab: {  	v16 =	vadd.f32 v16, v20;
	v20 =	vld [tilespmem:s29+$0xD0]  }
0xac: {  	v22 =	vld [tilespmem:s29+$0xE0];
	v15 =	vadd.f32 v15, v19  }
0xad: {  	v8 =	vadd.f32 v8, v16;
	v16 =	vld [tilespmem:s29+$0xF0];
	v14 =	vadd.f32 v14, v18  }
0xae: {  	v18 =	vld [tilespmem:s29+$0x100E0];
	v7 =	vadd.f32 v7, v15;
	v13 =	vadd.f32 v13, v17  }
0xaf: {  	[tilespmem:s29+$0x80] =	vst v8;
	v6 =	vadd.f32 v6, v14;
	v8 =	vadd.f32 v12, v21;
	v12 =	vld [tilespmem:s29+$0x100F0]  }
0xb0: {  	[tilespmem:s29+$0x90] =	vst v7;
	v5 =	vadd.f32 v5, v13;
	v7 =	vadd.f32 v11, v20  }
0xb1: {  	[tilespmem:s29+$0xA0] =	vst v6;
	v4 =	vadd.f32 v4, v8;
	v6 =	vadd.f32 v10, v22  }
0xb2: {  	[tilespmem:s29+$0xB0] =	vst v5;
	v3 =	vadd.f32 v3, v7;
	v5 =	vadd.f32 v9, v16  }
0xb3: {  	[tilespmem:s29+$0xC0] =	vst v4;
	v4 =	vadd.f32 v18, v6  }
0xb4: {  	[tilespmem:s29+$0xD0] =	vst v3;
	v3 =	vadd.f32 v12, v5  }
0xb5: {  	[tilespmem:s29+$0xE0] =	vst v4  }
0xb6: {  	s0 =	rddreg [dreg:$0x6];
	[tilespmem:s29+$0xF0] =	vst v3;
	s29 =	simm.s32 $0x0  }
0xb7: {  	[hbm4b:s0+s29] =	stream.linear.scatter [tilespmem:s17], [sflag:$0x2], $0x8000, $0x38;
	[tilespmem:$0x18080] =	vst v63  }
0xb8: {  	_ =	swait.ge [sflag:s16], $0x8000  }
0xb9: {  	[sflag:s16] =	ssyncset.done $0x0  }
0xba: {  	s8 =	rddreg [dreg:$0x7];
	[sflag:s16] =	ssyncadd.s32 $0xFFFF8000  }
0xbb: {  	[tilespmem:s29], [sflag:$0x2] =	stream.linear.gather [hbm4b:s8+s29], $0x20, $0x38;
	[tilespmem:$0x18080] =	vst v63  }
0xbc: {  	_ =	swait.ge [sflag:s16], $0x20  }
0xbd: {  	[sflag:s16] =	ssyncset.done $0x0  }
0xbe: {  	[sflag:s16] =	ssyncadd.s32 $0xFFFFFFE0  }
0xbf: {  	v3 =	vld [tilespmem:$0x0];
	_ =	sdelay $0x4  }
0xc0: {  	v4 =	vshll.u32 v3, $0x3  }
0xc1: {  	v3 =	vand.u32 $0x7, v3;
	v4 =	vand.u32 $0xFFFFFFC0, v4  }
0xc2: {  	v3 =	vor.u32 v3, v4  }
0xc3: {  	v4 =	vperm.xlane v3, v0;
	_ =	sdelay $0x1  }
0xc4: {  	v4 =	vadd.s32 v1, v4;
	_ =	sdelay $0x4  }
0xc5: {  	[tilespmem:s17], [sflag:$0x1] =	stream.indirect_vreg.gather [hbm4b:s3+s29], $0x80, v4, vm0, $0xb8;
	[tilespmem:$0x18080] =	vst v63  }
0xc6: {  	s2 =	simm.s32 $0x880;
	v3 =	vperm.xlane v3, v2  }
0xc7: {  	[tilespmem:s2], [sflag:$0x1] =	stream.indirect_vreg.gather [hbm4b:s4+s29], $0x80, v4, vm0, $0xb8;
	[tilespmem:$0x18080] =	vst v63  }
0xc8: {  	s8 =	simm.s32 $0x1080;
	v3 =	vadd.s32 v1, v3  }
0xc9: {  	[tilespmem:s8], [sflag:$0x1] =	stream.indirect_vreg.gather [hbm4b:s6+s29], $0x80, v4, vm0, $0xb8;
	[tilespmem:$0x18080] =	vst v63  }
0xca: {  	s2 =	simm.s32 $0x1880  }
0xcb: {  	[tilespmem:s2], [sflag:$0x1] =	stream.indirect_vreg.gather [hbm4b:s7+s29], $0x80, v4, vm0, $0xb8;
	[tilespmem:$0x18080] =	vst v63  }
0xcc: {  	s8 =	simm.s32 $0x2080  }
0xcd: {  	[tilespmem:s8], [sflag:$0x1] =	stream.indirect_vreg.gather [hbm4b:s3+s29], $0x80, v3, vm0, $0xb8;
	[tilespmem:$0x18080] =	vst v63  }
0xce: {  	s2 =	simm.s32 $0x2880  }
0xcf: {  	[tilespmem:s2], [sflag:$0x1] =	stream.indirect_vreg.gather [hbm4b:s4+s29], $0x80, v3, vm0, $0xb8;
	[tilespmem:$0x18080] =	vst v63  }
0xd0: {  	s8 =	simm.s32 $0x3080  }
0xd1: {  	[tilespmem:s8], [sflag:$0x1] =	stream.indirect_vreg.gather [hbm4b:s6+s29], $0x80, v3, vm0, $0xb8;
	[tilespmem:$0x18080] =	vst v63  }
0xd2: {  	s2 =	simm.s32 $0x3880  }
0xd3: {  	[tilespmem:s2], [sflag:$0x1] =	stream.indirect_vreg.gather [hbm4b:s7+s29], $0x80, v3, vm0, $0xb8;
	[tilespmem:$0x18080] =	vst v63  }
0xd4: {  	v3 =	vld [tilespmem:$0x10];
	_ =	sdelay $0x4  }
0xd5: {  	v4 =	vshll.u32 v3, $0x3  }
0xd6: {  	v3 =	vand.u32 $0x7, v3;
	v4 =	vand.u32 $0xFFFFFFC0, v4  }
0xd7: {  	v3 =	vor.u32 v3, v4  }
0xd8: {  	v4 =	vperm.xlane v3, v0;
	_ =	sdelay $0x1  }
0xd9: {  	v4 =	vadd.s32 v1, v4;
	_ =	sdelay $0x3  }
0xda: {  	s8 =	simm.s32 $0x4080  }
0xdb: {  	[tilespmem:s8], [sflag:$0x1] =	stream.indirect_vreg.gather [hbm4b:s3+s29], $0x80, v4, vm0, $0xb8;
	[tilespmem:$0x18080] =	vst v63  }
0xdc: {  	s2 =	simm.s32 $0x4880;
	v3 =	vperm.xlane v3, v2  }
0xdd: {  	[tilespmem:s2], [sflag:$0x1] =	stream.indirect_vreg.gather [hbm4b:s4+s29], $0x80, v4, vm0, $0xb8;
	[tilespmem:$0x18080] =	vst v63  }
0xde: {  	v3 =	vadd.s32 v1, v3;
	s8 =	simm.s32 $0x5080  }
0xdf: {  	[tilespmem:s8], [sflag:$0x1] =	stream.indirect_vreg.gather [hbm4b:s6+s29], $0x80, v4, vm0, $0xb8;
	[tilespmem:$0x18080] =	vst v63  }
0xe0: {  	s2 =	simm.s32 $0x5880  }
0xe1: {  	[tilespmem:s2], [sflag:$0x1] =	stream.indirect_vreg.gather [hbm4b:s7+s29], $0x80, v4, vm0, $0xb8;
	[tilespmem:$0x18080] =	vst v63  }
0xe2: {  	s8 =	simm.s32 $0x6080  }
0xe3: {  	[tilespmem:s8], [sflag:$0x1] =	stream.indirect_vreg.gather [hbm4b:s3+s29], $0x80, v3, vm0, $0xb8;
	[tilespmem:$0x18080] =	vst v63  }
0xe4: {  	s2 =	simm.s32 $0x6880  }
0xe5: {  	[tilespmem:s2], [sflag:$0x1] =	stream.indirect_vreg.gather [hbm4b:s4+s29], $0x80, v3, vm0, $0xb8;
	[tilespmem:$0x18080] =	vst v63  }
0xe6: {  	s8 =	simm.s32 $0x7080  }
0xe7: {  	[tilespmem:s8], [sflag:$0x1] =	stream.indirect_vreg.gather [hbm4b:s6+s29], $0x80, v3, vm0, $0xb8;
	[tilespmem:$0x18080] =	vst v63  }
0xe8: {  	s2 =	simm.s32 $0x7880  }
0xe9: {  	[tilespmem:s2], [sflag:$0x1] =	stream.indirect_vreg.gather [hbm4b:s7+s29], $0x80, v3, vm0, $0xb8;
	[tilespmem:$0x18080] =	vst v63  }
0xea: {  	_ =	swait.ge [sflag:s5], $0x8000  }
0xeb: {  	[sflag:s5] =	ssyncset.done $0x0  }
0xec: {  	s8 =	rddreg [dreg:$0x8];
	[sflag:s5] =	ssyncadd.s32 $0xFFFF8000  }
0xed: {  	[tilespmem:s29], [sflag:$0x2] =	stream.linear.gather [hbm4b:s8+s29], $0x20, $0x38;
	[tilespmem:$0x18080] =	vst v63  }
0xee: {  	_ =	swait.ge [sflag:s16], $0x20  }
0xef: {  	[sflag:s16] =	ssyncset.done $0x0  }
0xf0: {  	[sflag:s16] =	ssyncadd.s32 $0xFFFFFFE0  }
0xf1: {  	v3 =	vld [tilespmem:$0x0];
	_ =	sdelay $0x4  }
0xf2: {  	v4 =	vshll.u32 v3, $0x3  }
0xf3: {  	v3 =	vand.u32 $0x7, v3;
	v4 =	vand.u32 $0xFFFFFFC0, v4  }
0xf4: {  	v3 =	vor.u32 v3, v4  }
0xf5: {  	v4 =	vperm.xlane v3, v0;
	_ =	sdelay $0x1  }
0xf6: {  	v4 =	vadd.s32 v1, v4;
	_ =	sdelay $0x3  }
0xf7: {  	s2 =	simm.s32 $0x8080  }
0xf8: {  	[tilespmem:s2], [sflag:$0x1] =	stream.indirect_vreg.gather [hbm4b:s3+s29], $0x80, v4, vm0, $0xb8;
	[tilespmem:$0x18080] =	vst v63  }
0xf9: {  	v3 =	vperm.xlane v3, v2  }
0xfa: {  	[tilespmem:s9], [sflag:$0x1] =	stream.indirect_vreg.gather [hbm4b:s4+s29], $0x80, v4, vm0, $0xb8;
	[tilespmem:$0x18080] =	vst v63  }
0xfb: {  	v3 =	vadd.s32 v1, v3  }
0xfc: {  	[tilespmem:s10], [sflag:$0x1] =	stream.indirect_vreg.gather [hbm4b:s6+s29], $0x80, v4, vm0, $0xb8;
	[tilespmem:$0x18080] =	vst v63  }
0xfd: {  	_ = 	snop  }
0xfe: {  	[tilespmem:s18], [sflag:$0x1] =	stream.indirect_vreg.gather [hbm4b:s7+s29], $0x80, v4, vm0, $0xb8;
	[tilespmem:$0x18080] =	vst v63  }
0xff: {  	_ = 	snop  }
0x100: {  	[tilespmem:s11], [sflag:$0x1] =	stream.indirect_vreg.gather [hbm4b:s3+s29], $0x80, v3, vm0, $0xb8;
	[tilespmem:$0x18080] =	vst v63  }
0x101: {  	_ = 	snop  }
0x102: {  	[tilespmem:s19], [sflag:$0x1] =	stream.indirect_vreg.gather [hbm4b:s4+s29], $0x80, v3, vm0, $0xb8;
	[tilespmem:$0x18080] =	vst v63  }
0x103: {  	_ = 	snop  }
0x104: {  	[tilespmem:s12], [sflag:$0x1] =	stream.indirect_vreg.gather [hbm4b:s6+s29], $0x80, v3, vm0, $0xb8;
	[tilespmem:$0x18080] =	vst v63  }
0x105: {  	_ = 	snop  }
0x106: {  	[tilespmem:s20], [sflag:$0x1] =	stream.indirect_vreg.gather [hbm4b:s7+s29], $0x80, v3, vm0, $0xb8;
	[tilespmem:$0x18080] =	vst v63  }
0x107: {  	v3 =	vld [tilespmem:$0x10];
	_ =	sdelay $0x4  }
0x108: {  	v4 =	vshll.u32 v3, $0x3  }
0x109: {  	v3 =	vand.u32 $0x7, v3;
	v4 =	vand.u32 $0xFFFFFFC0, v4  }
0x10a: {  	v3 =	vor.u32 v3, v4  }
0x10b: {  	v4 =	vperm.xlane v3, v0;
	_ =	sdelay $0x1  }
0x10c: {  	v4 =	vadd.s32 v1, v4;
	_ =	sdelay $0x4  }
0x10d: {  	[tilespmem:s21], [sflag:$0x1] =	stream.indirect_vreg.gather [hbm4b:s3+s29], $0x80, v4, vm0, $0xb8;
	[tilespmem:$0x18080] =	vst v63  }
0x10e: {  	v3 =	vperm.xlane v3, v2  }
0x10f: {  	[tilespmem:s13], [sflag:$0x1] =	stream.indirect_vreg.gather [hbm4b:s4+s29], $0x80, v4, vm0, $0xb8;
	[tilespmem:$0x18080] =	vst v63  }
0x110: {  	v3 =	vadd.s32 v1, v3  }
0x111: {  	[tilespmem:s22], [sflag:$0x1] =	stream.indirect_vreg.gather [hbm4b:s6+s29], $0x80, v4, vm0, $0xb8;
	[tilespmem:$0x18080] =	vst v63  }
0x112: {  	_ = 	snop  }
0x113: {  	[tilespmem:s14], [sflag:$0x1] =	stream.indirect_vreg.gather [hbm4b:s7+s29], $0x80, v4, vm0, $0xb8;
	[tilespmem:$0x18080] =	vst v63  }
0x114: {  	_ = 	snop  }
0x115: {  	[tilespmem:s23], [sflag:$0x1] =	stream.indirect_vreg.gather [hbm4b:s3+s29], $0x80, v3, vm0, $0xb8;
	[tilespmem:$0x18080] =	vst v63  }
0x116: {  	_ = 	snop  }
0x117: {  	[tilespmem:s15], [sflag:$0x1] =	stream.indirect_vreg.gather [hbm4b:s4+s29], $0x80, v3, vm0, $0xb8;
	[tilespmem:$0x18080] =	vst v63  }
0x118: {  	_ = 	snop  }
0x119: {  	[tilespmem:s24], [sflag:$0x1] =	stream.indirect_vreg.gather [hbm4b:s6+s29], $0x80, v3, vm0, $0xb8;
	[tilespmem:$0x18080] =	vst v63  }
0x11a: {  	_ = 	snop  }
0x11b: {  	[tilespmem:s25], [sflag:$0x1] =	stream.indirect_vreg.gather [hbm4b:s7+s29], $0x80, v3, vm0, $0xb8;
	[tilespmem:$0x18080] =	vst v63  }
0x11c: {  	_ =	swait.ge [sflag:s5], $0x8000  }
0x11d: {  	s2 =	simm.s32 $0x0;
	[sflag:s5] =	ssyncset.done $0x0  }
0x11e: {  	s0 =	sand.u32 $0x6000, s2;
	s8 =	rddreg [dreg:$0x9];
	[sflag:s5] =	ssyncadd.s32 $0xFFFF8000  }
0x11f: {  	[tilespmem:s26], [sflag:$0x2] =	stream.linear.gather [hbm4b:s8+s29], $0x8000, $0x38;
	[tilespmem:$0x18080] =	vst v63  }
0x120: {  	s2 =	sand.u32 $0x1C00, s29;
	s8 =	simm.s32 $0x0;
	_ =	swait.ge [sflag:s16], $0x8000  }
0x121: {  	s0 =	sor.u32 s2, s0;
	s8 =	sand.u32 $0x380, s8;
	[sflag:s16] =	ssyncset.done $0x0  }
0x122: {  	s30 =	sor.u32 s8, s0;
	[sflag:s16] =	ssyncadd.s32 $0xFFFF8000  }
0x123: {  	v8 =	vld [tilespmem:s30+$0x10080]  }
0x124: {  	v7 =	vld [tilespmem:s30+$0x10090]  }
0x125: {  	v6 =	vld [tilespmem:s30+$0x100A0]  }
0x126: {  	v5 =	vld [tilespmem:s30+$0x100B0]  }
0x127: {  	v4 =	vld [tilespmem:s30+$0x100C0]  }
0x128: {  	v3 =	vld [tilespmem:s30+$0x100D0]  }
0x129: {  	v16 =	vld [tilespmem:s30+$0x8080]  }
0x12a: {  	v15 =	vld [tilespmem:s30+$0x8090]  }
0x12b: {  	v14 =	vld [tilespmem:s30+$0x80A0]  }
0x12c: {  	v13 =	vld [tilespmem:s30+$0x80B0]  }
0x12d: {  	v12 =	vld [tilespmem:s30+$0x80C0]  }
0x12e: {  	v11 =	vld [tilespmem:s30+$0x80D0]  }
0x12f: {  	v10 =	vld [tilespmem:s30+$0x80E0]  }
0x130: {  	v9 =	vld [tilespmem:s30+$0x80F0]  }
0x131: {  	v20 =	vld [tilespmem:s30+$0x80]  }
0x132: {  	v19 =	vld [tilespmem:s30+$0x90]  }
0x133: {  	v18 =	vld [tilespmem:s30+$0xA0]  }
0x134: {  	s31 =	simm.s32 $0x1;
	v17 =	vld [tilespmem:s30+$0xB0]  }
.LBB2_4:
0x135: {  	p0 =	sne.s32 s31, $0xFF;
	v21 =	vld [tilespmem:s30+$0xC0]  }
0x136: {  	v16 =	vadd.f32 v16, v20;
	v20 =	vld [tilespmem:s30+$0xD0]  }
0x137: {  	s0 =	sshll.u32 s31, $0x7;
	s29 =	sadd.s32 $0x400, s29;
	v15 =	vadd.f32 v15, v19;
	v19 =	vld [tilespmem:s30+$0xE0]  }
0x138: {  	s8 =	sshll.u32 s31, $0x4;
	s0 =	sand.u32 $0x6000, s0;
	s2 =	sand.u32 $0x1C00, s29;
	v8 =	vadd.f32 v8, v16;
	v14 =	vadd.f32 v14, v18;
	v16 =	vld [tilespmem:s30+$0xF0]  }
0x139: {  	s0 =	sor.u32 s2, s0;
	s2 =	sand.u32 $0x380, s8;
	v7 =	vadd.f32 v7, v15;
	v13 =	vadd.f32 v13, v17;
	v15 =	vld [tilespmem:s30+$0x100E0]  }
0x13a: {  	s0 =	sor.u32 s2, s0;
	[tilespmem:s30+$0x80] =	vst v8;
	v6 =	vadd.f32 v6, v14;
	v12 =	vadd.f32 v12, v21;
	v14 =	vld [tilespmem:s30+$0x100F0]  }
0x13b: {  	v8 =	vld [tilespmem:s0+$0x10080];
	[tilespmem:s30+$0x90] =	vst v7;
	v5 =	vadd.f32 v5, v13;
	v11 =	vadd.f32 v11, v20  }
0x13c: {  	v7 =	vld [tilespmem:s0+$0x10090];
	[tilespmem:s30+$0xA0] =	vst v6;
	v4 =	vadd.f32 v4, v12;
	v10 =	vadd.f32 v10, v19  }
0x13d: {  	v6 =	vld [tilespmem:s0+$0x100A0];
	[tilespmem:s30+$0xB0] =	vst v5;
	v3 =	vadd.f32 v3, v11;
	v9 =	vadd.f32 v9, v16  }
0x13e: {  	v5 =	vld [tilespmem:s0+$0x100B0];
	[tilespmem:s30+$0xC0] =	vst v4;
	v10 =	vadd.f32 v15, v10  }
0x13f: {  	v4 =	vld [tilespmem:s0+$0x100C0];
	[tilespmem:s30+$0xD0] =	vst v3;
	v9 =	vadd.f32 v14, v9  }
0x140: {  	v3 =	vld [tilespmem:s0+$0x100D0];
	[tilespmem:s30+$0xE0] =	vst v10  }
0x141: {  	v16 =	vld [tilespmem:s0+$0x8080];
	[tilespmem:s30+$0xF0] =	vst v9;
	s30 =	smov.u32 s0  }
0x142: {  	v15 =	vld [tilespmem:s30+$0x8090]  }
0x143: {  	v14 =	vld [tilespmem:s30+$0x80A0]  }
0x144: {  	v13 =	vld [tilespmem:s30+$0x80B0]  }
0x145: {  	v12 =	vld [tilespmem:s30+$0x80C0]  }
0x146: {  	v11 =	vld [tilespmem:s30+$0x80D0]  }
0x147: {  	v10 =	vld [tilespmem:s30+$0x80E0]  }
.Ltmp1:
0x148: {  	v9 =	vld [tilespmem:s30+$0x80F0];
	(pc) =	sbr.rel @p0 .LBB2_4-.Ltmp1, $4  }
0x149: {  	v20 =	vld [tilespmem:s30+$0x80]  }
0x14a: {  	v19 =	vld [tilespmem:s30+$0x90]  }
0x14b: {  	v18 =	vld [tilespmem:s30+$0xA0]  }
0x14c: {  	s31 =	sadd.s32 $0x1, s31;
	v17 =	vld [tilespmem:s30+$0xB0]  }
0x14d: {  	v21 =	vld [tilespmem:s30+$0xC0]  }
0x14e: {  	v55 =	vld [tilespmem:s30+$0xD0];
	v16 =	vadd.f32 v16, v20  }
0x14f: {  	v22 =	vld [tilespmem:s30+$0xE0];
	v15 =	vadd.f32 v15, v19  }
0x150: {  	v56 =	vld [tilespmem:s30+$0xF0];
	v8 =	vadd.f32 v8, v16;
	v14 =	vadd.f32 v14, v18  }
0x151: {  	v57 =	vld [tilespmem:s30+$0x100E0];
	v7 =	vadd.f32 v7, v15;
	v13 =	vadd.f32 v13, v17  }
0x152: {  	v59 =	vld [tilespmem:s30+$0x100F0];
	[tilespmem:s30+$0x80] =	vst v8;
	v6 =	vadd.f32 v6, v14;
	v58 =	vadd.f32 v12, v21  }
0x153: {  	v60 =	vadd.f32 v11, v55;
	[tilespmem:s30+$0x90] =	vst v7;
	v5 =	vadd.f32 v5, v13  }
0x154: {  	v61 =	vadd.f32 v10, v22;
	[tilespmem:s30+$0xA0] =	vst v6;
	v4 =	vadd.f32 v4, v58  }
0x155: {  	v62 =	vadd.f32 v9, v56;
	v3 =	vadd.f32 v3, v60;
	[tilespmem:s30+$0xB0] =	vst v5  }
0x156: {  	v63 =	vadd.f32 v57, v61;
	[tilespmem:s30+$0xC0] =	vst v4  }
0x157: {  	[tilespmem:s30+$0xD0] =	vst v3;
	v3 =	vadd.f32 v59, v62  }
0x158: {  	[tilespmem:s30+$0xE0] =	vst v63  }
0x159: {  	s0 =	rddreg [dreg:$0xa];
	[tilespmem:s30+$0xF0] =	vst v3  }
0x15a: {  	[hbm4b:s0+s1] =	stream.linear.scatter [tilespmem:s17], [sflag:$0x2], $0x8000, $0x38;
	[tilespmem:$0x18080] =	vst v63  }
0x15b: {  	_ =	swait.ge [sflag:s16], $0x8000  }
0x15c: {  	s28 =	sadd.s32 $0x1, s28;
	s31 =	rddreg [dreg:$0xb]  }
0x15d: {  	p0 =	sne.s32 s28, s31  }
.Ltmp2:
0x15e: {  	_ = 	snop;
	(pc) =	sbr.rel @p0 .LBB2_1-.Ltmp2, $3  }
0x15f: {  	_ =	sdelay $0x1  }
0x160: {  	[sflag:s16] =	ssyncset.done $0x0  }
0x161: {  	[sflag:s16] =	ssyncadd.s32 $0xFFFF8000  }
0x162: {  	_ =	sfence.sel $0x180000  }
0x163: {  	[bflag:$0x0] =	sbarrier.arrive $0xFFFF  }
0x164: {  	_ =	strace $0x9000004A  }
0x165: {  	s0 =	stileid.u32;
	[bflag:$0x2] =	sbarrier.arrive $0xFFFF  }
0x166: {  	p0 =	sne.s32 s0, $0x0;
	s0 =	rddreg [dreg:$0x2]  }
0x167: {  	s0 =	sadd.s32 @!p0 $0x100000, s0  }
0x168: {  	[sflag:s0] =	ssyncadd.tile.s32 @!p0 $0x1;
	_ =	shalt  }
.Lfunc_end2:
_tile_overlayer_lowered:
.L_overlay_start_2:
0x169: {  	(tag) =	ssettag $0x2  }
0x16a: {  	s0 =	rddreg [dreg:$0x0];
	s2 =	stileid.u32  }
0x16b: {  	s1 =	rddreg [dreg:$0x1];
	p0 =	sne.s32 s2, $0x0  }
0x16c: {  	s3 =	rddreg [dreg:$0x2];
	[bflag:$0x3] =	sbarrier.arrive $0xFFFF;
	s2 =	simm.s32 @!p0 $0x1C02  }
0x16d: {  	[timem:s3], [sflag:s2] =	dma.local @!p0 [hbm:s0], s1  }
0x16e: {  	s0 =	simm.s32 @!p0 $0x2  }
0x16f: {  	_ =	swait.ge @!p0 [sflag:s0], s1  }
0x170: {  	s1 =	ssub.s32 @!p0 $0x0, s1;
	[sflag:s0] =	ssyncset.done @!p0 $0x0  }
0x171: {  	[sflag:s0] =	ssyncadd.s32 @!p0 s1  }
0x172: {  	[bflag:$0x3] =	sbarrier.arrive $0xFFFF  }
0x173: {  	_ =	shalt  }

// kernel: kernel.7.cloned.1.call-start
scs
__scs_entry_jumppad:
0x0: {  	(pc) =	sbr.rel $0x88, $3  }
0x1: {  	(tag) =	ssettag $0x0;
	lr =	simm.s32 $0x1  }
0x2: {  	[smem:$0x3F91] =	sst lr;
	_ =	strace $0xD0000000  }
0x3: {  	_ = 	snop  }
0x4: {  	_ = 	snop  }
0x5: {  	_ = 	snop  }
0x6: {  	_ = 	snop  }
0x7: {  	_ = 	snop  }
__scs_overlays_trampoline_lowered:
0x8: {  	[smem:$0x3FA0] =	sst s0  }
0x9: {  	[smem:$0x3FA1] =	sst s1  }
0xa: {  	[smem:$0x3FA2] =	sst s2  }
0xb: {  	[smem:$0x3FA3] =	sst s3  }
0xc: {  	[smem:$0x3FA4] =	sst s4  }
0xd: {  	[smem:$0x3FA5] =	sst s5  }
0xe: {  	[smem:$0x3FA6] =	sst s6  }
0xf: {  	[smem:$0x3FA7] =	sst s7  }
0x10: {  	[smem:$0x3FA8] =	sst s8  }
0x11: {  	[smem:$0x3FA9] =	sst s9;
	s0 =	simm.s32 @!p0 $0x0  }
0x12: {  	s1 =	sld [smem:$0x3F8F];
	s0 =	simm.s32 @p0 $0x1  }
0x13: {  	[smem:$0x3FAA] =	sst s0;
	s0 =	simm.s32 @!p1 $0x0  }
0x14: {  	s2 =	sld [smem:$0x3F8E];
	s0 =	simm.s32 @p1 $0x1  }
0x15: {  	[smem:$0x3FAB] =	sst s0;
	s0 =	simm.s32 @!p2 $0x0  }
0x16: {  	s3 =	sld [smem:$0x3FDB];
	s0 =	simm.s32 @p2 $0x1  }
0x17: {  	s4 =	simm.s32 $0x1BF5;
	[smem:$0x3FAD] =	sst s0  }
0x18: {  	s0 =	sld [smem:$0x3F90];
	_ =	swait.ge [sflag:s4], $0x0  }
0x19: {  	s7 =	sld [smem:$0x3F91]  }
0x1a: {  	s8 =	sadd.s32 $0xFFFFE003, lr  }
0x1b: {  	s9 =	sadd.s32 $0xFFFFFEF7, lr;
	s5 =	simm.s32 $0xFFFFFFFF;
	p2 =	slt.u32 s8, $0xFFFFF086  }
0x1c: {  	p1 =	slt.u32 s9, $0xF7A;
	s5 =	simm.s32 @!p2 $0x0  }
0x1d: {  	s5 =	simm.s32 @p1 $0x1;
	p0 =	seq.s32 s7, s2  }
0x1e: {  	s7 =	smul.u32 @!p0 $0xF7A, s2;
	p2 =	seq.s32 @!p0 s5, $0x0  }
0x1f: {  	s9 =	smul.u32 $0xF7A, s1;
	s8 =	simm.s32 @!p0 $0x1BF5;
	p2 =	por !p2, p0  }
0x20: {  	[sflag:s8] =	ssyncset.s32 @!p0 $0xFFFFF086;
	s6 =	sadd.s32 @!p0 s3, s7;
	s7 =	simm.s32 @!p0 $0x108  }
0x21: {  	s3 =	sadd.s32 s3, s9;
	s6 =	sadd.s32 @!p0 $0x88, s6;
	s7 =	simm.s32 @p2 $0x1082  }
0x22: {  	[simem:s7], [sflag:s8] =	dma.local @!p0 [hbm:s6], $0xF7A  }
0x23: {  	s9 =	sor.u32 $0xD0000000, s2;
	s6 =	simm.s32 $0x108;
	_ =	swait.ge @!p0 [sflag:s8], $0x0  }
0x24: {  	s3 =	sadd.s32 $0x88, s3;
	s6 =	simm.s32 @!p1 $0x1082;
	[sflag:s4] =	ssyncset.s32 $0xFFFFF086  }
0x25: {  	[simem:s6], [sflag:s4] =	dma.local [hbm:s3], $0xF7A  }
0x26: {  	[smem:$0x3F91] =	sst s1;
	(tag) =	ssettag s2;
	_ =	strace s9  }
0x27: {  	s1 =	sld [smem:$0x3FA1]  }
0x28: {  	s2 =	sld [smem:$0x3FA2]  }
0x29: {  	s4 =	sld [smem:$0x3FA4]  }
0x2a: {  	p0 =	seq.s32 s5, $0x0;
	s5 =	sld [smem:$0x3FA5]  }
0x2b: {  	s6 =	sld [smem:$0x3FA6]  }
0x2c: {  	s7 =	sld [smem:$0x3FA7]  }
0x2d: {  	s3 =	simm.s32 $0x108;
	s8 =	sld [smem:$0x3FA8]  }
0x2e: {  	s3 =	simm.s32 @!p0 $0x1082;
	s9 =	sld [smem:$0x3FA9]  }
0x2f: {  	lr =	sadd.s32 s0, s3;
	s0 =	sld [smem:$0x3FA0]  }
0x30: {  	s3 =	sld [smem:$0x3FA3]  }
0x31: {  	[smem:$0x3FAC] =	sst s10  }
0x32: {  	s10 =	sld [smem:$0x3FAA];
	_ =	sdelay $0x3  }
0x33: {  	p0 =	seq.s32 s10, $0x1;
	s10 =	sld [smem:$0x3FAC];
	_ =	sdelay $0x3  }
0x34: {  	[smem:$0x3FAC] =	sst s10  }
0x35: {  	s10 =	sld [smem:$0x3FAB];
	_ =	sdelay $0x3  }
0x36: {  	p1 =	seq.s32 s10, $0x1;
	s10 =	sld [smem:$0x3FAC];
	_ =	sdelay $0x3  }
0x37: {  	[smem:$0x3FAC] =	sst s10  }
0x38: {  	s10 =	sld [smem:$0x3FAD]  }
0x39: {  	_ = 	snop;
	(pc) =	sbr.ind lr, $3  }
0x3a: {  	_ = 	snop  }
0x3b: {  	_ = 	snop  }
0x3c: {  	p2 =	seq.s32 s10, $0x1;
	s10 =	sld [smem:$0x3FAC]  }
0x3d: {  	_ =	shalt  }
0x3e: {  	_ =	shalt  }
0x3f: {  	_ =	shalt  }
0x40: {  	_ =	shalt  }
0x41: {  	_ =	shalt  }
0x42: {  	_ =	shalt  }
0x43: {  	_ =	shalt  }
0x44: {  	_ =	shalt  }
0x45: {  	_ =	shalt  }
0x46: {  	_ =	shalt  }
0x47: {  	_ =	shalt  }
0x48: {  	_ =	shalt  }
0x49: {  	_ =	shalt  }
0x4a: {  	_ =	shalt  }
0x4b: {  	_ =	shalt  }
0x4c: {  	_ =	shalt  }
0x4d: {  	_ =	shalt  }
0x4e: {  	_ =	shalt  }
0x4f: {  	_ =	shalt  }
0x50: {  	_ =	shalt  }
0x51: {  	_ =	shalt  }
0x52: {  	_ =	shalt  }
0x53: {  	_ =	shalt  }
0x54: {  	_ =	shalt  }
0x55: {  	_ =	shalt  }
0x56: {  	_ =	shalt  }
0x57: {  	_ =	shalt  }
0x58: {  	_ =	shalt  }
0x59: {  	_ =	shalt  }
0x5a: {  	_ =	shalt  }
0x5b: {  	_ =	shalt  }
0x5c: {  	_ =	shalt  }
0x5d: {  	_ =	shalt  }
0x5e: {  	_ =	shalt  }
0x5f: {  	_ =	shalt  }
0x60: {  	_ =	shalt  }
0x61: {  	_ =	shalt  }
0x62: {  	_ =	shalt  }
0x63: {  	_ =	shalt  }
0x64: {  	_ =	shalt  }
0x65: {  	_ =	shalt  }
0x66: {  	_ =	shalt  }
0x67: {  	_ =	shalt  }
0x68: {  	_ =	shalt  }
0x69: {  	_ =	shalt  }
0x6a: {  	_ =	shalt  }
0x6b: {  	_ =	shalt  }
0x6c: {  	_ =	shalt  }
0x6d: {  	_ =	shalt  }
0x6e: {  	_ =	shalt  }
0x6f: {  	_ =	shalt  }
0x70: {  	_ =	shalt  }
0x71: {  	_ =	shalt  }
0x72: {  	_ =	shalt  }
0x73: {  	_ =	shalt  }
0x74: {  	_ =	shalt  }
0x75: {  	_ =	shalt  }
0x76: {  	_ =	shalt  }
0x77: {  	_ =	shalt  }
0x78: {  	_ =	shalt  }
0x79: {  	_ =	shalt  }
0x7a: {  	_ =	shalt  }
0x7b: {  	_ =	shalt  }
0x7c: {  	_ =	shalt  }
0x7d: {  	_ =	shalt  }
0x7e: {  	_ =	shalt  }
0x7f: {  	_ =	shalt  }
0x80: {  	_ =	shalt  }
0x81: {  	_ =	shalt  }
0x82: {  	_ =	shalt  }
0x83: {  	_ =	shalt  }
0x84: {  	_ =	shalt  }
0x85: {  	_ =	shalt  }
0x86: {  	_ =	shalt  }
0x87: {  	_ =	shalt  }
.Lfunc_end0:
.L_simem_size_0:
called_computation_lowered:
.L_overlay_start_0:
0x88: {  	s2 =	sld [smem:$0x3FD9]  }
0x89: {  	s3 =	sld [smem:$0x3FFE];
	_ =	sdelay $0x1  }
0x8a: {  	s1 =	srdreg.scid  }
0x8b: {  	s0 =	sand.u32 $0x1, s1  }
0x8c: {  	s17 =	sshll.u32 s0, $0xA;
	s2 =	sadd.s32 s3, s2  }
0x8d: {  	s2 =	sadd.s32 s2, s17  }
0x8e: {  	[smem:$0x3FB8] =	sst s2  }
0x8f: {  	_ = 	snop  }
0x90: {  	s2 =	sld [smem:$0x3FC9];
	(tm) =	ssettm $0x1  }
0x91: {  	s18 =	sld [smem:$0x3FFB];
	_ =	sdelay $0x3  }
0x92: {  	_ =	strace s18  }
0x93: {  	s3 =	sld [smem:$0x3FFC];
	_ =	sdelay $0x3  }
0x94: {  	_ =	strace s3  }
0x95: {  	s3 =	sld [smem:$0x3FFD];
	_ =	sdelay $0x3  }
0x96: {  	_ =	strace s3  }
0x97: {  	_ =	strace $0x8FFFFFFF  }
0x98: {  	s19 =	sld [smem:$0x3FDB];
	_ =	sdelay $0x1  }
0x99: {  	s4 =	simm.s32 $_scs_section_size  }
0x9a: {  	s5 =	simm.s32 $_size__tile_overlayer_lowered;
	s6 =	simm.s32 $_tile_overlayer_lowered  }
0x9b: {  	s22 =	simm.s32 $0x1BFF;
	s21 =	sshll.u32 s6, $0x1;
	s3 =	sadd.s32 s4, s19  }
0x9c: {  	s7 =	simm.s32 $0x0;
	s20 =	sshll.u32 s5, $0x1;
	s5 =	sadd.s32 s21, s3  }
0x9d: {  	[timem:s7], [sflag:s22] =	dma.local [hbm:s5], s20  }
0x9e: {  	_ =	swait.ge [sflag:s22], s20  }
0x9f: {  	s4 =	ssub.s32 $0x0, s20;
	[sflag:s22] =	ssyncset.done $0x0  }
0xa0: {  	[sflag:s22] =	ssyncadd.s32 s4;
	_ =	sdelay $0x1  }
0xa1: {  	s23 =	simm.s32 $0x1B8B  }
0xa2: {  	_ =	swait.ge [sflag:s23], $0x1  }
0xa3: {  	[sflag:s23] =	ssyncset.done $0x0  }
0xa4: {  	s25 =	simm.s32 $0x1B8E;
	s24 =	sld [smem:$0x3FFE];
	[sflag:s23] =	ssyncadd.s32 $0xFFFFFFFF  }
0xa5: {  	s26 =	simm.s32 $execute0_lowered;
	[smem:$0x3FD2] =	sst s25  }
0xa6: {  	s5 =	sshll.u32 s26, $0x1;
	_ =	strace $0x80000046;
	[dreg:$0x1] =	wrdreg $0xFFFFFFFF  }
0xa7: {  	s28 =	simm.s32 $_size_execute0_lowered;
	s3 =	sadd.s32 s3, s5;
	[dreg:$0x0] =	wrdreg $0x0  }
0xa8: {  	s5 =	sshll.u32 s28, $0x1;
	[dreg:$0x2] =	wrdreg s3  }
0xa9: {  	[dreg:$0x3] =	wrdreg s5  }
0xaa: {  	[dreg:$0x4] =	wrdreg $0xC0  }
0xab: {  	_ =	task [dreg:s7], $0x5FFFF  }
0xac: {  	[dreg:$0x1] =	wrdreg $0xFFFFFFFF  }
0xad: {  	[dreg:$0x0] =	wrdreg $0x60  }
0xae: {  	[dreg:$0x2] =	wrdreg s24  }
0xaf: {  	[dreg:$0x3] =	wrdreg s2  }
0xb0: {  	[dreg:$0x4] =	wrdreg $0x85800  }
0xb1: {  	[dreg:$0x5] =	wrdreg $0x85880  }
0xb2: {  	[dreg:$0x6] =	wrdreg $0x91880  }
0xb3: {  	[dreg:$0x7] =	wrdreg $0x9D880  }
0xb4: {  	[dreg:$0x8] =	wrdreg $0xA5880  }
0xb5: {  	[dreg:$0x9] =	wrdreg $0x9  }
0xb6: {  	_ =	task.clear_ibuf [dreg:s7], $0xAFFFF;
	_ =	strace $0x90000046  }
0xb7: {  	s29 =	simm.s32 $0x9;
	_ =	strace $0x80000048  }
0xb8: {  	_ =	swait.ge [sflag:s29], $0x1  }
0xb9: {  	[sflag:s29] =	ssyncadd.s32 $0xFFFFFFFF  }
0xba: {  	_ =	strace $0x90000048  }
0xbb: {  	_ =	sfence  }
0xbc: {  	s30 =	sld [smem:$0x0];
	_ =	sdelay $0x2  }
0xbd: {  	s31 =	sshll.u32 s1, $0xD;
	s1 =	sshrl.u32 s1, $0x2  }
0xbe: {  	s3 =	sand.u32 $0x4000, s31;
	s1 =	sadd.s32 s1, s30  }
0xbf: {  	s0 =	sor.u32 s3, s0;
	s1 =	sshll.u32 s1, $0x11  }
0xc0: {  	s0 =	sor.u32 s1, s0  }
0xc1: {  	s0 =	sadd.s32 $0x8F2B, s0  }
0xc2: {  	[sflag:s0] =	ssyncadd.remote.s32 $0x1  }
0xc3: {  	_ =	sfence.sel $0xFFFF  }
0xc4: {  	[dreg:$0x0] =	wrdreg $0xFFFFFFFF;
	(pc) =	sbr.abs _section_cstart, $3  }
0xc5: {  	[dreg:$0x1] =	wrdreg $0xFFFFFFFF  }
0xc6: {  	_ =	task.clear_ibuf [dreg:s7], $0x2FFFF;
	_ =	strace $0x9FFFFFFF  }
0xc7: {  	(tm) =	ssettm $0x7FFFFFFF  }
tec
execute0_lowered:
.L_overlay_start_1:
0x0: {  	(tag) =	ssettag $0x1  }
0x1: {  	s1 =	rddreg [dreg:$0x0]  }
0x2: {  	s20 =	rddreg [dreg:$0x1]  }
0x3: {  	s4 =	rddreg [dreg:$0x3]  }
0x4: {  	s5 =	rddreg [dreg:$0x4]  }
0x5: {  	s6 =	rddreg [dreg:$0x5]  }
0x6: {  	s3 =	srdreg.scid;
	s2 =	simm.s32 $0x0;
	s15 =	stileid.u32  }
0x7: {  	s31 =	simm.s32 $0x12008;
	s7 =	sand.u32 $0x1, s3;
	s8 =	sadd.s32 $0x3000, s1  }
0x8: {  	s9 =	smul.u32 $0xC00, s15;
	s10 =	sshll.u32 s15, $0x8;
	s28 =	sshll.u32 s15, $0x7  }
0x9: {  	s13 =	smul.u32 $0xC0, s15;
	s0 =	sshll.u32 s15, $0xB;
	s26 =	sshll.u32 s15, $0x5  }
0xa: {  	[smem:$0x7FF] =	sst s2;
	p0 =	slt.u32 s15, $0x8;
	s14 =	sadd.s32 s28, s4  }
0xb: {  	p2 =	sgt.u32 s15, $0x7;
	s29 =	sadd.s32 s28, s5;
	[dreg:$0x8] =	wrdreg s14  }
0xc: {  	s30 =	sadd.s32 $0x100, s20;
	s3 =	ssub.s32 $0x2, s7;
	[dreg:$0x9] =	wrdreg s29  }
0xd: {  	s12 =	smul.u32 $0xC00, s7;
	s4 =	sadd.s32 s9, s4;
	s29 =	rddreg [dreg:$0x6]  }
0xe: {  	s10 =	sadd.s32 $0xFFFFF800, s10;
	s5 =	sadd.s32 s9, s5;
	[dreg:$0xb] =	wrdreg s4  }
0xf: {  	s11 =	sshrl.u32 s3, $0x1;
	s10 =	sshrl.u32 s10, $0x3;
	[dreg:$0xc] =	wrdreg s5  }
0x10: {  	s3 =	ssub.s32 s3, s11;
	s11 =	sadd.s32 s28, s6;
	s28 =	rddreg [dreg:$0x2]  }
0x11: {  	s4 =	sadd.s32 s0, s6;
	[dreg:$0xa] =	wrdreg s11;
	s11 =	sadd.s32 s13, s12  }
0x12: {  	[dreg:$0xd] =	wrdreg s4;
	s4 =	sor.u32 $0x20, s11;
	s14 =	sshll.u32 s11, $0x7  }
0x13: {  	s6 =	sadd.s32 $0x40, s11;
	s19 =	sadd.s32 $0x60, s11;
	s21 =	sadd.s32 $0x80, s11  }
0x14: {  	s13 =	sadd.s32 $0xA0, s11;
	s16 =	sshll.u32 s4, $0x7;
	s5 =	sadd.s32 s8, s14  }
0x15: {  	s18 =	sshll.u32 s6, $0x7;
	s22 =	sshll.u32 s19, $0x7;
	s23 =	sshll.u32 s21, $0x7  }
0x16: {  	s25 =	sshll.u32 s13, $0x7;
	[dreg:$0xe] =	wrdreg s5;
	s17 =	sadd.s32 s8, s16  }
0x17: {  	s5 =	sadd.s32 s8, s18;
	s12 =	sadd.s32 s8, s22;
	[dreg:$0xf] =	wrdreg s17  }
0x18: {  	s24 =	sadd.s32 s8, s23;
	s8 =	sadd.s32 s8, s25;
	[dreg:$0x10] =	wrdreg s5  }
0x19: {  	s10 =	sadd.s32 s10, s1;
	[dreg:$0x13] =	wrdreg s8;
	s8 =	sadd.s32 s26, s1  }
0x1a: {  	s14 =	sadd.s32 $0xC3800, s10;
	[dreg:$0x11] =	wrdreg s12;
	s8 =	sadd.s32 $0xC3600, s8  }
0x1b: {  	p1 =	sne.s32 s7, $0x0;
	[dreg:$0x12] =	wrdreg s24;
	s14 =	smov.u32 @p0 s8  }
0x1c: {  	s9 =	simm.s32 $0xF808;
	[dreg:$0x14] =	wrdreg s14;
	s14 =	sadd.s32 s11, s29  }
0x1d: {  	s4 =	sadd.s32 s4, s29;
	_ =	strace $0x80000047;
	[dreg:$0x15] =	wrdreg s14  }
0x1e: {  	s0 =	sor.u32 s7, s15;
	s6 =	sadd.s32 s6, s29;
	[dreg:$0x16] =	wrdreg s4  }
0x1f: {  	s10 =	simm.s32 $0x10008;
	s17 =	sadd.s32 s19, s29;
	[dreg:$0x17] =	wrdreg s6  }
0x20: {  	s16 =	smul.u32 $0x180, s15;
	s5 =	sadd.s32 s21, s29;
	[dreg:$0x18] =	wrdreg s17  }
0x21: {  	s18 =	sadd.s32 s13, s29;
	s22 =	sadd.s32 $0x2A00, s1;
	[dreg:$0x19] =	wrdreg s5  }
0x22: {  	s23 =	sadd.s32 $0x2C00, s1;
	s19 =	sadd.s32 s16, s29;
	[dreg:$0x1a] =	wrdreg s18  }
0x23: {  	s25 =	sshll.u32 s15, $0x4;
	s21 =	sadd.s32 $0x2800, s1;
	[dreg:$0x1b] =	wrdreg s19  }
0x24: {  	v1 =	vimm.f32 $0.0e+00;
	s13 =	simm.s32 $0x11808;
	s24 =	sadd.s32 $0x2E00, s1;
	[dreg:$0x1c] =	wrdreg s21  }
0x25: {  	vm0 =	vmmov $0x1;
	vm1 =	vcmask $0x320;
	vm2 =	vcmask $0x720;
	s26 =	sadd.s32 s25, s28;
	s25 =	simm.s32 $0x3800;
	[dreg:$0x1d] =	wrdreg s22  }
0x26: {  	vm3 =	vcmask $0xB20;
	v15 =	vlaneseq.u32;
	vm4 =	vcmask $0xF20;
	s12 =	simm.s32 $0x11008;
	p0 =	sne.s32 s0, $0x0;
	[dreg:$0x1e] =	wrdreg s23  }
0x27: {  	vm5 =	vcmask $0x1320;
	vm6 =	vcmask $0x1720;
	vm7 =	vcmask $0x1B20;
	s0 =	simm.s32 $0x0;
	s29 =	smax.u32 s3, $0x1;
	[dreg:$0x1f] =	wrdreg s24  }
0x28: {  	v2 =	vimm.s32 $0x0;
	v5 =	vimm.s32 $0x1;
	v6 =	vimm.s32 $0x2;
	s3 =	sadd.s32 $0x200, s20;
	s11 =	simm.s32 $0x10808;
	[smem:$0x7FB] =	sst s26  }
0x29: {  	v7 =	vimm.s32 $0x3;
	v8 =	vimm.s32 $0x4;
	v9 =	vimm.s32 $0x5;
	s4 =	sshrl.u32 s16, $0x3;
	[smem:$0x7FD] =	sst s29;
	s5 =	simm.s32 $0x5  }
0x2a: {  	v10 =	vimm.s32 $0x6;
	v11 =	vimm.s32 $0x7;
	vm8 =	vmmov $0xffff;
	s16 =	simm.s32 $0x2000;
	s23 =	simm.s32 $0xA808;
	s14 =	simm.s32 $0xB008  }
0x2b: {  	v0 =	vmov s15;
	v3 =	vmul.u32 $0xFFFFFFFF, v15;
	v4 =	vadd.s32 $0x1, v15;
	s18 =	simm.s32 $0x12808;
	s4 =	sadd.s32 s4, s1;
	s1 =	sadd.s32 $0xC3400, s1  }
0x2c: {  	v12 =	vadd.s32 $0x11, v15;
	v13 =	vand.u32 $0x7, v15;
	v14 =	vshrl.u32 v15, $0x3;
	s19 =	simm.s32 $0x2;
	[smem:$0x7FA] =	sst s1;
	s28 =	sadd.s32 $0xC3000, s4  }
0x2d: {  	v15 =	vor.u32 $0x8, v15;
	v14 =	vmul.u32 $0x8, v14;
	v3 =	vadd.s32 $0xF, v3;
	s21 =	simm.s32 $0x4;
	s4 =	sadd.s32 $0x300, s20;
	[smem:$0x7FC] =	sst s28  }
.LBB2_1:
.Ltmp0:
0x2e: {  	(pc) =	sbr.rel @p2 .LBB2_7-.Ltmp0, $1  }
0x2f: {  	_ =	sdelay $0x3  }
0x30: {  	s1 =	simm.s32 $0x0;
	s6 =	rddreg [dreg:$0x1c]  }
0x31: {  	[tilespmem:s1], [sflag:$0x5] =	stream.linear.gather [hbm4b:s6+s1], $0x800, $0x38;
	[tilespmem:$0x1A808] =	vst v63  }
0x32: {  	_ =	swait.ge [sflag:s5], $0x800  }
0x33: {  	[sflag:s5] =	ssyncset.done $0x0  }
0x34: {  	s7 =	simm.s32 $0x800;
	s22 =	rddreg [dreg:$0x1d];
	[sflag:s5] =	ssyncadd.s32 $0xFFFFF800  }
0x35: {  	[tilespmem:s7], [sflag:$0x5] =	stream.linear.gather [hbm4b:s22+s1], $0x800, $0x38;
	[tilespmem:$0x1A808] =	vst v63  }
0x36: {  	_ =	swait.ge [sflag:s5], $0x800  }
0x37: {  	[sflag:s5] =	ssyncset.done $0x0  }
0x38: {  	s26 =	simm.s32 $0x1000;
	s24 =	rddreg [dreg:$0x1e];
	[sflag:s5] =	ssyncadd.s32 $0xFFFFF800  }
0x39: {  	[tilespmem:s26], [sflag:$0x5] =	stream.linear.gather [hbm4b:s24+s1], $0x800, $0x38;
	[tilespmem:$0x1A808] =	vst v63  }
0x3a: {  	_ =	swait.ge [sflag:s5], $0x800  }
0x3b: {  	[sflag:s5] =	ssyncset.done $0x0  }
0x3c: {  	s29 =	simm.s32 $0x1800;
	s28 =	rddreg [dreg:$0x1f];
	[sflag:s5] =	ssyncadd.s32 $0xFFFFF800  }
0x3d: {  	[tilespmem:s29], [sflag:$0x5] =	stream.linear.gather [hbm4b:s28+s1], $0x800, $0x38;
	[tilespmem:$0x1A808] =	vst v63  }
0x3e: {  	_ =	swait.ge [sflag:s5], $0x800  }
0x3f: {  	[sflag:s5] =	ssyncset.done $0x0  }
0x40: {  	v16 =	vimm.s32 $0x0;
	s6 =	simm.s32 $0x0;
	s1 =	simm.s32 $0x40;
	[sflag:s5] =	ssyncadd.s32 $0xFFFFF800  }
.LBB2_3:
0x41: {  	p3 =	sne.s32 s1, $0x5FC0;
	[tilespmem:s6+$0x2000] =	vst v16;
	s7 =	smov.u32 s1;
	s1 =	sadd.s32 $0x40, s1  }
.Ltmp1:
0x42: {  	[tilespmem:s6+$0x3800] =	vst v1;
	(pc) =	sbr.rel @p3 .LBB2_3-.Ltmp1, $2  }
0x43: {  	_ =	sdelay $0x2  }
0x44: {  	s6 =	sshra.s32 s7, $0x2  }
0x45: {  	[tilespmem:s6+$0x2000] =	vst v16  }
0x46: {  	[tilespmem:s6+$0x3800] =	vst v1;
	s29 =	simm.s32 $0x0  }
0x47: {  	s1 =	simm.s32 $0x40;
	v17 =	vld [tilespmem:s29+$0x0]  }
.LBB2_5:
0x48: {  	_ =	sdelay $0x1  }
0x49: {  	p3 =	sne.s32 s1, $0x3FC0  }
.Ltmp2:
0x4a: {  	_ = 	snop;
	(pc) =	sbr.rel @p3 .LBB2_5-.Ltmp2, $4  }
0x4b: {  	vm9 =	veq.s32 v17, v0  }
0x4c: {  	v18 =	vmpcnt.ones.xlane vm9  }
0x4d: {  	s6 =	sshra.s32 s1, $0x2  }
0x4e: {  	s1 =	sadd.s32 $0x40, s1;
	v17 =	vld [tilespmem:s6+$0x0];
	v16 =	vadd.s32 v16, v18  }
0x4f: {  	_ =	sdelay $0x3  }
0x50: {  	vm9 =	veq.s32 v17, v0  }
0x51: {  	v17 =	vmpcnt.ones.xlane vm9  }
0x52: {  	s1 =	sld [smem:$0x7FB]  }
0x53: {  	v16 =	vadd.s32 v16, v17  }
0x54: {  	s6 =	simm.s32 $0x6000;
	[tilespmem:$0x6000] =	vst v16  }
0x55: {  	[spmem:s1] =	stream.linear.scatter [tilespmem:s6], [sflag:$0x5], $0x10, $0x38;
	[tilespmem:$0x1A808] =	vst v63  }
0x56: {  	_ =	swait.ge [sflag:s5], $0x10  }
0x57: {  	[sflag:s5] =	ssyncset.done $0x0  }
0x58: {  	[sflag:s5] =	ssyncadd.s32 $0xFFFFFFF0  }
.LBB2_7:
0x59: {  	[bflag:$0x0] =	sbarrier.arrive $0xFFFF  }
0x5a: {  	s6 =	simm.s32 $0x6080;
	s1 =	rddreg [dreg:$0x2]  }
0x5b: {  	[tilespmem:s6], [sflag:$0x5] =	stream.linear.gather [spmem:s1], $0x80, $0x38;
	[tilespmem:$0x1A808] =	vst v63  }
0x5c: {  	_ =	swait.ge [sflag:s5], $0x80  }
0x5d: {  	[sflag:s5] =	ssyncset.done $0x0  }
0x5e: {  	[sflag:s5] =	ssyncadd.s32 $0xFFFFFF80  }
0x5f: {  	v16 =	vld [tilespmem:$0x6080]  }
0x60: {  	v17 =	vld [tilespmem:$0x6090]  }
0x61: {  	v18 =	vld [tilespmem:$0x60A0]  }
0x62: {  	v19 =	vld [tilespmem:$0x60B0]  }
0x63: {  	v20 =	vld [tilespmem:$0x60C0]  }
0x64: {  	v21 =	vld [tilespmem:$0x60D0];
	v16 =	vnsel vm0, $0x0, v16  }
0x65: {  	v16 =	vsel vm1, v16, v17;
	v17 =	vld [tilespmem:$0x60E0]  }
0x66: {  	v16 =	vsel vm2, v16, v18;
	v18 =	vld [tilespmem:$0x60F0]  }
0x67: {  	v16 =	vsel vm3, v16, v19  }
0x68: {  	v16 =	vsel vm4, v16, v20  }
0x69: {  	v16 =	vsel vm5, v16, v21  }
0x6a: {  	v16 =	vsel vm6, v16, v17  }
0x6b: {  	v16 =	vsel vm7, v16, v18  }
0x6c: {  	v16 =	vadd.s32 $0xFF, v16  }
0x6d: {  	v17 =	vshra.s32 v16, $0x1F;
	v18 =	vand.u32 $0xFF, v16  }
0x6e: {  	vm10 =	vlt.s32 v16, $0x1;
	vm9 =	vne.s32 v18, $0x0;
	v17 =	vshrl.u32 v17, $0x18  }
0x6f: {  	v16 =	vadd.s32 v17, v16;
	vm9 =	vmand vm10, vm9  }
0x70: {  	v16 =	vshra.s32 v16, $0x8;
	v17 =	vsel vm9, $0xFFFFFFFF, v2  }
0x71: {  	v16 =	vadd.s32 v17, v16  }
0x72: {  	(xrf0) =	vadd.scan.msk.s32 $0xffff, v16;
	_ =	sdelay $0x2  }
.Ltmp3:
0x73: {  	_ = 	snop;
	(pc) =	sbr.rel @p2 .LBB2_11-.Ltmp3, $3  }
0x74: {  	_ =	sdelay $0x1  }
0x75: {  	v17, _, _ =	vpop (xrf0)  }
0x76: {  	v16 =	vsub.s32 v17, v16  }
0x77: {  	s1 =	simm.s32 $0x0  }
0x78: {  	v17 =	vld [tilespmem:s1+$0x0];
	_ =	sdelay $0x4  }
0x79: {  	vm9 =	veq.s32 v17, v0  }
0x7a: {  	v17 =	vsel vm9, $0x1, v2  }
0x7b: {  	(xrf0) =	vadd.scan.msk.s32 $0xffff, v17;
	_ =	sdelay $0x1  }
0x7c: {  	v17 =	vshll.u32 v16, $0x8  }
0x7d: {  	v17 =	vperm.xlane v17, v0;
	_ =	sdelay $0x1  }
0x7e: {  	v19 =	vimm.s32 $0x0;
	v18 =	vadd.s32 $0xFFFFFFFF, v17  }
0x7f: {  	v17 =	vadd.s32 v19, v18;
	v21, _, _ =	vpop (xrf0)  }
0x80: {  	v17 =	vadd.s32 v21, v17;
	v21 =	vperm.xlane v21, v3  }
0x81: {  	v20 =	vnsel vm9, $0x0, v17  }
0x82: {  	v22 =	vld [tilespmem:s1+$0x1000];
	v21 =	vxor.u32 $0x80000000, v21  }
0x83: {  	(xrf0) =	vmax.scan.msk.u32 $0xffff, v21  }
0x84: {  	v17 =	vlaneseq.u32  }
0x85: {  	v23 =	vand.u32 $0x7FF, v17  }
0x86: {  	[tilespmem:v20+s16+$0x0] =	vst.idx.msk vm9, v23  }
0x87: {  	s15 =	simm.s32 $0x10;
	s6 =	simm.s32 $0x80;
	[tilespmem:v20+s25+$0x0] =	vst.idx.msk vm9, v22  }
.LBB2_9:
0x88: {  	p3 =	sne.s32 s6, $0x3FC0;
	v21 =	vld [tilespmem:s15+$0x0];
	[tilespmem:s1+$0x5000] =	vst v20;
	s1 =	smov.u32 s15  }
0x89: {  	v20, _, _ =	vpop (xrf0)  }
0x8a: {  	v20 =	vxor.u32 $0x80000000, v20  }
0x8b: {  	v19 =	vadd.s32 v19, v20  }
0x8c: {  	v20 =	vadd.s32 v19, v18  }
0x8d: {  	vm9 =	veq.s32 v21, v0  }
0x8e: {  	v21 =	vsel vm9, $0x1, v2  }
0x8f: {  	(xrf0) =	vadd.scan.msk.s32 $0xffff, v21;
	_ =	sdelay $0x5  }
0x90: {  	v21, _, _ =	vpop (xrf0)  }
0x91: {  	v20 =	vadd.s32 v21, v20;
	v21 =	vperm.xlane v21, v3  }
0x92: {  	v20 =	vnsel vm9, $0x0, v20  }
0x93: {  	v22 =	vld [tilespmem:s1+$0x1000];
	v21 =	vxor.u32 $0x80000000, v21  }
.Ltmp4:
0x94: {  	(xrf0) =	vmax.scan.msk.u32 $0xffff, v21;
	(pc) =	sbr.rel @p3 .LBB2_9-.Ltmp4, $4  }
0x95: {  	v17 =	vadd.s32 $0x10, v17  }
0x96: {  	v21 =	vand.u32 $0x7FF, v17  }
0x97: {  	[tilespmem:v20+s16+$0x0] =	vst.idx.msk vm9, v21  }
0x98: {  	s15 =	sshra.s32 s6, $0x2;
	s6 =	sadd.s32 $0x40, s6;
	[tilespmem:v20+s25+$0x0] =	vst.idx.msk vm9, v22  }
0x99: {  	v21 =	vld [tilespmem:s15+$0x0];
	_ =	sdelay $0x4  }
0x9a: {  	vm9 =	veq.s32 v21, v0  }
0x9b: {  	v21 =	vsel vm9, $0x1, v2  }
0x9c: {  	(xrf0) =	vadd.scan.msk.s32 $0xffff, v21  }
0x9d: {  	v63, _, _ =	vpop (xrf0)  }
0x9e: {  	v21 =	vxor.u32 $0x80000000, v63  }
0x9f: {  	v19 =	vadd.s32 v19, v21;
	_ =	sdelay $0x2  }
0xa0: {  	v18 =	vadd.s32 v19, v18;
	v19, _, _ =	vpop (xrf0)  }
0xa1: {  	v18 =	vadd.s32 v19, v18;
	v19 =	vperm.xlane v19, v3  }
0xa2: {  	[tilespmem:s1+$0x5000] =	vst v20;
	v18 =	vnsel vm9, $0x0, v18  }
0xa3: {  	v20 =	vld [tilespmem:s15+$0x1000];
	v19 =	vxor.u32 $0x80000000, v19  }
0xa4: {  	(xrf0) =	vmax.scan.msk.u32 $0xffff, v19  }
0xa5: {  	v17 =	vadd.s32 $0x10, v17  }
0xa6: {  	v17 =	vand.u32 $0x7FF, v17  }
0xa7: {  	[tilespmem:v18+s16+$0x0] =	vst.idx.msk vm9, v17  }
0xa8: {  	[tilespmem:v18+s25+$0x0] =	vst.idx.msk vm9, v20  }
0xa9: {  	s26 =	rddreg [dreg:$0x8];
	s6 =	simm.s32 $0x80;
	s7 =	simm.s32 $0x400;
	[tilespmem:s15+$0x5000] =	vst v18  }
0xaa: {  	v17, _, _ =	vpop (xrf0);
	[spmem:s26] =	stream.strided.scatter [tilespmem:s16], [sflag:$0x5], $0x1800, s7, s6, $0x38;
	[tilespmem:$0x1A808] =	vst v63  }
0xab: {  	_ =	swait.ge [sflag:s5], $0x1800  }
0xac: {  	[sflag:s5] =	ssyncset.done $0x0  }
0xad: {  	s28 =	rddreg [dreg:$0x9];
	[sflag:s5] =	ssyncadd.s32 $0xFFFFE800  }
0xae: {  	[spmem:s28] =	stream.strided.scatter [tilespmem:s25], [sflag:$0x5], $0x1800, s7, s6, $0x38;
	[tilespmem:$0x1A808] =	vst v63  }
0xaf: {  	_ =	swait.ge [sflag:s5], $0x1800  }
0xb0: {  	[sflag:s5] =	ssyncset.done $0x0  }
0xb1: {  	s8 =	simm.s32 $0x5000;
	s29 =	rddreg [dreg:$0xa];
	[sflag:s5] =	ssyncadd.s32 $0xFFFFE800  }
0xb2: {  	[spmem:s29] =	stream.strided.scatter [tilespmem:s8], [sflag:$0x5], $0x1000, s7, s6, $0x38;
	[tilespmem:$0x1A808] =	vst v63  }
0xb3: {  	_ =	swait.ge [sflag:s5], $0x1000  }
0xb4: {  	[sflag:s5] =	ssyncset.done $0x0  }
0xb5: {  	[sflag:s5] =	ssyncadd.s32 $0xFFFFF000  }
.LBB2_11:
.Ltmp5:
0xb6: {  	(pc) =	sbr.rel @p0 .LBB2_13-.Ltmp5, $1  }
0xb7: {  	_ =	sdelay $0x3  }
0xb8: {  	v17 =	vperm.xlane v16, v2  }
0xb9: {  	v18 =	vperm.xlane v16, v5;
	v19 =	vperm.xlane v16, v6  }
0xba: {  	v22 =	vperm.xlane v16, v7;
	v54 =	vperm.xlane v16, v8  }
0xbb: {  	v24 =	vperm.xlane v16, v9;
	v26 =	vperm.xlane v16, v10;
	vm9 =	vlt.s32 v17, v4  }
0xbc: {  	v16 =	vperm.xlane v16, v11;
	v20 =	vsel vm9, $0x1, v2;
	vm9 =	vlt.s32 v19, v4  }
0xbd: {  	vm10 =	vlt.s32 v18, v4;
	v23 =	vsel vm9, $0x1, v2;
	vm9 =	vlt.s32 v22, v4  }
0xbe: {  	v21 =	vsel vm10, $0x1, v2;
	v25 =	vsel vm9, $0x1, v2;
	vm9 =	vlt.s32 v54, v4  }
0xbf: {  	v20 =	vadd.s32 v20, v21;
	v27 =	vsel vm9, $0x1, v2;
	vm9 =	vlt.s32 v24, v4  }
0xc0: {  	v20 =	vadd.s32 v23, v20;
	v55 =	vsel vm9, $0x1, v2;
	vm9 =	vlt.s32 v26, v4  }
0xc1: {  	v20 =	vadd.s32 v25, v20;
	v56 =	vsel vm9, $0x1, v2;
	vm9 =	vlt.s32 v16, v4  }
0xc2: {  	v20 =	vadd.s32 v27, v20;
	v57 =	vsel vm9, $0x1, v2;
	vm9 =	vlt.s32 v17, v12  }
0xc3: {  	v17 =	vadd.s32 v55, v20;
	v58 =	vsel vm9, $0x1, v2;
	vm9 =	vlt.s32 v18, v12  }
0xc4: {  	v17 =	vadd.s32 v56, v17;
	v18 =	vsel vm9, $0x1, v2;
	vm9 =	vlt.s32 v19, v12  }
0xc5: {  	v18 =	vadd.s32 v58, v18;
	v19 =	vsel vm9, $0x1, v2;
	vm9 =	vlt.s32 v22, v12  }
0xc6: {  	v18 =	vadd.s32 v19, v18;
	v59 =	vsel vm9, $0x1, v2;
	vm9 =	vlt.s32 v54, v12  }
0xc7: {  	v18 =	vadd.s32 v59, v18;
	v60 =	vsel vm9, $0x1, v2;
	vm9 =	vlt.s32 v24, v12  }
0xc8: {  	v18 =	vadd.s32 v60, v18;
	v61 =	vsel vm9, $0x1, v2;
	vm9 =	vlt.s32 v26, v12  }
0xc9: {  	v18 =	vadd.s32 v61, v18;
	v62 =	vsel vm9, $0x1, v2;
	vm9 =	vlt.s32 v16, v12  }
0xca: {  	v16 =	vadd.s32 v57, v17;
	v17 =	vadd.s32 v62, v18;
	v63 =	vsel vm9, $0x1, v2  }
0xcb: {  	v16 =	vmax.u32 v16, $0x1;
	v17 =	vadd.s32 v63, v17  }
0xcc: {  	s1 =	sld [smem:$0x7FA];
	v16 =	vsub.s32 v16, v5;
	v17 =	vmax.u32 v17, $0x1  }
0xcd: {  	[tilespmem:$0x8500] =	vst v16;
	v16 =	vsub.s32 v17, v5  }
0xce: {  	s6 =	simm.s32 $0x8500;
	[tilespmem:$0x8510] =	vst v16  }
0xcf: {  	[hbm4b:s1+s2] =	stream.linear.scatter [tilespmem:s6], [sflag:$0x5], $0x80, $0x38;
	[tilespmem:$0x1A808] =	vst v63  }
0xd0: {  	_ =	swait.ge [sflag:s5], $0x80  }
0xd1: {  	[sflag:s5] =	ssyncset.done $0x0  }
0xd2: {  	[sflag:s5] =	ssyncadd.s32 $0xFFFFFF80  }
.LBB2_13:
0xd3: {  	[bflag:$0x0] =	sbarrier.arrive $0xFFFF  }
0xd4: {  	s6 =	simm.s32 $0x6100;
	s1 =	rddreg [dreg:$0xb]  }
0xd5: {  	[tilespmem:s6], [sflag:$0x5] =	stream.linear.gather [spmem:s1], $0xC00, $0x38;
	[tilespmem:$0x1A808] =	vst v63  }
0xd6: {  	_ =	swait.ge [sflag:s5], $0xC00  }
0xd7: {  	[sflag:s5] =	ssyncset.done $0x0  }
0xd8: {  	s26 =	simm.s32 $0x6D00;
	s24 =	rddreg [dreg:$0xc];
	[sflag:s5] =	ssyncadd.s32 $0xFFFFF400  }
0xd9: {  	[tilespmem:s26], [sflag:$0x5] =	stream.linear.gather [spmem:s24], $0xC00, $0x38;
	[tilespmem:$0x1A808] =	vst v63  }
0xda: {  	_ =	swait.ge [sflag:s5], $0xC00  }
0xdb: {  	[sflag:s5] =	ssyncset.done $0x0  }
0xdc: {  	s8 =	simm.s32 $0x7900;
	s7 =	rddreg [dreg:$0xd];
	[sflag:s5] =	ssyncadd.s32 $0xFFFFF400  }
0xdd: {  	[tilespmem:s8], [sflag:$0x5] =	stream.linear.gather [spmem:s7], $0x800, $0x38;
	[tilespmem:$0x1A808] =	vst v63  }
0xde: {  	s22 =	simm.s32 $0x0;
	_ =	swait.ge [sflag:s5], $0x800  }
0xdf: {  	s15 =	sor.u32 s22, s22;
	s17 =	sand.u32 $0xC00, s22;
	[sflag:s5] =	ssyncset.done $0x0  }
0xe0: {  	s1 =	sor.u32 $0x380, s15;
	s24 =	sand.u32 $0x70, s22;
	[sflag:s5] =	ssyncadd.s32 $0xFFFFF800  }
0xe1: {  	s7 =	sor.u32 s24, s17;
	v16 =	vld [tilespmem:s1+$0x6D00]  }
0xe2: {  	v17 =	vld [tilespmem:s7+$0x6D00]  }
0xe3: {  	v18 =	vld [tilespmem:s7+$0x7000]  }
0xe4: {  	v19 =	vld [tilespmem:s7+$0x6D80]  }
0xe5: {  	v20 =	vld [tilespmem:s7+$0x6F80]  }
0xe6: {  	s6 =	sor.u32 s17, s22;
	v21 =	vld [tilespmem:s7+$0x6E00]  }
0xe7: {  	s6 =	sor.u32 $0x180, s6;
	v22 =	vld [tilespmem:s7+$0x6F00];
	v17 =	vadd.f32 $0.0e+00, v17  }
0xe8: {  	v23 =	vld [tilespmem:s6+$0x6D00]  }
0xe9: {  	v24 =	vld [tilespmem:s7+$0x6180];
	v17 =	vadd.f32 v19, v17  }
0xea: {  	v58 =	vld [tilespmem:s7+$0x6100]  }
0xeb: {  	v25 =	vld [tilespmem:s7+$0x6200];
	v17 =	vadd.f32 v21, v17  }
0xec: {  	v59 =	vld [tilespmem:s6+$0x6100]  }
0xed: {  	v60 =	vld [tilespmem:s7+$0x6300];
	v17 =	vadd.f32 v23, v17  }
0xee: {  	v26 =	vld [tilespmem:s7+$0x6380]  }
0xef: {  	v61 =	vld [tilespmem:s7+$0x6400];
	v19 =	vadd.s32 v58, v24;
	v17 =	vadd.f32 v22, v17  }
0xf0: {  	v62 =	vld [tilespmem:s1+$0x6100];
	v19 =	vadd.s32 v25, v19  }
0xf1: {  	v19 =	vadd.s32 v59, v19;
	v17 =	vadd.f32 v20, v17  }
0xf2: {  	v19 =	vadd.s32 v60, v19  }
0xf3: {  	v19 =	vadd.s32 v26, v19;
	v17 =	vadd.f32 v18, v17  }
0xf4: {  	s29 =	simm.s32 $0x80;
	s15 =	simm.s32 $0x10;
	v63 =	vadd.s32 v61, v19  }
0xf5: {  	s26 =	sor.u32 s29, s15;
	s1 =	simm.s32 $0x8100;
	v18 =	vadd.s32 v62, v63;
	v16 =	vadd.f32 v16, v17  }
0xf6: {  	s28 =	sor.u32 $0x380, s26;
	s26 =	simm.s32 $0x10;
	s17 =	simm.s32 $0x8280;
	[tilespmem:s1+$0x0] =	vst v18  }
0xf7: {  	s8 =	sand.u32 $0x70, s15;
	s7 =	sand.u32 $0xC00, s29;
	s6 =	simm.s32 $0x20;
	[tilespmem:s17+$0x0] =	vst v16  }
.LBB2_14:
0xf8: {  	p3 =	sne.s32 s6, $0x170;
	s8 =	sor.u32 s8, s7;
	v16 =	vld [tilespmem:s28+$0x6D00]  }
0xf9: {  	v17 =	vld [tilespmem:s8+$0x6D00]  }
0xfa: {  	v18 =	vld [tilespmem:s8+$0x7000]  }
0xfb: {  	v19 =	vld [tilespmem:s8+$0x6D80]  }
0xfc: {  	v20 =	vld [tilespmem:s8+$0x6F80]  }
0xfd: {  	s7 =	sor.u32 s7, s26;
	s26 =	smov.u32 s6;
	v21 =	vld [tilespmem:s8+$0x6E00]  }
0xfe: {  	s7 =	sor.u32 $0x180, s7;
	v17 =	vadd.f32 $0.0e+00, v17;
	v22 =	vld [tilespmem:s8+$0x6F00]  }
0xff: {  	v23 =	vld [tilespmem:s7+$0x6D00]  }
0x100: {  	v24 =	vld [tilespmem:s8+$0x6180];
	v17 =	vadd.f32 v19, v17  }
0x101: {  	v19 =	vld [tilespmem:s8+$0x6100]  }
0x102: {  	v25 =	vld [tilespmem:s8+$0x6200];
	v17 =	vadd.f32 v21, v17  }
0x103: {  	v21 =	vld [tilespmem:s7+$0x6100]  }
0x104: {  	v17 =	vadd.f32 v23, v17;
	v23 =	vld [tilespmem:s8+$0x6300]  }
0x105: {  	v26 =	vld [tilespmem:s8+$0x6380]  }
0x106: {  	v19 =	vadd.s32 v19, v24;
	v17 =	vadd.f32 v22, v17;
	v22 =	vld [tilespmem:s8+$0x6400]  }
0x107: {  	v19 =	vadd.s32 v25, v19;
	v24 =	vld [tilespmem:s28+$0x6100]  }
0x108: {  	v19 =	vadd.s32 v21, v19;
	v17 =	vadd.f32 v20, v17  }
0x109: {  	v19 =	vadd.s32 v23, v19  }
.Ltmp6:
0x10a: {  	v19 =	vadd.s32 v26, v19;
	v17 =	vadd.f32 v18, v17;
	(pc) =	sbr.rel @p3 .LBB2_14-.Ltmp6, $4  }
0x10b: {  	v18 =	vadd.s32 v22, v19  }
0x10c: {  	s29 =	sadd.s32 $0x80, s29;
	s1 =	sadd.s32 $0x10, s1;
	v18 =	vadd.s32 v24, v18;
	v16 =	vadd.f32 v16, v17  }
0x10d: {  	s17 =	sadd.s32 $0x10, s17;
	s8 =	sand.u32 $0x70, s6;
	s28 =	sor.u32 s29, s6;
	[tilespmem:s1+$0x0] =	vst v18  }
0x10e: {  	s7 =	sand.u32 $0xC00, s29;
	s6 =	sadd.s32 $0x10, s6;
	s28 =	sor.u32 $0x380, s28;
	[tilespmem:s17+$0x0] =	vst v16  }
0x10f: {  	s6 =	sor.u32 s8, s7;
	v16 =	vld [tilespmem:s28+$0x6D00]  }
0x110: {  	v17 =	vld [tilespmem:s6+$0x6D00]  }
0x111: {  	v18 =	vld [tilespmem:s6+$0x7000]  }
0x112: {  	v19 =	vld [tilespmem:s6+$0x6D80]  }
0x113: {  	v20 =	vld [tilespmem:s6+$0x6F80]  }
0x114: {  	s8 =	sor.u32 s7, s26;
	v21 =	vld [tilespmem:s6+$0x6E00]  }
0x115: {  	s7 =	sor.u32 $0x180, s8;
	v22 =	vld [tilespmem:s6+$0x6F00];
	v17 =	vadd.f32 $0.0e+00, v17  }
0x116: {  	v23 =	vld [tilespmem:s7+$0x6D00]  }
0x117: {  	v24 =	vld [tilespmem:s6+$0x6180];
	v17 =	vadd.f32 v19, v17  }
0x118: {  	v54 =	vld [tilespmem:s6+$0x6100]  }
0x119: {  	v25 =	vld [tilespmem:s6+$0x6200];
	v17 =	vadd.f32 v21, v17  }
0x11a: {  	v55 =	vld [tilespmem:s7+$0x6100]  }
0x11b: {  	v56 =	vld [tilespmem:s6+$0x6300];
	v17 =	vadd.f32 v23, v17  }
0x11c: {  	v26 =	vld [tilespmem:s6+$0x6380]  }
0x11d: {  	v57 =	vld [tilespmem:s6+$0x6400];
	v19 =	vadd.s32 v54, v24;
	v17 =	vadd.f32 v22, v17  }
0x11e: {  	v58 =	vld [tilespmem:s28+$0x6100];
	v19 =	vadd.s32 v25, v19  }
0x11f: {  	v19 =	vadd.s32 v55, v19;
	v17 =	vadd.f32 v20, v17  }
0x120: {  	v19 =	vadd.s32 v56, v19  }
0x121: {  	v19 =	vadd.s32 v26, v19;
	v17 =	vadd.f32 v18, v17  }
0x122: {  	v59 =	vadd.s32 v57, v19  }
0x123: {  	s1 =	sadd.s32 $0x10, s1;
	v18 =	vadd.s32 v58, v59;
	v16 =	vadd.f32 v16, v17  }
0x124: {  	s17 =	sadd.s32 $0x10, s17;
	s22 =	sand.u32 $0x400, s22;
	[tilespmem:s1+$0x0] =	vst v18  }
0x125: {  	s26 =	sor.u32 s24, s22;
	[tilespmem:s17+$0x0] =	vst v16  }
0x126: {  	v16 =	vld [tilespmem:s26+$0x7980]  }
0x127: {  	v17 =	vld [tilespmem:s26+$0x7900]  }
0x128: {  	v18 =	vld [tilespmem:s26+$0x7A00]  }
0x129: {  	v60 =	vld [tilespmem:s26+$0x7A80]  }
0x12a: {  	v61 =	vld [tilespmem:s26+$0x7B00]  }
0x12b: {  	v62 =	vld [tilespmem:s26+$0x7B80]  }
0x12c: {  	v16 =	vadd.s32 v17, v16;
	v17 =	vld [tilespmem:s26+$0x7C00]  }
0x12d: {  	v63 =	vld [tilespmem:s26+$0x7C80];
	v16 =	vadd.s32 v18, v16  }
0x12e: {  	v16 =	vadd.s32 v60, v16  }
0x12f: {  	v16 =	vadd.s32 v61, v16  }
0x130: {  	v16 =	vadd.s32 v62, v16  }
0x131: {  	s6 =	simm.s32 $0x80;
	v16 =	vadd.s32 v17, v16  }
0x132: {  	s28 =	sand.u32 $0x70, s15;
	s29 =	sand.u32 $0x400, s6;
	s1 =	simm.s32 $0x8400;
	v16 =	vadd.s32 v63, v16  }
0x133: {  	[smem:$0x7F9] =	sst s0;
	s15 =	simm.s32 $0x20;
	s17 =	sor.u32 s28, s29;
	[tilespmem:s1+$0x0] =	vst v16  }
.LBB2_16:
0x134: {  	p3 =	sne.s32 s15, $0xF0;
	v16 =	vld [tilespmem:s17+$0x7980]  }
0x135: {  	v17 =	vld [tilespmem:s17+$0x7900]  }
0x136: {  	v18 =	vld [tilespmem:s17+$0x7A00]  }
0x137: {  	v19 =	vld [tilespmem:s17+$0x7A80]  }
0x138: {  	v20 =	vld [tilespmem:s17+$0x7B00]  }
0x139: {  	v21 =	vld [tilespmem:s17+$0x7B80]  }
0x13a: {  	v16 =	vadd.s32 v17, v16;
	v17 =	vld [tilespmem:s17+$0x7C00]  }
0x13b: {  	v16 =	vadd.s32 v18, v16;
	v18 =	vld [tilespmem:s17+$0x7C80]  }
0x13c: {  	v16 =	vadd.s32 v19, v16  }
.Ltmp7:
0x13d: {  	v16 =	vadd.s32 v20, v16;
	(pc) =	sbr.rel @p3 .LBB2_16-.Ltmp7, $4  }
0x13e: {  	v16 =	vadd.s32 v21, v16  }
0x13f: {  	s6 =	sadd.s32 $0x80, s6;
	v16 =	vadd.s32 v17, v16  }
0x140: {  	s7 =	sand.u32 $0x70, s15;
	s1 =	sadd.s32 $0x10, s1;
	s8 =	sand.u32 $0x400, s6;
	v16 =	vadd.s32 v18, v16  }
0x141: {  	s15 =	sadd.s32 $0x10, s15;
	s17 =	sor.u32 s7, s8;
	[tilespmem:s1+$0x0] =	vst v16  }
0x142: {  	v16 =	vld [tilespmem:s17+$0x7980]  }
0x143: {  	v17 =	vld [tilespmem:s17+$0x7900]  }
0x144: {  	v18 =	vld [tilespmem:s17+$0x7A00]  }
0x145: {  	v19 =	vld [tilespmem:s17+$0x7A80]  }
0x146: {  	v20 =	vld [tilespmem:s17+$0x7B00]  }
0x147: {  	v21 =	vld [tilespmem:s17+$0x7B80]  }
0x148: {  	v16 =	vadd.s32 v17, v16;
	v17 =	vld [tilespmem:s17+$0x7C00]  }
0x149: {  	v63 =	vld [tilespmem:s17+$0x7C80];
	v16 =	vadd.s32 v18, v16  }
0x14a: {  	v16 =	vadd.s32 v19, v16  }
0x14b: {  	v16 =	vadd.s32 v20, v16  }
0x14c: {  	v16 =	vadd.s32 v21, v16  }
0x14d: {  	v16 =	vadd.s32 v17, v16  }
0x14e: {  	s1 =	sadd.s32 $0x10, s1;
	v16 =	vadd.s32 v63, v16  }
0x14f: {  	s28 =	rddreg [dreg:$0x1b];
	s6 =	simm.s32 $0x8100;
	[tilespmem:s1+$0x0] =	vst v16  }
0x150: {  	[spmem:s28] =	stream.linear.scatter [tilespmem:s6], [sflag:$0x5], $0x180, $0x38;
	[tilespmem:$0x1A808] =	vst v63  }
0x151: {  	_ =	swait.ge [sflag:s5], $0x180  }
0x152: {  	s7 =	sld [smem:$0x7FC]  }
0x153: {  	[sflag:s5] =	ssyncset.done $0x0  }
0x154: {  	s1 =	simm.s32 @!p1 $0x0;
	s6 =	simm.s32 @!p1 $0x8280;
	[sflag:s5] =	ssyncadd.s32 $0xFFFFFE80  }
0x155: {  	[hbm4b:s7+s1] =	stream.linear.scatter @!p1 [tilespmem:s6], [sflag:$0x5], $0x180, $0x38;
	[tilespmem:$0x1A808] =	vst v63  }
0x156: {  	s6 =	simm.s32 @!p1 $0x5  }
0x157: {  	_ =	swait.ge @!p1 [sflag:s6], $0x180  }
0x158: {  	[sflag:s6] =	ssyncset.done @!p1 $0x0  }
0x159: {  	s7 =	simm.s32 @!p1 $0x8400;
	s8 =	rddreg [dreg:$0x14];
	[sflag:s6] =	ssyncadd.s32 @!p1 $0xFFFFFE80  }
0x15a: {  	[hbm4b:s8+s1] =	stream.linear.scatter @!p1 [tilespmem:s7], [sflag:$0x5], $0x100, $0x38;
	[tilespmem:$0x1A808] =	vst v63  }
0x15b: {  	_ =	swait.ge @!p1 [sflag:s6], $0x100  }
0x15c: {  	[sflag:s6] =	ssyncset.done @!p1 $0x0  }
0x15d: {  	[sflag:s6] =	ssyncadd.s32 @!p1 $0xFFFFFF00  }
0x15e: {  	[bflag:$0x0] =	sbarrier.arrive $0xFFFF  }
0x15f: {  	s7 =	simm.s32 $0xA708;
	s29 =	rddreg [dreg:$0x15]  }
0x160: {  	[tilespmem:s7], [sflag:$0x5] =	stream.linear.gather [spmem:s29], $0x20, $0x38;
	[tilespmem:$0x1A808] =	vst v63  }
0x161: {  	_ =	swait.ge [sflag:s5], $0x20  }
0x162: {  	[sflag:s5] =	ssyncset.done $0x0  }
0x163: {  	[sflag:s5] =	ssyncadd.s32 $0xFFFFFFE0  }
0x164: {  	v16 =	vld [tilespmem:$0xA708];
	_ =	sdelay $0x4  }
0x165: {  	v17 =	vshll.u32 v16, $0x3  }
0x166: {  	v16 =	vand.u32 $0x7, v16;
	v17 =	vand.u32 $0xFFFFFFC0, v17  }
0x167: {  	v16 =	vor.u32 v16, v17  }
0x168: {  	v17 =	vperm.xlane v16, v13;
	_ =	sdelay $0x1  }
0x169: {  	v17 =	vadd.s32 v14, v17;
	_ =	sdelay $0x4  }
0x16a: {  	[tilespmem:s23], [sflag:$0x1] =	stream.indirect_vreg.gather [hbm4b:s20+s2], $0x80, v17, vm8, $0xb8;
	[tilespmem:$0x1A808] =	vst v63  }
0x16b: {  	v16 =	vperm.xlane v16, v15  }
0x16c: {  	[tilespmem:s14], [sflag:$0x1] =	stream.indirect_vreg.gather [hbm4b:s30+s2], $0x80, v17, vm8, $0xb8;
	[tilespmem:$0x1A808] =	vst v63  }
0x16d: {  	s0 =	simm.s32 $0xB808;
	v16 =	vadd.s32 v14, v16  }
0x16e: {  	[tilespmem:s0], [sflag:$0x1] =	stream.indirect_vreg.gather [hbm4b:s3+s2], $0x80, v17, vm8, $0xb8;
	[tilespmem:$0x1A808] =	vst v63  }
0x16f: {  	s15 =	simm.s32 $0xC008  }
0x170: {  	[tilespmem:s15], [sflag:$0x1] =	stream.indirect_vreg.gather [hbm4b:s4+s2], $0x80, v17, vm8, $0xb8;
	[tilespmem:$0x1A808] =	vst v63  }
0x171: {  	s17 =	simm.s32 $0xC808  }
0x172: {  	[tilespmem:s17], [sflag:$0x1] =	stream.indirect_vreg.gather [hbm4b:s20+s2], $0x80, v16, vm8, $0xb8;
	[tilespmem:$0x1A808] =	vst v63  }
0x173: {  	s22 =	simm.s32 $0xD008  }
0x174: {  	[tilespmem:s22], [sflag:$0x1] =	stream.indirect_vreg.gather [hbm4b:s30+s2], $0x80, v16, vm8, $0xb8;
	[tilespmem:$0x1A808] =	vst v63  }
0x175: {  	s24 =	simm.s32 $0xD808  }
0x176: {  	[tilespmem:s24], [sflag:$0x1] =	stream.indirect_vreg.gather [hbm4b:s3+s2], $0x80, v16, vm8, $0xb8;
	[tilespmem:$0x1A808] =	vst v63  }
0x177: {  	s26 =	simm.s32 $0xE008  }
0x178: {  	[tilespmem:s26], [sflag:$0x1] =	stream.indirect_vreg.gather [hbm4b:s4+s2], $0x80, v16, vm8, $0xb8;
	[tilespmem:$0x1A808] =	vst v63  }
0x179: {  	v16 =	vld [tilespmem:$0xA718];
	_ =	sdelay $0x4  }
0x17a: {  	v17 =	vshll.u32 v16, $0x3  }
0x17b: {  	v16 =	vand.u32 $0x7, v16;
	v17 =	vand.u32 $0xFFFFFFC0, v17  }
0x17c: {  	v16 =	vor.u32 v16, v17  }
0x17d: {  	v17 =	vperm.xlane v16, v13;
	_ =	sdelay $0x1  }
0x17e: {  	v17 =	vadd.s32 v14, v17;
	_ =	sdelay $0x3  }
0x17f: {  	s28 =	simm.s32 $0xE808  }
0x180: {  	[tilespmem:s28], [sflag:$0x1] =	stream.indirect_vreg.gather [hbm4b:s20+s2], $0x80, v17, vm8, $0xb8;
	[tilespmem:$0x1A808] =	vst v63  }
0x181: {  	s29 =	simm.s32 $0xF008;
	v16 =	vperm.xlane v16, v15  }
0x182: {  	[tilespmem:s29], [sflag:$0x1] =	stream.indirect_vreg.gather [hbm4b:s30+s2], $0x80, v17, vm8, $0xb8;
	[tilespmem:$0x1A808] =	vst v63  }
0x183: {  	v16 =	vadd.s32 v14, v16  }
0x184: {  	[tilespmem:s9], [sflag:$0x1] =	stream.indirect_vreg.gather [hbm4b:s3+s2], $0x80, v17, vm8, $0xb8;
	[tilespmem:$0x1A808] =	vst v63  }
0x185: {  	_ = 	snop  }
0x186: {  	[tilespmem:s10], [sflag:$0x1] =	stream.indirect_vreg.gather [hbm4b:s4+s2], $0x80, v17, vm8, $0xb8;
	[tilespmem:$0x1A808] =	vst v63  }
0x187: {  	_ = 	snop  }
0x188: {  	[tilespmem:s11], [sflag:$0x1] =	stream.indirect_vreg.gather [hbm4b:s20+s2], $0x80, v16, vm8, $0xb8;
	[tilespmem:$0x1A808] =	vst v63  }
0x189: {  	_ = 	snop  }
0x18a: {  	[tilespmem:s12], [sflag:$0x1] =	stream.indirect_vreg.gather [hbm4b:s30+s2], $0x80, v16, vm8, $0xb8;
	[tilespmem:$0x1A808] =	vst v63  }
0x18b: {  	_ = 	snop  }
0x18c: {  	[tilespmem:s13], [sflag:$0x1] =	stream.indirect_vreg.gather [hbm4b:s3+s2], $0x80, v16, vm8, $0xb8;
	[tilespmem:$0x1A808] =	vst v63  }
0x18d: {  	_ = 	snop  }
0x18e: {  	[tilespmem:s31], [sflag:$0x1] =	stream.indirect_vreg.gather [hbm4b:s4+s2], $0x80, v16, vm8, $0xb8;
	[tilespmem:$0x1A808] =	vst v63  }
0x18f: {  	s6 =	simm.s32 $0xA788;
	s0 =	rddreg [dreg:$0x16]  }
0x190: {  	[tilespmem:s6], [sflag:$0x5] =	stream.linear.gather [spmem:s0], $0x20, $0x38;
	[tilespmem:$0x1A808] =	vst v63  }
0x191: {  	_ =	swait.ge [sflag:s5], $0x20  }
0x192: {  	[sflag:s5] =	ssyncset.done $0x0  }
0x193: {  	[sflag:s5] =	ssyncadd.s32 $0xFFFFFFE0  }
0x194: {  	v16 =	vld [tilespmem:$0xA788];
	_ =	sdelay $0x4  }
0x195: {  	v17 =	vshll.u32 v16, $0x3  }
0x196: {  	v16 =	vand.u32 $0x7, v16;
	v17 =	vand.u32 $0xFFFFFFC0, v17  }
0x197: {  	v16 =	vor.u32 v16, v17  }
0x198: {  	v17 =	vperm.xlane v16, v13;
	_ =	sdelay $0x1  }
0x199: {  	v17 =	vadd.s32 v14, v17;
	_ =	sdelay $0x4  }
0x19a: {  	[tilespmem:s18], [sflag:$0x2] =	stream.indirect_vreg.gather [hbm4b:s20+s2], $0x80, v17, vm8, $0xb8;
	[tilespmem:$0x1A808] =	vst v63  }
0x19b: {  	s1 =	simm.s32 $0x13008;
	v16 =	vperm.xlane v16, v15  }
0x19c: {  	[tilespmem:s1], [sflag:$0x2] =	stream.indirect_vreg.gather [hbm4b:s30+s2], $0x80, v17, vm8, $0xb8;
	[tilespmem:$0x1A808] =	vst v63  }
0x19d: {  	s6 =	simm.s32 $0x13808;
	v16 =	vadd.s32 v14, v16  }
0x19e: {  	[tilespmem:s6], [sflag:$0x2] =	stream.indirect_vreg.gather [hbm4b:s3+s2], $0x80, v17, vm8, $0xb8;
	[tilespmem:$0x1A808] =	vst v63  }
0x19f: {  	s1 =	simm.s32 $0x14008  }
0x1a0: {  	[tilespmem:s1], [sflag:$0x2] =	stream.indirect_vreg.gather [hbm4b:s4+s2], $0x80, v17, vm8, $0xb8;
	[tilespmem:$0x1A808] =	vst v63  }
0x1a1: {  	s6 =	simm.s32 $0x14808  }
0x1a2: {  	[tilespmem:s6], [sflag:$0x2] =	stream.indirect_vreg.gather [hbm4b:s20+s2], $0x80, v16, vm8, $0xb8;
	[tilespmem:$0x1A808] =	vst v63  }
0x1a3: {  	s1 =	simm.s32 $0x15008  }
0x1a4: {  	[tilespmem:s1], [sflag:$0x2] =	stream.indirect_vreg.gather [hbm4b:s30+s2], $0x80, v16, vm8, $0xb8;
	[tilespmem:$0x1A808] =	vst v63  }
0x1a5: {  	s6 =	simm.s32 $0x15808  }
0x1a6: {  	[tilespmem:s6], [sflag:$0x2] =	stream.indirect_vreg.gather [hbm4b:s3+s2], $0x80, v16, vm8, $0xb8;
	[tilespmem:$0x1A808] =	vst v63  }
0x1a7: {  	s1 =	simm.s32 $0x16008  }
0x1a8: {  	[tilespmem:s1], [sflag:$0x2] =	stream.indirect_vreg.gather [hbm4b:s4+s2], $0x80, v16, vm8, $0xb8;
	[tilespmem:$0x1A808] =	vst v63  }
0x1a9: {  	v16 =	vld [tilespmem:$0xA798];
	_ =	sdelay $0x4  }
0x1aa: {  	v17 =	vshll.u32 v16, $0x3  }
0x1ab: {  	v16 =	vand.u32 $0x7, v16;
	v17 =	vand.u32 $0xFFFFFFC0, v17  }
0x1ac: {  	v16 =	vor.u32 v16, v17  }
0x1ad: {  	v17 =	vperm.xlane v16, v13;
	_ =	sdelay $0x1  }
0x1ae: {  	v17 =	vadd.s32 v14, v17;
	_ =	sdelay $0x3  }
0x1af: {  	s6 =	simm.s32 $0x16808  }
0x1b0: {  	[tilespmem:s6], [sflag:$0x2] =	stream.indirect_vreg.gather [hbm4b:s20+s2], $0x80, v17, vm8, $0xb8;
	[tilespmem:$0x1A808] =	vst v63  }
0x1b1: {  	s1 =	simm.s32 $0x17008;
	v16 =	vperm.xlane v16, v15  }
0x1b2: {  	[tilespmem:s1], [sflag:$0x2] =	stream.indirect_vreg.gather [hbm4b:s30+s2], $0x80, v17, vm8, $0xb8;
	[tilespmem:$0x1A808] =	vst v63  }
0x1b3: {  	v16 =	vadd.s32 v14, v16;
	s6 =	simm.s32 $0x17808  }
0x1b4: {  	[tilespmem:s6], [sflag:$0x2] =	stream.indirect_vreg.gather [hbm4b:s3+s2], $0x80, v17, vm8, $0xb8;
	[tilespmem:$0x1A808] =	vst v63  }
0x1b5: {  	s1 =	simm.s32 $0x18008  }
0x1b6: {  	[tilespmem:s1], [sflag:$0x2] =	stream.indirect_vreg.gather [hbm4b:s4+s2], $0x80, v17, vm8, $0xb8;
	[tilespmem:$0x1A808] =	vst v63  }
0x1b7: {  	s6 =	simm.s32 $0x18808  }
0x1b8: {  	[tilespmem:s6], [sflag:$0x2] =	stream.indirect_vreg.gather [hbm4b:s20+s2], $0x80, v16, vm8, $0xb8;
	[tilespmem:$0x1A808] =	vst v63  }
0x1b9: {  	s1 =	simm.s32 $0x19008  }
0x1ba: {  	[tilespmem:s1], [sflag:$0x2] =	stream.indirect_vreg.gather [hbm4b:s30+s2], $0x80, v16, vm8, $0xb8;
	[tilespmem:$0x1A808] =	vst v63  }
0x1bb: {  	s6 =	simm.s32 $0x19808  }
0x1bc: {  	[tilespmem:s6], [sflag:$0x2] =	stream.indirect_vreg.gather [hbm4b:s3+s2], $0x80, v16, vm8, $0xb8;
	[tilespmem:$0x1A808] =	vst v63  }
0x1bd: {  	s0 =	simm.s32 $0x1;
	s1 =	simm.s32 $0x1A008  }
0x1be: {  	[tilespmem:s1], [sflag:$0x2] =	stream.indirect_vreg.gather [hbm4b:s4+s2], $0x80, v16, vm8, $0xb8;
	[tilespmem:$0x1A808] =	vst v63  }
0x1bf: {  	_ =	swait.ge [sflag:s0], $0x8000  }
0x1c0: {  	[sflag:s0] =	ssyncset.done $0x0  }
0x1c1: {  	s6 =	rddreg [dreg:$0xe];
	[sflag:s0] =	ssyncadd.s32 $0xFFFF8000  }
0x1c2: {  	[hbm4b:s6+s2] =	stream.linear.scatter [tilespmem:s23], [sflag:$0x3], $0x8000, $0x38;
	[tilespmem:$0x1A808] =	vst v63  }
0x1c3: {  	s6 =	simm.s32 $0x3  }
0x1c4: {  	_ =	swait.ge [sflag:s6], $0x8000  }
0x1c5: {  	[sflag:s6] =	ssyncset.done $0x0  }
0x1c6: {  	s1 =	rddreg [dreg:$0x17];
	[sflag:s6] =	ssyncadd.s32 $0xFFFF8000  }
0x1c7: {  	[tilespmem:s7], [sflag:$0x5] =	stream.linear.gather [spmem:s1], $0x20, $0x38;
	[tilespmem:$0x1A808] =	vst v63  }
0x1c8: {  	_ =	swait.ge [sflag:s5], $0x20  }
0x1c9: {  	[sflag:s5] =	ssyncset.done $0x0  }
0x1ca: {  	[sflag:s5] =	ssyncadd.s32 $0xFFFFFFE0  }
0x1cb: {  	v16 =	vld [tilespmem:$0xA708];
	_ =	sdelay $0x4  }
0x1cc: {  	v17 =	vshll.u32 v16, $0x3  }
0x1cd: {  	v16 =	vand.u32 $0x7, v16;
	v17 =	vand.u32 $0xFFFFFFC0, v17  }
0x1ce: {  	v16 =	vor.u32 v16, v17  }
0x1cf: {  	v17 =	vperm.xlane v16, v13;
	_ =	sdelay $0x1  }
0x1d0: {  	v17 =	vadd.s32 v14, v17;
	_ =	sdelay $0x4  }
0x1d1: {  	[tilespmem:s23], [sflag:$0x1] =	stream.indirect_vreg.gather [hbm4b:s20+s2], $0x80, v17, vm8, $0xb8;
	[tilespmem:$0x1A808] =	vst v63  }
0x1d2: {  	v16 =	vperm.xlane v16, v15  }
0x1d3: {  	[tilespmem:s14], [sflag:$0x1] =	stream.indirect_vreg.gather [hbm4b:s30+s2], $0x80, v17, vm8, $0xb8;
	[tilespmem:$0x1A808] =	vst v63  }
0x1d4: {  	s8 =	simm.s32 $0xB808;
	v16 =	vadd.s32 v14, v16  }
0x1d5: {  	[tilespmem:s8], [sflag:$0x1] =	stream.indirect_vreg.gather [hbm4b:s3+s2], $0x80, v17, vm8, $0xb8;
	[tilespmem:$0x1A808] =	vst v63  }
0x1d6: {  	_ = 	snop  }
0x1d7: {  	[tilespmem:s15], [sflag:$0x1] =	stream.indirect_vreg.gather [hbm4b:s4+s2], $0x80, v17, vm8, $0xb8;
	[tilespmem:$0x1A808] =	vst v63  }
0x1d8: {  	_ = 	snop  }
0x1d9: {  	[tilespmem:s17], [sflag:$0x1] =	stream.indirect_vreg.gather [hbm4b:s20+s2], $0x80, v16, vm8, $0xb8;
	[tilespmem:$0x1A808] =	vst v63  }
0x1da: {  	_ = 	snop  }
0x1db: {  	[tilespmem:s22], [sflag:$0x1] =	stream.indirect_vreg.gather [hbm4b:s30+s2], $0x80, v16, vm8, $0xb8;
	[tilespmem:$0x1A808] =	vst v63  }
0x1dc: {  	_ = 	snop  }
0x1dd: {  	[tilespmem:s24], [sflag:$0x1] =	stream.indirect_vreg.gather [hbm4b:s3+s2], $0x80, v16, vm8, $0xb8;
	[tilespmem:$0x1A808] =	vst v63  }
0x1de: {  	_ = 	snop  }
0x1df: {  	[tilespmem:s26], [sflag:$0x1] =	stream.indirect_vreg.gather [hbm4b:s4+s2], $0x80, v16, vm8, $0xb8;
	[tilespmem:$0x1A808] =	vst v63  }
0x1e0: {  	v16 =	vld [tilespmem:$0xA718];
	_ =	sdelay $0x4  }
0x1e1: {  	v17 =	vshll.u32 v16, $0x3  }
0x1e2: {  	v16 =	vand.u32 $0x7, v16;
	v17 =	vand.u32 $0xFFFFFFC0, v17  }
0x1e3: {  	v16 =	vor.u32 v16, v17  }
0x1e4: {  	v17 =	vperm.xlane v16, v13;
	_ =	sdelay $0x1  }
0x1e5: {  	v17 =	vadd.s32 v14, v17;
	_ =	sdelay $0x4  }
0x1e6: {  	[tilespmem:s28], [sflag:$0x1] =	stream.indirect_vreg.gather [hbm4b:s20+s2], $0x80, v17, vm8, $0xb8;
	[tilespmem:$0x1A808] =	vst v63  }
0x1e7: {  	v16 =	vperm.xlane v16, v15  }
0x1e8: {  	[tilespmem:s29], [sflag:$0x1] =	stream.indirect_vreg.gather [hbm4b:s30+s2], $0x80, v17, vm8, $0xb8;
	[tilespmem:$0x1A808] =	vst v63  }
0x1e9: {  	v16 =	vadd.s32 v14, v16  }
0x1ea: {  	[tilespmem:s9], [sflag:$0x1] =	stream.indirect_vreg.gather [hbm4b:s3+s2], $0x80, v17, vm8, $0xb8;
	[tilespmem:$0x1A808] =	vst v63  }
0x1eb: {  	_ = 	snop  }
0x1ec: {  	[tilespmem:s10], [sflag:$0x1] =	stream.indirect_vreg.gather [hbm4b:s4+s2], $0x80, v17, vm8, $0xb8;
	[tilespmem:$0x1A808] =	vst v63  }
0x1ed: {  	_ = 	snop  }
0x1ee: {  	[tilespmem:s11], [sflag:$0x1] =	stream.indirect_vreg.gather [hbm4b:s20+s2], $0x80, v16, vm8, $0xb8;
	[tilespmem:$0x1A808] =	vst v63  }
0x1ef: {  	_ = 	snop  }
0x1f0: {  	[tilespmem:s12], [sflag:$0x1] =	stream.indirect_vreg.gather [hbm4b:s30+s2], $0x80, v16, vm8, $0xb8;
	[tilespmem:$0x1A808] =	vst v63  }
0x1f1: {  	_ = 	snop  }
0x1f2: {  	[tilespmem:s13], [sflag:$0x1] =	stream.indirect_vreg.gather [hbm4b:s3+s2], $0x80, v16, vm8, $0xb8;
	[tilespmem:$0x1A808] =	vst v63  }
0x1f3: {  	_ = 	snop  }
0x1f4: {  	[tilespmem:s31], [sflag:$0x1] =	stream.indirect_vreg.gather [hbm4b:s4+s2], $0x80, v16, vm8, $0xb8;
	[tilespmem:$0x1A808] =	vst v63  }
0x1f5: {  	_ =	swait.ge [sflag:s19], $0x8000  }
0x1f6: {  	[sflag:s19] =	ssyncset.done $0x0  }
0x1f7: {  	s8 =	rddreg [dreg:$0xf];
	[sflag:s19] =	ssyncadd.s32 $0xFFFF8000  }
0x1f8: {  	[hbm4b:s8+s2] =	stream.linear.scatter [tilespmem:s18], [sflag:$0x4], $0x8000, $0x38;
	[tilespmem:$0x1A808] =	vst v63  }
0x1f9: {  	_ =	swait.ge [sflag:s21], $0x8000  }
0x1fa: {  	[sflag:s21] =	ssyncset.done $0x0  }
0x1fb: {  	s8 =	simm.s32 $0xA788;
	s1 =	rddreg [dreg:$0x18];
	[sflag:s21] =	ssyncadd.s32 $0xFFFF8000  }
0x1fc: {  	[tilespmem:s8], [sflag:$0x5] =	stream.linear.gather [spmem:s1], $0x20, $0x38;
	[tilespmem:$0x1A808] =	vst v63  }
0x1fd: {  	_ =	swait.ge [sflag:s5], $0x20  }
0x1fe: {  	[sflag:s5] =	ssyncset.done $0x0  }
0x1ff: {  	[sflag:s5] =	ssyncadd.s32 $0xFFFFFFE0  }
0x200: {  	v16 =	vld [tilespmem:$0xA788];
	_ =	sdelay $0x4  }
0x201: {  	v17 =	vshll.u32 v16, $0x3  }
0x202: {  	v16 =	vand.u32 $0x7, v16;
	v17 =	vand.u32 $0xFFFFFFC0, v17  }
0x203: {  	v16 =	vor.u32 v16, v17  }
0x204: {  	v17 =	vperm.xlane v16, v13;
	_ =	sdelay $0x1  }
0x205: {  	v17 =	vadd.s32 v14, v17;
	_ =	sdelay $0x4  }
0x206: {  	[tilespmem:s18], [sflag:$0x2] =	stream.indirect_vreg.gather [hbm4b:s20+s2], $0x80, v17, vm8, $0xb8;
	[tilespmem:$0x1A808] =	vst v63  }
0x207: {  	s8 =	simm.s32 $0x13008;
	v16 =	vperm.xlane v16, v15  }
0x208: {  	[tilespmem:s8], [sflag:$0x2] =	stream.indirect_vreg.gather [hbm4b:s30+s2], $0x80, v17, vm8, $0xb8;
	[tilespmem:$0x1A808] =	vst v63  }
0x209: {  	v16 =	vadd.s32 v14, v16;
	s8 =	simm.s32 $0x13808  }
0x20a: {  	[tilespmem:s8], [sflag:$0x2] =	stream.indirect_vreg.gather [hbm4b:s3+s2], $0x80, v17, vm8, $0xb8;
	[tilespmem:$0x1A808] =	vst v63  }
0x20b: {  	s1 =	simm.s32 $0x14008  }
0x20c: {  	[tilespmem:s1], [sflag:$0x2] =	stream.indirect_vreg.gather [hbm4b:s4+s2], $0x80, v17, vm8, $0xb8;
	[tilespmem:$0x1A808] =	vst v63  }
0x20d: {  	s1 =	simm.s32 $0x14808  }
0x20e: {  	[tilespmem:s1], [sflag:$0x2] =	stream.indirect_vreg.gather [hbm4b:s20+s2], $0x80, v16, vm8, $0xb8;
	[tilespmem:$0x1A808] =	vst v63  }
0x20f: {  	s1 =	simm.s32 $0x15008  }
0x210: {  	[tilespmem:s1], [sflag:$0x2] =	stream.indirect_vreg.gather [hbm4b:s30+s2], $0x80, v16, vm8, $0xb8;
	[tilespmem:$0x1A808] =	vst v63  }
0x211: {  	s1 =	simm.s32 $0x15808  }
0x212: {  	[tilespmem:s1], [sflag:$0x2] =	stream.indirect_vreg.gather [hbm4b:s3+s2], $0x80, v16, vm8, $0xb8;
	[tilespmem:$0x1A808] =	vst v63  }
0x213: {  	s1 =	simm.s32 $0x16008  }
0x214: {  	[tilespmem:s1], [sflag:$0x2] =	stream.indirect_vreg.gather [hbm4b:s4+s2], $0x80, v16, vm8, $0xb8;
	[tilespmem:$0x1A808] =	vst v63  }
0x215: {  	v16 =	vld [tilespmem:$0xA798];
	_ =	sdelay $0x4  }
0x216: {  	v17 =	vshll.u32 v16, $0x3  }
0x217: {  	v16 =	vand.u32 $0x7, v16;
	v17 =	vand.u32 $0xFFFFFFC0, v17  }
0x218: {  	v16 =	vor.u32 v16, v17  }
0x219: {  	v17 =	vperm.xlane v16, v13;
	_ =	sdelay $0x1  }
0x21a: {  	v17 =	vadd.s32 v14, v17;
	_ =	sdelay $0x3  }
0x21b: {  	s1 =	simm.s32 $0x16808  }
0x21c: {  	[tilespmem:s1], [sflag:$0x2] =	stream.indirect_vreg.gather [hbm4b:s20+s2], $0x80, v17, vm8, $0xb8;
	[tilespmem:$0x1A808] =	vst v63  }
0x21d: {  	v16 =	vperm.xlane v16, v15;
	s1 =	simm.s32 $0x17008  }
0x21e: {  	[tilespmem:s1], [sflag:$0x2] =	stream.indirect_vreg.gather [hbm4b:s30+s2], $0x80, v17, vm8, $0xb8;
	[tilespmem:$0x1A808] =	vst v63  }
0x21f: {  	v16 =	vadd.s32 v14, v16;
	s1 =	simm.s32 $0x17808  }
0x220: {  	[tilespmem:s1], [sflag:$0x2] =	stream.indirect_vreg.gather [hbm4b:s3+s2], $0x80, v17, vm8, $0xb8;
	[tilespmem:$0x1A808] =	vst v63  }
0x221: {  	s1 =	simm.s32 $0x18008  }
0x222: {  	[tilespmem:s1], [sflag:$0x2] =	stream.indirect_vreg.gather [hbm4b:s4+s2], $0x80, v17, vm8, $0xb8;
	[tilespmem:$0x1A808] =	vst v63  }
0x223: {  	s1 =	simm.s32 $0x18808  }
0x224: {  	[tilespmem:s1], [sflag:$0x2] =	stream.indirect_vreg.gather [hbm4b:s20+s2], $0x80, v16, vm8, $0xb8;
	[tilespmem:$0x1A808] =	vst v63  }
0x225: {  	s1 =	simm.s32 $0x19008  }
0x226: {  	[tilespmem:s1], [sflag:$0x2] =	stream.indirect_vreg.gather [hbm4b:s30+s2], $0x80, v16, vm8, $0xb8;
	[tilespmem:$0x1A808] =	vst v63  }
0x227: {  	s1 =	simm.s32 $0x19808  }
0x228: {  	[tilespmem:s1], [sflag:$0x2] =	stream.indirect_vreg.gather [hbm4b:s3+s2], $0x80, v16, vm8, $0xb8;
	[tilespmem:$0x1A808] =	vst v63  }
0x229: {  	s1 =	simm.s32 $0x1A008  }
0x22a: {  	[tilespmem:s1], [sflag:$0x2] =	stream.indirect_vreg.gather [hbm4b:s4+s2], $0x80, v16, vm8, $0xb8;
	[tilespmem:$0x1A808] =	vst v63  }
0x22b: {  	_ =	swait.ge [sflag:s0], $0x8000  }
0x22c: {  	[sflag:s0] =	ssyncset.done $0x0  }
0x22d: {  	s1 =	rddreg [dreg:$0x10];
	[sflag:s0] =	ssyncadd.s32 $0xFFFF8000  }
0x22e: {  	[hbm4b:s1+s2] =	stream.linear.scatter [tilespmem:s23], [sflag:$0x3], $0x8000, $0x38;
	[tilespmem:$0x1A808] =	vst v63  }
0x22f: {  	_ =	swait.ge [sflag:s6], $0x8000  }
0x230: {  	[sflag:s6] =	ssyncset.done $0x0  }
0x231: {  	s1 =	rddreg [dreg:$0x19];
	[sflag:s6] =	ssyncadd.s32 $0xFFFF8000  }
0x232: {  	[tilespmem:s7], [sflag:$0x5] =	stream.linear.gather [spmem:s1], $0x20, $0x38;
	[tilespmem:$0x1A808] =	vst v63  }
0x233: {  	_ =	swait.ge [sflag:s5], $0x20  }
0x234: {  	[sflag:s5] =	ssyncset.done $0x0  }
0x235: {  	[sflag:s5] =	ssyncadd.s32 $0xFFFFFFE0  }
0x236: {  	v16 =	vld [tilespmem:$0xA708];
	_ =	sdelay $0x4  }
0x237: {  	v17 =	vshll.u32 v16, $0x3  }
0x238: {  	v16 =	vand.u32 $0x7, v16;
	v17 =	vand.u32 $0xFFFFFFC0, v17  }
0x239: {  	v16 =	vor.u32 v16, v17  }
0x23a: {  	v17 =	vperm.xlane v16, v13;
	_ =	sdelay $0x1  }
0x23b: {  	v17 =	vadd.s32 v14, v17;
	_ =	sdelay $0x4  }
0x23c: {  	[tilespmem:s23], [sflag:$0x1] =	stream.indirect_vreg.gather [hbm4b:s20+s2], $0x80, v17, vm8, $0xb8;
	[tilespmem:$0x1A808] =	vst v63  }
0x23d: {  	v16 =	vperm.xlane v16, v15  }
0x23e: {  	[tilespmem:s14], [sflag:$0x1] =	stream.indirect_vreg.gather [hbm4b:s30+s2], $0x80, v17, vm8, $0xb8;
	[tilespmem:$0x1A808] =	vst v63  }
0x23f: {  	s7 =	simm.s32 $0xB808;
	v16 =	vadd.s32 v14, v16  }
0x240: {  	[tilespmem:s7], [sflag:$0x1] =	stream.indirect_vreg.gather [hbm4b:s3+s2], $0x80, v17, vm8, $0xb8;
	[tilespmem:$0x1A808] =	vst v63  }
0x241: {  	_ = 	snop  }
0x242: {  	[tilespmem:s15], [sflag:$0x1] =	stream.indirect_vreg.gather [hbm4b:s4+s2], $0x80, v17, vm8, $0xb8;
	[tilespmem:$0x1A808] =	vst v63  }
0x243: {  	_ = 	snop  }
0x244: {  	[tilespmem:s17], [sflag:$0x1] =	stream.indirect_vreg.gather [hbm4b:s20+s2], $0x80, v16, vm8, $0xb8;
	[tilespmem:$0x1A808] =	vst v63  }
0x245: {  	_ = 	snop  }
0x246: {  	[tilespmem:s22], [sflag:$0x1] =	stream.indirect_vreg.gather [hbm4b:s30+s2], $0x80, v16, vm8, $0xb8;
	[tilespmem:$0x1A808] =	vst v63  }
0x247: {  	_ = 	snop  }
0x248: {  	[tilespmem:s24], [sflag:$0x1] =	stream.indirect_vreg.gather [hbm4b:s3+s2], $0x80, v16, vm8, $0xb8;
	[tilespmem:$0x1A808] =	vst v63  }
0x249: {  	_ = 	snop  }
0x24a: {  	[tilespmem:s26], [sflag:$0x1] =	stream.indirect_vreg.gather [hbm4b:s4+s2], $0x80, v16, vm8, $0xb8;
	[tilespmem:$0x1A808] =	vst v63  }
0x24b: {  	v16 =	vld [tilespmem:$0xA718];
	_ =	sdelay $0x4  }
0x24c: {  	v17 =	vshll.u32 v16, $0x3  }
0x24d: {  	v16 =	vand.u32 $0x7, v16;
	v17 =	vand.u32 $0xFFFFFFC0, v17  }
0x24e: {  	v16 =	vor.u32 v16, v17  }
0x24f: {  	v17 =	vperm.xlane v16, v13;
	_ =	sdelay $0x1  }
0x250: {  	v17 =	vadd.s32 v14, v17;
	_ =	sdelay $0x4  }
0x251: {  	[tilespmem:s28], [sflag:$0x1] =	stream.indirect_vreg.gather [hbm4b:s20+s2], $0x80, v17, vm8, $0xb8;
	[tilespmem:$0x1A808] =	vst v63  }
0x252: {  	v16 =	vperm.xlane v16, v15  }
0x253: {  	[tilespmem:s29], [sflag:$0x1] =	stream.indirect_vreg.gather [hbm4b:s30+s2], $0x80, v17, vm8, $0xb8;
	[tilespmem:$0x1A808] =	vst v63  }
0x254: {  	v16 =	vadd.s32 v14, v16  }
0x255: {  	[tilespmem:s9], [sflag:$0x1] =	stream.indirect_vreg.gather [hbm4b:s3+s2], $0x80, v17, vm8, $0xb8;
	[tilespmem:$0x1A808] =	vst v63  }
0x256: {  	_ = 	snop  }
0x257: {  	[tilespmem:s10], [sflag:$0x1] =	stream.indirect_vreg.gather [hbm4b:s4+s2], $0x80, v17, vm8, $0xb8;
	[tilespmem:$0x1A808] =	vst v63  }
0x258: {  	_ = 	snop  }
0x259: {  	[tilespmem:s11], [sflag:$0x1] =	stream.indirect_vreg.gather [hbm4b:s20+s2], $0x80, v16, vm8, $0xb8;
	[tilespmem:$0x1A808] =	vst v63  }
0x25a: {  	_ = 	snop  }
0x25b: {  	[tilespmem:s12], [sflag:$0x1] =	stream.indirect_vreg.gather [hbm4b:s30+s2], $0x80, v16, vm8, $0xb8;
	[tilespmem:$0x1A808] =	vst v63  }
0x25c: {  	_ = 	snop  }
0x25d: {  	[tilespmem:s13], [sflag:$0x1] =	stream.indirect_vreg.gather [hbm4b:s3+s2], $0x80, v16, vm8, $0xb8;
	[tilespmem:$0x1A808] =	vst v63  }
0x25e: {  	_ = 	snop  }
0x25f: {  	[tilespmem:s31], [sflag:$0x1] =	stream.indirect_vreg.gather [hbm4b:s4+s2], $0x80, v16, vm8, $0xb8;
	[tilespmem:$0x1A808] =	vst v63  }
0x260: {  	_ =	swait.ge [sflag:s19], $0x8000  }
0x261: {  	[sflag:s19] =	ssyncset.done $0x0  }
0x262: {  	s26 =	rddreg [dreg:$0x11];
	[sflag:s19] =	ssyncadd.s32 $0xFFFF8000  }
0x263: {  	[hbm4b:s26+s2] =	stream.linear.scatter [tilespmem:s18], [sflag:$0x4], $0x8000, $0x38;
	[tilespmem:$0x1A808] =	vst v63  }
0x264: {  	_ =	swait.ge [sflag:s21], $0x8000  }
0x265: {  	[sflag:s21] =	ssyncset.done $0x0  }
0x266: {  	s29 =	simm.s32 $0xA788;
	s28 =	rddreg [dreg:$0x1a];
	[sflag:s21] =	ssyncadd.s32 $0xFFFF8000  }
0x267: {  	[tilespmem:s29], [sflag:$0x5] =	stream.linear.gather [spmem:s28], $0x20, $0x38;
	[tilespmem:$0x1A808] =	vst v63  }
0x268: {  	_ =	swait.ge [sflag:s5], $0x20  }
0x269: {  	[sflag:s5] =	ssyncset.done $0x0  }
0x26a: {  	[sflag:s5] =	ssyncadd.s32 $0xFFFFFFE0  }
0x26b: {  	v16 =	vld [tilespmem:$0xA788];
	_ =	sdelay $0x4  }
0x26c: {  	v17 =	vshll.u32 v16, $0x3  }
0x26d: {  	v16 =	vand.u32 $0x7, v16;
	v17 =	vand.u32 $0xFFFFFFC0, v17  }
0x26e: {  	v16 =	vor.u32 v16, v17  }
0x26f: {  	v17 =	vperm.xlane v16, v13;
	_ =	sdelay $0x1  }
0x270: {  	v17 =	vadd.s32 v14, v17;
	_ =	sdelay $0x4  }
0x271: {  	[tilespmem:s18], [sflag:$0x2] =	stream.indirect_vreg.gather [hbm4b:s20+s2], $0x80, v17, vm8, $0xb8;
	[tilespmem:$0x1A808] =	vst v63  }
0x272: {  	s7 =	simm.s32 $0x13008;
	v16 =	vperm.xlane v16, v15  }
0x273: {  	[tilespmem:s7], [sflag:$0x2] =	stream.indirect_vreg.gather [hbm4b:s30+s2], $0x80, v17, vm8, $0xb8;
	[tilespmem:$0x1A808] =	vst v63  }
0x274: {  	s8 =	simm.s32 $0x13808;
	v16 =	vadd.s32 v14, v16  }
0x275: {  	[tilespmem:s8], [sflag:$0x2] =	stream.indirect_vreg.gather [hbm4b:s3+s2], $0x80, v17, vm8, $0xb8;
	[tilespmem:$0x1A808] =	vst v63  }
0x276: {  	s8 =	simm.s32 $0x14008  }
0x277: {  	[tilespmem:s8], [sflag:$0x2] =	stream.indirect_vreg.gather [hbm4b:s4+s2], $0x80, v17, vm8, $0xb8;
	[tilespmem:$0x1A808] =	vst v63  }
0x278: {  	s15 =	simm.s32 $0x14808  }
0x279: {  	[tilespmem:s15], [sflag:$0x2] =	stream.indirect_vreg.gather [hbm4b:s20+s2], $0x80, v16, vm8, $0xb8;
	[tilespmem:$0x1A808] =	vst v63  }
0x27a: {  	s17 =	simm.s32 $0x15008  }
0x27b: {  	[tilespmem:s17], [sflag:$0x2] =	stream.indirect_vreg.gather [hbm4b:s30+s2], $0x80, v16, vm8, $0xb8;
	[tilespmem:$0x1A808] =	vst v63  }
0x27c: {  	s22 =	simm.s32 $0x15808  }
0x27d: {  	[tilespmem:s22], [sflag:$0x2] =	stream.indirect_vreg.gather [hbm4b:s3+s2], $0x80, v16, vm8, $0xb8;
	[tilespmem:$0x1A808] =	vst v63  }
0x27e: {  	s24 =	simm.s32 $0x16008  }
0x27f: {  	[tilespmem:s24], [sflag:$0x2] =	stream.indirect_vreg.gather [hbm4b:s4+s2], $0x80, v16, vm8, $0xb8;
	[tilespmem:$0x1A808] =	vst v63  }
0x280: {  	v16 =	vld [tilespmem:$0xA798];
	_ =	sdelay $0x4  }
0x281: {  	v17 =	vshll.u32 v16, $0x3  }
0x282: {  	v16 =	vand.u32 $0x7, v16;
	v17 =	vand.u32 $0xFFFFFFC0, v17  }
0x283: {  	v16 =	vor.u32 v16, v17  }
0x284: {  	v17 =	vperm.xlane v16, v13;
	_ =	sdelay $0x1  }
0x285: {  	v17 =	vadd.s32 v14, v17;
	_ =	sdelay $0x3  }
0x286: {  	s26 =	simm.s32 $0x16808  }
0x287: {  	[tilespmem:s26], [sflag:$0x2] =	stream.indirect_vreg.gather [hbm4b:s20+s2], $0x80, v17, vm8, $0xb8;
	[tilespmem:$0x1A808] =	vst v63  }
0x288: {  	s28 =	simm.s32 $0x17008;
	v16 =	vperm.xlane v16, v15  }
0x289: {  	[tilespmem:s28], [sflag:$0x2] =	stream.indirect_vreg.gather [hbm4b:s30+s2], $0x80, v17, vm8, $0xb8;
	[tilespmem:$0x1A808] =	vst v63  }
0x28a: {  	s29 =	simm.s32 $0x17808;
	v16 =	vadd.s32 v14, v16  }
0x28b: {  	[tilespmem:s29], [sflag:$0x2] =	stream.indirect_vreg.gather [hbm4b:s3+s2], $0x80, v17, vm8, $0xb8;
	[tilespmem:$0x1A808] =	vst v63  }
0x28c: {  	s7 =	simm.s32 $0x18008  }
0x28d: {  	[tilespmem:s7], [sflag:$0x2] =	stream.indirect_vreg.gather [hbm4b:s4+s2], $0x80, v17, vm8, $0xb8;
	[tilespmem:$0x1A808] =	vst v63  }
0x28e: {  	s8 =	simm.s32 $0x18808  }
0x28f: {  	[tilespmem:s8], [sflag:$0x2] =	stream.indirect_vreg.gather [hbm4b:s20+s2], $0x80, v16, vm8, $0xb8;
	[tilespmem:$0x1A808] =	vst v63  }
0x290: {  	s15 =	simm.s32 $0x19008  }
0x291: {  	[tilespmem:s15], [sflag:$0x2] =	stream.indirect_vreg.gather [hbm4b:s30+s2], $0x80, v16, vm8, $0xb8;
	[tilespmem:$0x1A808] =	vst v63  }
0x292: {  	s17 =	simm.s32 $0x19808  }
0x293: {  	[tilespmem:s17], [sflag:$0x2] =	stream.indirect_vreg.gather [hbm4b:s3+s2], $0x80, v16, vm8, $0xb8;
	[tilespmem:$0x1A808] =	vst v63  }
0x294: {  	s22 =	simm.s32 $0x1A008  }
0x295: {  	[tilespmem:s22], [sflag:$0x2] =	stream.indirect_vreg.gather [hbm4b:s4+s2], $0x80, v16, vm8, $0xb8;
	[tilespmem:$0x1A808] =	vst v63  }
0x296: {  	_ =	swait.ge [sflag:s0], $0x8000  }
0x297: {  	[sflag:s0] =	ssyncset.done $0x0  }
0x298: {  	s24 =	rddreg [dreg:$0x12];
	[sflag:s0] =	ssyncadd.s32 $0xFFFF8000  }
0x299: {  	[hbm4b:s24+s2] =	stream.linear.scatter [tilespmem:s23], [sflag:$0x3], $0x8000, $0x38;
	[tilespmem:$0x1A808] =	vst v63  }
0x29a: {  	_ =	swait.ge [sflag:s19], $0x8000  }
0x29b: {  	[sflag:s19] =	ssyncset.done $0x0  }
0x29c: {  	s26 =	rddreg [dreg:$0x13];
	[sflag:s19] =	ssyncadd.s32 $0xFFFF8000  }
0x29d: {  	[hbm4b:s26+s2] =	stream.linear.scatter [tilespmem:s18], [sflag:$0x4], $0x8000, $0x38;
	[tilespmem:$0x1A808] =	vst v63  }
0x29e: {  	_ =	swait.ge [sflag:s6], $0x8000  }
0x29f: {  	[sflag:s6] =	ssyncset.done $0x0  }
0x2a0: {  	[sflag:s6] =	ssyncadd.s32 $0xFFFF8000  }
0x2a1: {  	_ =	swait.ge [sflag:s21], $0x8000  }
0x2a2: {  	s28 =	sld [smem:$0x7F9]  }
0x2a3: {  	s29 =	sld [smem:$0x7FD];
	_ =	sdelay $0x1  }
0x2a4: {  	s0 =	sadd.s32 $0x1, s28  }
0x2a5: {  	p3 =	sne.s32 s0, s29  }
.Ltmp8:
0x2a6: {  	_ = 	snop;
	(pc) =	sbr.rel @p3 .LBB2_1-.Ltmp8, $3  }
0x2a7: {  	_ =	sdelay $0x1  }
0x2a8: {  	[sflag:s21] =	ssyncset.done $0x0  }
0x2a9: {  	[sflag:s21] =	ssyncadd.s32 $0xFFFF8000  }
0x2aa: {  	_ =	sfence.sel $0x180000  }
0x2ab: {  	[bflag:$0x0] =	sbarrier.arrive $0xFFFF  }
0x2ac: {  	_ =	strace $0x90000047  }
0x2ad: {  	s0 =	stileid.u32;
	[bflag:$0x2] =	sbarrier.arrive $0xFFFF  }
0x2ae: {  	p0 =	sne.s32 s0, $0x0;
	s0 =	rddreg [dreg:$0x7]  }
0x2af: {  	s0 =	sadd.s32 @!p0 $0x100000, s0  }
0x2b0: {  	[sflag:s0] =	ssyncadd.tile.s32 @!p0 $0x1;
	_ =	shalt  }
.Lfunc_end2:
_tile_overlayer_lowered:
.L_overlay_start_2:
0x2b1: {  	(tag) =	ssettag $0x2  }
0x2b2: {  	s0 =	rddreg [dreg:$0x0];
	s2 =	stileid.u32  }
0x2b3: {  	s1 =	rddreg [dreg:$0x1];
	p0 =	sne.s32 s2, $0x0  }
0x2b4: {  	s3 =	rddreg [dreg:$0x2];
	[bflag:$0x3] =	sbarrier.arrive $0xFFFF;
	s2 =	simm.s32 @!p0 $0x1C05  }
0x2b5: {  	[timem:s3], [sflag:s2] =	dma.local @!p0 [hbm:s0], s1  }
0x2b6: {  	s0 =	simm.s32 @!p0 $0x5  }
0x2b7: {  	_ =	swait.ge @!p0 [sflag:s0], s1  }
0x2b8: {  	s1 =	ssub.s32 @!p0 $0x0, s1;
	[sflag:s0] =	ssyncset.done @!p0 $0x0  }
0x2b9: {  	[sflag:s0] =	ssyncadd.s32 @!p0 s1  }
0x2ba: {  	[bflag:$0x3] =	sbarrier.arrive $0xFFFF  }
0x2bb: {  	_ =	shalt  }

</sc_bundles>
